<compile_context>
chip_gen: v7x
topology: tpu7x:2x2x1
jax: 0.10.2.dev20260603
libtpu: 0.0.44.dev20260713+nightly
codegen_flags: <defaults>
</compile_context>

<pallas_src>
import functools

import jax
import jax.numpy as jnp
from jax import lax
from jax.experimental import pallas as pl
from jax.experimental.pallas import tpu as pltpu
from jax.experimental.pallas import tpu_sc as plsc

N, E, D, H, L, G = 10000, 320000, 128, 128, 3, 64

NC, NS = 2, 16
CH = 128
KB = 8
NCH0 = 144
NCH1 = 16
NBLK0 = NCH0 // KB
NBLK1 = NCH1 // KB
TOTCH = NS * (NCH0 + NCH1)
EPAD = TOTCH * CH
NP = 10112
STRIPE = NP // NS
ZROWS = 40

_SC_MESH = plsc.VectorSubcoreMesh(
    core_axis_name="c", subcore_axis_name="s", num_cores=NC, num_subcores=NS
)


@functools.partial(
    pl.kernel,
    out_type=jax.ShapeDtypeStruct((NC, NP, H), jnp.float32),
    mesh=_SC_MESH,
    scratch_types=[
        pltpu.VMEM((KB, CH), jnp.int32),
        pltpu.VMEM((KB, CH), jnp.int32),
        pltpu.VMEM((KB, CH), jnp.int32),
        pltpu.VMEM((KB, CH), jnp.int32),
        pltpu.VMEM((CH, H), jnp.float32),
        pltpu.VMEM((CH, H), jnp.float32),
        pltpu.VMEM((ZROWS, H), jnp.float32),
        pltpu.VMEM_SHARED((NP, H), jnp.float32),
        pltpu.SemaphoreType.DMA,
        pltpu.SemaphoreType.DMA,
        pltpu.SemaphoreType.DMA,
        pltpu.SemaphoreType.DMA,
        pltpu.SemaphoreType.DMA,
    ],
)
def _segsum(h_hbm, src_hbm, dst_hbm, out_hbm,
            src_a, src_b, dst_a, dst_b, rows_a, rows_b, zbuf, agg_sh,
            gsem_a, gsem_b, ssem_a, ssem_b, isem):
    c = lax.axis_index("c")
    s = lax.axis_index("s")

    def zrow(i, acc):
        for t in range(H // 16):
            zbuf[i, pl.ds(t * 16, 16)] = jnp.zeros((16,), jnp.float32)
        return acc

    lax.fori_loop(0, ZROWS, zrow, 0)

    def zcopy(m, acc):
        pltpu.sync_copy(zbuf, agg_sh.at[pl.ds(s * STRIPE + m * ZROWS, ZROWS)])
        return acc

    lax.fori_loop(0, STRIPE // ZROWS, zcopy, 0)
    pltpu.sync_copy(zbuf.at[pl.ds(0, STRIPE % ZROWS)],
                    agg_sh.at[pl.ds(s * STRIPE + (STRIPE // ZROWS) * ZROWS,
                                    STRIPE % ZROWS)])
    plsc.subcore_barrier()

    srcbufs = (src_a, src_b)
    dstbufs = (dst_a, dst_b)
    rows = (rows_a, rows_b)
    gsems = (gsem_a, gsem_b)
    ssems = (ssem_a, ssem_b)

    def run(nblk, rowbase):
        pltpu.sync_copy(src_hbm.at[pl.ds(rowbase, KB)], src_a)
        pltpu.sync_copy(dst_hbm.at[pl.ds(rowbase, KB)], dst_a)
        pltpu.async_copy(h_hbm.at[src_a.at[0]], rows_a, gsem_a)

        def pairblock(mm, acc):
            for mb in range(2):
                m = 2 * mm + mb
                sv, dv = srcbufs[mb], dstbufs[mb]
                nsv, ndv = srcbufs[1 - mb], dstbufs[1 - mb]

                def pair(k, acc2):
                    for b in range(2):
                        r = 2 * k + b
                        j = m * KB + r
                        cur, nxt = rows[b], rows[1 - b]
                        pltpu.make_async_copy(h_hbm.at[sv.at[0]], cur,
                                              gsems[b]).wait()

                        @pl.when(j > 0)
                        def _():
                            pltpu.make_async_copy(nxt, agg_sh.at[dv.at[0]],
                                                  ssems[1 - b]).wait()

                        @pl.when(jnp.logical_and(r == 0, m + 1 < nblk))
                        def _():
                            base2 = rowbase + (m + 1) * KB
                            pltpu.async_copy(src_hbm.at[pl.ds(base2, KB)],
                                             nsv, isem)
                            pltpu.async_copy(dst_hbm.at[pl.ds(base2, KB)],
                                             ndv, isem)

                        @pl.when(r < KB - 1)
                        def _():
                            pltpu.async_copy(h_hbm.at[sv.at[r + 1]], nxt,
                                             gsems[1 - b])

                        @pl.when(jnp.logical_and(r == KB - 1, m + 1 < nblk))
                        def _():
                            pltpu.make_async_copy(src_hbm.at[pl.ds(0, KB)],
                                                  nsv, isem).wait()
                            pltpu.make_async_copy(dst_hbm.at[pl.ds(0, KB)],
                                                  ndv, isem).wait()
                            pltpu.async_copy(h_hbm.at[nsv.at[0]], nxt,
                                             gsems[1 - b])

                        pltpu.async_copy(cur, agg_sh.at[dv.at[r]], ssems[b],
                                         add=True)
                    return acc2

                lax.fori_loop(0, KB // 2, pair, 0)
            return acc

        lax.fori_loop(0, nblk // 2, pairblock, 0)
        pltpu.make_async_copy(rows_b, agg_sh.at[dst_a.at[0]], ssem_b).wait()

    @pl.when(c == 0)
    def _():
        run(NBLK0, s * NCH0)

    @pl.when(c == 1)
    def _():
        run(NBLK1, NS * NCH0 + s * NCH1)

    plsc.subcore_barrier()
    pltpu.sync_copy(agg_sh.at[pl.ds(s * STRIPE, STRIPE)],
                    out_hbm.at[c, pl.ds(s * STRIPE, STRIPE)])


_BLK = 1000
_GRID = N // _BLK


def _layer_body(scale_ref, h_ref, agg_ref, w1_ref, b1_ref, w2_ref, b2_ref,
                out_ref, cs_ref):
    i = pl.program_id(0)
    z = h_ref[...] * scale_ref[0, 0] + agg_ref[0] + agg_ref[1]
    y = jnp.maximum(
        jnp.dot(z, w1_ref[...], preferred_element_type=jnp.float32) + b1_ref[...], 0.0)
    hn = jnp.dot(y, w2_ref[...], preferred_element_type=jnp.float32) + b2_ref[...]
    out_ref[...] = hn

    @pl.when(i == 0)
    def _():
        cs_ref[...] = jnp.zeros_like(cs_ref)

    cs_ref[0:1, :] += jnp.sum(hn, axis=0, keepdims=True)


def _layer(h, aggp, scale, W1, b1, W2, b2):
    return pl.pallas_call(
        _layer_body,
        grid=(_GRID,),
        in_specs=[
            pl.BlockSpec((1, 1), lambda i: (0, 0), memory_space=pltpu.SMEM),
            pl.BlockSpec((_BLK, H), lambda i: (i, 0)),
            pl.BlockSpec((NC, _BLK, H), lambda i: (0, i, 0)),
            pl.BlockSpec((D, H), lambda i: (0, 0)),
            pl.BlockSpec((1, H), lambda i: (0, 0)),
            pl.BlockSpec((H, H), lambda i: (0, 0)),
            pl.BlockSpec((1, H), lambda i: (0, 0)),
        ],
        out_specs=[
            pl.BlockSpec((_BLK, H), lambda i: (i, 0)),
            pl.BlockSpec((8, H), lambda i: (0, 0)),
        ],
        out_shape=[
            jax.ShapeDtypeStruct((N, H), jnp.float32),
            jax.ShapeDtypeStruct((8, H), jnp.float32),
        ],
    )(scale, h, aggp, W1, b1, W2, b2)


def _head_body(c1_ref, c2_ref, c3_ref, wl1_ref, bl1_ref, wl2_ref, bl2_ref, out_ref):
    o = (jnp.dot(c1_ref[0:1, :], wl1_ref[0:H, :], preferred_element_type=jnp.float32)
         + jnp.dot(c2_ref[0:1, :], wl1_ref[H:2 * H, :], preferred_element_type=jnp.float32)
         + jnp.dot(c3_ref[0:1, :], wl1_ref[2 * H:3 * H, :], preferred_element_type=jnp.float32)
         + bl1_ref[...])
    o = jnp.maximum(o, 0.0)
    o2 = jnp.maximum(
        jnp.dot(o, wl2_ref[...], preferred_element_type=jnp.float32) + bl2_ref[...], 0.0)
    out_ref[...] = jnp.broadcast_to(o2, (8, H))


def _head(c1, c2, c3, Wl1, bl1, Wl2p, bl2p):
    return pl.pallas_call(
        _head_body,
        out_shape=jax.ShapeDtypeStruct((8, H), jnp.float32),
    )(c1, c2, c3, Wl1, bl1, Wl2p, bl2p)


def kernel(x, edge_index, edge_attr, batch, edge_batch, Ws1, bs1, Ws2, bs2, eps,
           Wl1, bl1, Wl2, bl2):
    src = edge_index[0]
    dst = edge_index[1]
    pad = EPAD - E
    srcp = jnp.concatenate([src, jnp.zeros((pad,), jnp.int32)]).reshape(TOTCH, CH)
    dstp = jnp.concatenate([dst, jnp.full((pad,), N, jnp.int32)]).reshape(TOTCH, CH)

    h = x
    csums = []
    for l in range(L):
        aggp = _segsum(h, srcp, dstp)
        scale = (1.0 + eps[l]).reshape(1, 1)
        h, cs = _layer(h, aggp, scale, Ws1[l], bs1[l].reshape(1, H),
                       Ws2[l], bs2[l].reshape(1, H))
        csums.append(cs)

    Wl2p = jnp.zeros((H, H), jnp.float32).at[:, :64].set(Wl2)
    bl2p = jnp.zeros((1, H), jnp.float32).at[0, :64].set(bl2)
    out = _head(csums[0], csums[1], csums[2], Wl1, bl1.reshape(1, H), Wl2p, bl2p)
    return out[0:1, 0:64]

# --- scband reference (transcript-rebuilt; emitter-appended) ---
"""Pipeline reference for scband-hugnn-53188874993834 (READ-ONLY COPY).

The authoritative reference and input builder live on the scoring server;
editing this copy changes nothing except your own understanding.
"""

import jax, jax.numpy as jnp
import numpy as np

N, E, D, H, L, G = 10000, 320000, 128, 128, 3, 64

def setup_inputs(seed: int = 0) -> dict:
    key = jax.random.key(seed)
    ks = jax.random.split(key, 12)
    x = jax.random.normal(ks[0], (N, D), dtype=jnp.float32)
    edge_index = jax.random.randint(ks[1], (2, E), 0, N, dtype=jnp.int32)
    edge_attr = jax.random.normal(ks[2], (E, 4), dtype=jnp.float32)
    batch = jnp.sort(jax.random.randint(ks[3], (N,), 0, G, dtype=jnp.int32))
    edge_batch = jnp.sort(jax.random.randint(ks[4], (E,), 0, G, dtype=jnp.int32))
    Ws1 = jax.random.normal(ks[5], (L, D, H), dtype=jnp.float32) * 0.05
    bs1 = jnp.zeros((L, H), dtype=jnp.float32)
    Ws2 = jax.random.normal(ks[6], (L, H, H), dtype=jnp.float32) * 0.05
    bs2 = jnp.zeros((L, H), dtype=jnp.float32)
    eps = jnp.zeros((L,), dtype=jnp.float32)
    Wl1 = jax.random.normal(ks[7], (H * L, H), dtype=jnp.float32) * 0.05
    bl1 = jnp.zeros((H,), dtype=jnp.float32)
    Wl2 = jax.random.normal(ks[8], (H, 64), dtype=jnp.float32) * 0.05
    bl2 = jnp.zeros((64,), dtype=jnp.float32)
    return {"x": x, "edge_index": edge_index, "edge_attr": edge_attr, "batch": batch,
            "edge_batch": edge_batch, "Ws1": Ws1, "bs1": bs1, "Ws2": Ws2, "bs2": bs2,
            "eps": eps, "Wl1": Wl1, "bl1": bl1, "Wl2": Wl2, "bl2": bl2}


def reference(x, edge_index, edge_attr, batch, edge_batch, Ws1, bs1, Ws2, bs2, eps, Wl1, bl1, Wl2, bl2):
    # gsl=False -> TopKEdgePooling skipped; eval mode -> dropout is identity
    src = edge_index[0]
    dst = edge_index[1]
    ea = edge_attr[:, 0:1]  # edge_attr[:, 0].view(-1, 1); unused by GIN conv
    h = x
    xs = []
    for l in range(L):
        # GINConv (train_eps, eps init 0): mlp((1+eps)*x + sum_{j->i} x_j)
        agg = jax.ops.segment_sum(h[src], dst, num_segments=N)
        z = (1.0 + eps[l]) * h + agg
        z = jnp.maximum(jnp.dot(z, Ws1[l]) + bs1[l], 0.0)
        h = jnp.dot(z, Ws2[l]) + bs2[l]
        xs.append(h)
    hc = jnp.concatenate(xs, axis=1)  # [N, H*L]
    pooled = jax.ops.segment_sum(hc, batch, num_segments=G)  # global_add_pool over graphs
    pooled2 = jnp.sum(pooled, axis=0, keepdims=True)  # second global_add_pool with all-zero ids
    o = jnp.maximum(jnp.dot(pooled2, Wl1) + bl1, 0.0)
    o = jnp.maximum(jnp.dot(o, Wl2) + bl2, 0.0)
    return o

if __name__ == "__main__":
    import jax
    _d = setup_inputs()
    print(jax.jit(kernel)(*tuple(_d.values())))

</pallas_src>

<mosaic_0001>
#map = affine_map<(d0, d1) -> (0, 0)>
#map1 = affine_map<(d0, d1) -> (0, 0, 0)>
module attributes {stable_mosaic.version = 14 : i64} {
  func.func @_segsum(%arg0: i32, %arg1: i32, %arg2: memref<10000x128xf32, #tpu.memory_space<hbm>>, %arg3: memref<2560x128xi32, #tpu.memory_space<hbm>>, %arg4: memref<2560x128xi32, #tpu.memory_space<hbm>>, %arg5: memref<2x10112x128xf32, #tpu.memory_space<hbm>>, %arg6: memref<8x128xi32, #tpu.memory_space<vmem>>, %arg7: memref<8x128xi32, #tpu.memory_space<vmem>>, %arg8: memref<8x128xi32, #tpu.memory_space<vmem>>, %arg9: memref<8x128xi32, #tpu.memory_space<vmem>>, %arg10: memref<128x128xf32, #tpu.memory_space<vmem>>, %arg11: memref<128x128xf32, #tpu.memory_space<vmem>>, %arg12: memref<40x128xf32, #tpu.memory_space<vmem>>, %arg13: memref<10112x128xf32, #tpu.memory_space<vmem_shared>>, %arg14: memref<!tpu.dma_semaphore, #tpu.memory_space<semaphore_mem>>, %arg15: memref<!tpu.dma_semaphore, #tpu.memory_space<semaphore_mem>>, %arg16: memref<!tpu.dma_semaphore, #tpu.memory_space<semaphore_mem>>, %arg17: memref<!tpu.dma_semaphore, #tpu.memory_space<semaphore_mem>>, %arg18: memref<!tpu.dma_semaphore, #tpu.memory_space<semaphore_mem>>) attributes {dimension_semantics = [#tpu.dimension_semantics<core_parallel>, #tpu.dimension_semantics<subcore_parallel>], iteration_bounds = array<i64: 2, 16>, scalar_prefetch = 0 : i64, scratch_operands = 13 : i64, tpu.core_type = #tpu.core_type<sc_vector_subcore>, window_params = [{transform_indices = #map}, {transform_indices = #map}, {transform_indices = #map}, {transform_indices = #map1}]} {
    %scan3A = arith.constant 0 : i32
    %scan3A_0 = arith.constant 0 : i32
    %scan3A_1 = arith.constant 40 : i32
    %scan3A_2 = arith.addi %scan3A_0, %scan3A_1 : i32
    %scan3A_3 = arith.constant 1 : i32
    scf.for %scan3A_25 = %scan3A_0 to %scan3A_2 step %scan3A_3  : i32 {
      %broadcast_in_dim3A = arith.constant 0.000000e+00 : f32
      %broadcast_in_dim3A_26 = vector.broadcast %broadcast_in_dim3A : f32 to vector<16xf32>
      %swap3A = arith.index_cast %scan3A_25 : i32 to index
      %swap3A_27 = arith.constant 0 : index
      %swap3A_28 = tpu.vector_load %arg12[%swap3A, %swap3A_27] {strides = array<i32>} : memref<40x128xf32, #tpu.memory_space<vmem>>, vector<1x16xf32>,
      %swap3A_29 = vector.shape_cast %swap3A_28 : vector<1x16xf32> to vector<16xf32>
      %swap3A_30 = vector.shape_cast %broadcast_in_dim3A_26 : vector<16xf32> to vector<1x16xf32>
      tpu.vector_store %arg12[%swap3A, %swap3A_27], %swap3A_30 {strides = array<i32>} : memref<40x128xf32, #tpu.memory_space<vmem>>, vector<1x16xf32>,
      %broadcast_in_dim3A_31 = arith.constant 0.000000e+00 : f32
      %broadcast_in_dim3A_32 = vector.broadcast %broadcast_in_dim3A_31 : f32 to vector<16xf32>
      %swap3A_33 = arith.index_cast %scan3A_25 : i32 to index
      %swap3A_34 = arith.constant 16 : index
      %swap3A_35 = tpu.vector_load %arg12[%swap3A_33, %swap3A_34] {strides = array<i32>} : memref<40x128xf32, #tpu.memory_space<vmem>>, vector<1x16xf32>,
      %swap3A_36 = vector.shape_cast %swap3A_35 : vector<1x16xf32> to vector<16xf32>
      %swap3A_37 = vector.shape_cast %broadcast_in_dim3A_32 : vector<16xf32> to vector<1x16xf32>
      tpu.vector_store %arg12[%swap3A_33, %swap3A_34], %swap3A_37 {strides = array<i32>} : memref<40x128xf32, #tpu.memory_space<vmem>>, vector<1x16xf32>,
      %broadcast_in_dim3A_38 = arith.constant 0.000000e+00 : f32
      %broadcast_in_dim3A_39 = vector.broadcast %broadcast_in_dim3A_38 : f32 to vector<16xf32>
      %swap3A_40 = arith.index_cast %scan3A_25 : i32 to index
      %swap3A_41 = arith.constant 32 : index
      %swap3A_42 = tpu.vector_load %arg12[%swap3A_40, %swap3A_41] {strides = array<i32>} : memref<40x128xf32, #tpu.memory_space<vmem>>, vector<1x16xf32>,
      %swap3A_43 = vector.shape_cast %swap3A_42 : vector<1x16xf32> to vector<16xf32>
      %swap3A_44 = vector.shape_cast %broadcast_in_dim3A_39 : vector<16xf32> to vector<1x16xf32>
      tpu.vector_store %arg12[%swap3A_40, %swap3A_41], %swap3A_44 {strides = array<i32>} : memref<40x128xf32, #tpu.memory_space<vmem>>, vector<1x16xf32>,
      %broadcast_in_dim3A_45 = arith.constant 0.000000e+00 : f32
      %broadcast_in_dim3A_46 = vector.broadcast %broadcast_in_dim3A_45 : f32 to vector<16xf32>
      %swap3A_47 = arith.index_cast %scan3A_25 : i32 to index
      %swap3A_48 = arith.constant 48 : index
      %swap3A_49 = tpu.vector_load %arg12[%swap3A_47, %swap3A_48] {strides = array<i32>} : memref<40x128xf32, #tpu.memory_space<vmem>>, vector<1x16xf32>,
      %swap3A_50 = vector.shape_cast %swap3A_49 : vector<1x16xf32> to vector<16xf32>
      %swap3A_51 = vector.shape_cast %broadcast_in_dim3A_46 : vector<16xf32> to vector<1x16xf32>
      tpu.vector_store %arg12[%swap3A_47, %swap3A_48], %swap3A_51 {strides = array<i32>} : memref<40x128xf32, #tpu.memory_space<vmem>>, vector<1x16xf32>,
      %broadcast_in_dim3A_52 = arith.constant 0.000000e+00 : f32
      %broadcast_in_dim3A_53 = vector.broadcast %broadcast_in_dim3A_52 : f32 to vector<16xf32>
      %swap3A_54 = arith.index_cast %scan3A_25 : i32 to index
      %swap3A_55 = arith.constant 64 : index
      %swap3A_56 = tpu.vector_load %arg12[%swap3A_54, %swap3A_55] {strides = array<i32>} : memref<40x128xf32, #tpu.memory_space<vmem>>, vector<1x16xf32>,
      %swap3A_57 = vector.shape_cast %swap3A_56 : vector<1x16xf32> to vector<16xf32>
      %swap3A_58 = vector.shape_cast %broadcast_in_dim3A_53 : vector<16xf32> to vector<1x16xf32>
      tpu.vector_store %arg12[%swap3A_54, %swap3A_55], %swap3A_58 {strides = array<i32>} : memref<40x128xf32, #tpu.memory_space<vmem>>, vector<1x16xf32>,
      %broadcast_in_dim3A_59 = arith.constant 0.000000e+00 : f32
      %broadcast_in_dim3A_60 = vector.broadcast %broadcast_in_dim3A_59 : f32 to vector<16xf32>
      %swap3A_61 = arith.index_cast %scan3A_25 : i32 to index
      %swap3A_62 = arith.constant 80 : index
      %swap3A_63 = tpu.vector_load %arg12[%swap3A_61, %swap3A_62] {strides = array<i32>} : memref<40x128xf32, #tpu.memory_space<vmem>>, vector<1x16xf32>,
      %swap3A_64 = vector.shape_cast %swap3A_63 : vector<1x16xf32> to vector<16xf32>
      %swap3A_65 = vector.shape_cast %broadcast_in_dim3A_60 : vector<16xf32> to vector<1x16xf32>
      tpu.vector_store %arg12[%swap3A_61, %swap3A_62], %swap3A_65 {strides = array<i32>} : memref<40x128xf32, #tpu.memory_space<vmem>>, vector<1x16xf32>,
      %broadcast_in_dim3A_66 = arith.constant 0.000000e+00 : f32
      %broadcast_in_dim3A_67 = vector.broadcast %broadcast_in_dim3A_66 : f32 to vector<16xf32>
      %swap3A_68 = arith.index_cast %scan3A_25 : i32 to index
      %swap3A_69 = arith.constant 96 : index
      %swap3A_70 = tpu.vector_load %arg12[%swap3A_68, %swap3A_69] {strides = array<i32>} : memref<40x128xf32, #tpu.memory_space<vmem>>, vector<1x16xf32>,
      %swap3A_71 = vector.shape_cast %swap3A_70 : vector<1x16xf32> to vector<16xf32>
      %swap3A_72 = vector.shape_cast %broadcast_in_dim3A_67 : vector<16xf32> to vector<1x16xf32>
      tpu.vector_store %arg12[%swap3A_68, %swap3A_69], %swap3A_72 {strides = array<i32>} : memref<40x128xf32, #tpu.memory_space<vmem>>, vector<1x16xf32>,
      %broadcast_in_dim3A_73 = arith.constant 0.000000e+00 : f32
      %broadcast_in_dim3A_74 = vector.broadcast %broadcast_in_dim3A_73 : f32 to vector<16xf32>
      %swap3A_75 = arith.index_cast %scan3A_25 : i32 to index
      %swap3A_76 = arith.constant 112 : index
      %swap3A_77 = tpu.vector_load %arg12[%swap3A_75, %swap3A_76] {strides = array<i32>} : memref<40x128xf32, #tpu.memory_space<vmem>>, vector<1x16xf32>,
      %swap3A_78 = vector.shape_cast %swap3A_77 : vector<1x16xf32> to vector<16xf32>
      %swap3A_79 = vector.shape_cast %broadcast_in_dim3A_74 : vector<16xf32> to vector<1x16xf32>
      tpu.vector_store %arg12[%swap3A_75, %swap3A_76], %swap3A_79 {strides = array<i32>} : memref<40x128xf32, #tpu.memory_space<vmem>>, vector<1x16xf32>,
    }
    %scan3A_4 = arith.constant 40 : i32
    %scan3A_5 = arith.constant 0 : i32
    %scan3A_6 = arith.constant 0 : i32
    %scan3A_7 = arith.constant 15 : i32
    %scan3A_8 = arith.addi %scan3A_6, %scan3A_7 : i32
    %scan3A_9 = arith.constant 1 : i32
    scf.for %scan3A_25 = %scan3A_6 to %scan3A_8 step %scan3A_9  : i32 {
      %mul3A_26 = arith.constant 632 : i32
      %mul3A_27 = arith.muli %arg1, %mul3A_26 : i32
      %mul3A_28 = arith.constant 40 : i32
      %mul3A_29 = arith.muli %scan3A_25, %mul3A_28 : i32
      %add3A_30 = arith.addi %mul3A_27, %mul3A_29 : i32
      "tpu.region"() ({
        %run_scoped3A = tpu.sem_alloc : memref<!tpu.dma_semaphore, #tpu.memory_space<semaphore_mem>>
        %dma_start3A = arith.constant 0 : i32
        %dma_start3A_31 = tpu.memref_slice %arg13[%add3A_30, %dma_start3A] : memref<10112x128xf32, #tpu.memory_space<vmem_shared>> -> memref<40x128xf32, #tpu.memory_space<vmem_shared>>
        %dma_start3A_32 = arith.constant 0 : i32
        %dma_start3A_33 = tpu.memref_slice %arg13[%add3A_30, %dma_start3A_32] : memref<10112x128xf32, #tpu.memory_space<vmem_shared>> -> memref<40x128xf32, #tpu.memory_space<vmem_shared>>
        tpu.enqueue_dma source(%arg12 : memref<40x128xf32, #tpu.memory_space<vmem>>) target(%dma_start3A_33 : memref<40x128xf32, #tpu.memory_space<vmem_shared>>) target_semaphore(%run_scoped3A : memref<!tpu.dma_semaphore, #tpu.memory_space<semaphore_mem>>)
        %dma_wait3A = arith.constant 0 : i32
        %dma_wait3A_34 = tpu.memref_slice %arg13[%add3A_30, %dma_wait3A] : memref<10112x128xf32, #tpu.memory_space<vmem_shared>> -> memref<40x128xf32, #tpu.memory_space<vmem_shared>>
        %dma_wait3A_35 = arith.constant 0 : i32
        %dma_wait3A_36 = tpu.memref_slice %arg13[%add3A_30, %dma_wait3A_35] : memref<10112x128xf32, #tpu.memory_space<vmem_shared>> -> memref<40x128xf32, #tpu.memory_space<vmem_shared>>
        tpu.wait_dma2 semaphore(%run_scoped3A : memref<!tpu.dma_semaphore, #tpu.memory_space<semaphore_mem>>) src(%arg12 : memref<40x128xf32, #tpu.memory_space<vmem>>) dst(%dma_wait3A_36 : memref<40x128xf32, #tpu.memory_space<vmem_shared>>)
        tpu.yield
      }) : () -> ()
    }
    %scan3A_10 = arith.constant 15 : i32
    %mul3A = arith.constant 632 : i32
    %mul3A_11 = arith.muli %arg1, %mul3A : i32
    %add3A = arith.constant 600 : i32
    %add3A_12 = arith.addi %mul3A_11, %add3A : i32
    "tpu.region"() ({
      %run_scoped3A = tpu.sem_alloc : memref<!tpu.dma_semaphore, #tpu.memory_space<semaphore_mem>>
      %dma_start3A = arith.constant 0 : i32
      %dma_start3A_25 = arith.constant 0 : i32
      %dma_start3A_26 = tpu.memref_slice %arg12[%dma_start3A, %dma_start3A_25] : memref<40x128xf32, #tpu.memory_space<vmem>> -> memref<32x128xf32, #tpu.memory_space<vmem>>
      %dma_start3A_27 = arith.constant 0 : i32
      %dma_start3A_28 = tpu.memref_slice %arg13[%add3A_12, %dma_start3A_27] : memref<10112x128xf32, #tpu.memory_space<vmem_shared>> -> memref<32x128xf32, #tpu.memory_space<vmem_shared>>
      %dma_start3A_29 = arith.constant 0 : i32
      %dma_start3A_30 = tpu.memref_slice %arg13[%add3A_12, %dma_start3A_29] : memref<10112x128xf32, #tpu.memory_space<vmem_shared>> -> memref<32x128xf32, #tpu.memory_space<vmem_shared>>
      %dma_start3A_31 = arith.constant 0 : i32
      %dma_start3A_32 = arith.constant 0 : i32
      %dma_start3A_33 = tpu.memref_slice %arg12[%dma_start3A_31, %dma_start3A_32] : memref<40x128xf32, #tpu.memory_space<vmem>> -> memref<32x128xf32, #tpu.memory_space<vmem>>
      tpu.enqueue_dma source(%dma_start3A_33 : memref<32x128xf32, #tpu.memory_space<vmem>>) target(%dma_start3A_30 : memref<32x128xf32, #tpu.memory_space<vmem_shared>>) target_semaphore(%run_scoped3A : memref<!tpu.dma_semaphore, #tpu.memory_space<semaphore_mem>>)
      %dma_wait3A = arith.constant 0 : i32
      %dma_wait3A_34 = arith.constant 0 : i32
      %dma_wait3A_35 = tpu.memref_slice %arg12[%dma_wait3A, %dma_wait3A_34] : memref<40x128xf32, #tpu.memory_space<vmem>> -> memref<32x128xf32, #tpu.memory_space<vmem>>
      %dma_wait3A_36 = arith.constant 0 : i32
      %dma_wait3A_37 = tpu.memref_slice %arg13[%add3A_12, %dma_wait3A_36] : memref<10112x128xf32, #tpu.memory_space<vmem_shared>> -> memref<32x128xf32, #tpu.memory_space<vmem_shared>>
      %dma_wait3A_38 = arith.constant 0 : i32
      %dma_wait3A_39 = tpu.memref_slice %arg13[%add3A_12, %dma_wait3A_38] : memref<10112x128xf32, #tpu.memory_space<vmem_shared>> -> memref<32x128xf32, #tpu.memory_space<vmem_shared>>
      %dma_wait3A_40 = arith.constant 0 : i32
      %dma_wait3A_41 = arith.constant 0 : i32
      %dma_wait3A_42 = tpu.memref_slice %arg12[%dma_wait3A_40, %dma_wait3A_41] : memref<40x128xf32, #tpu.memory_space<vmem>> -> memref<32x128xf32, #tpu.memory_space<vmem>>
      tpu.wait_dma2 semaphore(%run_scoped3A : memref<!tpu.dma_semaphore, #tpu.memory_space<semaphore_mem>>) src(%dma_wait3A_42 : memref<32x128xf32, #tpu.memory_space<vmem>>) dst(%dma_wait3A_39 : memref<32x128xf32, #tpu.memory_space<vmem_shared>>)
      tpu.yield
    }) : () -> ()
    %barrier3A = arith.constant 0 : index
    tpu.barrier barrier_id(%barrier3A)
    %eq3A = arith.constant 0 : i32
    %eq3A_13 = arith.cmpi eq, %arg0, %eq3A : i32
    %convert_element_type3A = arith.extui %eq3A_13 : i1 to i32
    %cond3A = arith.constant 0 : i32
    %cond3A_14 = arith.cmpi ne, %convert_element_type3A, %cond3A : i32
    scf.if %cond3A_14 {
      %mul3A_25 = arith.constant 144 : i32
      %mul3A_26 = arith.muli %arg1, %mul3A_25 : i32
      "tpu.region"() ({
        %run_scoped3A = tpu.sem_alloc : memref<!tpu.dma_semaphore, #tpu.memory_space<semaphore_mem>>
        %dma_start3A_45 = arith.constant 0 : i32
        %dma_start3A_46 = tpu.memref_slice %arg3[%mul3A_26, %dma_start3A_45] : memref<2560x128xi32, #tpu.memory_space<hbm>> -> memref<8x128xi32, #tpu.memory_space<hbm>>
        %dma_start3A_47 = arith.constant 0 : i32
        %dma_start3A_48 = tpu.memref_slice %arg3[%mul3A_26, %dma_start3A_47] : memref<2560x128xi32, #tpu.memory_space<hbm>> -> memref<8x128xi32, #tpu.memory_space<hbm>>
        tpu.enqueue_dma source(%dma_start3A_48 : memref<8x128xi32, #tpu.memory_space<hbm>>) target(%arg6 : memref<8x128xi32, #tpu.memory_space<vmem>>) target_semaphore(%run_scoped3A : memref<!tpu.dma_semaphore, #tpu.memory_space<semaphore_mem>>)
        %dma_wait3A_49 = arith.constant 0 : i32
        %dma_wait3A_50 = tpu.memref_slice %arg3[%mul3A_26, %dma_wait3A_49] : memref<2560x128xi32, #tpu.memory_space<hbm>> -> memref<8x128xi32, #tpu.memory_space<hbm>>
        %dma_wait3A_51 = arith.constant 0 : i32
        %dma_wait3A_52 = tpu.memref_slice %arg3[%mul3A_26, %dma_wait3A_51] : memref<2560x128xi32, #tpu.memory_space<hbm>> -> memref<8x128xi32, #tpu.memory_space<hbm>>
        tpu.wait_dma2 semaphore(%run_scoped3A : memref<!tpu.dma_semaphore, #tpu.memory_space<semaphore_mem>>) src(%dma_wait3A_52 : memref<8x128xi32, #tpu.memory_space<hbm>>) dst(%arg6 : memref<8x128xi32, #tpu.memory_space<vmem>>)
        tpu.yield
      }) : () -> ()
      "tpu.region"() ({
        %run_scoped3A = tpu.sem_alloc : memref<!tpu.dma_semaphore, #tpu.memory_space<semaphore_mem>>
        %dma_start3A_45 = arith.constant 0 : i32
        %dma_start3A_46 = tpu.memref_slice %arg4[%mul3A_26, %dma_start3A_45] : memref<2560x128xi32, #tpu.memory_space<hbm>> -> memref<8x128xi32, #tpu.memory_space<hbm>>
        %dma_start3A_47 = arith.constant 0 : i32
        %dma_start3A_48 = tpu.memref_slice %arg4[%mul3A_26, %dma_start3A_47] : memref<2560x128xi32, #tpu.memory_space<hbm>> -> memref<8x128xi32, #tpu.memory_space<hbm>>
        tpu.enqueue_dma source(%dma_start3A_48 : memref<8x128xi32, #tpu.memory_space<hbm>>) target(%arg8 : memref<8x128xi32, #tpu.memory_space<vmem>>) target_semaphore(%run_scoped3A : memref<!tpu.dma_semaphore, #tpu.memory_space<semaphore_mem>>)
        %dma_wait3A_49 = arith.constant 0 : i32
        %dma_wait3A_50 = tpu.memref_slice %arg4[%mul3A_26, %dma_wait3A_49] : memref<2560x128xi32, #tpu.memory_space<hbm>> -> memref<8x128xi32, #tpu.memory_space<hbm>>
        %dma_wait3A_51 = arith.constant 0 : i32
        %dma_wait3A_52 = tpu.memref_slice %arg4[%mul3A_26, %dma_wait3A_51] : memref<2560x128xi32, #tpu.memory_space<hbm>> -> memref<8x128xi32, #tpu.memory_space<hbm>>
        tpu.wait_dma2 semaphore(%run_scoped3A : memref<!tpu.dma_semaphore, #tpu.memory_space<semaphore_mem>>) src(%dma_wait3A_52 : memref<8x128xi32, #tpu.memory_space<hbm>>) dst(%arg8 : memref<8x128xi32, #tpu.memory_space<vmem>>)
        tpu.yield
      }) : () -> ()
      %dma_start3A = arith.constant 0 : i32
      %dma_start3A_27 = arith.constant 0 : i32
      %dma_start3A_28 = tpu.memref_slice %arg6[%dma_start3A, %dma_start3A_27] : memref<8x128xi32, #tpu.memory_space<vmem>> -> memref<1x128xi32, #tpu.memory_space<vmem>>
      %dma_start3A_29 = tpu.memref_squeeze %dma_start3A_28 : memref<1x128xi32, #tpu.memory_space<vmem>> -> memref<128xi32, #tpu.memory_space<vmem>>
      %dma_start3A_30 = arith.constant 0 : i32
      %dma_start3A_31 = arith.constant 0 : i32
      %dma_start3A_32 = tpu.memref_slice %arg2[%dma_start3A_30, %dma_start3A_31] : memref<10000x128xf32, #tpu.memory_space<hbm>> -> memref<10000x128xf32, #tpu.memory_space<hbm>>
      tpu.enqueue_indirect_dma source(%dma_start3A_32 : memref<10000x128xf32, #tpu.memory_space<hbm>>) target(%arg10 : memref<128x128xf32, #tpu.memory_space<vmem>>) offsets(%dma_start3A_29 : memref<128xi32, #tpu.memory_space<vmem>>) semaphore(%arg14 : memref<!tpu.dma_semaphore, #tpu.memory_space<semaphore_mem>>)
      %scan3A_33 = arith.constant 0 : i32
      %scan3A_34 = arith.constant 0 : i32
      %scan3A_35 = arith.constant 9 : i32
      %scan3A_36 = arith.addi %scan3A_34, %scan3A_35 : i32
      %scan3A_37 = arith.constant 1 : i32
      scf.for %scan3A_45 = %scan3A_34 to %scan3A_36 step %scan3A_37  : i32 {
        %mul3A_46 = arith.constant 2 : i32
        %mul3A_47 = arith.muli %mul3A_46, %scan3A_45 : i32
        %add3A_48 = arith.constant 0 : i32
        %add3A_49 = arith.addi %mul3A_47, %add3A_48 : i32
        %scan3A_50 = arith.constant 0 : i32
        %scan3A_51 = arith.constant 0 : i32
        %scan3A_52 = arith.constant 4 : i32
        %scan3A_53 = arith.addi %scan3A_51, %scan3A_52 : i32
        %scan3A_54 = arith.constant 1 : i32
        scf.for %scan3A_66 = %scan3A_51 to %scan3A_53 step %scan3A_54  : i32 {
          %mul3A_67 = arith.constant 2 : i32
          %mul3A_68 = arith.muli %mul3A_67, %scan3A_66 : i32
          %add3A_69 = arith.constant 0 : i32
          %add3A_70 = arith.addi %mul3A_68, %add3A_69 : i32
          %mul3A_71 = arith.constant 8 : i32
          %mul3A_72 = arith.muli %add3A_49, %mul3A_71 : i32
          %add3A_73 = arith.addi %mul3A_72, %add3A_70 : i32
          %dma_wait3A_74 = arith.constant 0 : i32
          %dma_wait3A_75 = arith.constant 0 : i32
          %dma_wait3A_76 = tpu.memref_slice %arg6[%dma_wait3A_74, %dma_wait3A_75] : memref<8x128xi32, #tpu.memory_space<vmem>> -> memref<1x128xi32, #tpu.memory_space<vmem>>
          %dma_wait3A_77 = tpu.memref_squeeze %dma_wait3A_76 : memref<1x128xi32, #tpu.memory_space<vmem>> -> memref<128xi32, #tpu.memory_space<vmem>>
          %dma_wait3A_78 = arith.constant 0 : i32
          %dma_wait3A_79 = arith.constant 0 : i32
          %dma_wait3A_80 = tpu.memref_slice %arg2[%dma_wait3A_78, %dma_wait3A_79] : memref<10000x128xf32, #tpu.memory_space<hbm>> -> memref<10000x128xf32, #tpu.memory_space<hbm>>
          tpu.wait_indirect_dma semaphore(%arg14 : memref<!tpu.dma_semaphore, #tpu.memory_space<semaphore_mem>>) src(%dma_wait3A_80 : memref<10000x128xf32, #tpu.memory_space<hbm>>) dst(%arg10 : memref<128x128xf32, #tpu.memory_space<vmem>>)
          %gt3A = arith.constant 0 : i32
          %gt3A_81 = arith.cmpi sgt, %add3A_73, %gt3A : i32
          %convert_element_type3A_82 = arith.extui %gt3A_81 : i1 to i32
          %cond3A_83 = arith.constant 0 : i32
          %cond3A_84 = arith.cmpi ne, %convert_element_type3A_82, %cond3A_83 : i32
          scf.if %cond3A_84 {
            %dma_wait3A_164 = arith.constant 0 : i32
            %dma_wait3A_165 = arith.constant 0 : i32
            %dma_wait3A_166 = tpu.memref_slice %arg8[%dma_wait3A_164, %dma_wait3A_165] : memref<8x128xi32, #tpu.memory_space<vmem>> -> memref<1x128xi32, #tpu.memory_space<vmem>>
            %dma_wait3A_167 = tpu.memref_squeeze %dma_wait3A_166 : memref<1x128xi32, #tpu.memory_space<vmem>> -> memref<128xi32, #tpu.memory_space<vmem>>
            %dma_wait3A_168 = arith.constant 0 : i32
            %dma_wait3A_169 = arith.constant 0 : i32
            %dma_wait3A_170 = tpu.memref_slice %arg13[%dma_wait3A_168, %dma_wait3A_169] : memref<10112x128xf32, #tpu.memory_space<vmem_shared>> -> memref<10112x128xf32, #tpu.memory_space<vmem_shared>>
            tpu.wait_indirect_dma semaphore(%arg17 : memref<!tpu.dma_semaphore, #tpu.memory_space<semaphore_mem>>) src(%arg11 : memref<128x128xf32, #tpu.memory_space<vmem>>) dst(%dma_wait3A_170 : memref<10112x128xf32, #tpu.memory_space<vmem_shared>>)
          } else {
          }
          %eq3A_85 = arith.constant 0 : i32
          %eq3A_86 = arith.cmpi eq, %add3A_70, %eq3A_85 : i32
          %add3A_87 = arith.constant 1 : i32
          %add3A_88 = arith.addi %add3A_49, %add3A_87 : i32
          %lt3A = arith.constant 18 : i32
          %lt3A_89 = arith.cmpi slt, %add3A_88, %lt3A : i32
          %and3A = arith.andi %eq3A_86, %lt3A_89 : i1
          %convert_element_type3A_90 = arith.extui %and3A : i1 to i32
          %cond3A_91 = arith.constant 0 : i32
          %cond3A_92 = arith.cmpi ne, %convert_element_type3A_90, %cond3A_91 : i32
          scf.if %cond3A_92 {
            %add3A_164 = arith.constant 1 : i32
            %add3A_165 = arith.addi %add3A_49, %add3A_164 : i32
            %mul3A_166 = arith.constant 8 : i32
            %mul3A_167 = arith.muli %add3A_165, %mul3A_166 : i32
            %add3A_168 = arith.addi %mul3A_26, %mul3A_167 : i32
            %dma_start3A_169 = arith.constant 0 : i32
            %dma_start3A_170 = tpu.memref_slice %arg3[%add3A_168, %dma_start3A_169] : memref<2560x128xi32, #tpu.memory_space<hbm>> -> memref<8x128xi32, #tpu.memory_space<hbm>>
            %dma_start3A_171 = arith.constant 0 : i32
            %dma_start3A_172 = tpu.memref_slice %arg3[%add3A_168, %dma_start3A_171] : memref<2560x128xi32, #tpu.memory_space<hbm>> -> memref<8x128xi32, #tpu.memory_space<hbm>>
            tpu.enqueue_dma source(%dma_start3A_172 : memref<8x128xi32, #tpu.memory_space<hbm>>) target(%arg7 : memref<8x128xi32, #tpu.memory_space<vmem>>) target_semaphore(%arg18 : memref<!tpu.dma_semaphore, #tpu.memory_space<semaphore_mem>>)
            %dma_start3A_173 = arith.constant 0 : i32
            %dma_start3A_174 = tpu.memref_slice %arg4[%add3A_168, %dma_start3A_173] : memref<2560x128xi32, #tpu.memory_space<hbm>> -> memref<8x128xi32, #tpu.memory_space<hbm>>
            %dma_start3A_175 = arith.constant 0 : i32
            %dma_start3A_176 = tpu.memref_slice %arg4[%add3A_168, %dma_start3A_175] : memref<2560x128xi32, #tpu.memory_space<hbm>> -> memref<8x128xi32, #tpu.memory_space<hbm>>
            tpu.enqueue_dma source(%dma_start3A_176 : memref<8x128xi32, #tpu.memory_space<hbm>>) target(%arg9 : memref<8x128xi32, #tpu.memory_space<vmem>>) target_semaphore(%arg18 : memref<!tpu.dma_semaphore, #tpu.memory_space<semaphore_mem>>)
          } else {
          }
          %lt3A_93 = arith.constant 7 : i32
          %lt3A_94 = arith.cmpi slt, %add3A_70, %lt3A_93 : i32
          %convert_element_type3A_95 = arith.extui %lt3A_94 : i1 to i32
          %cond3A_96 = arith.constant 0 : i32
          %cond3A_97 = arith.cmpi ne, %convert_element_type3A_95, %cond3A_96 : i32
          scf.if %cond3A_97 {
            %add3A_164 = arith.constant 1 : i32
            %add3A_165 = arith.addi %add3A_70, %add3A_164 : i32
            %dma_start3A_166 = arith.constant 0 : i32
            %dma_start3A_167 = tpu.memref_slice %arg6[%add3A_165, %dma_start3A_166] : memref<8x128xi32, #tpu.memory_space<vmem>> -> memref<1x128xi32, #tpu.memory_space<vmem>>
            %dma_start3A_168 = tpu.memref_squeeze %dma_start3A_167 : memref<1x128xi32, #tpu.memory_space<vmem>> -> memref<128xi32, #tpu.memory_space<vmem>>
            %dma_start3A_169 = arith.constant 0 : i32
            %dma_start3A_170 = arith.constant 0 : i32
            %dma_start3A_171 = tpu.memref_slice %arg2[%dma_start3A_169, %dma_start3A_170] : memref<10000x128xf32, #tpu.memory_space<hbm>> -> memref<10000x128xf32, #tpu.memory_space<hbm>>
            tpu.enqueue_indirect_dma source(%dma_start3A_171 : memref<10000x128xf32, #tpu.memory_space<hbm>>) target(%arg11 : memref<128x128xf32, #tpu.memory_space<vmem>>) offsets(%dma_start3A_168 : memref<128xi32, #tpu.memory_space<vmem>>) semaphore(%arg15 : memref<!tpu.dma_semaphore, #tpu.memory_space<semaphore_mem>>)
          } else {
          }
          %eq3A_98 = arith.constant 7 : i32
          %eq3A_99 = arith.cmpi eq, %add3A_70, %eq3A_98 : i32
          %add3A_100 = arith.constant 1 : i32
          %add3A_101 = arith.addi %add3A_49, %add3A_100 : i32
          %lt3A_102 = arith.constant 18 : i32
          %lt3A_103 = arith.cmpi slt, %add3A_101, %lt3A_102 : i32
          %and3A_104 = arith.andi %eq3A_99, %lt3A_103 : i1
          %convert_element_type3A_105 = arith.extui %and3A_104 : i1 to i32
          %cond3A_106 = arith.constant 0 : i32
          %cond3A_107 = arith.cmpi ne, %convert_element_type3A_105, %cond3A_106 : i32
          scf.if %cond3A_107 {
            %dma_wait3A_164 = arith.constant 0 : i32
            %dma_wait3A_165 = arith.constant 0 : i32
            %dma_wait3A_166 = tpu.memref_slice %arg3[%dma_wait3A_164, %dma_wait3A_165] : memref<2560x128xi32, #tpu.memory_space<hbm>> -> memref<8x128xi32, #tpu.memory_space<hbm>>
            %dma_wait3A_167 = arith.constant 0 : i32
            %dma_wait3A_168 = arith.constant 0 : i32
            %dma_wait3A_169 = tpu.memref_slice %arg3[%dma_wait3A_167, %dma_wait3A_168] : memref<2560x128xi32, #tpu.memory_space<hbm>> -> memref<8x128xi32, #tpu.memory_space<hbm>>
            tpu.wait_dma2 semaphore(%arg18 : memref<!tpu.dma_semaphore, #tpu.memory_space<semaphore_mem>>) src(%dma_wait3A_169 : memref<8x128xi32, #tpu.memory_space<hbm>>) dst(%arg7 : memref<8x128xi32, #tpu.memory_space<vmem>>)
            %dma_wait3A_170 = arith.constant 0 : i32
            %dma_wait3A_171 = arith.constant 0 : i32
            %dma_wait3A_172 = tpu.memref_slice %arg4[%dma_wait3A_170, %dma_wait3A_171] : memref<2560x128xi32, #tpu.memory_space<hbm>> -> memref<8x128xi32, #tpu.memory_space<hbm>>
            %dma_wait3A_173 = arith.constant 0 : i32
            %dma_wait3A_174 = arith.constant 0 : i32
            %dma_wait3A_175 = tpu.memref_slice %arg4[%dma_wait3A_173, %dma_wait3A_174] : memref<2560x128xi32, #tpu.memory_space<hbm>> -> memref<8x128xi32, #tpu.memory_space<hbm>>
            tpu.wait_dma2 semaphore(%arg18 : memref<!tpu.dma_semaphore, #tpu.memory_space<semaphore_mem>>) src(%dma_wait3A_175 : memref<8x128xi32, #tpu.memory_space<hbm>>) dst(%arg9 : memref<8x128xi32, #tpu.memory_space<vmem>>)
            %dma_start3A_176 = arith.constant 0 : i32
            %dma_start3A_177 = arith.constant 0 : i32
            %dma_start3A_178 = tpu.memref_slice %arg7[%dma_start3A_176, %dma_start3A_177] : memref<8x128xi32, #tpu.memory_space<vmem>> -> memref<1x128xi32, #tpu.memory_space<vmem>>
            %dma_start3A_179 = tpu.memref_squeeze %dma_start3A_178 : memref<1x128xi32, #tpu.memory_space<vmem>> -> memref<128xi32, #tpu.memory_space<vmem>>
            %dma_start3A_180 = arith.constant 0 : i32
            %dma_start3A_181 = arith.constant 0 : i32
            %dma_start3A_182 = tpu.memref_slice %arg2[%dma_start3A_180, %dma_start3A_181] : memref<10000x128xf32, #tpu.memory_space<hbm>> -> memref<10000x128xf32, #tpu.memory_space<hbm>>
            tpu.enqueue_indirect_dma source(%dma_start3A_182 : memref<10000x128xf32, #tpu.memory_space<hbm>>) target(%arg11 : memref<128x128xf32, #tpu.memory_space<vmem>>) offsets(%dma_start3A_179 : memref<128xi32, #tpu.memory_space<vmem>>) semaphore(%arg15 : memref<!tpu.dma_semaphore, #tpu.memory_space<semaphore_mem>>)
          } else {
          }
          %dma_start3A_108 = arith.constant 0 : i32
          %dma_start3A_109 = tpu.memref_slice %arg8[%add3A_70, %dma_start3A_108] : memref<8x128xi32, #tpu.memory_space<vmem>> -> memref<1x128xi32, #tpu.memory_space<vmem>>
          %dma_start3A_110 = tpu.memref_squeeze %dma_start3A_109 : memref<1x128xi32, #tpu.memory_space<vmem>> -> memref<128xi32, #tpu.memory_space<vmem>>
          %dma_start3A_111 = arith.constant 0 : i32
          %dma_start3A_112 = arith.constant 0 : i32
          %dma_start3A_113 = tpu.memref_slice %arg13[%dma_start3A_111, %dma_start3A_112] : memref<10112x128xf32, #tpu.memory_space<vmem_shared>> -> memref<10112x128xf32, #tpu.memory_space<vmem_shared>>
          tpu.enqueue_indirect_dma source(%arg10 : memref<128x128xf32, #tpu.memory_space<vmem>>) target(%dma_start3A_113 : memref<10112x128xf32, #tpu.memory_space<vmem_shared>>) offsets(%dma_start3A_110 : memref<128xi32, #tpu.memory_space<vmem>>) semaphore(%arg16 : memref<!tpu.dma_semaphore, #tpu.memory_space<semaphore_mem>>) {add = true}
          %mul3A_114 = arith.constant 2 : i32
          %mul3A_115 = arith.muli %mul3A_114, %scan3A_66 : i32
          %add3A_116 = arith.constant 1 : i32
          %add3A_117 = arith.addi %mul3A_115, %add3A_116 : i32
          %mul3A_118 = arith.constant 8 : i32
          %mul3A_119 = arith.muli %add3A_49, %mul3A_118 : i32
          %add3A_120 = arith.addi %mul3A_119, %add3A_117 : i32
          %dma_wait3A_121 = arith.constant 0 : i32
          %dma_wait3A_122 = arith.constant 0 : i32
          %dma_wait3A_123 = tpu.memref_slice %arg6[%dma_wait3A_121, %dma_wait3A_122] : memref<8x128xi32, #tpu.memory_space<vmem>> -> memref<1x128xi32, #tpu.memory_space<vmem>>
          %dma_wait3A_124 = tpu.memref_squeeze %dma_wait3A_123 : memref<1x128xi32, #tpu.memory_space<vmem>> -> memref<128xi32, #tpu.memory_space<vmem>>
          %dma_wait3A_125 = arith.constant 0 : i32
          %dma_wait3A_126 = arith.constant 0 : i32
          %dma_wait3A_127 = tpu.memref_slice %arg2[%dma_wait3A_125, %dma_wait3A_126] : memref<10000x128xf32, #tpu.memory_space<hbm>> -> memref<10000x128xf32, #tpu.memory_space<hbm>>
          tpu.wait_indirect_dma semaphore(%arg15 : memref<!tpu.dma_semaphore, #tpu.memory_space<semaphore_mem>>) src(%dma_wait3A_127 : memref<10000x128xf32, #tpu.memory_space<hbm>>) dst(%arg11 : memref<128x128xf32, #tpu.memory_space<vmem>>)
          %gt3A_128 = arith.constant 0 : i32
          %gt3A_129 = arith.cmpi sgt, %add3A_120, %gt3A_128 : i32
          %convert_element_type3A_130 = arith.extui %gt3A_129 : i1 to i32
          %cond3A_131 = arith.constant 0 : i32
          %cond3A_132 = arith.cmpi ne, %convert_element_type3A_130, %cond3A_131 : i32
          scf.if %cond3A_132 {
            %dma_wait3A_164 = arith.constant 0 : i32
            %dma_wait3A_165 = arith.constant 0 : i32
            %dma_wait3A_166 = tpu.memref_slice %arg8[%dma_wait3A_164, %dma_wait3A_165] : memref<8x128xi32, #tpu.memory_space<vmem>> -> memref<1x128xi32, #tpu.memory_space<vmem>>
            %dma_wait3A_167 = tpu.memref_squeeze %dma_wait3A_166 : memref<1x128xi32, #tpu.memory_space<vmem>> -> memref<128xi32, #tpu.memory_space<vmem>>
            %dma_wait3A_168 = arith.constant 0 : i32
            %dma_wait3A_169 = arith.constant 0 : i32
            %dma_wait3A_170 = tpu.memref_slice %arg13[%dma_wait3A_168, %dma_wait3A_169] : memref<10112x128xf32, #tpu.memory_space<vmem_shared>> -> memref<10112x128xf32, #tpu.memory_space<vmem_shared>>
            tpu.wait_indirect_dma semaphore(%arg16 : memref<!tpu.dma_semaphore, #tpu.memory_space<semaphore_mem>>) src(%arg10 : memref<128x128xf32, #tpu.memory_space<vmem>>) dst(%dma_wait3A_170 : memref<10112x128xf32, #tpu.memory_space<vmem_shared>>)
          } else {
          }
          %eq3A_133 = arith.constant 0 : i32
          %eq3A_134 = arith.cmpi eq, %add3A_117, %eq3A_133 : i32
          %add3A_135 = arith.constant 1 : i32
          %add3A_136 = arith.addi %add3A_49, %add3A_135 : i32
          %lt3A_137 = arith.constant 18 : i32
          %lt3A_138 = arith.cmpi slt, %add3A_136, %lt3A_137 : i32
          %and3A_139 = arith.andi %eq3A_134, %lt3A_138 : i1
          %convert_element_type3A_140 = arith.extui %and3A_139 : i1 to i32
          %cond3A_141 = arith.constant 0 : i32
          %cond3A_142 = arith.cmpi ne, %convert_element_type3A_140, %cond3A_141 : i32
          scf.if %cond3A_142 {
            %add3A_164 = arith.constant 1 : i32
            %add3A_165 = arith.addi %add3A_49, %add3A_164 : i32
            %mul3A_166 = arith.constant 8 : i32
            %mul3A_167 = arith.muli %add3A_165, %mul3A_166 : i32
            %add3A_168 = arith.addi %mul3A_26, %mul3A_167 : i32
            %dma_start3A_169 = arith.constant 0 : i32
            %dma_start3A_170 = tpu.memref_slice %arg3[%add3A_168, %dma_start3A_169] : memref<2560x128xi32, #tpu.memory_space<hbm>> -> memref<8x128xi32, #tpu.memory_space<hbm>>
            %dma_start3A_171 = arith.constant 0 : i32
            %dma_start3A_172 = tpu.memref_slice %arg3[%add3A_168, %dma_start3A_171] : memref<2560x128xi32, #tpu.memory_space<hbm>> -> memref<8x128xi32, #tpu.memory_space<hbm>>
            tpu.enqueue_dma source(%dma_start3A_172 : memref<8x128xi32, #tpu.memory_space<hbm>>) target(%arg7 : memref<8x128xi32, #tpu.memory_space<vmem>>) target_semaphore(%arg18 : memref<!tpu.dma_semaphore, #tpu.memory_space<semaphore_mem>>)
            %dma_start3A_173 = arith.constant 0 : i32
            %dma_start3A_174 = tpu.memref_slice %arg4[%add3A_168, %dma_start3A_173] : memref<2560x128xi32, #tpu.memory_space<hbm>> -> memref<8x128xi32, #tpu.memory_space<hbm>>
            %dma_start3A_175 = arith.constant 0 : i32
            %dma_start3A_176 = tpu.memref_slice %arg4[%add3A_168, %dma_start3A_175] : memref<2560x128xi32, #tpu.memory_space<hbm>> -> memref<8x128xi32, #tpu.memory_space<hbm>>
            tpu.enqueue_dma source(%dma_start3A_176 : memref<8x128xi32, #tpu.memory_space<hbm>>) target(%arg9 : memref<8x128xi32, #tpu.memory_space<vmem>>) target_semaphore(%arg18 : memref<!tpu.dma_semaphore, #tpu.memory_space<semaphore_mem>>)
          } else {
          }
          %lt3A_143 = arith.constant 7 : i32
          %lt3A_144 = arith.cmpi slt, %add3A_117, %lt3A_143 : i32
          %convert_element_type3A_145 = arith.extui %lt3A_144 : i1 to i32
          %cond3A_146 = arith.constant 0 : i32
          %cond3A_147 = arith.cmpi ne, %convert_element_type3A_145, %cond3A_146 : i32
          scf.if %cond3A_147 {
            %add3A_164 = arith.constant 1 : i32
            %add3A_165 = arith.addi %add3A_117, %add3A_164 : i32
            %dma_start3A_166 = arith.constant 0 : i32
            %dma_start3A_167 = tpu.memref_slice %arg6[%add3A_165, %dma_start3A_166] : memref<8x128xi32, #tpu.memory_space<vmem>> -> memref<1x128xi32, #tpu.memory_space<vmem>>
            %dma_start3A_168 = tpu.memref_squeeze %dma_start3A_167 : memref<1x128xi32, #tpu.memory_space<vmem>> -> memref<128xi32, #tpu.memory_space<vmem>>
            %dma_start3A_169 = arith.constant 0 : i32
            %dma_start3A_170 = arith.constant 0 : i32
            %dma_start3A_171 = tpu.memref_slice %arg2[%dma_start3A_169, %dma_start3A_170] : memref<10000x128xf32, #tpu.memory_space<hbm>> -> memref<10000x128xf32, #tpu.memory_space<hbm>>
            tpu.enqueue_indirect_dma source(%dma_start3A_171 : memref<10000x128xf32, #tpu.memory_space<hbm>>) target(%arg10 : memref<128x128xf32, #tpu.memory_space<vmem>>) offsets(%dma_start3A_168 : memref<128xi32, #tpu.memory_space<vmem>>) semaphore(%arg14 : memref<!tpu.dma_semaphore, #tpu.memory_space<semaphore_mem>>)
          } else {
          }
          %eq3A_148 = arith.constant 7 : i32
          %eq3A_149 = arith.cmpi eq, %add3A_117, %eq3A_148 : i32
          %add3A_150 = arith.constant 1 : i32
          %add3A_151 = arith.addi %add3A_49, %add3A_150 : i32
          %lt3A_152 = arith.constant 18 : i32
          %lt3A_153 = arith.cmpi slt, %add3A_151, %lt3A_152 : i32
          %and3A_154 = arith.andi %eq3A_149, %lt3A_153 : i1
          %convert_element_type3A_155 = arith.extui %and3A_154 : i1 to i32
          %cond3A_156 = arith.constant 0 : i32
          %cond3A_157 = arith.cmpi ne, %convert_element_type3A_155, %cond3A_156 : i32
          scf.if %cond3A_157 {
            %dma_wait3A_164 = arith.constant 0 : i32
            %dma_wait3A_165 = arith.constant 0 : i32
            %dma_wait3A_166 = tpu.memref_slice %arg3[%dma_wait3A_164, %dma_wait3A_165] : memref<2560x128xi32, #tpu.memory_space<hbm>> -> memref<8x128xi32, #tpu.memory_space<hbm>>
            %dma_wait3A_167 = arith.constant 0 : i32
            %dma_wait3A_168 = arith.constant 0 : i32
            %dma_wait3A_169 = tpu.memref_slice %arg3[%dma_wait3A_167, %dma_wait3A_168] : memref<2560x128xi32, #tpu.memory_space<hbm>> -> memref<8x128xi32, #tpu.memory_space<hbm>>
            tpu.wait_dma2 semaphore(%arg18 : memref<!tpu.dma_semaphore, #tpu.memory_space<semaphore_mem>>) src(%dma_wait3A_169 : memref<8x128xi32, #tpu.memory_space<hbm>>) dst(%arg7 : memref<8x128xi32, #tpu.memory_space<vmem>>)
            %dma_wait3A_170 = arith.constant 0 : i32
            %dma_wait3A_171 = arith.constant 0 : i32
            %dma_wait3A_172 = tpu.memref_slice %arg4[%dma_wait3A_170, %dma_wait3A_171] : memref<2560x128xi32, #tpu.memory_space<hbm>> -> memref<8x128xi32, #tpu.memory_space<hbm>>
            %dma_wait3A_173 = arith.constant 0 : i32
            %dma_wait3A_174 = arith.constant 0 : i32
            %dma_wait3A_175 = tpu.memref_slice %arg4[%dma_wait3A_173, %dma_wait3A_174] : memref<2560x128xi32, #tpu.memory_space<hbm>> -> memref<8x128xi32, #tpu.memory_space<hbm>>
            tpu.wait_dma2 semaphore(%arg18 : memref<!tpu.dma_semaphore, #tpu.memory_space<semaphore_mem>>) src(%dma_wait3A_175 : memref<8x128xi32, #tpu.memory_space<hbm>>) dst(%arg9 : memref<8x128xi32, #tpu.memory_space<vmem>>)
            %dma_start3A_176 = arith.constant 0 : i32
            %dma_start3A_177 = arith.constant 0 : i32
            %dma_start3A_178 = tpu.memref_slice %arg7[%dma_start3A_176, %dma_start3A_177] : memref<8x128xi32, #tpu.memory_space<vmem>> -> memref<1x128xi32, #tpu.memory_space<vmem>>
            %dma_start3A_179 = tpu.memref_squeeze %dma_start3A_178 : memref<1x128xi32, #tpu.memory_space<vmem>> -> memref<128xi32, #tpu.memory_space<vmem>>
            %dma_start3A_180 = arith.constant 0 : i32
            %dma_start3A_181 = arith.constant 0 : i32
            %dma_start3A_182 = tpu.memref_slice %arg2[%dma_start3A_180, %dma_start3A_181] : memref<10000x128xf32, #tpu.memory_space<hbm>> -> memref<10000x128xf32, #tpu.memory_space<hbm>>
            tpu.enqueue_indirect_dma source(%dma_start3A_182 : memref<10000x128xf32, #tpu.memory_space<hbm>>) target(%arg10 : memref<128x128xf32, #tpu.memory_space<vmem>>) offsets(%dma_start3A_179 : memref<128xi32, #tpu.memory_space<vmem>>) semaphore(%arg14 : memref<!tpu.dma_semaphore, #tpu.memory_space<semaphore_mem>>)
          } else {
          }
          %dma_start3A_158 = arith.constant 0 : i32
          %dma_start3A_159 = tpu.memref_slice %arg8[%add3A_117, %dma_start3A_158] : memref<8x128xi32, #tpu.memory_space<vmem>> -> memref<1x128xi32, #tpu.memory_space<vmem>>
          %dma_start3A_160 = tpu.memref_squeeze %dma_start3A_159 : memref<1x128xi32, #tpu.memory_space<vmem>> -> memref<128xi32, #tpu.memory_space<vmem>>
          %dma_start3A_161 = arith.constant 0 : i32
          %dma_start3A_162 = arith.constant 0 : i32
          %dma_start3A_163 = tpu.memref_slice %arg13[%dma_start3A_161, %dma_start3A_162] : memref<10112x128xf32, #tpu.memory_space<vmem_shared>> -> memref<10112x128xf32, #tpu.memory_space<vmem_shared>>
          tpu.enqueue_indirect_dma source(%arg11 : memref<128x128xf32, #tpu.memory_space<vmem>>) target(%dma_start3A_163 : memref<10112x128xf32, #tpu.memory_space<vmem_shared>>) offsets(%dma_start3A_160 : memref<128xi32, #tpu.memory_space<vmem>>) semaphore(%arg17 : memref<!tpu.dma_semaphore, #tpu.memory_space<semaphore_mem>>) {add = true}
        }
        %scan3A_55 = arith.constant 4 : i32
        %mul3A_56 = arith.constant 2 : i32
        %mul3A_57 = arith.muli %mul3A_56, %scan3A_45 : i32
        %add3A_58 = arith.constant 1 : i32
        %add3A_59 = arith.addi %mul3A_57, %add3A_58 : i32
        %scan3A_60 = arith.constant 0 : i32
        %scan3A_61 = arith.constant 0 : i32
        %scan3A_62 = arith.constant 4 : i32
        %scan3A_63 = arith.addi %scan3A_61, %scan3A_62 : i32
        %scan3A_64 = arith.constant 1 : i32
        scf.for %scan3A_66 = %scan3A_61 to %scan3A_63 step %scan3A_64  : i32 {
          %mul3A_67 = arith.constant 2 : i32
          %mul3A_68 = arith.muli %mul3A_67, %scan3A_66 : i32
          %add3A_69 = arith.constant 0 : i32
          %add3A_70 = arith.addi %mul3A_68, %add3A_69 : i32
          %mul3A_71 = arith.constant 8 : i32
          %mul3A_72 = arith.muli %add3A_59, %mul3A_71 : i32
          %add3A_73 = arith.addi %mul3A_72, %add3A_70 : i32
          %dma_wait3A_74 = arith.constant 0 : i32
          %dma_wait3A_75 = arith.constant 0 : i32
          %dma_wait3A_76 = tpu.memref_slice %arg7[%dma_wait3A_74, %dma_wait3A_75] : memref<8x128xi32, #tpu.memory_space<vmem>> -> memref<1x128xi32, #tpu.memory_space<vmem>>
          %dma_wait3A_77 = tpu.memref_squeeze %dma_wait3A_76 : memref<1x128xi32, #tpu.memory_space<vmem>> -> memref<128xi32, #tpu.memory_space<vmem>>
          %dma_wait3A_78 = arith.constant 0 : i32
          %dma_wait3A_79 = arith.constant 0 : i32
          %dma_wait3A_80 = tpu.memref_slice %arg2[%dma_wait3A_78, %dma_wait3A_79] : memref<10000x128xf32, #tpu.memory_space<hbm>> -> memref<10000x128xf32, #tpu.memory_space<hbm>>
          tpu.wait_indirect_dma semaphore(%arg14 : memref<!tpu.dma_semaphore, #tpu.memory_space<semaphore_mem>>) src(%dma_wait3A_80 : memref<10000x128xf32, #tpu.memory_space<hbm>>) dst(%arg10 : memref<128x128xf32, #tpu.memory_space<vmem>>)
          %gt3A = arith.constant 0 : i32
          %gt3A_81 = arith.cmpi sgt, %add3A_73, %gt3A : i32
          %convert_element_type3A_82 = arith.extui %gt3A_81 : i1 to i32
          %cond3A_83 = arith.constant 0 : i32
          %cond3A_84 = arith.cmpi ne, %convert_element_type3A_82, %cond3A_83 : i32
          scf.if %cond3A_84 {
            %dma_wait3A_164 = arith.constant 0 : i32
            %dma_wait3A_165 = arith.constant 0 : i32
            %dma_wait3A_166 = tpu.memref_slice %arg9[%dma_wait3A_164, %dma_wait3A_165] : memref<8x128xi32, #tpu.memory_space<vmem>> -> memref<1x128xi32, #tpu.memory_space<vmem>>
            %dma_wait3A_167 = tpu.memref_squeeze %dma_wait3A_166 : memref<1x128xi32, #tpu.memory_space<vmem>> -> memref<128xi32, #tpu.memory_space<vmem>>
            %dma_wait3A_168 = arith.constant 0 : i32
            %dma_wait3A_169 = arith.constant 0 : i32
            %dma_wait3A_170 = tpu.memref_slice %arg13[%dma_wait3A_168, %dma_wait3A_169] : memref<10112x128xf32, #tpu.memory_space<vmem_shared>> -> memref<10112x128xf32, #tpu.memory_space<vmem_shared>>
            tpu.wait_indirect_dma semaphore(%arg17 : memref<!tpu.dma_semaphore, #tpu.memory_space<semaphore_mem>>) src(%arg11 : memref<128x128xf32, #tpu.memory_space<vmem>>) dst(%dma_wait3A_170 : memref<10112x128xf32, #tpu.memory_space<vmem_shared>>)
          } else {
          }
          %eq3A_85 = arith.constant 0 : i32
          %eq3A_86 = arith.cmpi eq, %add3A_70, %eq3A_85 : i32
          %add3A_87 = arith.constant 1 : i32
          %add3A_88 = arith.addi %add3A_59, %add3A_87 : i32
          %lt3A = arith.constant 18 : i32
          %lt3A_89 = arith.cmpi slt, %add3A_88, %lt3A : i32
          %and3A = arith.andi %eq3A_86, %lt3A_89 : i1
          %convert_element_type3A_90 = arith.extui %and3A : i1 to i32
          %cond3A_91 = arith.constant 0 : i32
          %cond3A_92 = arith.cmpi ne, %convert_element_type3A_90, %cond3A_91 : i32
          scf.if %cond3A_92 {
            %add3A_164 = arith.constant 1 : i32
            %add3A_165 = arith.addi %add3A_59, %add3A_164 : i32
            %mul3A_166 = arith.constant 8 : i32
            %mul3A_167 = arith.muli %add3A_165, %mul3A_166 : i32
            %add3A_168 = arith.addi %mul3A_26, %mul3A_167 : i32
            %dma_start3A_169 = arith.constant 0 : i32
            %dma_start3A_170 = tpu.memref_slice %arg3[%add3A_168, %dma_start3A_169] : memref<2560x128xi32, #tpu.memory_space<hbm>> -> memref<8x128xi32, #tpu.memory_space<hbm>>
            %dma_start3A_171 = arith.constant 0 : i32
            %dma_start3A_172 = tpu.memref_slice %arg3[%add3A_168, %dma_start3A_171] : memref<2560x128xi32, #tpu.memory_space<hbm>> -> memref<8x128xi32, #tpu.memory_space<hbm>>
            tpu.enqueue_dma source(%dma_start3A_172 : memref<8x128xi32, #tpu.memory_space<hbm>>) target(%arg6 : memref<8x128xi32, #tpu.memory_space<vmem>>) target_semaphore(%arg18 : memref<!tpu.dma_semaphore, #tpu.memory_space<semaphore_mem>>)
            %dma_start3A_173 = arith.constant 0 : i32
            %dma_start3A_174 = tpu.memref_slice %arg4[%add3A_168, %dma_start3A_173] : memref<2560x128xi32, #tpu.memory_space<hbm>> -> memref<8x128xi32, #tpu.memory_space<hbm>>
            %dma_start3A_175 = arith.constant 0 : i32
            %dma_start3A_176 = tpu.memref_slice %arg4[%add3A_168, %dma_start3A_175] : memref<2560x128xi32, #tpu.memory_space<hbm>> -> memref<8x128xi32, #tpu.memory_space<hbm>>
            tpu.enqueue_dma source(%dma_start3A_176 : memref<8x128xi32, #tpu.memory_space<hbm>>) target(%arg8 : memref<8x128xi32, #tpu.memory_space<vmem>>) target_semaphore(%arg18 : memref<!tpu.dma_semaphore, #tpu.memory_space<semaphore_mem>>)
          } else {
          }
          %lt3A_93 = arith.constant 7 : i32
          %lt3A_94 = arith.cmpi slt, %add3A_70, %lt3A_93 : i32
          %convert_element_type3A_95 = arith.extui %lt3A_94 : i1 to i32
          %cond3A_96 = arith.constant 0 : i32
          %cond3A_97 = arith.cmpi ne, %convert_element_type3A_95, %cond3A_96 : i32
          scf.if %cond3A_97 {
            %add3A_164 = arith.constant 1 : i32
            %add3A_165 = arith.addi %add3A_70, %add3A_164 : i32
            %dma_start3A_166 = arith.constant 0 : i32
            %dma_start3A_167 = tpu.memref_slice %arg7[%add3A_165, %dma_start3A_166] : memref<8x128xi32, #tpu.memory_space<vmem>> -> memref<1x128xi32, #tpu.memory_space<vmem>>
            %dma_start3A_168 = tpu.memref_squeeze %dma_start3A_167 : memref<1x128xi32, #tpu.memory_space<vmem>> -> memref<128xi32, #tpu.memory_space<vmem>>
            %dma_start3A_169 = arith.constant 0 : i32
            %dma_start3A_170 = arith.constant 0 : i32
            %dma_start3A_171 = tpu.memref_slice %arg2[%dma_start3A_169, %dma_start3A_170] : memref<10000x128xf32, #tpu.memory_space<hbm>> -> memref<10000x128xf32, #tpu.memory_space<hbm>>
            tpu.enqueue_indirect_dma source(%dma_start3A_171 : memref<10000x128xf32, #tpu.memory_space<hbm>>) target(%arg11 : memref<128x128xf32, #tpu.memory_space<vmem>>) offsets(%dma_start3A_168 : memref<128xi32, #tpu.memory_space<vmem>>) semaphore(%arg15 : memref<!tpu.dma_semaphore, #tpu.memory_space<semaphore_mem>>)
          } else {
          }
          %eq3A_98 = arith.constant 7 : i32
          %eq3A_99 = arith.cmpi eq, %add3A_70, %eq3A_98 : i32
          %add3A_100 = arith.constant 1 : i32
          %add3A_101 = arith.addi %add3A_59, %add3A_100 : i32
          %lt3A_102 = arith.constant 18 : i32
          %lt3A_103 = arith.cmpi slt, %add3A_101, %lt3A_102 : i32
          %and3A_104 = arith.andi %eq3A_99, %lt3A_103 : i1
          %convert_element_type3A_105 = arith.extui %and3A_104 : i1 to i32
          %cond3A_106 = arith.constant 0 : i32
          %cond3A_107 = arith.cmpi ne, %convert_element_type3A_105, %cond3A_106 : i32
          scf.if %cond3A_107 {
            %dma_wait3A_164 = arith.constant 0 : i32
            %dma_wait3A_165 = arith.constant 0 : i32
            %dma_wait3A_166 = tpu.memref_slice %arg3[%dma_wait3A_164, %dma_wait3A_165] : memref<2560x128xi32, #tpu.memory_space<hbm>> -> memref<8x128xi32, #tpu.memory_space<hbm>>
            %dma_wait3A_167 = arith.constant 0 : i32
            %dma_wait3A_168 = arith.constant 0 : i32
            %dma_wait3A_169 = tpu.memref_slice %arg3[%dma_wait3A_167, %dma_wait3A_168] : memref<2560x128xi32, #tpu.memory_space<hbm>> -> memref<8x128xi32, #tpu.memory_space<hbm>>
            tpu.wait_dma2 semaphore(%arg18 : memref<!tpu.dma_semaphore, #tpu.memory_space<semaphore_mem>>) src(%dma_wait3A_169 : memref<8x128xi32, #tpu.memory_space<hbm>>) dst(%arg6 : memref<8x128xi32, #tpu.memory_space<vmem>>)
            %dma_wait3A_170 = arith.constant 0 : i32
            %dma_wait3A_171 = arith.constant 0 : i32
            %dma_wait3A_172 = tpu.memref_slice %arg4[%dma_wait3A_170, %dma_wait3A_171] : memref<2560x128xi32, #tpu.memory_space<hbm>> -> memref<8x128xi32, #tpu.memory_space<hbm>>
            %dma_wait3A_173 = arith.constant 0 : i32
            %dma_wait3A_174 = arith.constant 0 : i32
            %dma_wait3A_175 = tpu.memref_slice %arg4[%dma_wait3A_173, %dma_wait3A_174] : memref<2560x128xi32, #tpu.memory_space<hbm>> -> memref<8x128xi32, #tpu.memory_space<hbm>>
            tpu.wait_dma2 semaphore(%arg18 : memref<!tpu.dma_semaphore, #tpu.memory_space<semaphore_mem>>) src(%dma_wait3A_175 : memref<8x128xi32, #tpu.memory_space<hbm>>) dst(%arg8 : memref<8x128xi32, #tpu.memory_space<vmem>>)
            %dma_start3A_176 = arith.constant 0 : i32
            %dma_start3A_177 = arith.constant 0 : i32
            %dma_start3A_178 = tpu.memref_slice %arg6[%dma_start3A_176, %dma_start3A_177] : memref<8x128xi32, #tpu.memory_space<vmem>> -> memref<1x128xi32, #tpu.memory_space<vmem>>
            %dma_start3A_179 = tpu.memref_squeeze %dma_start3A_178 : memref<1x128xi32, #tpu.memory_space<vmem>> -> memref<128xi32, #tpu.memory_space<vmem>>
            %dma_start3A_180 = arith.constant 0 : i32
            %dma_start3A_181 = arith.constant 0 : i32
            %dma_start3A_182 = tpu.memref_slice %arg2[%dma_start3A_180, %dma_start3A_181] : memref<10000x128xf32, #tpu.memory_space<hbm>> -> memref<10000x128xf32, #tpu.memory_space<hbm>>
            tpu.enqueue_indirect_dma source(%dma_start3A_182 : memref<10000x128xf32, #tpu.memory_space<hbm>>) target(%arg11 : memref<128x128xf32, #tpu.memory_space<vmem>>) offsets(%dma_start3A_179 : memref<128xi32, #tpu.memory_space<vmem>>) semaphore(%arg15 : memref<!tpu.dma_semaphore, #tpu.memory_space<semaphore_mem>>)
          } else {
          }
          %dma_start3A_108 = arith.constant 0 : i32
          %dma_start3A_109 = tpu.memref_slice %arg9[%add3A_70, %dma_start3A_108] : memref<8x128xi32, #tpu.memory_space<vmem>> -> memref<1x128xi32, #tpu.memory_space<vmem>>
          %dma_start3A_110 = tpu.memref_squeeze %dma_start3A_109 : memref<1x128xi32, #tpu.memory_space<vmem>> -> memref<128xi32, #tpu.memory_space<vmem>>
          %dma_start3A_111 = arith.constant 0 : i32
          %dma_start3A_112 = arith.constant 0 : i32
          %dma_start3A_113 = tpu.memref_slice %arg13[%dma_start3A_111, %dma_start3A_112] : memref<10112x128xf32, #tpu.memory_space<vmem_shared>> -> memref<10112x128xf32, #tpu.memory_space<vmem_shared>>
          tpu.enqueue_indirect_dma source(%arg10 : memref<128x128xf32, #tpu.memory_space<vmem>>) target(%dma_start3A_113 : memref<10112x128xf32, #tpu.memory_space<vmem_shared>>) offsets(%dma_start3A_110 : memref<128xi32, #tpu.memory_space<vmem>>) semaphore(%arg16 : memref<!tpu.dma_semaphore, #tpu.memory_space<semaphore_mem>>) {add = true}
          %mul3A_114 = arith.constant 2 : i32
          %mul3A_115 = arith.muli %mul3A_114, %scan3A_66 : i32
          %add3A_116 = arith.constant 1 : i32
          %add3A_117 = arith.addi %mul3A_115, %add3A_116 : i32
          %mul3A_118 = arith.constant 8 : i32
          %mul3A_119 = arith.muli %add3A_59, %mul3A_118 : i32
          %add3A_120 = arith.addi %mul3A_119, %add3A_117 : i32
          %dma_wait3A_121 = arith.constant 0 : i32
          %dma_wait3A_122 = arith.constant 0 : i32
          %dma_wait3A_123 = tpu.memref_slice %arg7[%dma_wait3A_121, %dma_wait3A_122] : memref<8x128xi32, #tpu.memory_space<vmem>> -> memref<1x128xi32, #tpu.memory_space<vmem>>
          %dma_wait3A_124 = tpu.memref_squeeze %dma_wait3A_123 : memref<1x128xi32, #tpu.memory_space<vmem>> -> memref<128xi32, #tpu.memory_space<vmem>>
          %dma_wait3A_125 = arith.constant 0 : i32
          %dma_wait3A_126 = arith.constant 0 : i32
          %dma_wait3A_127 = tpu.memref_slice %arg2[%dma_wait3A_125, %dma_wait3A_126] : memref<10000x128xf32, #tpu.memory_space<hbm>> -> memref<10000x128xf32, #tpu.memory_space<hbm>>
          tpu.wait_indirect_dma semaphore(%arg15 : memref<!tpu.dma_semaphore, #tpu.memory_space<semaphore_mem>>) src(%dma_wait3A_127 : memref<10000x128xf32, #tpu.memory_space<hbm>>) dst(%arg11 : memref<128x128xf32, #tpu.memory_space<vmem>>)
          %gt3A_128 = arith.constant 0 : i32
          %gt3A_129 = arith.cmpi sgt, %add3A_120, %gt3A_128 : i32
          %convert_element_type3A_130 = arith.extui %gt3A_129 : i1 to i32
          %cond3A_131 = arith.constant 0 : i32
          %cond3A_132 = arith.cmpi ne, %convert_element_type3A_130, %cond3A_131 : i32
          scf.if %cond3A_132 {
            %dma_wait3A_164 = arith.constant 0 : i32
            %dma_wait3A_165 = arith.constant 0 : i32
            %dma_wait3A_166 = tpu.memref_slice %arg9[%dma_wait3A_164, %dma_wait3A_165] : memref<8x128xi32, #tpu.memory_space<vmem>> -> memref<1x128xi32, #tpu.memory_space<vmem>>
            %dma_wait3A_167 = tpu.memref_squeeze %dma_wait3A_166 : memref<1x128xi32, #tpu.memory_space<vmem>> -> memref<128xi32, #tpu.memory_space<vmem>>
            %dma_wait3A_168 = arith.constant 0 : i32
            %dma_wait3A_169 = arith.constant 0 : i32
            %dma_wait3A_170 = tpu.memref_slice %arg13[%dma_wait3A_168, %dma_wait3A_169] : memref<10112x128xf32, #tpu.memory_space<vmem_shared>> -> memref<10112x128xf32, #tpu.memory_space<vmem_shared>>
            tpu.wait_indirect_dma semaphore(%arg16 : memref<!tpu.dma_semaphore, #tpu.memory_space<semaphore_mem>>) src(%arg10 : memref<128x128xf32, #tpu.memory_space<vmem>>) dst(%dma_wait3A_170 : memref<10112x128xf32, #tpu.memory_space<vmem_shared>>)
          } else {
          }
          %eq3A_133 = arith.constant 0 : i32
          %eq3A_134 = arith.cmpi eq, %add3A_117, %eq3A_133 : i32
          %add3A_135 = arith.constant 1 : i32
          %add3A_136 = arith.addi %add3A_59, %add3A_135 : i32
          %lt3A_137 = arith.constant 18 : i32
          %lt3A_138 = arith.cmpi slt, %add3A_136, %lt3A_137 : i32
          %and3A_139 = arith.andi %eq3A_134, %lt3A_138 : i1
          %convert_element_type3A_140 = arith.extui %and3A_139 : i1 to i32
          %cond3A_141 = arith.constant 0 : i32
          %cond3A_142 = arith.cmpi ne, %convert_element_type3A_140, %cond3A_141 : i32
          scf.if %cond3A_142 {
            %add3A_164 = arith.constant 1 : i32
            %add3A_165 = arith.addi %add3A_59, %add3A_164 : i32
            %mul3A_166 = arith.constant 8 : i32
            %mul3A_167 = arith.muli %add3A_165, %mul3A_166 : i32
            %add3A_168 = arith.addi %mul3A_26, %mul3A_167 : i32
            %dma_start3A_169 = arith.constant 0 : i32
            %dma_start3A_170 = tpu.memref_slice %arg3[%add3A_168, %dma_start3A_169] : memref<2560x128xi32, #tpu.memory_space<hbm>> -> memref<8x128xi32, #tpu.memory_space<hbm>>
            %dma_start3A_171 = arith.constant 0 : i32
            %dma_start3A_172 = tpu.memref_slice %arg3[%add3A_168, %dma_start3A_171] : memref<2560x128xi32, #tpu.memory_space<hbm>> -> memref<8x128xi32, #tpu.memory_space<hbm>>
            tpu.enqueue_dma source(%dma_start3A_172 : memref<8x128xi32, #tpu.memory_space<hbm>>) target(%arg6 : memref<8x128xi32, #tpu.memory_space<vmem>>) target_semaphore(%arg18 : memref<!tpu.dma_semaphore, #tpu.memory_space<semaphore_mem>>)
            %dma_start3A_173 = arith.constant 0 : i32
            %dma_start3A_174 = tpu.memref_slice %arg4[%add3A_168, %dma_start3A_173] : memref<2560x128xi32, #tpu.memory_space<hbm>> -> memref<8x128xi32, #tpu.memory_space<hbm>>
            %dma_start3A_175 = arith.constant 0 : i32
            %dma_start3A_176 = tpu.memref_slice %arg4[%add3A_168, %dma_start3A_175] : memref<2560x128xi32, #tpu.memory_space<hbm>> -> memref<8x128xi32, #tpu.memory_space<hbm>>
            tpu.enqueue_dma source(%dma_start3A_176 : memref<8x128xi32, #tpu.memory_space<hbm>>) target(%arg8 : memref<8x128xi32, #tpu.memory_space<vmem>>) target_semaphore(%arg18 : memref<!tpu.dma_semaphore, #tpu.memory_space<semaphore_mem>>)
          } else {
          }
          %lt3A_143 = arith.constant 7 : i32
          %lt3A_144 = arith.cmpi slt, %add3A_117, %lt3A_143 : i32
          %convert_element_type3A_145 = arith.extui %lt3A_144 : i1 to i32
          %cond3A_146 = arith.constant 0 : i32
          %cond3A_147 = arith.cmpi ne, %convert_element_type3A_145, %cond3A_146 : i32
          scf.if %cond3A_147 {
            %add3A_164 = arith.constant 1 : i32
            %add3A_165 = arith.addi %add3A_117, %add3A_164 : i32
            %dma_start3A_166 = arith.constant 0 : i32
            %dma_start3A_167 = tpu.memref_slice %arg7[%add3A_165, %dma_start3A_166] : memref<8x128xi32, #tpu.memory_space<vmem>> -> memref<1x128xi32, #tpu.memory_space<vmem>>
            %dma_start3A_168 = tpu.memref_squeeze %dma_start3A_167 : memref<1x128xi32, #tpu.memory_space<vmem>> -> memref<128xi32, #tpu.memory_space<vmem>>
            %dma_start3A_169 = arith.constant 0 : i32
            %dma_start3A_170 = arith.constant 0 : i32
            %dma_start3A_171 = tpu.memref_slice %arg2[%dma_start3A_169, %dma_start3A_170] : memref<10000x128xf32, #tpu.memory_space<hbm>> -> memref<10000x128xf32, #tpu.memory_space<hbm>>
            tpu.enqueue_indirect_dma source(%dma_start3A_171 : memref<10000x128xf32, #tpu.memory_space<hbm>>) target(%arg10 : memref<128x128xf32, #tpu.memory_space<vmem>>) offsets(%dma_start3A_168 : memref<128xi32, #tpu.memory_space<vmem>>) semaphore(%arg14 : memref<!tpu.dma_semaphore, #tpu.memory_space<semaphore_mem>>)
          } else {
          }
          %eq3A_148 = arith.constant 7 : i32
          %eq3A_149 = arith.cmpi eq, %add3A_117, %eq3A_148 : i32
          %add3A_150 = arith.constant 1 : i32
          %add3A_151 = arith.addi %add3A_59, %add3A_150 : i32
          %lt3A_152 = arith.constant 18 : i32
          %lt3A_153 = arith.cmpi slt, %add3A_151, %lt3A_152 : i32
          %and3A_154 = arith.andi %eq3A_149, %lt3A_153 : i1
          %convert_element_type3A_155 = arith.extui %and3A_154 : i1 to i32
          %cond3A_156 = arith.constant 0 : i32
          %cond3A_157 = arith.cmpi ne, %convert_element_type3A_155, %cond3A_156 : i32
          scf.if %cond3A_157 {
            %dma_wait3A_164 = arith.constant 0 : i32
            %dma_wait3A_165 = arith.constant 0 : i32
            %dma_wait3A_166 = tpu.memref_slice %arg3[%dma_wait3A_164, %dma_wait3A_165] : memref<2560x128xi32, #tpu.memory_space<hbm>> -> memref<8x128xi32, #tpu.memory_space<hbm>>
            %dma_wait3A_167 = arith.constant 0 : i32
            %dma_wait3A_168 = arith.constant 0 : i32
            %dma_wait3A_169 = tpu.memref_slice %arg3[%dma_wait3A_167, %dma_wait3A_168] : memref<2560x128xi32, #tpu.memory_space<hbm>> -> memref<8x128xi32, #tpu.memory_space<hbm>>
            tpu.wait_dma2 semaphore(%arg18 : memref<!tpu.dma_semaphore, #tpu.memory_space<semaphore_mem>>) src(%dma_wait3A_169 : memref<8x128xi32, #tpu.memory_space<hbm>>) dst(%arg6 : memref<8x128xi32, #tpu.memory_space<vmem>>)
            %dma_wait3A_170 = arith.constant 0 : i32
            %dma_wait3A_171 = arith.constant 0 : i32
            %dma_wait3A_172 = tpu.memref_slice %arg4[%dma_wait3A_170, %dma_wait3A_171] : memref<2560x128xi32, #tpu.memory_space<hbm>> -> memref<8x128xi32, #tpu.memory_space<hbm>>
            %dma_wait3A_173 = arith.constant 0 : i32
            %dma_wait3A_174 = arith.constant 0 : i32
            %dma_wait3A_175 = tpu.memref_slice %arg4[%dma_wait3A_173, %dma_wait3A_174] : memref<2560x128xi32, #tpu.memory_space<hbm>> -> memref<8x128xi32, #tpu.memory_space<hbm>>
            tpu.wait_dma2 semaphore(%arg18 : memref<!tpu.dma_semaphore, #tpu.memory_space<semaphore_mem>>) src(%dma_wait3A_175 : memref<8x128xi32, #tpu.memory_space<hbm>>) dst(%arg8 : memref<8x128xi32, #tpu.memory_space<vmem>>)
            %dma_start3A_176 = arith.constant 0 : i32
            %dma_start3A_177 = arith.constant 0 : i32
            %dma_start3A_178 = tpu.memref_slice %arg6[%dma_start3A_176, %dma_start3A_177] : memref<8x128xi32, #tpu.memory_space<vmem>> -> memref<1x128xi32, #tpu.memory_space<vmem>>
            %dma_start3A_179 = tpu.memref_squeeze %dma_start3A_178 : memref<1x128xi32, #tpu.memory_space<vmem>> -> memref<128xi32, #tpu.memory_space<vmem>>
            %dma_start3A_180 = arith.constant 0 : i32
            %dma_start3A_181 = arith.constant 0 : i32
            %dma_start3A_182 = tpu.memref_slice %arg2[%dma_start3A_180, %dma_start3A_181] : memref<10000x128xf32, #tpu.memory_space<hbm>> -> memref<10000x128xf32, #tpu.memory_space<hbm>>
            tpu.enqueue_indirect_dma source(%dma_start3A_182 : memref<10000x128xf32, #tpu.memory_space<hbm>>) target(%arg10 : memref<128x128xf32, #tpu.memory_space<vmem>>) offsets(%dma_start3A_179 : memref<128xi32, #tpu.memory_space<vmem>>) semaphore(%arg14 : memref<!tpu.dma_semaphore, #tpu.memory_space<semaphore_mem>>)
          } else {
          }
          %dma_start3A_158 = arith.constant 0 : i32
          %dma_start3A_159 = tpu.memref_slice %arg9[%add3A_117, %dma_start3A_158] : memref<8x128xi32, #tpu.memory_space<vmem>> -> memref<1x128xi32, #tpu.memory_space<vmem>>
          %dma_start3A_160 = tpu.memref_squeeze %dma_start3A_159 : memref<1x128xi32, #tpu.memory_space<vmem>> -> memref<128xi32, #tpu.memory_space<vmem>>
          %dma_start3A_161 = arith.constant 0 : i32
          %dma_start3A_162 = arith.constant 0 : i32
          %dma_start3A_163 = tpu.memref_slice %arg13[%dma_start3A_161, %dma_start3A_162] : memref<10112x128xf32, #tpu.memory_space<vmem_shared>> -> memref<10112x128xf32, #tpu.memory_space<vmem_shared>>
          tpu.enqueue_indirect_dma source(%arg11 : memref<128x128xf32, #tpu.memory_space<vmem>>) target(%dma_start3A_163 : memref<10112x128xf32, #tpu.memory_space<vmem_shared>>) offsets(%dma_start3A_160 : memref<128xi32, #tpu.memory_space<vmem>>) semaphore(%arg17 : memref<!tpu.dma_semaphore, #tpu.memory_space<semaphore_mem>>) {add = true}
        }
        %scan3A_65 = arith.constant 4 : i32
      }
      %scan3A_38 = arith.constant 9 : i32
      %dma_wait3A = arith.constant 0 : i32
      %dma_wait3A_39 = arith.constant 0 : i32
      %dma_wait3A_40 = tpu.memref_slice %arg8[%dma_wait3A, %dma_wait3A_39] : memref<8x128xi32, #tpu.memory_space<vmem>> -> memref<1x128xi32, #tpu.memory_space<vmem>>
      %dma_wait3A_41 = tpu.memref_squeeze %dma_wait3A_40 : memref<1x128xi32, #tpu.memory_space<vmem>> -> memref<128xi32, #tpu.memory_space<vmem>>
      %dma_wait3A_42 = arith.constant 0 : i32
      %dma_wait3A_43 = arith.constant 0 : i32
      %dma_wait3A_44 = tpu.memref_slice %arg13[%dma_wait3A_42, %dma_wait3A_43] : memref<10112x128xf32, #tpu.memory_space<vmem_shared>> -> memref<10112x128xf32, #tpu.memory_space<vmem_shared>>
      tpu.wait_indirect_dma semaphore(%arg17 : memref<!tpu.dma_semaphore, #tpu.memory_space<semaphore_mem>>) src(%arg11 : memref<128x128xf32, #tpu.memory_space<vmem>>) dst(%dma_wait3A_44 : memref<10112x128xf32, #tpu.memory_space<vmem_shared>>)
    } else {
    }
    %eq3A_15 = arith.constant 1 : i32
    %eq3A_16 = arith.cmpi eq, %arg0, %eq3A_15 : i32
    %convert_element_type3A_17 = arith.extui %eq3A_16 : i1 to i32
    %cond3A_18 = arith.constant 0 : i32
    %cond3A_19 = arith.cmpi ne, %convert_element_type3A_17, %cond3A_18 : i32
    scf.if %cond3A_19 {
      %mul3A_25 = arith.constant 16 : i32
      %mul3A_26 = arith.muli %arg1, %mul3A_25 : i32
      %add3A_27 = arith.constant 2304 : i32
      %add3A_28 = arith.addi %add3A_27, %mul3A_26 : i32
      "tpu.region"() ({
        %run_scoped3A = tpu.sem_alloc : memref<!tpu.dma_semaphore, #tpu.memory_space<semaphore_mem>>
        %dma_start3A_64 = arith.constant 0 : i32
        %dma_start3A_65 = tpu.memref_slice %arg3[%add3A_28, %dma_start3A_64] : memref<2560x128xi32, #tpu.memory_space<hbm>> -> memref<8x128xi32, #tpu.memory_space<hbm>>
        %dma_start3A_66 = arith.constant 0 : i32
        %dma_start3A_67 = tpu.memref_slice %arg3[%add3A_28, %dma_start3A_66] : memref<2560x128xi32, #tpu.memory_space<hbm>> -> memref<8x128xi32, #tpu.memory_space<hbm>>
        tpu.enqueue_dma source(%dma_start3A_67 : memref<8x128xi32, #tpu.memory_space<hbm>>) target(%arg6 : memref<8x128xi32, #tpu.memory_space<vmem>>) target_semaphore(%run_scoped3A : memref<!tpu.dma_semaphore, #tpu.memory_space<semaphore_mem>>)
        %dma_wait3A_68 = arith.constant 0 : i32
        %dma_wait3A_69 = tpu.memref_slice %arg3[%add3A_28, %dma_wait3A_68] : memref<2560x128xi32, #tpu.memory_space<hbm>> -> memref<8x128xi32, #tpu.memory_space<hbm>>
        %dma_wait3A_70 = arith.constant 0 : i32
        %dma_wait3A_71 = tpu.memref_slice %arg3[%add3A_28, %dma_wait3A_70] : memref<2560x128xi32, #tpu.memory_space<hbm>> -> memref<8x128xi32, #tpu.memory_space<hbm>>
        tpu.wait_dma2 semaphore(%run_scoped3A : memref<!tpu.dma_semaphore, #tpu.memory_space<semaphore_mem>>) src(%dma_wait3A_71 : memref<8x128xi32, #tpu.memory_space<hbm>>) dst(%arg6 : memref<8x128xi32, #tpu.memory_space<vmem>>)
        tpu.yield
      }) : () -> ()
      "tpu.region"() ({
        %run_scoped3A = tpu.sem_alloc : memref<!tpu.dma_semaphore, #tpu.memory_space<semaphore_mem>>
        %dma_start3A_64 = arith.constant 0 : i32
        %dma_start3A_65 = tpu.memref_slice %arg4[%add3A_28, %dma_start3A_64] : memref<2560x128xi32, #tpu.memory_space<hbm>> -> memref<8x128xi32, #tpu.memory_space<hbm>>
        %dma_start3A_66 = arith.constant 0 : i32
        %dma_start3A_67 = tpu.memref_slice %arg4[%add3A_28, %dma_start3A_66] : memref<2560x128xi32, #tpu.memory_space<hbm>> -> memref<8x128xi32, #tpu.memory_space<hbm>>
        tpu.enqueue_dma source(%dma_start3A_67 : memref<8x128xi32, #tpu.memory_space<hbm>>) target(%arg8 : memref<8x128xi32, #tpu.memory_space<vmem>>) target_semaphore(%run_scoped3A : memref<!tpu.dma_semaphore, #tpu.memory_space<semaphore_mem>>)
        %dma_wait3A_68 = arith.constant 0 : i32
        %dma_wait3A_69 = tpu.memref_slice %arg4[%add3A_28, %dma_wait3A_68] : memref<2560x128xi32, #tpu.memory_space<hbm>> -> memref<8x128xi32, #tpu.memory_space<hbm>>
        %dma_wait3A_70 = arith.constant 0 : i32
        %dma_wait3A_71 = tpu.memref_slice %arg4[%add3A_28, %dma_wait3A_70] : memref<2560x128xi32, #tpu.memory_space<hbm>> -> memref<8x128xi32, #tpu.memory_space<hbm>>
        tpu.wait_dma2 semaphore(%run_scoped3A : memref<!tpu.dma_semaphore, #tpu.memory_space<semaphore_mem>>) src(%dma_wait3A_71 : memref<8x128xi32, #tpu.memory_space<hbm>>) dst(%arg8 : memref<8x128xi32, #tpu.memory_space<vmem>>)
        tpu.yield
      }) : () -> ()
      %dma_start3A = arith.constant 0 : i32
      %dma_start3A_29 = arith.constant 0 : i32
      %dma_start3A_30 = tpu.memref_slice %arg6[%dma_start3A, %dma_start3A_29] : memref<8x128xi32, #tpu.memory_space<vmem>> -> memref<1x128xi32, #tpu.memory_space<vmem>>
      %dma_start3A_31 = tpu.memref_squeeze %dma_start3A_30 : memref<1x128xi32, #tpu.memory_space<vmem>> -> memref<128xi32, #tpu.memory_space<vmem>>
      %dma_start3A_32 = arith.constant 0 : i32
      %dma_start3A_33 = arith.constant 0 : i32
      %dma_start3A_34 = tpu.memref_slice %arg2[%dma_start3A_32, %dma_start3A_33] : memref<10000x128xf32, #tpu.memory_space<hbm>> -> memref<10000x128xf32, #tpu.memory_space<hbm>>
      tpu.enqueue_indirect_dma source(%dma_start3A_34 : memref<10000x128xf32, #tpu.memory_space<hbm>>) target(%arg10 : memref<128x128xf32, #tpu.memory_space<vmem>>) offsets(%dma_start3A_31 : memref<128xi32, #tpu.memory_space<vmem>>) semaphore(%arg14 : memref<!tpu.dma_semaphore, #tpu.memory_space<semaphore_mem>>)
      %scan3A_35 = arith.constant 0 : i32
      %scan3A_36 = arith.constant 0 : i32
      %mul3A_37 = arith.constant 2 : i32
      %mul3A_38 = arith.muli %mul3A_37, %scan3A_36 : i32
      %add3A_39 = arith.constant 0 : i32
      %add3A_40 = arith.addi %mul3A_38, %add3A_39 : i32
      %scan3A_41 = arith.constant 0 : i32
      %scan3A_42 = arith.constant 0 : i32
      %scan3A_43 = arith.constant 4 : i32
      %scan3A_44 = arith.addi %scan3A_42, %scan3A_43 : i32
      %scan3A_45 = arith.constant 1 : i32
      scf.for %scan3A_64 = %scan3A_42 to %scan3A_44 step %scan3A_45  : i32 {
        %mul3A_65 = arith.constant 2 : i32
        %mul3A_66 = arith.muli %mul3A_65, %scan3A_64 : i32
        %add3A_67 = arith.constant 0 : i32
        %add3A_68 = arith.addi %mul3A_66, %add3A_67 : i32
        %mul3A_69 = arith.constant 8 : i32
        %mul3A_70 = arith.muli %add3A_40, %mul3A_69 : i32
        %add3A_71 = arith.addi %mul3A_70, %add3A_68 : i32
        %dma_wait3A_72 = arith.constant 0 : i32
        %dma_wait3A_73 = arith.constant 0 : i32
        %dma_wait3A_74 = tpu.memref_slice %arg6[%dma_wait3A_72, %dma_wait3A_73] : memref<8x128xi32, #tpu.memory_space<vmem>> -> memref<1x128xi32, #tpu.memory_space<vmem>>
        %dma_wait3A_75 = tpu.memref_squeeze %dma_wait3A_74 : memref<1x128xi32, #tpu.memory_space<vmem>> -> memref<128xi32, #tpu.memory_space<vmem>>
        %dma_wait3A_76 = arith.constant 0 : i32
        %dma_wait3A_77 = arith.constant 0 : i32
        %dma_wait3A_78 = tpu.memref_slice %arg2[%dma_wait3A_76, %dma_wait3A_77] : memref<10000x128xf32, #tpu.memory_space<hbm>> -> memref<10000x128xf32, #tpu.memory_space<hbm>>
        tpu.wait_indirect_dma semaphore(%arg14 : memref<!tpu.dma_semaphore, #tpu.memory_space<semaphore_mem>>) src(%dma_wait3A_78 : memref<10000x128xf32, #tpu.memory_space<hbm>>) dst(%arg10 : memref<128x128xf32, #tpu.memory_space<vmem>>)
        %gt3A = arith.constant 0 : i32
        %gt3A_79 = arith.cmpi sgt, %add3A_71, %gt3A : i32
        %convert_element_type3A_80 = arith.extui %gt3A_79 : i1 to i32
        %cond3A_81 = arith.constant 0 : i32
        %cond3A_82 = arith.cmpi ne, %convert_element_type3A_80, %cond3A_81 : i32
        scf.if %cond3A_82 {
          %dma_wait3A_162 = arith.constant 0 : i32
          %dma_wait3A_163 = arith.constant 0 : i32
          %dma_wait3A_164 = tpu.memref_slice %arg8[%dma_wait3A_162, %dma_wait3A_163] : memref<8x128xi32, #tpu.memory_space<vmem>> -> memref<1x128xi32, #tpu.memory_space<vmem>>
          %dma_wait3A_165 = tpu.memref_squeeze %dma_wait3A_164 : memref<1x128xi32, #tpu.memory_space<vmem>> -> memref<128xi32, #tpu.memory_space<vmem>>
          %dma_wait3A_166 = arith.constant 0 : i32
          %dma_wait3A_167 = arith.constant 0 : i32
          %dma_wait3A_168 = tpu.memref_slice %arg13[%dma_wait3A_166, %dma_wait3A_167] : memref<10112x128xf32, #tpu.memory_space<vmem_shared>> -> memref<10112x128xf32, #tpu.memory_space<vmem_shared>>
          tpu.wait_indirect_dma semaphore(%arg17 : memref<!tpu.dma_semaphore, #tpu.memory_space<semaphore_mem>>) src(%arg11 : memref<128x128xf32, #tpu.memory_space<vmem>>) dst(%dma_wait3A_168 : memref<10112x128xf32, #tpu.memory_space<vmem_shared>>)
        } else {
        }
        %eq3A_83 = arith.constant 0 : i32
        %eq3A_84 = arith.cmpi eq, %add3A_68, %eq3A_83 : i32
        %add3A_85 = arith.constant 1 : i32
        %add3A_86 = arith.addi %add3A_40, %add3A_85 : i32
        %lt3A = arith.constant 2 : i32
        %lt3A_87 = arith.cmpi slt, %add3A_86, %lt3A : i32
        %and3A = arith.andi %eq3A_84, %lt3A_87 : i1
        %convert_element_type3A_88 = arith.extui %and3A : i1 to i32
        %cond3A_89 = arith.constant 0 : i32
        %cond3A_90 = arith.cmpi ne, %convert_element_type3A_88, %cond3A_89 : i32
        scf.if %cond3A_90 {
          %add3A_162 = arith.constant 1 : i32
          %add3A_163 = arith.addi %add3A_40, %add3A_162 : i32
          %mul3A_164 = arith.constant 8 : i32
          %mul3A_165 = arith.muli %add3A_163, %mul3A_164 : i32
          %add3A_166 = arith.addi %add3A_28, %mul3A_165 : i32
          %dma_start3A_167 = arith.constant 0 : i32
          %dma_start3A_168 = tpu.memref_slice %arg3[%add3A_166, %dma_start3A_167] : memref<2560x128xi32, #tpu.memory_space<hbm>> -> memref<8x128xi32, #tpu.memory_space<hbm>>
          %dma_start3A_169 = arith.constant 0 : i32
          %dma_start3A_170 = tpu.memref_slice %arg3[%add3A_166, %dma_start3A_169] : memref<2560x128xi32, #tpu.memory_space<hbm>> -> memref<8x128xi32, #tpu.memory_space<hbm>>
          tpu.enqueue_dma source(%dma_start3A_170 : memref<8x128xi32, #tpu.memory_space<hbm>>) target(%arg7 : memref<8x128xi32, #tpu.memory_space<vmem>>) target_semaphore(%arg18 : memref<!tpu.dma_semaphore, #tpu.memory_space<semaphore_mem>>)
          %dma_start3A_171 = arith.constant 0 : i32
          %dma_start3A_172 = tpu.memref_slice %arg4[%add3A_166, %dma_start3A_171] : memref<2560x128xi32, #tpu.memory_space<hbm>> -> memref<8x128xi32, #tpu.memory_space<hbm>>
          %dma_start3A_173 = arith.constant 0 : i32
          %dma_start3A_174 = tpu.memref_slice %arg4[%add3A_166, %dma_start3A_173] : memref<2560x128xi32, #tpu.memory_space<hbm>> -> memref<8x128xi32, #tpu.memory_space<hbm>>
          tpu.enqueue_dma source(%dma_start3A_174 : memref<8x128xi32, #tpu.memory_space<hbm>>) target(%arg9 : memref<8x128xi32, #tpu.memory_space<vmem>>) target_semaphore(%arg18 : memref<!tpu.dma_semaphore, #tpu.memory_space<semaphore_mem>>)
        } else {
        }
        %lt3A_91 = arith.constant 7 : i32
        %lt3A_92 = arith.cmpi slt, %add3A_68, %lt3A_91 : i32
        %convert_element_type3A_93 = arith.extui %lt3A_92 : i1 to i32
        %cond3A_94 = arith.constant 0 : i32
        %cond3A_95 = arith.cmpi ne, %convert_element_type3A_93, %cond3A_94 : i32
        scf.if %cond3A_95 {
          %add3A_162 = arith.constant 1 : i32
          %add3A_163 = arith.addi %add3A_68, %add3A_162 : i32
          %dma_start3A_164 = arith.constant 0 : i32
          %dma_start3A_165 = tpu.memref_slice %arg6[%add3A_163, %dma_start3A_164] : memref<8x128xi32, #tpu.memory_space<vmem>> -> memref<1x128xi32, #tpu.memory_space<vmem>>
          %dma_start3A_166 = tpu.memref_squeeze %dma_start3A_165 : memref<1x128xi32, #tpu.memory_space<vmem>> -> memref<128xi32, #tpu.memory_space<vmem>>
          %dma_start3A_167 = arith.constant 0 : i32
          %dma_start3A_168 = arith.constant 0 : i32
          %dma_start3A_169 = tpu.memref_slice %arg2[%dma_start3A_167, %dma_start3A_168] : memref<10000x128xf32, #tpu.memory_space<hbm>> -> memref<10000x128xf32, #tpu.memory_space<hbm>>
          tpu.enqueue_indirect_dma source(%dma_start3A_169 : memref<10000x128xf32, #tpu.memory_space<hbm>>) target(%arg11 : memref<128x128xf32, #tpu.memory_space<vmem>>) offsets(%dma_start3A_166 : memref<128xi32, #tpu.memory_space<vmem>>) semaphore(%arg15 : memref<!tpu.dma_semaphore, #tpu.memory_space<semaphore_mem>>)
        } else {
        }
        %eq3A_96 = arith.constant 7 : i32
        %eq3A_97 = arith.cmpi eq, %add3A_68, %eq3A_96 : i32
        %add3A_98 = arith.constant 1 : i32
        %add3A_99 = arith.addi %add3A_40, %add3A_98 : i32
        %lt3A_100 = arith.constant 2 : i32
        %lt3A_101 = arith.cmpi slt, %add3A_99, %lt3A_100 : i32
        %and3A_102 = arith.andi %eq3A_97, %lt3A_101 : i1
        %convert_element_type3A_103 = arith.extui %and3A_102 : i1 to i32
        %cond3A_104 = arith.constant 0 : i32
        %cond3A_105 = arith.cmpi ne, %convert_element_type3A_103, %cond3A_104 : i32
        scf.if %cond3A_105 {
          %dma_wait3A_162 = arith.constant 0 : i32
          %dma_wait3A_163 = arith.constant 0 : i32
          %dma_wait3A_164 = tpu.memref_slice %arg3[%dma_wait3A_162, %dma_wait3A_163] : memref<2560x128xi32, #tpu.memory_space<hbm>> -> memref<8x128xi32, #tpu.memory_space<hbm>>
          %dma_wait3A_165 = arith.constant 0 : i32
          %dma_wait3A_166 = arith.constant 0 : i32
          %dma_wait3A_167 = tpu.memref_slice %arg3[%dma_wait3A_165, %dma_wait3A_166] : memref<2560x128xi32, #tpu.memory_space<hbm>> -> memref<8x128xi32, #tpu.memory_space<hbm>>
          tpu.wait_dma2 semaphore(%arg18 : memref<!tpu.dma_semaphore, #tpu.memory_space<semaphore_mem>>) src(%dma_wait3A_167 : memref<8x128xi32, #tpu.memory_space<hbm>>) dst(%arg7 : memref<8x128xi32, #tpu.memory_space<vmem>>)
          %dma_wait3A_168 = arith.constant 0 : i32
          %dma_wait3A_169 = arith.constant 0 : i32
          %dma_wait3A_170 = tpu.memref_slice %arg4[%dma_wait3A_168, %dma_wait3A_169] : memref<2560x128xi32, #tpu.memory_space<hbm>> -> memref<8x128xi32, #tpu.memory_space<hbm>>
          %dma_wait3A_171 = arith.constant 0 : i32
          %dma_wait3A_172 = arith.constant 0 : i32
          %dma_wait3A_173 = tpu.memref_slice %arg4[%dma_wait3A_171, %dma_wait3A_172] : memref<2560x128xi32, #tpu.memory_space<hbm>> -> memref<8x128xi32, #tpu.memory_space<hbm>>
          tpu.wait_dma2 semaphore(%arg18 : memref<!tpu.dma_semaphore, #tpu.memory_space<semaphore_mem>>) src(%dma_wait3A_173 : memref<8x128xi32, #tpu.memory_space<hbm>>) dst(%arg9 : memref<8x128xi32, #tpu.memory_space<vmem>>)
          %dma_start3A_174 = arith.constant 0 : i32
          %dma_start3A_175 = arith.constant 0 : i32
          %dma_start3A_176 = tpu.memref_slice %arg7[%dma_start3A_174, %dma_start3A_175] : memref<8x128xi32, #tpu.memory_space<vmem>> -> memref<1x128xi32, #tpu.memory_space<vmem>>
          %dma_start3A_177 = tpu.memref_squeeze %dma_start3A_176 : memref<1x128xi32, #tpu.memory_space<vmem>> -> memref<128xi32, #tpu.memory_space<vmem>>
          %dma_start3A_178 = arith.constant 0 : i32
          %dma_start3A_179 = arith.constant 0 : i32
          %dma_start3A_180 = tpu.memref_slice %arg2[%dma_start3A_178, %dma_start3A_179] : memref<10000x128xf32, #tpu.memory_space<hbm>> -> memref<10000x128xf32, #tpu.memory_space<hbm>>
          tpu.enqueue_indirect_dma source(%dma_start3A_180 : memref<10000x128xf32, #tpu.memory_space<hbm>>) target(%arg11 : memref<128x128xf32, #tpu.memory_space<vmem>>) offsets(%dma_start3A_177 : memref<128xi32, #tpu.memory_space<vmem>>) semaphore(%arg15 : memref<!tpu.dma_semaphore, #tpu.memory_space<semaphore_mem>>)
        } else {
        }
        %dma_start3A_106 = arith.constant 0 : i32
        %dma_start3A_107 = tpu.memref_slice %arg8[%add3A_68, %dma_start3A_106] : memref<8x128xi32, #tpu.memory_space<vmem>> -> memref<1x128xi32, #tpu.memory_space<vmem>>
        %dma_start3A_108 = tpu.memref_squeeze %dma_start3A_107 : memref<1x128xi32, #tpu.memory_space<vmem>> -> memref<128xi32, #tpu.memory_space<vmem>>
        %dma_start3A_109 = arith.constant 0 : i32
        %dma_start3A_110 = arith.constant 0 : i32
        %dma_start3A_111 = tpu.memref_slice %arg13[%dma_start3A_109, %dma_start3A_110] : memref<10112x128xf32, #tpu.memory_space<vmem_shared>> -> memref<10112x128xf32, #tpu.memory_space<vmem_shared>>
        tpu.enqueue_indirect_dma source(%arg10 : memref<128x128xf32, #tpu.memory_space<vmem>>) target(%dma_start3A_111 : memref<10112x128xf32, #tpu.memory_space<vmem_shared>>) offsets(%dma_start3A_108 : memref<128xi32, #tpu.memory_space<vmem>>) semaphore(%arg16 : memref<!tpu.dma_semaphore, #tpu.memory_space<semaphore_mem>>) {add = true}
        %mul3A_112 = arith.constant 2 : i32
        %mul3A_113 = arith.muli %mul3A_112, %scan3A_64 : i32
        %add3A_114 = arith.constant 1 : i32
        %add3A_115 = arith.addi %mul3A_113, %add3A_114 : i32
        %mul3A_116 = arith.constant 8 : i32
        %mul3A_117 = arith.muli %add3A_40, %mul3A_116 : i32
        %add3A_118 = arith.addi %mul3A_117, %add3A_115 : i32
        %dma_wait3A_119 = arith.constant 0 : i32
        %dma_wait3A_120 = arith.constant 0 : i32
        %dma_wait3A_121 = tpu.memref_slice %arg6[%dma_wait3A_119, %dma_wait3A_120] : memref<8x128xi32, #tpu.memory_space<vmem>> -> memref<1x128xi32, #tpu.memory_space<vmem>>
        %dma_wait3A_122 = tpu.memref_squeeze %dma_wait3A_121 : memref<1x128xi32, #tpu.memory_space<vmem>> -> memref<128xi32, #tpu.memory_space<vmem>>
        %dma_wait3A_123 = arith.constant 0 : i32
        %dma_wait3A_124 = arith.constant 0 : i32
        %dma_wait3A_125 = tpu.memref_slice %arg2[%dma_wait3A_123, %dma_wait3A_124] : memref<10000x128xf32, #tpu.memory_space<hbm>> -> memref<10000x128xf32, #tpu.memory_space<hbm>>
        tpu.wait_indirect_dma semaphore(%arg15 : memref<!tpu.dma_semaphore, #tpu.memory_space<semaphore_mem>>) src(%dma_wait3A_125 : memref<10000x128xf32, #tpu.memory_space<hbm>>) dst(%arg11 : memref<128x128xf32, #tpu.memory_space<vmem>>)
        %gt3A_126 = arith.constant 0 : i32
        %gt3A_127 = arith.cmpi sgt, %add3A_118, %gt3A_126 : i32
        %convert_element_type3A_128 = arith.extui %gt3A_127 : i1 to i32
        %cond3A_129 = arith.constant 0 : i32
        %cond3A_130 = arith.cmpi ne, %convert_element_type3A_128, %cond3A_129 : i32
        scf.if %cond3A_130 {
          %dma_wait3A_162 = arith.constant 0 : i32
          %dma_wait3A_163 = arith.constant 0 : i32
          %dma_wait3A_164 = tpu.memref_slice %arg8[%dma_wait3A_162, %dma_wait3A_163] : memref<8x128xi32, #tpu.memory_space<vmem>> -> memref<1x128xi32, #tpu.memory_space<vmem>>
          %dma_wait3A_165 = tpu.memref_squeeze %dma_wait3A_164 : memref<1x128xi32, #tpu.memory_space<vmem>> -> memref<128xi32, #tpu.memory_space<vmem>>
          %dma_wait3A_166 = arith.constant 0 : i32
          %dma_wait3A_167 = arith.constant 0 : i32
          %dma_wait3A_168 = tpu.memref_slice %arg13[%dma_wait3A_166, %dma_wait3A_167] : memref<10112x128xf32, #tpu.memory_space<vmem_shared>> -> memref<10112x128xf32, #tpu.memory_space<vmem_shared>>
          tpu.wait_indirect_dma semaphore(%arg16 : memref<!tpu.dma_semaphore, #tpu.memory_space<semaphore_mem>>) src(%arg10 : memref<128x128xf32, #tpu.memory_space<vmem>>) dst(%dma_wait3A_168 : memref<10112x128xf32, #tpu.memory_space<vmem_shared>>)
        } else {
        }
        %eq3A_131 = arith.constant 0 : i32
        %eq3A_132 = arith.cmpi eq, %add3A_115, %eq3A_131 : i32
        %add3A_133 = arith.constant 1 : i32
        %add3A_134 = arith.addi %add3A_40, %add3A_133 : i32
        %lt3A_135 = arith.constant 2 : i32
        %lt3A_136 = arith.cmpi slt, %add3A_134, %lt3A_135 : i32
        %and3A_137 = arith.andi %eq3A_132, %lt3A_136 : i1
        %convert_element_type3A_138 = arith.extui %and3A_137 : i1 to i32
        %cond3A_139 = arith.constant 0 : i32
        %cond3A_140 = arith.cmpi ne, %convert_element_type3A_138, %cond3A_139 : i32
        scf.if %cond3A_140 {
          %add3A_162 = arith.constant 1 : i32
          %add3A_163 = arith.addi %add3A_40, %add3A_162 : i32
          %mul3A_164 = arith.constant 8 : i32
          %mul3A_165 = arith.muli %add3A_163, %mul3A_164 : i32
          %add3A_166 = arith.addi %add3A_28, %mul3A_165 : i32
          %dma_start3A_167 = arith.constant 0 : i32
          %dma_start3A_168 = tpu.memref_slice %arg3[%add3A_166, %dma_start3A_167] : memref<2560x128xi32, #tpu.memory_space<hbm>> -> memref<8x128xi32, #tpu.memory_space<hbm>>
          %dma_start3A_169 = arith.constant 0 : i32
          %dma_start3A_170 = tpu.memref_slice %arg3[%add3A_166, %dma_start3A_169] : memref<2560x128xi32, #tpu.memory_space<hbm>> -> memref<8x128xi32, #tpu.memory_space<hbm>>
          tpu.enqueue_dma source(%dma_start3A_170 : memref<8x128xi32, #tpu.memory_space<hbm>>) target(%arg7 : memref<8x128xi32, #tpu.memory_space<vmem>>) target_semaphore(%arg18 : memref<!tpu.dma_semaphore, #tpu.memory_space<semaphore_mem>>)
          %dma_start3A_171 = arith.constant 0 : i32
          %dma_start3A_172 = tpu.memref_slice %arg4[%add3A_166, %dma_start3A_171] : memref<2560x128xi32, #tpu.memory_space<hbm>> -> memref<8x128xi32, #tpu.memory_space<hbm>>
          %dma_start3A_173 = arith.constant 0 : i32
          %dma_start3A_174 = tpu.memref_slice %arg4[%add3A_166, %dma_start3A_173] : memref<2560x128xi32, #tpu.memory_space<hbm>> -> memref<8x128xi32, #tpu.memory_space<hbm>>
          tpu.enqueue_dma source(%dma_start3A_174 : memref<8x128xi32, #tpu.memory_space<hbm>>) target(%arg9 : memref<8x128xi32, #tpu.memory_space<vmem>>) target_semaphore(%arg18 : memref<!tpu.dma_semaphore, #tpu.memory_space<semaphore_mem>>)
        } else {
        }
        %lt3A_141 = arith.constant 7 : i32
        %lt3A_142 = arith.cmpi slt, %add3A_115, %lt3A_141 : i32
        %convert_element_type3A_143 = arith.extui %lt3A_142 : i1 to i32
        %cond3A_144 = arith.constant 0 : i32
        %cond3A_145 = arith.cmpi ne, %convert_element_type3A_143, %cond3A_144 : i32
        scf.if %cond3A_145 {
          %add3A_162 = arith.constant 1 : i32
          %add3A_163 = arith.addi %add3A_115, %add3A_162 : i32
          %dma_start3A_164 = arith.constant 0 : i32
          %dma_start3A_165 = tpu.memref_slice %arg6[%add3A_163, %dma_start3A_164] : memref<8x128xi32, #tpu.memory_space<vmem>> -> memref<1x128xi32, #tpu.memory_space<vmem>>
          %dma_start3A_166 = tpu.memref_squeeze %dma_start3A_165 : memref<1x128xi32, #tpu.memory_space<vmem>> -> memref<128xi32, #tpu.memory_space<vmem>>
          %dma_start3A_167 = arith.constant 0 : i32
          %dma_start3A_168 = arith.constant 0 : i32
          %dma_start3A_169 = tpu.memref_slice %arg2[%dma_start3A_167, %dma_start3A_168] : memref<10000x128xf32, #tpu.memory_space<hbm>> -> memref<10000x128xf32, #tpu.memory_space<hbm>>
          tpu.enqueue_indirect_dma source(%dma_start3A_169 : memref<10000x128xf32, #tpu.memory_space<hbm>>) target(%arg10 : memref<128x128xf32, #tpu.memory_space<vmem>>) offsets(%dma_start3A_166 : memref<128xi32, #tpu.memory_space<vmem>>) semaphore(%arg14 : memref<!tpu.dma_semaphore, #tpu.memory_space<semaphore_mem>>)
        } else {
        }
        %eq3A_146 = arith.constant 7 : i32
        %eq3A_147 = arith.cmpi eq, %add3A_115, %eq3A_146 : i32
        %add3A_148 = arith.constant 1 : i32
        %add3A_149 = arith.addi %add3A_40, %add3A_148 : i32
        %lt3A_150 = arith.constant 2 : i32
        %lt3A_151 = arith.cmpi slt, %add3A_149, %lt3A_150 : i32
        %and3A_152 = arith.andi %eq3A_147, %lt3A_151 : i1
        %convert_element_type3A_153 = arith.extui %and3A_152 : i1 to i32
        %cond3A_154 = arith.constant 0 : i32
        %cond3A_155 = arith.cmpi ne, %convert_element_type3A_153, %cond3A_154 : i32
        scf.if %cond3A_155 {
          %dma_wait3A_162 = arith.constant 0 : i32
          %dma_wait3A_163 = arith.constant 0 : i32
          %dma_wait3A_164 = tpu.memref_slice %arg3[%dma_wait3A_162, %dma_wait3A_163] : memref<2560x128xi32, #tpu.memory_space<hbm>> -> memref<8x128xi32, #tpu.memory_space<hbm>>
          %dma_wait3A_165 = arith.constant 0 : i32
          %dma_wait3A_166 = arith.constant 0 : i32
          %dma_wait3A_167 = tpu.memref_slice %arg3[%dma_wait3A_165, %dma_wait3A_166] : memref<2560x128xi32, #tpu.memory_space<hbm>> -> memref<8x128xi32, #tpu.memory_space<hbm>>
          tpu.wait_dma2 semaphore(%arg18 : memref<!tpu.dma_semaphore, #tpu.memory_space<semaphore_mem>>) src(%dma_wait3A_167 : memref<8x128xi32, #tpu.memory_space<hbm>>) dst(%arg7 : memref<8x128xi32, #tpu.memory_space<vmem>>)
          %dma_wait3A_168 = arith.constant 0 : i32
          %dma_wait3A_169 = arith.constant 0 : i32
          %dma_wait3A_170 = tpu.memref_slice %arg4[%dma_wait3A_168, %dma_wait3A_169] : memref<2560x128xi32, #tpu.memory_space<hbm>> -> memref<8x128xi32, #tpu.memory_space<hbm>>
          %dma_wait3A_171 = arith.constant 0 : i32
          %dma_wait3A_172 = arith.constant 0 : i32
          %dma_wait3A_173 = tpu.memref_slice %arg4[%dma_wait3A_171, %dma_wait3A_172] : memref<2560x128xi32, #tpu.memory_space<hbm>> -> memref<8x128xi32, #tpu.memory_space<hbm>>
          tpu.wait_dma2 semaphore(%arg18 : memref<!tpu.dma_semaphore, #tpu.memory_space<semaphore_mem>>) src(%dma_wait3A_173 : memref<8x128xi32, #tpu.memory_space<hbm>>) dst(%arg9 : memref<8x128xi32, #tpu.memory_space<vmem>>)
          %dma_start3A_174 = arith.constant 0 : i32
          %dma_start3A_175 = arith.constant 0 : i32
          %dma_start3A_176 = tpu.memref_slice %arg7[%dma_start3A_174, %dma_start3A_175] : memref<8x128xi32, #tpu.memory_space<vmem>> -> memref<1x128xi32, #tpu.memory_space<vmem>>
          %dma_start3A_177 = tpu.memref_squeeze %dma_start3A_176 : memref<1x128xi32, #tpu.memory_space<vmem>> -> memref<128xi32, #tpu.memory_space<vmem>>
          %dma_start3A_178 = arith.constant 0 : i32
          %dma_start3A_179 = arith.constant 0 : i32
          %dma_start3A_180 = tpu.memref_slice %arg2[%dma_start3A_178, %dma_start3A_179] : memref<10000x128xf32, #tpu.memory_space<hbm>> -> memref<10000x128xf32, #tpu.memory_space<hbm>>
          tpu.enqueue_indirect_dma source(%dma_start3A_180 : memref<10000x128xf32, #tpu.memory_space<hbm>>) target(%arg10 : memref<128x128xf32, #tpu.memory_space<vmem>>) offsets(%dma_start3A_177 : memref<128xi32, #tpu.memory_space<vmem>>) semaphore(%arg14 : memref<!tpu.dma_semaphore, #tpu.memory_space<semaphore_mem>>)
        } else {
        }
        %dma_start3A_156 = arith.constant 0 : i32
        %dma_start3A_157 = tpu.memref_slice %arg8[%add3A_115, %dma_start3A_156] : memref<8x128xi32, #tpu.memory_space<vmem>> -> memref<1x128xi32, #tpu.memory_space<vmem>>
        %dma_start3A_158 = tpu.memref_squeeze %dma_start3A_157 : memref<1x128xi32, #tpu.memory_space<vmem>> -> memref<128xi32, #tpu.memory_space<vmem>>
        %dma_start3A_159 = arith.constant 0 : i32
        %dma_start3A_160 = arith.constant 0 : i32
        %dma_start3A_161 = tpu.memref_slice %arg13[%dma_start3A_159, %dma_start3A_160] : memref<10112x128xf32, #tpu.memory_space<vmem_shared>> -> memref<10112x128xf32, #tpu.memory_space<vmem_shared>>
        tpu.enqueue_indirect_dma source(%arg11 : memref<128x128xf32, #tpu.memory_space<vmem>>) target(%dma_start3A_161 : memref<10112x128xf32, #tpu.memory_space<vmem_shared>>) offsets(%dma_start3A_158 : memref<128xi32, #tpu.memory_space<vmem>>) semaphore(%arg17 : memref<!tpu.dma_semaphore, #tpu.memory_space<semaphore_mem>>) {add = true}
      }
      %scan3A_46 = arith.constant 4 : i32
      %mul3A_47 = arith.constant 2 : i32
      %mul3A_48 = arith.muli %mul3A_47, %scan3A_36 : i32
      %add3A_49 = arith.constant 1 : i32
      %add3A_50 = arith.addi %mul3A_48, %add3A_49 : i32
      %scan3A_51 = arith.constant 0 : i32
      %scan3A_52 = arith.constant 0 : i32
      %scan3A_53 = arith.constant 4 : i32
      %scan3A_54 = arith.addi %scan3A_52, %scan3A_53 : i32
      %scan3A_55 = arith.constant 1 : i32
      scf.for %scan3A_64 = %scan3A_52 to %scan3A_54 step %scan3A_55  : i32 {
        %mul3A_65 = arith.constant 2 : i32
        %mul3A_66 = arith.muli %mul3A_65, %scan3A_64 : i32
        %add3A_67 = arith.constant 0 : i32
        %add3A_68 = arith.addi %mul3A_66, %add3A_67 : i32
        %mul3A_69 = arith.constant 8 : i32
        %mul3A_70 = arith.muli %add3A_50, %mul3A_69 : i32
        %add3A_71 = arith.addi %mul3A_70, %add3A_68 : i32
        %dma_wait3A_72 = arith.constant 0 : i32
        %dma_wait3A_73 = arith.constant 0 : i32
        %dma_wait3A_74 = tpu.memref_slice %arg7[%dma_wait3A_72, %dma_wait3A_73] : memref<8x128xi32, #tpu.memory_space<vmem>> -> memref<1x128xi32, #tpu.memory_space<vmem>>
        %dma_wait3A_75 = tpu.memref_squeeze %dma_wait3A_74 : memref<1x128xi32, #tpu.memory_space<vmem>> -> memref<128xi32, #tpu.memory_space<vmem>>
        %dma_wait3A_76 = arith.constant 0 : i32
        %dma_wait3A_77 = arith.constant 0 : i32
        %dma_wait3A_78 = tpu.memref_slice %arg2[%dma_wait3A_76, %dma_wait3A_77] : memref<10000x128xf32, #tpu.memory_space<hbm>> -> memref<10000x128xf32, #tpu.memory_space<hbm>>
        tpu.wait_indirect_dma semaphore(%arg14 : memref<!tpu.dma_semaphore, #tpu.memory_space<semaphore_mem>>) src(%dma_wait3A_78 : memref<10000x128xf32, #tpu.memory_space<hbm>>) dst(%arg10 : memref<128x128xf32, #tpu.memory_space<vmem>>)
        %gt3A = arith.constant 0 : i32
        %gt3A_79 = arith.cmpi sgt, %add3A_71, %gt3A : i32
        %convert_element_type3A_80 = arith.extui %gt3A_79 : i1 to i32
        %cond3A_81 = arith.constant 0 : i32
        %cond3A_82 = arith.cmpi ne, %convert_element_type3A_80, %cond3A_81 : i32
        scf.if %cond3A_82 {
          %dma_wait3A_162 = arith.constant 0 : i32
          %dma_wait3A_163 = arith.constant 0 : i32
          %dma_wait3A_164 = tpu.memref_slice %arg9[%dma_wait3A_162, %dma_wait3A_163] : memref<8x128xi32, #tpu.memory_space<vmem>> -> memref<1x128xi32, #tpu.memory_space<vmem>>
          %dma_wait3A_165 = tpu.memref_squeeze %dma_wait3A_164 : memref<1x128xi32, #tpu.memory_space<vmem>> -> memref<128xi32, #tpu.memory_space<vmem>>
          %dma_wait3A_166 = arith.constant 0 : i32
          %dma_wait3A_167 = arith.constant 0 : i32
          %dma_wait3A_168 = tpu.memref_slice %arg13[%dma_wait3A_166, %dma_wait3A_167] : memref<10112x128xf32, #tpu.memory_space<vmem_shared>> -> memref<10112x128xf32, #tpu.memory_space<vmem_shared>>
          tpu.wait_indirect_dma semaphore(%arg17 : memref<!tpu.dma_semaphore, #tpu.memory_space<semaphore_mem>>) src(%arg11 : memref<128x128xf32, #tpu.memory_space<vmem>>) dst(%dma_wait3A_168 : memref<10112x128xf32, #tpu.memory_space<vmem_shared>>)
        } else {
        }
        %eq3A_83 = arith.constant 0 : i32
        %eq3A_84 = arith.cmpi eq, %add3A_68, %eq3A_83 : i32
        %add3A_85 = arith.constant 1 : i32
        %add3A_86 = arith.addi %add3A_50, %add3A_85 : i32
        %lt3A = arith.constant 2 : i32
        %lt3A_87 = arith.cmpi slt, %add3A_86, %lt3A : i32
        %and3A = arith.andi %eq3A_84, %lt3A_87 : i1
        %convert_element_type3A_88 = arith.extui %and3A : i1 to i32
        %cond3A_89 = arith.constant 0 : i32
        %cond3A_90 = arith.cmpi ne, %convert_element_type3A_88, %cond3A_89 : i32
        scf.if %cond3A_90 {
          %add3A_162 = arith.constant 1 : i32
          %add3A_163 = arith.addi %add3A_50, %add3A_162 : i32
          %mul3A_164 = arith.constant 8 : i32
          %mul3A_165 = arith.muli %add3A_163, %mul3A_164 : i32
          %add3A_166 = arith.addi %add3A_28, %mul3A_165 : i32
          %dma_start3A_167 = arith.constant 0 : i32
          %dma_start3A_168 = tpu.memref_slice %arg3[%add3A_166, %dma_start3A_167] : memref<2560x128xi32, #tpu.memory_space<hbm>> -> memref<8x128xi32, #tpu.memory_space<hbm>>
          %dma_start3A_169 = arith.constant 0 : i32
          %dma_start3A_170 = tpu.memref_slice %arg3[%add3A_166, %dma_start3A_169] : memref<2560x128xi32, #tpu.memory_space<hbm>> -> memref<8x128xi32, #tpu.memory_space<hbm>>
          tpu.enqueue_dma source(%dma_start3A_170 : memref<8x128xi32, #tpu.memory_space<hbm>>) target(%arg6 : memref<8x128xi32, #tpu.memory_space<vmem>>) target_semaphore(%arg18 : memref<!tpu.dma_semaphore, #tpu.memory_space<semaphore_mem>>)
          %dma_start3A_171 = arith.constant 0 : i32
          %dma_start3A_172 = tpu.memref_slice %arg4[%add3A_166, %dma_start3A_171] : memref<2560x128xi32, #tpu.memory_space<hbm>> -> memref<8x128xi32, #tpu.memory_space<hbm>>
          %dma_start3A_173 = arith.constant 0 : i32
          %dma_start3A_174 = tpu.memref_slice %arg4[%add3A_166, %dma_start3A_173] : memref<2560x128xi32, #tpu.memory_space<hbm>> -> memref<8x128xi32, #tpu.memory_space<hbm>>
          tpu.enqueue_dma source(%dma_start3A_174 : memref<8x128xi32, #tpu.memory_space<hbm>>) target(%arg8 : memref<8x128xi32, #tpu.memory_space<vmem>>) target_semaphore(%arg18 : memref<!tpu.dma_semaphore, #tpu.memory_space<semaphore_mem>>)
        } else {
        }
        %lt3A_91 = arith.constant 7 : i32
        %lt3A_92 = arith.cmpi slt, %add3A_68, %lt3A_91 : i32
        %convert_element_type3A_93 = arith.extui %lt3A_92 : i1 to i32
        %cond3A_94 = arith.constant 0 : i32
        %cond3A_95 = arith.cmpi ne, %convert_element_type3A_93, %cond3A_94 : i32
        scf.if %cond3A_95 {
          %add3A_162 = arith.constant 1 : i32
          %add3A_163 = arith.addi %add3A_68, %add3A_162 : i32
          %dma_start3A_164 = arith.constant 0 : i32
          %dma_start3A_165 = tpu.memref_slice %arg7[%add3A_163, %dma_start3A_164] : memref<8x128xi32, #tpu.memory_space<vmem>> -> memref<1x128xi32, #tpu.memory_space<vmem>>
          %dma_start3A_166 = tpu.memref_squeeze %dma_start3A_165 : memref<1x128xi32, #tpu.memory_space<vmem>> -> memref<128xi32, #tpu.memory_space<vmem>>
          %dma_start3A_167 = arith.constant 0 : i32
          %dma_start3A_168 = arith.constant 0 : i32
          %dma_start3A_169 = tpu.memref_slice %arg2[%dma_start3A_167, %dma_start3A_168] : memref<10000x128xf32, #tpu.memory_space<hbm>> -> memref<10000x128xf32, #tpu.memory_space<hbm>>
          tpu.enqueue_indirect_dma source(%dma_start3A_169 : memref<10000x128xf32, #tpu.memory_space<hbm>>) target(%arg11 : memref<128x128xf32, #tpu.memory_space<vmem>>) offsets(%dma_start3A_166 : memref<128xi32, #tpu.memory_space<vmem>>) semaphore(%arg15 : memref<!tpu.dma_semaphore, #tpu.memory_space<semaphore_mem>>)
        } else {
        }
        %eq3A_96 = arith.constant 7 : i32
        %eq3A_97 = arith.cmpi eq, %add3A_68, %eq3A_96 : i32
        %add3A_98 = arith.constant 1 : i32
        %add3A_99 = arith.addi %add3A_50, %add3A_98 : i32
        %lt3A_100 = arith.constant 2 : i32
        %lt3A_101 = arith.cmpi slt, %add3A_99, %lt3A_100 : i32
        %and3A_102 = arith.andi %eq3A_97, %lt3A_101 : i1
        %convert_element_type3A_103 = arith.extui %and3A_102 : i1 to i32
        %cond3A_104 = arith.constant 0 : i32
        %cond3A_105 = arith.cmpi ne, %convert_element_type3A_103, %cond3A_104 : i32
        scf.if %cond3A_105 {
          %dma_wait3A_162 = arith.constant 0 : i32
          %dma_wait3A_163 = arith.constant 0 : i32
          %dma_wait3A_164 = tpu.memref_slice %arg3[%dma_wait3A_162, %dma_wait3A_163] : memref<2560x128xi32, #tpu.memory_space<hbm>> -> memref<8x128xi32, #tpu.memory_space<hbm>>
          %dma_wait3A_165 = arith.constant 0 : i32
          %dma_wait3A_166 = arith.constant 0 : i32
          %dma_wait3A_167 = tpu.memref_slice %arg3[%dma_wait3A_165, %dma_wait3A_166] : memref<2560x128xi32, #tpu.memory_space<hbm>> -> memref<8x128xi32, #tpu.memory_space<hbm>>
          tpu.wait_dma2 semaphore(%arg18 : memref<!tpu.dma_semaphore, #tpu.memory_space<semaphore_mem>>) src(%dma_wait3A_167 : memref<8x128xi32, #tpu.memory_space<hbm>>) dst(%arg6 : memref<8x128xi32, #tpu.memory_space<vmem>>)
          %dma_wait3A_168 = arith.constant 0 : i32
          %dma_wait3A_169 = arith.constant 0 : i32
          %dma_wait3A_170 = tpu.memref_slice %arg4[%dma_wait3A_168, %dma_wait3A_169] : memref<2560x128xi32, #tpu.memory_space<hbm>> -> memref<8x128xi32, #tpu.memory_space<hbm>>
          %dma_wait3A_171 = arith.constant 0 : i32
          %dma_wait3A_172 = arith.constant 0 : i32
          %dma_wait3A_173 = tpu.memref_slice %arg4[%dma_wait3A_171, %dma_wait3A_172] : memref<2560x128xi32, #tpu.memory_space<hbm>> -> memref<8x128xi32, #tpu.memory_space<hbm>>
          tpu.wait_dma2 semaphore(%arg18 : memref<!tpu.dma_semaphore, #tpu.memory_space<semaphore_mem>>) src(%dma_wait3A_173 : memref<8x128xi32, #tpu.memory_space<hbm>>) dst(%arg8 : memref<8x128xi32, #tpu.memory_space<vmem>>)
          %dma_start3A_174 = arith.constant 0 : i32
          %dma_start3A_175 = arith.constant 0 : i32
          %dma_start3A_176 = tpu.memref_slice %arg6[%dma_start3A_174, %dma_start3A_175] : memref<8x128xi32, #tpu.memory_space<vmem>> -> memref<1x128xi32, #tpu.memory_space<vmem>>
          %dma_start3A_177 = tpu.memref_squeeze %dma_start3A_176 : memref<1x128xi32, #tpu.memory_space<vmem>> -> memref<128xi32, #tpu.memory_space<vmem>>
          %dma_start3A_178 = arith.constant 0 : i32
          %dma_start3A_179 = arith.constant 0 : i32
          %dma_start3A_180 = tpu.memref_slice %arg2[%dma_start3A_178, %dma_start3A_179] : memref<10000x128xf32, #tpu.memory_space<hbm>> -> memref<10000x128xf32, #tpu.memory_space<hbm>>
          tpu.enqueue_indirect_dma source(%dma_start3A_180 : memref<10000x128xf32, #tpu.memory_space<hbm>>) target(%arg11 : memref<128x128xf32, #tpu.memory_space<vmem>>) offsets(%dma_start3A_177 : memref<128xi32, #tpu.memory_space<vmem>>) semaphore(%arg15 : memref<!tpu.dma_semaphore, #tpu.memory_space<semaphore_mem>>)
        } else {
        }
        %dma_start3A_106 = arith.constant 0 : i32
        %dma_start3A_107 = tpu.memref_slice %arg9[%add3A_68, %dma_start3A_106] : memref<8x128xi32, #tpu.memory_space<vmem>> -> memref<1x128xi32, #tpu.memory_space<vmem>>
        %dma_start3A_108 = tpu.memref_squeeze %dma_start3A_107 : memref<1x128xi32, #tpu.memory_space<vmem>> -> memref<128xi32, #tpu.memory_space<vmem>>
        %dma_start3A_109 = arith.constant 0 : i32
        %dma_start3A_110 = arith.constant 0 : i32
        %dma_start3A_111 = tpu.memref_slice %arg13[%dma_start3A_109, %dma_start3A_110] : memref<10112x128xf32, #tpu.memory_space<vmem_shared>> -> memref<10112x128xf32, #tpu.memory_space<vmem_shared>>
        tpu.enqueue_indirect_dma source(%arg10 : memref<128x128xf32, #tpu.memory_space<vmem>>) target(%dma_start3A_111 : memref<10112x128xf32, #tpu.memory_space<vmem_shared>>) offsets(%dma_start3A_108 : memref<128xi32, #tpu.memory_space<vmem>>) semaphore(%arg16 : memref<!tpu.dma_semaphore, #tpu.memory_space<semaphore_mem>>) {add = true}
        %mul3A_112 = arith.constant 2 : i32
        %mul3A_113 = arith.muli %mul3A_112, %scan3A_64 : i32
        %add3A_114 = arith.constant 1 : i32
        %add3A_115 = arith.addi %mul3A_113, %add3A_114 : i32
        %mul3A_116 = arith.constant 8 : i32
        %mul3A_117 = arith.muli %add3A_50, %mul3A_116 : i32
        %add3A_118 = arith.addi %mul3A_117, %add3A_115 : i32
        %dma_wait3A_119 = arith.constant 0 : i32
        %dma_wait3A_120 = arith.constant 0 : i32
        %dma_wait3A_121 = tpu.memref_slice %arg7[%dma_wait3A_119, %dma_wait3A_120] : memref<8x128xi32, #tpu.memory_space<vmem>> -> memref<1x128xi32, #tpu.memory_space<vmem>>
        %dma_wait3A_122 = tpu.memref_squeeze %dma_wait3A_121 : memref<1x128xi32, #tpu.memory_space<vmem>> -> memref<128xi32, #tpu.memory_space<vmem>>
        %dma_wait3A_123 = arith.constant 0 : i32
        %dma_wait3A_124 = arith.constant 0 : i32
        %dma_wait3A_125 = tpu.memref_slice %arg2[%dma_wait3A_123, %dma_wait3A_124] : memref<10000x128xf32, #tpu.memory_space<hbm>> -> memref<10000x128xf32, #tpu.memory_space<hbm>>
        tpu.wait_indirect_dma semaphore(%arg15 : memref<!tpu.dma_semaphore, #tpu.memory_space<semaphore_mem>>) src(%dma_wait3A_125 : memref<10000x128xf32, #tpu.memory_space<hbm>>) dst(%arg11 : memref<128x128xf32, #tpu.memory_space<vmem>>)
        %gt3A_126 = arith.constant 0 : i32
        %gt3A_127 = arith.cmpi sgt, %add3A_118, %gt3A_126 : i32
        %convert_element_type3A_128 = arith.extui %gt3A_127 : i1 to i32
        %cond3A_129 = arith.constant 0 : i32
        %cond3A_130 = arith.cmpi ne, %convert_element_type3A_128, %cond3A_129 : i32
        scf.if %cond3A_130 {
          %dma_wait3A_162 = arith.constant 0 : i32
          %dma_wait3A_163 = arith.constant 0 : i32
          %dma_wait3A_164 = tpu.memref_slice %arg9[%dma_wait3A_162, %dma_wait3A_163] : memref<8x128xi32, #tpu.memory_space<vmem>> -> memref<1x128xi32, #tpu.memory_space<vmem>>
          %dma_wait3A_165 = tpu.memref_squeeze %dma_wait3A_164 : memref<1x128xi32, #tpu.memory_space<vmem>> -> memref<128xi32, #tpu.memory_space<vmem>>
          %dma_wait3A_166 = arith.constant 0 : i32
          %dma_wait3A_167 = arith.constant 0 : i32
          %dma_wait3A_168 = tpu.memref_slice %arg13[%dma_wait3A_166, %dma_wait3A_167] : memref<10112x128xf32, #tpu.memory_space<vmem_shared>> -> memref<10112x128xf32, #tpu.memory_space<vmem_shared>>
          tpu.wait_indirect_dma semaphore(%arg16 : memref<!tpu.dma_semaphore, #tpu.memory_space<semaphore_mem>>) src(%arg10 : memref<128x128xf32, #tpu.memory_space<vmem>>) dst(%dma_wait3A_168 : memref<10112x128xf32, #tpu.memory_space<vmem_shared>>)
        } else {
        }
        %eq3A_131 = arith.constant 0 : i32
        %eq3A_132 = arith.cmpi eq, %add3A_115, %eq3A_131 : i32
        %add3A_133 = arith.constant 1 : i32
        %add3A_134 = arith.addi %add3A_50, %add3A_133 : i32
        %lt3A_135 = arith.constant 2 : i32
        %lt3A_136 = arith.cmpi slt, %add3A_134, %lt3A_135 : i32
        %and3A_137 = arith.andi %eq3A_132, %lt3A_136 : i1
        %convert_element_type3A_138 = arith.extui %and3A_137 : i1 to i32
        %cond3A_139 = arith.constant 0 : i32
        %cond3A_140 = arith.cmpi ne, %convert_element_type3A_138, %cond3A_139 : i32
        scf.if %cond3A_140 {
          %add3A_162 = arith.constant 1 : i32
          %add3A_163 = arith.addi %add3A_50, %add3A_162 : i32
          %mul3A_164 = arith.constant 8 : i32
          %mul3A_165 = arith.muli %add3A_163, %mul3A_164 : i32
          %add3A_166 = arith.addi %add3A_28, %mul3A_165 : i32
          %dma_start3A_167 = arith.constant 0 : i32
          %dma_start3A_168 = tpu.memref_slice %arg3[%add3A_166, %dma_start3A_167] : memref<2560x128xi32, #tpu.memory_space<hbm>> -> memref<8x128xi32, #tpu.memory_space<hbm>>
          %dma_start3A_169 = arith.constant 0 : i32
          %dma_start3A_170 = tpu.memref_slice %arg3[%add3A_166, %dma_start3A_169] : memref<2560x128xi32, #tpu.memory_space<hbm>> -> memref<8x128xi32, #tpu.memory_space<hbm>>
          tpu.enqueue_dma source(%dma_start3A_170 : memref<8x128xi32, #tpu.memory_space<hbm>>) target(%arg6 : memref<8x128xi32, #tpu.memory_space<vmem>>) target_semaphore(%arg18 : memref<!tpu.dma_semaphore, #tpu.memory_space<semaphore_mem>>)
          %dma_start3A_171 = arith.constant 0 : i32
          %dma_start3A_172 = tpu.memref_slice %arg4[%add3A_166, %dma_start3A_171] : memref<2560x128xi32, #tpu.memory_space<hbm>> -> memref<8x128xi32, #tpu.memory_space<hbm>>
          %dma_start3A_173 = arith.constant 0 : i32
          %dma_start3A_174 = tpu.memref_slice %arg4[%add3A_166, %dma_start3A_173] : memref<2560x128xi32, #tpu.memory_space<hbm>> -> memref<8x128xi32, #tpu.memory_space<hbm>>
          tpu.enqueue_dma source(%dma_start3A_174 : memref<8x128xi32, #tpu.memory_space<hbm>>) target(%arg8 : memref<8x128xi32, #tpu.memory_space<vmem>>) target_semaphore(%arg18 : memref<!tpu.dma_semaphore, #tpu.memory_space<semaphore_mem>>)
        } else {
        }
        %lt3A_141 = arith.constant 7 : i32
        %lt3A_142 = arith.cmpi slt, %add3A_115, %lt3A_141 : i32
        %convert_element_type3A_143 = arith.extui %lt3A_142 : i1 to i32
        %cond3A_144 = arith.constant 0 : i32
        %cond3A_145 = arith.cmpi ne, %convert_element_type3A_143, %cond3A_144 : i32
        scf.if %cond3A_145 {
          %add3A_162 = arith.constant 1 : i32
          %add3A_163 = arith.addi %add3A_115, %add3A_162 : i32
          %dma_start3A_164 = arith.constant 0 : i32
          %dma_start3A_165 = tpu.memref_slice %arg7[%add3A_163, %dma_start3A_164] : memref<8x128xi32, #tpu.memory_space<vmem>> -> memref<1x128xi32, #tpu.memory_space<vmem>>
          %dma_start3A_166 = tpu.memref_squeeze %dma_start3A_165 : memref<1x128xi32, #tpu.memory_space<vmem>> -> memref<128xi32, #tpu.memory_space<vmem>>
          %dma_start3A_167 = arith.constant 0 : i32
          %dma_start3A_168 = arith.constant 0 : i32
          %dma_start3A_169 = tpu.memref_slice %arg2[%dma_start3A_167, %dma_start3A_168] : memref<10000x128xf32, #tpu.memory_space<hbm>> -> memref<10000x128xf32, #tpu.memory_space<hbm>>
          tpu.enqueue_indirect_dma source(%dma_start3A_169 : memref<10000x128xf32, #tpu.memory_space<hbm>>) target(%arg10 : memref<128x128xf32, #tpu.memory_space<vmem>>) offsets(%dma_start3A_166 : memref<128xi32, #tpu.memory_space<vmem>>) semaphore(%arg14 : memref<!tpu.dma_semaphore, #tpu.memory_space<semaphore_mem>>)
        } else {
        }
        %eq3A_146 = arith.constant 7 : i32
        %eq3A_147 = arith.cmpi eq, %add3A_115, %eq3A_146 : i32
        %add3A_148 = arith.constant 1 : i32
        %add3A_149 = arith.addi %add3A_50, %add3A_148 : i32
        %lt3A_150 = arith.constant 2 : i32
        %lt3A_151 = arith.cmpi slt, %add3A_149, %lt3A_150 : i32
        %and3A_152 = arith.andi %eq3A_147, %lt3A_151 : i1
        %convert_element_type3A_153 = arith.extui %and3A_152 : i1 to i32
        %cond3A_154 = arith.constant 0 : i32
        %cond3A_155 = arith.cmpi ne, %convert_element_type3A_153, %cond3A_154 : i32
        scf.if %cond3A_155 {
          %dma_wait3A_162 = arith.constant 0 : i32
          %dma_wait3A_163 = arith.constant 0 : i32
          %dma_wait3A_164 = tpu.memref_slice %arg3[%dma_wait3A_162, %dma_wait3A_163] : memref<2560x128xi32, #tpu.memory_space<hbm>> -> memref<8x128xi32, #tpu.memory_space<hbm>>
          %dma_wait3A_165 = arith.constant 0 : i32
          %dma_wait3A_166 = arith.constant 0 : i32
          %dma_wait3A_167 = tpu.memref_slice %arg3[%dma_wait3A_165, %dma_wait3A_166] : memref<2560x128xi32, #tpu.memory_space<hbm>> -> memref<8x128xi32, #tpu.memory_space<hbm>>
          tpu.wait_dma2 semaphore(%arg18 : memref<!tpu.dma_semaphore, #tpu.memory_space<semaphore_mem>>) src(%dma_wait3A_167 : memref<8x128xi32, #tpu.memory_space<hbm>>) dst(%arg6 : memref<8x128xi32, #tpu.memory_space<vmem>>)
          %dma_wait3A_168 = arith.constant 0 : i32
          %dma_wait3A_169 = arith.constant 0 : i32
          %dma_wait3A_170 = tpu.memref_slice %arg4[%dma_wait3A_168, %dma_wait3A_169] : memref<2560x128xi32, #tpu.memory_space<hbm>> -> memref<8x128xi32, #tpu.memory_space<hbm>>
          %dma_wait3A_171 = arith.constant 0 : i32
          %dma_wait3A_172 = arith.constant 0 : i32
          %dma_wait3A_173 = tpu.memref_slice %arg4[%dma_wait3A_171, %dma_wait3A_172] : memref<2560x128xi32, #tpu.memory_space<hbm>> -> memref<8x128xi32, #tpu.memory_space<hbm>>
          tpu.wait_dma2 semaphore(%arg18 : memref<!tpu.dma_semaphore, #tpu.memory_space<semaphore_mem>>) src(%dma_wait3A_173 : memref<8x128xi32, #tpu.memory_space<hbm>>) dst(%arg8 : memref<8x128xi32, #tpu.memory_space<vmem>>)
          %dma_start3A_174 = arith.constant 0 : i32
          %dma_start3A_175 = arith.constant 0 : i32
          %dma_start3A_176 = tpu.memref_slice %arg6[%dma_start3A_174, %dma_start3A_175] : memref<8x128xi32, #tpu.memory_space<vmem>> -> memref<1x128xi32, #tpu.memory_space<vmem>>
          %dma_start3A_177 = tpu.memref_squeeze %dma_start3A_176 : memref<1x128xi32, #tpu.memory_space<vmem>> -> memref<128xi32, #tpu.memory_space<vmem>>
          %dma_start3A_178 = arith.constant 0 : i32
          %dma_start3A_179 = arith.constant 0 : i32
          %dma_start3A_180 = tpu.memref_slice %arg2[%dma_start3A_178, %dma_start3A_179] : memref<10000x128xf32, #tpu.memory_space<hbm>> -> memref<10000x128xf32, #tpu.memory_space<hbm>>
          tpu.enqueue_indirect_dma source(%dma_start3A_180 : memref<10000x128xf32, #tpu.memory_space<hbm>>) target(%arg10 : memref<128x128xf32, #tpu.memory_space<vmem>>) offsets(%dma_start3A_177 : memref<128xi32, #tpu.memory_space<vmem>>) semaphore(%arg14 : memref<!tpu.dma_semaphore, #tpu.memory_space<semaphore_mem>>)
        } else {
        }
        %dma_start3A_156 = arith.constant 0 : i32
        %dma_start3A_157 = tpu.memref_slice %arg9[%add3A_115, %dma_start3A_156] : memref<8x128xi32, #tpu.memory_space<vmem>> -> memref<1x128xi32, #tpu.memory_space<vmem>>
        %dma_start3A_158 = tpu.memref_squeeze %dma_start3A_157 : memref<1x128xi32, #tpu.memory_space<vmem>> -> memref<128xi32, #tpu.memory_space<vmem>>
        %dma_start3A_159 = arith.constant 0 : i32
        %dma_start3A_160 = arith.constant 0 : i32
        %dma_start3A_161 = tpu.memref_slice %arg13[%dma_start3A_159, %dma_start3A_160] : memref<10112x128xf32, #tpu.memory_space<vmem_shared>> -> memref<10112x128xf32, #tpu.memory_space<vmem_shared>>
        tpu.enqueue_indirect_dma source(%arg11 : memref<128x128xf32, #tpu.memory_space<vmem>>) target(%dma_start3A_161 : memref<10112x128xf32, #tpu.memory_space<vmem_shared>>) offsets(%dma_start3A_158 : memref<128xi32, #tpu.memory_space<vmem>>) semaphore(%arg17 : memref<!tpu.dma_semaphore, #tpu.memory_space<semaphore_mem>>) {add = true}
      }
      %scan3A_56 = arith.constant 4 : i32
      %scan3A_57 = arith.constant 1 : i32
      %dma_wait3A = arith.constant 0 : i32
      %dma_wait3A_58 = arith.constant 0 : i32
      %dma_wait3A_59 = tpu.memref_slice %arg8[%dma_wait3A, %dma_wait3A_58] : memref<8x128xi32, #tpu.memory_space<vmem>> -> memref<1x128xi32, #tpu.memory_space<vmem>>
      %dma_wait3A_60 = tpu.memref_squeeze %dma_wait3A_59 : memref<1x128xi32, #tpu.memory_space<vmem>> -> memref<128xi32, #tpu.memory_space<vmem>>
      %dma_wait3A_61 = arith.constant 0 : i32
      %dma_wait3A_62 = arith.constant 0 : i32
      %dma_wait3A_63 = tpu.memref_slice %arg13[%dma_wait3A_61, %dma_wait3A_62] : memref<10112x128xf32, #tpu.memory_space<vmem_shared>> -> memref<10112x128xf32, #tpu.memory_space<vmem_shared>>
      tpu.wait_indirect_dma semaphore(%arg17 : memref<!tpu.dma_semaphore, #tpu.memory_space<semaphore_mem>>) src(%arg11 : memref<128x128xf32, #tpu.memory_space<vmem>>) dst(%dma_wait3A_63 : memref<10112x128xf32, #tpu.memory_space<vmem_shared>>)
    } else {
    }
    %barrier3A_20 = arith.constant 0 : index
    tpu.barrier barrier_id(%barrier3A_20)
    %mul3A_21 = arith.constant 632 : i32
    %mul3A_22 = arith.muli %arg1, %mul3A_21 : i32
    %mul3A_23 = arith.constant 632 : i32
    %mul3A_24 = arith.muli %arg1, %mul3A_23 : i32
    "tpu.region"() ({
      %run_scoped3A = tpu.sem_alloc : memref<!tpu.dma_semaphore, #tpu.memory_space<semaphore_mem>>
      %dma_start3A = arith.constant 0 : i32
      %dma_start3A_25 = tpu.memref_slice %arg5[%arg0, %mul3A_24, %dma_start3A] : memref<2x10112x128xf32, #tpu.memory_space<hbm>> -> memref<1x632x128xf32, #tpu.memory_space<hbm>>
      %dma_start3A_26 = tpu.memref_squeeze %dma_start3A_25 : memref<1x632x128xf32, #tpu.memory_space<hbm>> -> memref<632x128xf32, #tpu.memory_space<hbm>>
      %dma_start3A_27 = arith.constant 0 : i32
      %dma_start3A_28 = tpu.memref_slice %arg13[%mul3A_22, %dma_start3A_27] : memref<10112x128xf32, #tpu.memory_space<vmem_shared>> -> memref<632x128xf32, #tpu.memory_space<vmem_shared>>
      tpu.enqueue_dma source(%dma_start3A_28 : memref<632x128xf32, #tpu.memory_space<vmem_shared>>) target(%dma_start3A_26 : memref<632x128xf32, #tpu.memory_space<hbm>>) target_semaphore(%run_scoped3A : memref<!tpu.dma_semaphore, #tpu.memory_space<semaphore_mem>>)
      %dma_wait3A = arith.constant 0 : i32
      %dma_wait3A_29 = tpu.memref_slice %arg5[%arg0, %mul3A_24, %dma_wait3A] : memref<2x10112x128xf32, #tpu.memory_space<hbm>> -> memref<1x632x128xf32, #tpu.memory_space<hbm>>
      %dma_wait3A_30 = tpu.memref_squeeze %dma_wait3A_29 : memref<1x632x128xf32, #tpu.memory_space<hbm>> -> memref<632x128xf32, #tpu.memory_space<hbm>>
      %dma_wait3A_31 = arith.constant 0 : i32
      %dma_wait3A_32 = tpu.memref_slice %arg13[%mul3A_22, %dma_wait3A_31] : memref<10112x128xf32, #tpu.memory_space<vmem_shared>> -> memref<632x128xf32, #tpu.memory_space<vmem_shared>>
      tpu.wait_dma2 semaphore(%run_scoped3A : memref<!tpu.dma_semaphore, #tpu.memory_space<semaphore_mem>>) src(%dma_wait3A_32 : memref<632x128xf32, #tpu.memory_space<vmem_shared>>) dst(%dma_wait3A_30 : memref<632x128xf32, #tpu.memory_space<hbm>>)
      tpu.yield
    }) : () -> ()
    return
  }
}

#map = affine_map<(d0, d1) -> (0, 0)>
#map1 = affine_map<(d0, d1) -> (0, 0, 0)>
module attributes {stable_mosaic.version = 14 : i64} {
  func.func @_segsum(%arg0: i32, %arg1: i32, %arg2: memref<10000x128xf32, #tpu.memory_space<hbm>>, %arg3: memref<2560x128xi32, #tpu.memory_space<hbm>>, %arg4: memref<2560x128xi32, #tpu.memory_space<hbm>>, %arg5: memref<2x10112x128xf32, #tpu.memory_space<hbm>>, %arg6: memref<8x128xi32, #tpu.memory_space<vmem>>, %arg7: memref<8x128xi32, #tpu.memory_space<vmem>>, %arg8: memref<8x128xi32, #tpu.memory_space<vmem>>, %arg9: memref<8x128xi32, #tpu.memory_space<vmem>>, %arg10: memref<128x128xf32, #tpu.memory_space<vmem>>, %arg11: memref<128x128xf32, #tpu.memory_space<vmem>>, %arg12: memref<40x128xf32, #tpu.memory_space<vmem>>, %arg13: memref<10112x128xf32, #tpu.memory_space<vmem_shared>>, %arg14: memref<!tpu.dma_semaphore, #tpu.memory_space<semaphore_mem>>, %arg15: memref<!tpu.dma_semaphore, #tpu.memory_space<semaphore_mem>>, %arg16: memref<!tpu.dma_semaphore, #tpu.memory_space<semaphore_mem>>, %arg17: memref<!tpu.dma_semaphore, #tpu.memory_space<semaphore_mem>>, %arg18: memref<!tpu.dma_semaphore, #tpu.memory_space<semaphore_mem>>) attributes {dimension_semantics = [#tpu.dimension_semantics<core_parallel>, #tpu.dimension_semantics<subcore_parallel>], iteration_bounds = array<i64: 2, 16>, scalar_prefetch = 0 : i64, scratch_operands = 13 : i64, tpu.core_type = #tpu.core_type<sc_vector_subcore>, window_params = [{transform_indices = #map}, {transform_indices = #map}, {transform_indices = #map}, {transform_indices = #map1}]} {
    %scan3A = arith.constant 0 : i32
    %scan3A_0 = arith.constant 0 : i32
    %scan3A_1 = arith.constant 40 : i32
    %scan3A_2 = arith.addi %scan3A_0, %scan3A_1 : i32
    %scan3A_3 = arith.constant 1 : i32
    scf.for %scan3A_25 = %scan3A_0 to %scan3A_2 step %scan3A_3  : i32 {
      %broadcast_in_dim3A = arith.constant 0.000000e+00 : f32
      %broadcast_in_dim3A_26 = vector.broadcast %broadcast_in_dim3A : f32 to vector<16xf32>
      %swap3A = arith.index_cast %scan3A_25 : i32 to index
      %swap3A_27 = arith.constant 0 : index
      %swap3A_28 = tpu.vector_load %arg12[%swap3A, %swap3A_27] {strides = array<i32>} : memref<40x128xf32, #tpu.memory_space<vmem>>, vector<1x16xf32>,
      %swap3A_29 = vector.shape_cast %swap3A_28 : vector<1x16xf32> to vector<16xf32>
      %swap3A_30 = vector.shape_cast %broadcast_in_dim3A_26 : vector<16xf32> to vector<1x16xf32>
      tpu.vector_store %arg12[%swap3A, %swap3A_27], %swap3A_30 {strides = array<i32>} : memref<40x128xf32, #tpu.memory_space<vmem>>, vector<1x16xf32>,
      %broadcast_in_dim3A_31 = arith.constant 0.000000e+00 : f32
      %broadcast_in_dim3A_32 = vector.broadcast %broadcast_in_dim3A_31 : f32 to vector<16xf32>
      %swap3A_33 = arith.index_cast %scan3A_25 : i32 to index
      %swap3A_34 = arith.constant 16 : index
      %swap3A_35 = tpu.vector_load %arg12[%swap3A_33, %swap3A_34] {strides = array<i32>} : memref<40x128xf32, #tpu.memory_space<vmem>>, vector<1x16xf32>,
      %swap3A_36 = vector.shape_cast %swap3A_35 : vector<1x16xf32> to vector<16xf32>
      %swap3A_37 = vector.shape_cast %broadcast_in_dim3A_32 : vector<16xf32> to vector<1x16xf32>
      tpu.vector_store %arg12[%swap3A_33, %swap3A_34], %swap3A_37 {strides = array<i32>} : memref<40x128xf32, #tpu.memory_space<vmem>>, vector<1x16xf32>,
      %broadcast_in_dim3A_38 = arith.constant 0.000000e+00 : f32
      %broadcast_in_dim3A_39 = vector.broadcast %broadcast_in_dim3A_38 : f32 to vector<16xf32>
      %swap3A_40 = arith.index_cast %scan3A_25 : i32 to index
      %swap3A_41 = arith.constant 32 : index
      %swap3A_42 = tpu.vector_load %arg12[%swap3A_40, %swap3A_41] {strides = array<i32>} : memref<40x128xf32, #tpu.memory_space<vmem>>, vector<1x16xf32>,
      %swap3A_43 = vector.shape_cast %swap3A_42 : vector<1x16xf32> to vector<16xf32>
      %swap3A_44 = vector.shape_cast %broadcast_in_dim3A_39 : vector<16xf32> to vector<1x16xf32>
      tpu.vector_store %arg12[%swap3A_40, %swap3A_41], %swap3A_44 {strides = array<i32>} : memref<40x128xf32, #tpu.memory_space<vmem>>, vector<1x16xf32>,
      %broadcast_in_dim3A_45 = arith.constant 0.000000e+00 : f32
      %broadcast_in_dim3A_46 = vector.broadcast %broadcast_in_dim3A_45 : f32 to vector<16xf32>
      %swap3A_47 = arith.index_cast %scan3A_25 : i32 to index
      %swap3A_48 = arith.constant 48 : index
      %swap3A_49 = tpu.vector_load %arg12[%swap3A_47, %swap3A_48] {strides = array<i32>} : memref<40x128xf32, #tpu.memory_space<vmem>>, vector<1x16xf32>,
      %swap3A_50 = vector.shape_cast %swap3A_49 : vector<1x16xf32> to vector<16xf32>
      %swap3A_51 = vector.shape_cast %broadcast_in_dim3A_46 : vector<16xf32> to vector<1x16xf32>
      tpu.vector_store %arg12[%swap3A_47, %swap3A_48], %swap3A_51 {strides = array<i32>} : memref<40x128xf32, #tpu.memory_space<vmem>>, vector<1x16xf32>,
      %broadcast_in_dim3A_52 = arith.constant 0.000000e+00 : f32
      %broadcast_in_dim3A_53 = vector.broadcast %broadcast_in_dim3A_52 : f32 to vector<16xf32>
      %swap3A_54 = arith.index_cast %scan3A_25 : i32 to index
      %swap3A_55 = arith.constant 64 : index
      %swap3A_56 = tpu.vector_load %arg12[%swap3A_54, %swap3A_55] {strides = array<i32>} : memref<40x128xf32, #tpu.memory_space<vmem>>, vector<1x16xf32>,
      %swap3A_57 = vector.shape_cast %swap3A_56 : vector<1x16xf32> to vector<16xf32>
      %swap3A_58 = vector.shape_cast %broadcast_in_dim3A_53 : vector<16xf32> to vector<1x16xf32>
      tpu.vector_store %arg12[%swap3A_54, %swap3A_55], %swap3A_58 {strides = array<i32>} : memref<40x128xf32, #tpu.memory_space<vmem>>, vector<1x16xf32>,
      %broadcast_in_dim3A_59 = arith.constant 0.000000e+00 : f32
      %broadcast_in_dim3A_60 = vector.broadcast %broadcast_in_dim3A_59 : f32 to vector<16xf32>
      %swap3A_61 = arith.index_cast %scan3A_25 : i32 to index
      %swap3A_62 = arith.constant 80 : index
      %swap3A_63 = tpu.vector_load %arg12[%swap3A_61, %swap3A_62] {strides = array<i32>} : memref<40x128xf32, #tpu.memory_space<vmem>>, vector<1x16xf32>,
      %swap3A_64 = vector.shape_cast %swap3A_63 : vector<1x16xf32> to vector<16xf32>
      %swap3A_65 = vector.shape_cast %broadcast_in_dim3A_60 : vector<16xf32> to vector<1x16xf32>
      tpu.vector_store %arg12[%swap3A_61, %swap3A_62], %swap3A_65 {strides = array<i32>} : memref<40x128xf32, #tpu.memory_space<vmem>>, vector<1x16xf32>,
      %broadcast_in_dim3A_66 = arith.constant 0.000000e+00 : f32
      %broadcast_in_dim3A_67 = vector.broadcast %broadcast_in_dim3A_66 : f32 to vector<16xf32>
      %swap3A_68 = arith.index_cast %scan3A_25 : i32 to index
      %swap3A_69 = arith.constant 96 : index
      %swap3A_70 = tpu.vector_load %arg12[%swap3A_68, %swap3A_69] {strides = array<i32>} : memref<40x128xf32, #tpu.memory_space<vmem>>, vector<1x16xf32>,
      %swap3A_71 = vector.shape_cast %swap3A_70 : vector<1x16xf32> to vector<16xf32>
      %swap3A_72 = vector.shape_cast %broadcast_in_dim3A_67 : vector<16xf32> to vector<1x16xf32>
      tpu.vector_store %arg12[%swap3A_68, %swap3A_69], %swap3A_72 {strides = array<i32>} : memref<40x128xf32, #tpu.memory_space<vmem>>, vector<1x16xf32>,
      %broadcast_in_dim3A_73 = arith.constant 0.000000e+00 : f32
      %broadcast_in_dim3A_74 = vector.broadcast %broadcast_in_dim3A_73 : f32 to vector<16xf32>
      %swap3A_75 = arith.index_cast %scan3A_25 : i32 to index
      %swap3A_76 = arith.constant 112 : index
      %swap3A_77 = tpu.vector_load %arg12[%swap3A_75, %swap3A_76] {strides = array<i32>} : memref<40x128xf32, #tpu.memory_space<vmem>>, vector<1x16xf32>,
      %swap3A_78 = vector.shape_cast %swap3A_77 : vector<1x16xf32> to vector<16xf32>
      %swap3A_79 = vector.shape_cast %broadcast_in_dim3A_74 : vector<16xf32> to vector<1x16xf32>
      tpu.vector_store %arg12[%swap3A_75, %swap3A_76], %swap3A_79 {strides = array<i32>} : memref<40x128xf32, #tpu.memory_space<vmem>>, vector<1x16xf32>,
    }
    %scan3A_4 = arith.constant 40 : i32
    %scan3A_5 = arith.constant 0 : i32
    %scan3A_6 = arith.constant 0 : i32
    %scan3A_7 = arith.constant 15 : i32
    %scan3A_8 = arith.addi %scan3A_6, %scan3A_7 : i32
    %scan3A_9 = arith.constant 1 : i32
    scf.for %scan3A_25 = %scan3A_6 to %scan3A_8 step %scan3A_9  : i32 {
      %mul3A_26 = arith.constant 632 : i32
      %mul3A_27 = arith.muli %arg1, %mul3A_26 : i32
      %mul3A_28 = arith.constant 40 : i32
      %mul3A_29 = arith.muli %scan3A_25, %mul3A_28 : i32
      %add3A_30 = arith.addi %mul3A_27, %mul3A_29 : i32
      "tpu.region"() ({
        %run_scoped3A = tpu.sem_alloc : memref<!tpu.dma_semaphore, #tpu.memory_space<semaphore_mem>>
        %dma_start3A = arith.constant 0 : i32
        %dma_start3A_31 = tpu.memref_slice %arg13[%add3A_30, %dma_start3A] : memref<10112x128xf32, #tpu.memory_space<vmem_shared>> -> memref<40x128xf32, #tpu.memory_space<vmem_shared>>
        %dma_start3A_32 = arith.constant 0 : i32
        %dma_start3A_33 = tpu.memref_slice %arg13[%add3A_30, %dma_start3A_32] : memref<10112x128xf32, #tpu.memory_space<vmem_shared>> -> memref<40x128xf32, #tpu.memory_space<vmem_shared>>
        tpu.enqueue_dma source(%arg12 : memref<40x128xf32, #tpu.memory_space<vmem>>) target(%dma_start3A_33 : memref<40x128xf32, #tpu.memory_space<vmem_shared>>) target_semaphore(%run_scoped3A : memref<!tpu.dma_semaphore, #tpu.memory_space<semaphore_mem>>)
        %dma_wait3A = arith.constant 0 : i32
        %dma_wait3A_34 = tpu.memref_slice %arg13[%add3A_30, %dma_wait3A] : memref<10112x128xf32, #tpu.memory_space<vmem_shared>> -> memref<40x128xf32, #tpu.memory_space<vmem_shared>>
        %dma_wait3A_35 = arith.constant 0 : i32
        %dma_wait3A_36 = tpu.memref_slice %arg13[%add3A_30, %dma_wait3A_35] : memref<10112x128xf32, #tpu.memory_space<vmem_shared>> -> memref<40x128xf32, #tpu.memory_space<vmem_shared>>
        tpu.wait_dma2 semaphore(%run_scoped3A : memref<!tpu.dma_semaphore, #tpu.memory_space<semaphore_mem>>) src(%arg12 : memref<40x128xf32, #tpu.memory_space<vmem>>) dst(%dma_wait3A_36 : memref<40x128xf32, #tpu.memory_space<vmem_shared>>)
        tpu.yield
      }) : () -> ()
    }
    %scan3A_10 = arith.constant 15 : i32
    %mul3A = arith.constant 632 : i32
    %mul3A_11 = arith.muli %arg1, %mul3A : i32
    %add3A = arith.constant 600 : i32
    %add3A_12 = arith.addi %mul3A_11, %add3A : i32
    "tpu.region"() ({
      %run_scoped3A = tpu.sem_alloc : memref<!tpu.dma_semaphore, #tpu.memory_space<semaphore_mem>>
      %dma_start3A = arith.constant 0 : i32
      %dma_start3A_25 = arith.constant 0 : i32
      %dma_start3A_26 = tpu.memref_slice %arg12[%dma_start3A, %dma_start3A_25] : memref<40x128xf32, #tpu.memory_space<vmem>> -> memref<32x128xf32, #tpu.memory_space<vmem>>
      %dma_start3A_27 = arith.constant 0 : i32
      %dma_start3A_28 = tpu.memref_slice %arg13[%add3A_12, %dma_start3A_27] : memref<10112x128xf32, #tpu.memory_space<vmem_shared>> -> memref<32x128xf32, #tpu.memory_space<vmem_shared>>
      %dma_start3A_29 = arith.constant 0 : i32
      %dma_start3A_30 = tpu.memref_slice %arg13[%add3A_12, %dma_start3A_29] : memref<10112x128xf32, #tpu.memory_space<vmem_shared>> -> memref<32x128xf32, #tpu.memory_space<vmem_shared>>
      %dma_start3A_31 = arith.constant 0 : i32
      %dma_start3A_32 = arith.constant 0 : i32
      %dma_start3A_33 = tpu.memref_slice %arg12[%dma_start3A_31, %dma_start3A_32] : memref<40x128xf32, #tpu.memory_space<vmem>> -> memref<32x128xf32, #tpu.memory_space<vmem>>
      tpu.enqueue_dma source(%dma_start3A_33 : memref<32x128xf32, #tpu.memory_space<vmem>>) target(%dma_start3A_30 : memref<32x128xf32, #tpu.memory_space<vmem_shared>>) target_semaphore(%run_scoped3A : memref<!tpu.dma_semaphore, #tpu.memory_space<semaphore_mem>>)
      %dma_wait3A = arith.constant 0 : i32
      %dma_wait3A_34 = arith.constant 0 : i32
      %dma_wait3A_35 = tpu.memref_slice %arg12[%dma_wait3A, %dma_wait3A_34] : memref<40x128xf32, #tpu.memory_space<vmem>> -> memref<32x128xf32, #tpu.memory_space<vmem>>
      %dma_wait3A_36 = arith.constant 0 : i32
      %dma_wait3A_37 = tpu.memref_slice %arg13[%add3A_12, %dma_wait3A_36] : memref<10112x128xf32, #tpu.memory_space<vmem_shared>> -> memref<32x128xf32, #tpu.memory_space<vmem_shared>>
      %dma_wait3A_38 = arith.constant 0 : i32
      %dma_wait3A_39 = tpu.memref_slice %arg13[%add3A_12, %dma_wait3A_38] : memref<10112x128xf32, #tpu.memory_space<vmem_shared>> -> memref<32x128xf32, #tpu.memory_space<vmem_shared>>
      %dma_wait3A_40 = arith.constant 0 : i32
      %dma_wait3A_41 = arith.constant 0 : i32
      %dma_wait3A_42 = tpu.memref_slice %arg12[%dma_wait3A_40, %dma_wait3A_41] : memref<40x128xf32, #tpu.memory_space<vmem>> -> memref<32x128xf32, #tpu.memory_space<vmem>>
      tpu.wait_dma2 semaphore(%run_scoped3A : memref<!tpu.dma_semaphore, #tpu.memory_space<semaphore_mem>>) src(%dma_wait3A_42 : memref<32x128xf32, #tpu.memory_space<vmem>>) dst(%dma_wait3A_39 : memref<32x128xf32, #tpu.memory_space<vmem_shared>>)
      tpu.yield
    }) : () -> ()
    %barrier3A = arith.constant 0 : index
    tpu.barrier barrier_id(%barrier3A)
    %eq3A = arith.constant 0 : i32
    %eq3A_13 = arith.cmpi eq, %arg0, %eq3A : i32
    %convert_element_type3A = arith.extui %eq3A_13 : i1 to i32
    %cond3A = arith.constant 0 : i32
    %cond3A_14 = arith.cmpi ne, %convert_element_type3A, %cond3A : i32
    scf.if %cond3A_14 {
      %mul3A_25 = arith.constant 144 : i32
      %mul3A_26 = arith.muli %arg1, %mul3A_25 : i32
      "tpu.region"() ({
        %run_scoped3A = tpu.sem_alloc : memref<!tpu.dma_semaphore, #tpu.memory_space<semaphore_mem>>
        %dma_start3A_45 = arith.constant 0 : i32
        %dma_start3A_46 = tpu.memref_slice %arg3[%mul3A_26, %dma_start3A_45] : memref<2560x128xi32, #tpu.memory_space<hbm>> -> memref<8x128xi32, #tpu.memory_space<hbm>>
        %dma_start3A_47 = arith.constant 0 : i32
        %dma_start3A_48 = tpu.memref_slice %arg3[%mul3A_26, %dma_start3A_47] : memref<2560x128xi32, #tpu.memory_space<hbm>> -> memref<8x128xi32, #tpu.memory_space<hbm>>
        tpu.enqueue_dma source(%dma_start3A_48 : memref<8x128xi32, #tpu.memory_space<hbm>>) target(%arg6 : memref<8x128xi32, #tpu.memory_space<vmem>>) target_semaphore(%run_scoped3A : memref<!tpu.dma_semaphore, #tpu.memory_space<semaphore_mem>>)
        %dma_wait3A_49 = arith.constant 0 : i32
        %dma_wait3A_50 = tpu.memref_slice %arg3[%mul3A_26, %dma_wait3A_49] : memref<2560x128xi32, #tpu.memory_space<hbm>> -> memref<8x128xi32, #tpu.memory_space<hbm>>
        %dma_wait3A_51 = arith.constant 0 : i32
        %dma_wait3A_52 = tpu.memref_slice %arg3[%mul3A_26, %dma_wait3A_51] : memref<2560x128xi32, #tpu.memory_space<hbm>> -> memref<8x128xi32, #tpu.memory_space<hbm>>
        tpu.wait_dma2 semaphore(%run_scoped3A : memref<!tpu.dma_semaphore, #tpu.memory_space<semaphore_mem>>) src(%dma_wait3A_52 : memref<8x128xi32, #tpu.memory_space<hbm>>) dst(%arg6 : memref<8x128xi32, #tpu.memory_space<vmem>>)
        tpu.yield
      }) : () -> ()
      "tpu.region"() ({
        %run_scoped3A = tpu.sem_alloc : memref<!tpu.dma_semaphore, #tpu.memory_space<semaphore_mem>>
        %dma_start3A_45 = arith.constant 0 : i32
        %dma_start3A_46 = tpu.memref_slice %arg4[%mul3A_26, %dma_start3A_45] : memref<2560x128xi32, #tpu.memory_space<hbm>> -> memref<8x128xi32, #tpu.memory_space<hbm>>
        %dma_start3A_47 = arith.constant 0 : i32
        %dma_start3A_48 = tpu.memref_slice %arg4[%mul3A_26, %dma_start3A_47] : memref<2560x128xi32, #tpu.memory_space<hbm>> -> memref<8x128xi32, #tpu.memory_space<hbm>>
        tpu.enqueue_dma source(%dma_start3A_48 : memref<8x128xi32, #tpu.memory_space<hbm>>) target(%arg8 : memref<8x128xi32, #tpu.memory_space<vmem>>) target_semaphore(%run_scoped3A : memref<!tpu.dma_semaphore, #tpu.memory_space<semaphore_mem>>)
        %dma_wait3A_49 = arith.constant 0 : i32
        %dma_wait3A_50 = tpu.memref_slice %arg4[%mul3A_26, %dma_wait3A_49] : memref<2560x128xi32, #tpu.memory_space<hbm>> -> memref<8x128xi32, #tpu.memory_space<hbm>>
        %dma_wait3A_51 = arith.constant 0 : i32
        %dma_wait3A_52 = tpu.memref_slice %arg4[%mul3A_26, %dma_wait3A_51] : memref<2560x128xi32, #tpu.memory_space<hbm>> -> memref<8x128xi32, #tpu.memory_space<hbm>>
        tpu.wait_dma2 semaphore(%run_scoped3A : memref<!tpu.dma_semaphore, #tpu.memory_space<semaphore_mem>>) src(%dma_wait3A_52 : memref<8x128xi32, #tpu.memory_space<hbm>>) dst(%arg8 : memref<8x128xi32, #tpu.memory_space<vmem>>)
        tpu.yield
      }) : () -> ()
      %dma_start3A = arith.constant 0 : i32
      %dma_start3A_27 = arith.constant 0 : i32
      %dma_start3A_28 = tpu.memref_slice %arg6[%dma_start3A, %dma_start3A_27] : memref<8x128xi32, #tpu.memory_space<vmem>> -> memref<1x128xi32, #tpu.memory_space<vmem>>
      %dma_start3A_29 = tpu.memref_squeeze %dma_start3A_28 : memref<1x128xi32, #tpu.memory_space<vmem>> -> memref<128xi32, #tpu.memory_space<vmem>>
      %dma_start3A_30 = arith.constant 0 : i32
      %dma_start3A_31 = arith.constant 0 : i32
      %dma_start3A_32 = tpu.memref_slice %arg2[%dma_start3A_30, %dma_start3A_31] : memref<10000x128xf32, #tpu.memory_space<hbm>> -> memref<10000x128xf32, #tpu.memory_space<hbm>>
      tpu.enqueue_indirect_dma source(%dma_start3A_32 : memref<10000x128xf32, #tpu.memory_space<hbm>>) target(%arg10 : memref<128x128xf32, #tpu.memory_space<vmem>>) offsets(%dma_start3A_29 : memref<128xi32, #tpu.memory_space<vmem>>) semaphore(%arg14 : memref<!tpu.dma_semaphore, #tpu.memory_space<semaphore_mem>>)
      %scan3A_33 = arith.constant 0 : i32
      %scan3A_34 = arith.constant 0 : i32
      %scan3A_35 = arith.constant 9 : i32
      %scan3A_36 = arith.addi %scan3A_34, %scan3A_35 : i32
      %scan3A_37 = arith.constant 1 : i32
      scf.for %scan3A_45 = %scan3A_34 to %scan3A_36 step %scan3A_37  : i32 {
        %mul3A_46 = arith.constant 2 : i32
        %mul3A_47 = arith.muli %mul3A_46, %scan3A_45 : i32
        %add3A_48 = arith.constant 0 : i32
        %add3A_49 = arith.addi %mul3A_47, %add3A_48 : i32
        %scan3A_50 = arith.constant 0 : i32
        %scan3A_51 = arith.constant 0 : i32
        %scan3A_52 = arith.constant 4 : i32
        %scan3A_53 = arith.addi %scan3A_51, %scan3A_52 : i32
        %scan3A_54 = arith.constant 1 : i32
        scf.for %scan3A_66 = %scan3A_51 to %scan3A_53 step %scan3A_54  : i32 {
          %mul3A_67 = arith.constant 2 : i32
          %mul3A_68 = arith.muli %mul3A_67, %scan3A_66 : i32
          %add3A_69 = arith.constant 0 : i32
          %add3A_70 = arith.addi %mul3A_68, %add3A_69 : i32
          %mul3A_71 = arith.constant 8 : i32
          %mul3A_72 = arith.muli %add3A_49, %mul3A_71 : i32
          %add3A_73 = arith.addi %mul3A_72, %add3A_70 : i32
          %dma_wait3A_74 = arith.constant 0 : i32
          %dma_wait3A_75 = arith.constant 0 : i32
          %dma_wait3A_76 = tpu.memref_slice %arg6[%dma_wait3A_74, %dma_wait3A_75] : memref<8x128xi32, #tpu.memory_space<vmem>> -> memref<1x128xi32, #tpu.memory_space<vmem>>
          %dma_wait3A_77 = tpu.memref_squeeze %dma_wait3A_76 : memref<1x128xi32, #tpu.memory_space<vmem>> -> memref<128xi32, #tpu.memory_space<vmem>>
          %dma_wait3A_78 = arith.constant 0 : i32
          %dma_wait3A_79 = arith.constant 0 : i32
          %dma_wait3A_80 = tpu.memref_slice %arg2[%dma_wait3A_78, %dma_wait3A_79] : memref<10000x128xf32, #tpu.memory_space<hbm>> -> memref<10000x128xf32, #tpu.memory_space<hbm>>
          tpu.wait_indirect_dma semaphore(%arg14 : memref<!tpu.dma_semaphore, #tpu.memory_space<semaphore_mem>>) src(%dma_wait3A_80 : memref<10000x128xf32, #tpu.memory_space<hbm>>) dst(%arg10 : memref<128x128xf32, #tpu.memory_space<vmem>>)
          %gt3A = arith.constant 0 : i32
          %gt3A_81 = arith.cmpi sgt, %add3A_73, %gt3A : i32
          %convert_element_type3A_82 = arith.extui %gt3A_81 : i1 to i32
          %cond3A_83 = arith.constant 0 : i32
          %cond3A_84 = arith.cmpi ne, %convert_element_type3A_82, %cond3A_83 : i32
          scf.if %cond3A_84 {
            %dma_wait3A_164 = arith.constant 0 : i32
            %dma_wait3A_165 = arith.constant 0 : i32
            %dma_wait3A_166 = tpu.memref_slice %arg8[%dma_wait3A_164, %dma_wait3A_165] : memref<8x128xi32, #tpu.memory_space<vmem>> -> memref<1x128xi32, #tpu.memory_space<vmem>>
            %dma_wait3A_167 = tpu.memref_squeeze %dma_wait3A_166 : memref<1x128xi32, #tpu.memory_space<vmem>> -> memref<128xi32, #tpu.memory_space<vmem>>
            %dma_wait3A_168 = arith.constant 0 : i32
            %dma_wait3A_169 = arith.constant 0 : i32
            %dma_wait3A_170 = tpu.memref_slice %arg13[%dma_wait3A_168, %dma_wait3A_169] : memref<10112x128xf32, #tpu.memory_space<vmem_shared>> -> memref<10112x128xf32, #tpu.memory_space<vmem_shared>>
            tpu.wait_indirect_dma semaphore(%arg17 : memref<!tpu.dma_semaphore, #tpu.memory_space<semaphore_mem>>) src(%arg11 : memref<128x128xf32, #tpu.memory_space<vmem>>) dst(%dma_wait3A_170 : memref<10112x128xf32, #tpu.memory_space<vmem_shared>>)
          } else {
          }
          %eq3A_85 = arith.constant 0 : i32
          %eq3A_86 = arith.cmpi eq, %add3A_70, %eq3A_85 : i32
          %add3A_87 = arith.constant 1 : i32
          %add3A_88 = arith.addi %add3A_49, %add3A_87 : i32
          %lt3A = arith.constant 18 : i32
          %lt3A_89 = arith.cmpi slt, %add3A_88, %lt3A : i32
          %and3A = arith.andi %eq3A_86, %lt3A_89 : i1
          %convert_element_type3A_90 = arith.extui %and3A : i1 to i32
          %cond3A_91 = arith.constant 0 : i32
          %cond3A_92 = arith.cmpi ne, %convert_element_type3A_90, %cond3A_91 : i32
          scf.if %cond3A_92 {
            %add3A_164 = arith.constant 1 : i32
            %add3A_165 = arith.addi %add3A_49, %add3A_164 : i32
            %mul3A_166 = arith.constant 8 : i32
            %mul3A_167 = arith.muli %add3A_165, %mul3A_166 : i32
            %add3A_168 = arith.addi %mul3A_26, %mul3A_167 : i32
            %dma_start3A_169 = arith.constant 0 : i32
            %dma_start3A_170 = tpu.memref_slice %arg3[%add3A_168, %dma_start3A_169] : memref<2560x128xi32, #tpu.memory_space<hbm>> -> memref<8x128xi32, #tpu.memory_space<hbm>>
            %dma_start3A_171 = arith.constant 0 : i32
            %dma_start3A_172 = tpu.memref_slice %arg3[%add3A_168, %dma_start3A_171] : memref<2560x128xi32, #tpu.memory_space<hbm>> -> memref<8x128xi32, #tpu.memory_space<hbm>>
            tpu.enqueue_dma source(%dma_start3A_172 : memref<8x128xi32, #tpu.memory_space<hbm>>) target(%arg7 : memref<8x128xi32, #tpu.memory_space<vmem>>) target_semaphore(%arg18 : memref<!tpu.dma_semaphore, #tpu.memory_space<semaphore_mem>>)
            %dma_start3A_173 = arith.constant 0 : i32
            %dma_start3A_174 = tpu.memref_slice %arg4[%add3A_168, %dma_start3A_173] : memref<2560x128xi32, #tpu.memory_space<hbm>> -> memref<8x128xi32, #tpu.memory_space<hbm>>
            %dma_start3A_175 = arith.constant 0 : i32
            %dma_start3A_176 = tpu.memref_slice %arg4[%add3A_168, %dma_start3A_175] : memref<2560x128xi32, #tpu.memory_space<hbm>> -> memref<8x128xi32, #tpu.memory_space<hbm>>
            tpu.enqueue_dma source(%dma_start3A_176 : memref<8x128xi32, #tpu.memory_space<hbm>>) target(%arg9 : memref<8x128xi32, #tpu.memory_space<vmem>>) target_semaphore(%arg18 : memref<!tpu.dma_semaphore, #tpu.memory_space<semaphore_mem>>)
          } else {
          }
          %lt3A_93 = arith.constant 7 : i32
          %lt3A_94 = arith.cmpi slt, %add3A_70, %lt3A_93 : i32
          %convert_element_type3A_95 = arith.extui %lt3A_94 : i1 to i32
          %cond3A_96 = arith.constant 0 : i32
          %cond3A_97 = arith.cmpi ne, %convert_element_type3A_95, %cond3A_96 : i32
          scf.if %cond3A_97 {
            %add3A_164 = arith.constant 1 : i32
            %add3A_165 = arith.addi %add3A_70, %add3A_164 : i32
            %dma_start3A_166 = arith.constant 0 : i32
            %dma_start3A_167 = tpu.memref_slice %arg6[%add3A_165, %dma_start3A_166] : memref<8x128xi32, #tpu.memory_space<vmem>> -> memref<1x128xi32, #tpu.memory_space<vmem>>
            %dma_start3A_168 = tpu.memref_squeeze %dma_start3A_167 : memref<1x128xi32, #tpu.memory_space<vmem>> -> memref<128xi32, #tpu.memory_space<vmem>>
            %dma_start3A_169 = arith.constant 0 : i32
            %dma_start3A_170 = arith.constant 0 : i32
            %dma_start3A_171 = tpu.memref_slice %arg2[%dma_start3A_169, %dma_start3A_170] : memref<10000x128xf32, #tpu.memory_space<hbm>> -> memref<10000x128xf32, #tpu.memory_space<hbm>>
            tpu.enqueue_indirect_dma source(%dma_start3A_171 : memref<10000x128xf32, #tpu.memory_space<hbm>>) target(%arg11 : memref<128x128xf32, #tpu.memory_space<vmem>>) offsets(%dma_start3A_168 : memref<128xi32, #tpu.memory_space<vmem>>) semaphore(%arg15 : memref<!tpu.dma_semaphore, #tpu.memory_space<semaphore_mem>>)
          } else {
          }
          %eq3A_98 = arith.constant 7 : i32
          %eq3A_99 = arith.cmpi eq, %add3A_70, %eq3A_98 : i32
          %add3A_100 = arith.constant 1 : i32
          %add3A_101 = arith.addi %add3A_49, %add3A_100 : i32
          %lt3A_102 = arith.constant 18 : i32
          %lt3A_103 = arith.cmpi slt, %add3A_101, %lt3A_102 : i32
          %and3A_104 = arith.andi %eq3A_99, %lt3A_103 : i1
          %convert_element_type3A_105 = arith.extui %and3A_104 : i1 to i32
          %cond3A_106 = arith.constant 0 : i32
          %cond3A_107 = arith.cmpi ne, %convert_element_type3A_105, %cond3A_106 : i32
          scf.if %cond3A_107 {
            %dma_wait3A_164 = arith.constant 0 : i32
            %dma_wait3A_165 = arith.constant 0 : i32
            %dma_wait3A_166 = tpu.memref_slice %arg3[%dma_wait3A_164, %dma_wait3A_165] : memref<2560x128xi32, #tpu.memory_space<hbm>> -> memref<8x128xi32, #tpu.memory_space<hbm>>
            %dma_wait3A_167 = arith.constant 0 : i32
            %dma_wait3A_168 = arith.constant 0 : i32
            %dma_wait3A_169 = tpu.memref_slice %arg3[%dma_wait3A_167, %dma_wait3A_168] : memref<2560x128xi32, #tpu.memory_space<hbm>> -> memref<8x128xi32, #tpu.memory_space<hbm>>
            tpu.wait_dma2 semaphore(%arg18 : memref<!tpu.dma_semaphore, #tpu.memory_space<semaphore_mem>>) src(%dma_wait3A_169 : memref<8x128xi32, #tpu.memory_space<hbm>>) dst(%arg7 : memref<8x128xi32, #tpu.memory_space<vmem>>)
            %dma_wait3A_170 = arith.constant 0 : i32
            %dma_wait3A_171 = arith.constant 0 : i32
            %dma_wait3A_172 = tpu.memref_slice %arg4[%dma_wait3A_170, %dma_wait3A_171] : memref<2560x128xi32, #tpu.memory_space<hbm>> -> memref<8x128xi32, #tpu.memory_space<hbm>>
            %dma_wait3A_173 = arith.constant 0 : i32
            %dma_wait3A_174 = arith.constant 0 : i32
            %dma_wait3A_175 = tpu.memref_slice %arg4[%dma_wait3A_173, %dma_wait3A_174] : memref<2560x128xi32, #tpu.memory_space<hbm>> -> memref<8x128xi32, #tpu.memory_space<hbm>>
            tpu.wait_dma2 semaphore(%arg18 : memref<!tpu.dma_semaphore, #tpu.memory_space<semaphore_mem>>) src(%dma_wait3A_175 : memref<8x128xi32, #tpu.memory_space<hbm>>) dst(%arg9 : memref<8x128xi32, #tpu.memory_space<vmem>>)
            %dma_start3A_176 = arith.constant 0 : i32
            %dma_start3A_177 = arith.constant 0 : i32
            %dma_start3A_178 = tpu.memref_slice %arg7[%dma_start3A_176, %dma_start3A_177] : memref<8x128xi32, #tpu.memory_space<vmem>> -> memref<1x128xi32, #tpu.memory_space<vmem>>
            %dma_start3A_179 = tpu.memref_squeeze %dma_start3A_178 : memref<1x128xi32, #tpu.memory_space<vmem>> -> memref<128xi32, #tpu.memory_space<vmem>>
            %dma_start3A_180 = arith.constant 0 : i32
            %dma_start3A_181 = arith.constant 0 : i32
            %dma_start3A_182 = tpu.memref_slice %arg2[%dma_start3A_180, %dma_start3A_181] : memref<10000x128xf32, #tpu.memory_space<hbm>> -> memref<10000x128xf32, #tpu.memory_space<hbm>>
            tpu.enqueue_indirect_dma source(%dma_start3A_182 : memref<10000x128xf32, #tpu.memory_space<hbm>>) target(%arg11 : memref<128x128xf32, #tpu.memory_space<vmem>>) offsets(%dma_start3A_179 : memref<128xi32, #tpu.memory_space<vmem>>) semaphore(%arg15 : memref<!tpu.dma_semaphore, #tpu.memory_space<semaphore_mem>>)
          } else {
          }
          %dma_start3A_108 = arith.constant 0 : i32
          %dma_start3A_109 = tpu.memref_slice %arg8[%add3A_70, %dma_start3A_108] : memref<8x128xi32, #tpu.memory_space<vmem>> -> memref<1x128xi32, #tpu.memory_space<vmem>>
          %dma_start3A_110 = tpu.memref_squeeze %dma_start3A_109 : memref<1x128xi32, #tpu.memory_space<vmem>> -> memref<128xi32, #tpu.memory_space<vmem>>
          %dma_start3A_111 = arith.constant 0 : i32
          %dma_start3A_112 = arith.constant 0 : i32
          %dma_start3A_113 = tpu.memref_slice %arg13[%dma_start3A_111, %dma_start3A_112] : memref<10112x128xf32, #tpu.memory_space<vmem_shared>> -> memref<10112x128xf32, #tpu.memory_space<vmem_shared>>
          tpu.enqueue_indirect_dma source(%arg10 : memref<128x128xf32, #tpu.memory_space<vmem>>) target(%dma_start3A_113 : memref<10112x128xf32, #tpu.memory_space<vmem_shared>>) offsets(%dma_start3A_110 : memref<128xi32, #tpu.memory_space<vmem>>) semaphore(%arg16 : memref<!tpu.dma_semaphore, #tpu.memory_space<semaphore_mem>>) {add = true}
          %mul3A_114 = arith.constant 2 : i32
          %mul3A_115 = arith.muli %mul3A_114, %scan3A_66 : i32
          %add3A_116 = arith.constant 1 : i32
          %add3A_117 = arith.addi %mul3A_115, %add3A_116 : i32
          %mul3A_118 = arith.constant 8 : i32
          %mul3A_119 = arith.muli %add3A_49, %mul3A_118 : i32
          %add3A_120 = arith.addi %mul3A_119, %add3A_117 : i32
          %dma_wait3A_121 = arith.constant 0 : i32
          %dma_wait3A_122 = arith.constant 0 : i32
          %dma_wait3A_123 = tpu.memref_slice %arg6[%dma_wait3A_121, %dma_wait3A_122] : memref<8x128xi32, #tpu.memory_space<vmem>> -> memref<1x128xi32, #tpu.memory_space<vmem>>
          %dma_wait3A_124 = tpu.memref_squeeze %dma_wait3A_123 : memref<1x128xi32, #tpu.memory_space<vmem>> -> memref<128xi32, #tpu.memory_space<vmem>>
          %dma_wait3A_125 = arith.constant 0 : i32
          %dma_wait3A_126 = arith.constant 0 : i32
          %dma_wait3A_127 = tpu.memref_slice %arg2[%dma_wait3A_125, %dma_wait3A_126] : memref<10000x128xf32, #tpu.memory_space<hbm>> -> memref<10000x128xf32, #tpu.memory_space<hbm>>
          tpu.wait_indirect_dma semaphore(%arg15 : memref<!tpu.dma_semaphore, #tpu.memory_space<semaphore_mem>>) src(%dma_wait3A_127 : memref<10000x128xf32, #tpu.memory_space<hbm>>) dst(%arg11 : memref<128x128xf32, #tpu.memory_space<vmem>>)
          %gt3A_128 = arith.constant 0 : i32
          %gt3A_129 = arith.cmpi sgt, %add3A_120, %gt3A_128 : i32
          %convert_element_type3A_130 = arith.extui %gt3A_129 : i1 to i32
          %cond3A_131 = arith.constant 0 : i32
          %cond3A_132 = arith.cmpi ne, %convert_element_type3A_130, %cond3A_131 : i32
          scf.if %cond3A_132 {
            %dma_wait3A_164 = arith.constant 0 : i32
            %dma_wait3A_165 = arith.constant 0 : i32
            %dma_wait3A_166 = tpu.memref_slice %arg8[%dma_wait3A_164, %dma_wait3A_165] : memref<8x128xi32, #tpu.memory_space<vmem>> -> memref<1x128xi32, #tpu.memory_space<vmem>>
            %dma_wait3A_167 = tpu.memref_squeeze %dma_wait3A_166 : memref<1x128xi32, #tpu.memory_space<vmem>> -> memref<128xi32, #tpu.memory_space<vmem>>
            %dma_wait3A_168 = arith.constant 0 : i32
            %dma_wait3A_169 = arith.constant 0 : i32
            %dma_wait3A_170 = tpu.memref_slice %arg13[%dma_wait3A_168, %dma_wait3A_169] : memref<10112x128xf32, #tpu.memory_space<vmem_shared>> -> memref<10112x128xf32, #tpu.memory_space<vmem_shared>>
            tpu.wait_indirect_dma semaphore(%arg16 : memref<!tpu.dma_semaphore, #tpu.memory_space<semaphore_mem>>) src(%arg10 : memref<128x128xf32, #tpu.memory_space<vmem>>) dst(%dma_wait3A_170 : memref<10112x128xf32, #tpu.memory_space<vmem_shared>>)
          } else {
          }
          %eq3A_133 = arith.constant 0 : i32
          %eq3A_134 = arith.cmpi eq, %add3A_117, %eq3A_133 : i32
          %add3A_135 = arith.constant 1 : i32
          %add3A_136 = arith.addi %add3A_49, %add3A_135 : i32
          %lt3A_137 = arith.constant 18 : i32
          %lt3A_138 = arith.cmpi slt, %add3A_136, %lt3A_137 : i32
          %and3A_139 = arith.andi %eq3A_134, %lt3A_138 : i1
          %convert_element_type3A_140 = arith.extui %and3A_139 : i1 to i32
          %cond3A_141 = arith.constant 0 : i32
          %cond3A_142 = arith.cmpi ne, %convert_element_type3A_140, %cond3A_141 : i32
          scf.if %cond3A_142 {
            %add3A_164 = arith.constant 1 : i32
            %add3A_165 = arith.addi %add3A_49, %add3A_164 : i32
            %mul3A_166 = arith.constant 8 : i32
            %mul3A_167 = arith.muli %add3A_165, %mul3A_166 : i32
            %add3A_168 = arith.addi %mul3A_26, %mul3A_167 : i32
            %dma_start3A_169 = arith.constant 0 : i32
            %dma_start3A_170 = tpu.memref_slice %arg3[%add3A_168, %dma_start3A_169] : memref<2560x128xi32, #tpu.memory_space<hbm>> -> memref<8x128xi32, #tpu.memory_space<hbm>>
            %dma_start3A_171 = arith.constant 0 : i32
            %dma_start3A_172 = tpu.memref_slice %arg3[%add3A_168, %dma_start3A_171] : memref<2560x128xi32, #tpu.memory_space<hbm>> -> memref<8x128xi32, #tpu.memory_space<hbm>>
            tpu.enqueue_dma source(%dma_start3A_172 : memref<8x128xi32, #tpu.memory_space<hbm>>) target(%arg7 : memref<8x128xi32, #tpu.memory_space<vmem>>) target_semaphore(%arg18 : memref<!tpu.dma_semaphore, #tpu.memory_space<semaphore_mem>>)
            %dma_start3A_173 = arith.constant 0 : i32
            %dma_start3A_174 = tpu.memref_slice %arg4[%add3A_168, %dma_start3A_173] : memref<2560x128xi32, #tpu.memory_space<hbm>> -> memref<8x128xi32, #tpu.memory_space<hbm>>
            %dma_start3A_175 = arith.constant 0 : i32
            %dma_start3A_176 = tpu.memref_slice %arg4[%add3A_168, %dma_start3A_175] : memref<2560x128xi32, #tpu.memory_space<hbm>> -> memref<8x128xi32, #tpu.memory_space<hbm>>
            tpu.enqueue_dma source(%dma_start3A_176 : memref<8x128xi32, #tpu.memory_space<hbm>>) target(%arg9 : memref<8x128xi32, #tpu.memory_space<vmem>>) target_semaphore(%arg18 : memref<!tpu.dma_semaphore, #tpu.memory_space<semaphore_mem>>)
          } else {
          }
          %lt3A_143 = arith.constant 7 : i32
          %lt3A_144 = arith.cmpi slt, %add3A_117, %lt3A_143 : i32
          %convert_element_type3A_145 = arith.extui %lt3A_144 : i1 to i32
          %cond3A_146 = arith.constant 0 : i32
          %cond3A_147 = arith.cmpi ne, %convert_element_type3A_145, %cond3A_146 : i32
          scf.if %cond3A_147 {
            %add3A_164 = arith.constant 1 : i32
            %add3A_165 = arith.addi %add3A_117, %add3A_164 : i32
            %dma_start3A_166 = arith.constant 0 : i32
            %dma_start3A_167 = tpu.memref_slice %arg6[%add3A_165, %dma_start3A_166] : memref<8x128xi32, #tpu.memory_space<vmem>> -> memref<1x128xi32, #tpu.memory_space<vmem>>
            %dma_start3A_168 = tpu.memref_squeeze %dma_start3A_167 : memref<1x128xi32, #tpu.memory_space<vmem>> -> memref<128xi32, #tpu.memory_space<vmem>>
            %dma_start3A_169 = arith.constant 0 : i32
            %dma_start3A_170 = arith.constant 0 : i32
            %dma_start3A_171 = tpu.memref_slice %arg2[%dma_start3A_169, %dma_start3A_170] : memref<10000x128xf32, #tpu.memory_space<hbm>> -> memref<10000x128xf32, #tpu.memory_space<hbm>>
            tpu.enqueue_indirect_dma source(%dma_start3A_171 : memref<10000x128xf32, #tpu.memory_space<hbm>>) target(%arg10 : memref<128x128xf32, #tpu.memory_space<vmem>>) offsets(%dma_start3A_168 : memref<128xi32, #tpu.memory_space<vmem>>) semaphore(%arg14 : memref<!tpu.dma_semaphore, #tpu.memory_space<semaphore_mem>>)
          } else {
          }
          %eq3A_148 = arith.constant 7 : i32
          %eq3A_149 = arith.cmpi eq, %add3A_117, %eq3A_148 : i32
          %add3A_150 = arith.constant 1 : i32
          %add3A_151 = arith.addi %add3A_49, %add3A_150 : i32
          %lt3A_152 = arith.constant 18 : i32
          %lt3A_153 = arith.cmpi slt, %add3A_151, %lt3A_152 : i32
          %and3A_154 = arith.andi %eq3A_149, %lt3A_153 : i1
          %convert_element_type3A_155 = arith.extui %and3A_154 : i1 to i32
          %cond3A_156 = arith.constant 0 : i32
          %cond3A_157 = arith.cmpi ne, %convert_element_type3A_155, %cond3A_156 : i32
          scf.if %cond3A_157 {
            %dma_wait3A_164 = arith.constant 0 : i32
            %dma_wait3A_165 = arith.constant 0 : i32
            %dma_wait3A_166 = tpu.memref_slice %arg3[%dma_wait3A_164, %dma_wait3A_165] : memref<2560x128xi32, #tpu.memory_space<hbm>> -> memref<8x128xi32, #tpu.memory_space<hbm>>
            %dma_wait3A_167 = arith.constant 0 : i32
            %dma_wait3A_168 = arith.constant 0 : i32
            %dma_wait3A_169 = tpu.memref_slice %arg3[%dma_wait3A_167, %dma_wait3A_168] : memref<2560x128xi32, #tpu.memory_space<hbm>> -> memref<8x128xi32, #tpu.memory_space<hbm>>
            tpu.wait_dma2 semaphore(%arg18 : memref<!tpu.dma_semaphore, #tpu.memory_space<semaphore_mem>>) src(%dma_wait3A_169 : memref<8x128xi32, #tpu.memory_space<hbm>>) dst(%arg7 : memref<8x128xi32, #tpu.memory_space<vmem>>)
            %dma_wait3A_170 = arith.constant 0 : i32
            %dma_wait3A_171 = arith.constant 0 : i32
            %dma_wait3A_172 = tpu.memref_slice %arg4[%dma_wait3A_170, %dma_wait3A_171] : memref<2560x128xi32, #tpu.memory_space<hbm>> -> memref<8x128xi32, #tpu.memory_space<hbm>>
            %dma_wait3A_173 = arith.constant 0 : i32
            %dma_wait3A_174 = arith.constant 0 : i32
            %dma_wait3A_175 = tpu.memref_slice %arg4[%dma_wait3A_173, %dma_wait3A_174] : memref<2560x128xi32, #tpu.memory_space<hbm>> -> memref<8x128xi32, #tpu.memory_space<hbm>>
            tpu.wait_dma2 semaphore(%arg18 : memref<!tpu.dma_semaphore, #tpu.memory_space<semaphore_mem>>) src(%dma_wait3A_175 : memref<8x128xi32, #tpu.memory_space<hbm>>) dst(%arg9 : memref<8x128xi32, #tpu.memory_space<vmem>>)
            %dma_start3A_176 = arith.constant 0 : i32
            %dma_start3A_177 = arith.constant 0 : i32
            %dma_start3A_178 = tpu.memref_slice %arg7[%dma_start3A_176, %dma_start3A_177] : memref<8x128xi32, #tpu.memory_space<vmem>> -> memref<1x128xi32, #tpu.memory_space<vmem>>
            %dma_start3A_179 = tpu.memref_squeeze %dma_start3A_178 : memref<1x128xi32, #tpu.memory_space<vmem>> -> memref<128xi32, #tpu.memory_space<vmem>>
            %dma_start3A_180 = arith.constant 0 : i32
            %dma_start3A_181 = arith.constant 0 : i32
            %dma_start3A_182 = tpu.memref_slice %arg2[%dma_start3A_180, %dma_start3A_181] : memref<10000x128xf32, #tpu.memory_space<hbm>> -> memref<10000x128xf32, #tpu.memory_space<hbm>>
            tpu.enqueue_indirect_dma source(%dma_start3A_182 : memref<10000x128xf32, #tpu.memory_space<hbm>>) target(%arg10 : memref<128x128xf32, #tpu.memory_space<vmem>>) offsets(%dma_start3A_179 : memref<128xi32, #tpu.memory_space<vmem>>) semaphore(%arg14 : memref<!tpu.dma_semaphore, #tpu.memory_space<semaphore_mem>>)
          } else {
          }
          %dma_start3A_158 = arith.constant 0 : i32
          %dma_start3A_159 = tpu.memref_slice %arg8[%add3A_117, %dma_start3A_158] : memref<8x128xi32, #tpu.memory_space<vmem>> -> memref<1x128xi32, #tpu.memory_space<vmem>>
          %dma_start3A_160 = tpu.memref_squeeze %dma_start3A_159 : memref<1x128xi32, #tpu.memory_space<vmem>> -> memref<128xi32, #tpu.memory_space<vmem>>
          %dma_start3A_161 = arith.constant 0 : i32
          %dma_start3A_162 = arith.constant 0 : i32
          %dma_start3A_163 = tpu.memref_slice %arg13[%dma_start3A_161, %dma_start3A_162] : memref<10112x128xf32, #tpu.memory_space<vmem_shared>> -> memref<10112x128xf32, #tpu.memory_space<vmem_shared>>
          tpu.enqueue_indirect_dma source(%arg11 : memref<128x128xf32, #tpu.memory_space<vmem>>) target(%dma_start3A_163 : memref<10112x128xf32, #tpu.memory_space<vmem_shared>>) offsets(%dma_start3A_160 : memref<128xi32, #tpu.memory_space<vmem>>) semaphore(%arg17 : memref<!tpu.dma_semaphore, #tpu.memory_space<semaphore_mem>>) {add = true}
        }
        %scan3A_55 = arith.constant 4 : i32
        %mul3A_56 = arith.constant 2 : i32
        %mul3A_57 = arith.muli %mul3A_56, %scan3A_45 : i32
        %add3A_58 = arith.constant 1 : i32
        %add3A_59 = arith.addi %mul3A_57, %add3A_58 : i32
        %scan3A_60 = arith.constant 0 : i32
        %scan3A_61 = arith.constant 0 : i32
        %scan3A_62 = arith.constant 4 : i32
        %scan3A_63 = arith.addi %scan3A_61, %scan3A_62 : i32
        %scan3A_64 = arith.constant 1 : i32
        scf.for %scan3A_66 = %scan3A_61 to %scan3A_63 step %scan3A_64  : i32 {
          %mul3A_67 = arith.constant 2 : i32
          %mul3A_68 = arith.muli %mul3A_67, %scan3A_66 : i32
          %add3A_69 = arith.constant 0 : i32
          %add3A_70 = arith.addi %mul3A_68, %add3A_69 : i32
          %mul3A_71 = arith.constant 8 : i32
          %mul3A_72 = arith.muli %add3A_59, %mul3A_71 : i32
          %add3A_73 = arith.addi %mul3A_72, %add3A_70 : i32
          %dma_wait3A_74 = arith.constant 0 : i32
          %dma_wait3A_75 = arith.constant 0 : i32
          %dma_wait3A_76 = tpu.memref_slice %arg7[%dma_wait3A_74, %dma_wait3A_75] : memref<8x128xi32, #tpu.memory_space<vmem>> -> memref<1x128xi32, #tpu.memory_space<vmem>>
          %dma_wait3A_77 = tpu.memref_squeeze %dma_wait3A_76 : memref<1x128xi32, #tpu.memory_space<vmem>> -> memref<128xi32, #tpu.memory_space<vmem>>
          %dma_wait3A_78 = arith.constant 0 : i32
          %dma_wait3A_79 = arith.constant 0 : i32
          %dma_wait3A_80 = tpu.memref_slice %arg2[%dma_wait3A_78, %dma_wait3A_79] : memref<10000x128xf32, #tpu.memory_space<hbm>> -> memref<10000x128xf32, #tpu.memory_space<hbm>>
          tpu.wait_indirect_dma semaphore(%arg14 : memref<!tpu.dma_semaphore, #tpu.memory_space<semaphore_mem>>) src(%dma_wait3A_80 : memref<10000x128xf32, #tpu.memory_space<hbm>>) dst(%arg10 : memref<128x128xf32, #tpu.memory_space<vmem>>)
          %gt3A = arith.constant 0 : i32
          %gt3A_81 = arith.cmpi sgt, %add3A_73, %gt3A : i32
          %convert_element_type3A_82 = arith.extui %gt3A_81 : i1 to i32
          %cond3A_83 = arith.constant 0 : i32
          %cond3A_84 = arith.cmpi ne, %convert_element_type3A_82, %cond3A_83 : i32
          scf.if %cond3A_84 {
            %dma_wait3A_164 = arith.constant 0 : i32
            %dma_wait3A_165 = arith.constant 0 : i32
            %dma_wait3A_166 = tpu.memref_slice %arg9[%dma_wait3A_164, %dma_wait3A_165] : memref<8x128xi32, #tpu.memory_space<vmem>> -> memref<1x128xi32, #tpu.memory_space<vmem>>
            %dma_wait3A_167 = tpu.memref_squeeze %dma_wait3A_166 : memref<1x128xi32, #tpu.memory_space<vmem>> -> memref<128xi32, #tpu.memory_space<vmem>>
            %dma_wait3A_168 = arith.constant 0 : i32
            %dma_wait3A_169 = arith.constant 0 : i32
            %dma_wait3A_170 = tpu.memref_slice %arg13[%dma_wait3A_168, %dma_wait3A_169] : memref<10112x128xf32, #tpu.memory_space<vmem_shared>> -> memref<10112x128xf32, #tpu.memory_space<vmem_shared>>
            tpu.wait_indirect_dma semaphore(%arg17 : memref<!tpu.dma_semaphore, #tpu.memory_space<semaphore_mem>>) src(%arg11 : memref<128x128xf32, #tpu.memory_space<vmem>>) dst(%dma_wait3A_170 : memref<10112x128xf32, #tpu.memory_space<vmem_shared>>)
          } else {
          }
          %eq3A_85 = arith.constant 0 : i32
          %eq3A_86 = arith.cmpi eq, %add3A_70, %eq3A_85 : i32
          %add3A_87 = arith.constant 1 : i32
          %add3A_88 = arith.addi %add3A_59, %add3A_87 : i32
          %lt3A = arith.constant 18 : i32
          %lt3A_89 = arith.cmpi slt, %add3A_88, %lt3A : i32
          %and3A = arith.andi %eq3A_86, %lt3A_89 : i1
          %convert_element_type3A_90 = arith.extui %and3A : i1 to i32
          %cond3A_91 = arith.constant 0 : i32
          %cond3A_92 = arith.cmpi ne, %convert_element_type3A_90, %cond3A_91 : i32
          scf.if %cond3A_92 {
            %add3A_164 = arith.constant 1 : i32
            %add3A_165 = arith.addi %add3A_59, %add3A_164 : i32
            %mul3A_166 = arith.constant 8 : i32
            %mul3A_167 = arith.muli %add3A_165, %mul3A_166 : i32
            %add3A_168 = arith.addi %mul3A_26, %mul3A_167 : i32
            %dma_start3A_169 = arith.constant 0 : i32
            %dma_start3A_170 = tpu.memref_slice %arg3[%add3A_168, %dma_start3A_169] : memref<2560x128xi32, #tpu.memory_space<hbm>> -> memref<8x128xi32, #tpu.memory_space<hbm>>
            %dma_start3A_171 = arith.constant 0 : i32
            %dma_start3A_172 = tpu.memref_slice %arg3[%add3A_168, %dma_start3A_171] : memref<2560x128xi32, #tpu.memory_space<hbm>> -> memref<8x128xi32, #tpu.memory_space<hbm>>
            tpu.enqueue_dma source(%dma_start3A_172 : memref<8x128xi32, #tpu.memory_space<hbm>>) target(%arg6 : memref<8x128xi32, #tpu.memory_space<vmem>>) target_semaphore(%arg18 : memref<!tpu.dma_semaphore, #tpu.memory_space<semaphore_mem>>)
            %dma_start3A_173 = arith.constant 0 : i32
            %dma_start3A_174 = tpu.memref_slice %arg4[%add3A_168, %dma_start3A_173] : memref<2560x128xi32, #tpu.memory_space<hbm>> -> memref<8x128xi32, #tpu.memory_space<hbm>>
            %dma_start3A_175 = arith.constant 0 : i32
            %dma_start3A_176 = tpu.memref_slice %arg4[%add3A_168, %dma_start3A_175] : memref<2560x128xi32, #tpu.memory_space<hbm>> -> memref<8x128xi32, #tpu.memory_space<hbm>>
            tpu.enqueue_dma source(%dma_start3A_176 : memref<8x128xi32, #tpu.memory_space<hbm>>) target(%arg8 : memref<8x128xi32, #tpu.memory_space<vmem>>) target_semaphore(%arg18 : memref<!tpu.dma_semaphore, #tpu.memory_space<semaphore_mem>>)
          } else {
          }
          %lt3A_93 = arith.constant 7 : i32
          %lt3A_94 = arith.cmpi slt, %add3A_70, %lt3A_93 : i32
          %convert_element_type3A_95 = arith.extui %lt3A_94 : i1 to i32
          %cond3A_96 = arith.constant 0 : i32
          %cond3A_97 = arith.cmpi ne, %convert_element_type3A_95, %cond3A_96 : i32
          scf.if %cond3A_97 {
            %add3A_164 = arith.constant 1 : i32
            %add3A_165 = arith.addi %add3A_70, %add3A_164 : i32
            %dma_start3A_166 = arith.constant 0 : i32
            %dma_start3A_167 = tpu.memref_slice %arg7[%add3A_165, %dma_start3A_166] : memref<8x128xi32, #tpu.memory_space<vmem>> -> memref<1x128xi32, #tpu.memory_space<vmem>>
            %dma_start3A_168 = tpu.memref_squeeze %dma_start3A_167 : memref<1x128xi32, #tpu.memory_space<vmem>> -> memref<128xi32, #tpu.memory_space<vmem>>
            %dma_start3A_169 = arith.constant 0 : i32
            %dma_start3A_170 = arith.constant 0 : i32
            %dma_start3A_171 = tpu.memref_slice %arg2[%dma_start3A_169, %dma_start3A_170] : memref<10000x128xf32, #tpu.memory_space<hbm>> -> memref<10000x128xf32, #tpu.memory_space<hbm>>
            tpu.enqueue_indirect_dma source(%dma_start3A_171 : memref<10000x128xf32, #tpu.memory_space<hbm>>) target(%arg11 : memref<128x128xf32, #tpu.memory_space<vmem>>) offsets(%dma_start3A_168 : memref<128xi32, #tpu.memory_space<vmem>>) semaphore(%arg15 : memref<!tpu.dma_semaphore, #tpu.memory_space<semaphore_mem>>)
          } else {
          }
          %eq3A_98 = arith.constant 7 : i32
          %eq3A_99 = arith.cmpi eq, %add3A_70, %eq3A_98 : i32
          %add3A_100 = arith.constant 1 : i32
          %add3A_101 = arith.addi %add3A_59, %add3A_100 : i32
          %lt3A_102 = arith.constant 18 : i32
          %lt3A_103 = arith.cmpi slt, %add3A_101, %lt3A_102 : i32
          %and3A_104 = arith.andi %eq3A_99, %lt3A_103 : i1
          %convert_element_type3A_105 = arith.extui %and3A_104 : i1 to i32
          %cond3A_106 = arith.constant 0 : i32
          %cond3A_107 = arith.cmpi ne, %convert_element_type3A_105, %cond3A_106 : i32
          scf.if %cond3A_107 {
            %dma_wait3A_164 = arith.constant 0 : i32
            %dma_wait3A_165 = arith.constant 0 : i32
            %dma_wait3A_166 = tpu.memref_slice %arg3[%dma_wait3A_164, %dma_wait3A_165] : memref<2560x128xi32, #tpu.memory_space<hbm>> -> memref<8x128xi32, #tpu.memory_space<hbm>>
            %dma_wait3A_167 = arith.constant 0 : i32
            %dma_wait3A_168 = arith.constant 0 : i32
            %dma_wait3A_169 = tpu.memref_slice %arg3[%dma_wait3A_167, %dma_wait3A_168] : memref<2560x128xi32, #tpu.memory_space<hbm>> -> memref<8x128xi32, #tpu.memory_space<hbm>>
            tpu.wait_dma2 semaphore(%arg18 : memref<!tpu.dma_semaphore, #tpu.memory_space<semaphore_mem>>) src(%dma_wait3A_169 : memref<8x128xi32, #tpu.memory_space<hbm>>) dst(%arg6 : memref<8x128xi32, #tpu.memory_space<vmem>>)
            %dma_wait3A_170 = arith.constant 0 : i32
            %dma_wait3A_171 = arith.constant 0 : i32
            %dma_wait3A_172 = tpu.memref_slice %arg4[%dma_wait3A_170, %dma_wait3A_171] : memref<2560x128xi32, #tpu.memory_space<hbm>> -> memref<8x128xi32, #tpu.memory_space<hbm>>
            %dma_wait3A_173 = arith.constant 0 : i32
            %dma_wait3A_174 = arith.constant 0 : i32
            %dma_wait3A_175 = tpu.memref_slice %arg4[%dma_wait3A_173, %dma_wait3A_174] : memref<2560x128xi32, #tpu.memory_space<hbm>> -> memref<8x128xi32, #tpu.memory_space<hbm>>
            tpu.wait_dma2 semaphore(%arg18 : memref<!tpu.dma_semaphore, #tpu.memory_space<semaphore_mem>>) src(%dma_wait3A_175 : memref<8x128xi32, #tpu.memory_space<hbm>>) dst(%arg8 : memref<8x128xi32, #tpu.memory_space<vmem>>)
            %dma_start3A_176 = arith.constant 0 : i32
            %dma_start3A_177 = arith.constant 0 : i32
            %dma_start3A_178 = tpu.memref_slice %arg6[%dma_start3A_176, %dma_start3A_177] : memref<8x128xi32, #tpu.memory_space<vmem>> -> memref<1x128xi32, #tpu.memory_space<vmem>>
            %dma_start3A_179 = tpu.memref_squeeze %dma_start3A_178 : memref<1x128xi32, #tpu.memory_space<vmem>> -> memref<128xi32, #tpu.memory_space<vmem>>
            %dma_start3A_180 = arith.constant 0 : i32
            %dma_start3A_181 = arith.constant 0 : i32
            %dma_start3A_182 = tpu.memref_slice %arg2[%dma_start3A_180, %dma_start3A_181] : memref<10000x128xf32, #tpu.memory_space<hbm>> -> memref<10000x128xf32, #tpu.memory_space<hbm>>
            tpu.enqueue_indirect_dma source(%dma_start3A_182 : memref<10000x128xf32, #tpu.memory_space<hbm>>) target(%arg11 : memref<128x128xf32, #tpu.memory_space<vmem>>) offsets(%dma_start3A_179 : memref<128xi32, #tpu.memory_space<vmem>>) semaphore(%arg15 : memref<!tpu.dma_semaphore, #tpu.memory_space<semaphore_mem>>)
          } else {
          }
          %dma_start3A_108 = arith.constant 0 : i32
          %dma_start3A_109 = tpu.memref_slice %arg9[%add3A_70, %dma_start3A_108] : memref<8x128xi32, #tpu.memory_space<vmem>> -> memref<1x128xi32, #tpu.memory_space<vmem>>
          %dma_start3A_110 = tpu.memref_squeeze %dma_start3A_109 : memref<1x128xi32, #tpu.memory_space<vmem>> -> memref<128xi32, #tpu.memory_space<vmem>>
          %dma_start3A_111 = arith.constant 0 : i32
          %dma_start3A_112 = arith.constant 0 : i32
          %dma_start3A_113 = tpu.memref_slice %arg13[%dma_start3A_111, %dma_start3A_112] : memref<10112x128xf32, #tpu.memory_space<vmem_shared>> -> memref<10112x128xf32, #tpu.memory_space<vmem_shared>>
          tpu.enqueue_indirect_dma source(%arg10 : memref<128x128xf32, #tpu.memory_space<vmem>>) target(%dma_start3A_113 : memref<10112x128xf32, #tpu.memory_space<vmem_shared>>) offsets(%dma_start3A_110 : memref<128xi32, #tpu.memory_space<vmem>>) semaphore(%arg16 : memref<!tpu.dma_semaphore, #tpu.memory_space<semaphore_mem>>) {add = true}
          %mul3A_114 = arith.constant 2 : i32
          %mul3A_115 = arith.muli %mul3A_114, %scan3A_66 : i32
          %add3A_116 = arith.constant 1 : i32
          %add3A_117 = arith.addi %mul3A_115, %add3A_116 : i32
          %mul3A_118 = arith.constant 8 : i32
          %mul3A_119 = arith.muli %add3A_59, %mul3A_118 : i32
          %add3A_120 = arith.addi %mul3A_119, %add3A_117 : i32
          %dma_wait3A_121 = arith.constant 0 : i32
          %dma_wait3A_122 = arith.constant 0 : i32
          %dma_wait3A_123 = tpu.memref_slice %arg7[%dma_wait3A_121, %dma_wait3A_122] : memref<8x128xi32, #tpu.memory_space<vmem>> -> memref<1x128xi32, #tpu.memory_space<vmem>>
          %dma_wait3A_124 = tpu.memref_squeeze %dma_wait3A_123 : memref<1x128xi32, #tpu.memory_space<vmem>> -> memref<128xi32, #tpu.memory_space<vmem>>
          %dma_wait3A_125 = arith.constant 0 : i32
          %dma_wait3A_126 = arith.constant 0 : i32
          %dma_wait3A_127 = tpu.memref_slice %arg2[%dma_wait3A_125, %dma_wait3A_126] : memref<10000x128xf32, #tpu.memory_space<hbm>> -> memref<10000x128xf32, #tpu.memory_space<hbm>>
          tpu.wait_indirect_dma semaphore(%arg15 : memref<!tpu.dma_semaphore, #tpu.memory_space<semaphore_mem>>) src(%dma_wait3A_127 : memref<10000x128xf32, #tpu.memory_space<hbm>>) dst(%arg11 : memref<128x128xf32, #tpu.memory_space<vmem>>)
          %gt3A_128 = arith.constant 0 : i32
          %gt3A_129 = arith.cmpi sgt, %add3A_120, %gt3A_128 : i32
          %convert_element_type3A_130 = arith.extui %gt3A_129 : i1 to i32
          %cond3A_131 = arith.constant 0 : i32
          %cond3A_132 = arith.cmpi ne, %convert_element_type3A_130, %cond3A_131 : i32
          scf.if %cond3A_132 {
            %dma_wait3A_164 = arith.constant 0 : i32
            %dma_wait3A_165 = arith.constant 0 : i32
            %dma_wait3A_166 = tpu.memref_slice %arg9[%dma_wait3A_164, %dma_wait3A_165] : memref<8x128xi32, #tpu.memory_space<vmem>> -> memref<1x128xi32, #tpu.memory_space<vmem>>
            %dma_wait3A_167 = tpu.memref_squeeze %dma_wait3A_166 : memref<1x128xi32, #tpu.memory_space<vmem>> -> memref<128xi32, #tpu.memory_space<vmem>>
            %dma_wait3A_168 = arith.constant 0 : i32
            %dma_wait3A_169 = arith.constant 0 : i32
            %dma_wait3A_170 = tpu.memref_slice %arg13[%dma_wait3A_168, %dma_wait3A_169] : memref<10112x128xf32, #tpu.memory_space<vmem_shared>> -> memref<10112x128xf32, #tpu.memory_space<vmem_shared>>
            tpu.wait_indirect_dma semaphore(%arg16 : memref<!tpu.dma_semaphore, #tpu.memory_space<semaphore_mem>>) src(%arg10 : memref<128x128xf32, #tpu.memory_space<vmem>>) dst(%dma_wait3A_170 : memref<10112x128xf32, #tpu.memory_space<vmem_shared>>)
          } else {
          }
          %eq3A_133 = arith.constant 0 : i32
          %eq3A_134 = arith.cmpi eq, %add3A_117, %eq3A_133 : i32
          %add3A_135 = arith.constant 1 : i32
          %add3A_136 = arith.addi %add3A_59, %add3A_135 : i32
          %lt3A_137 = arith.constant 18 : i32
          %lt3A_138 = arith.cmpi slt, %add3A_136, %lt3A_137 : i32
          %and3A_139 = arith.andi %eq3A_134, %lt3A_138 : i1
          %convert_element_type3A_140 = arith.extui %and3A_139 : i1 to i32
          %cond3A_141 = arith.constant 0 : i32
          %cond3A_142 = arith.cmpi ne, %convert_element_type3A_140, %cond3A_141 : i32
          scf.if %cond3A_142 {
            %add3A_164 = arith.constant 1 : i32
            %add3A_165 = arith.addi %add3A_59, %add3A_164 : i32
            %mul3A_166 = arith.constant 8 : i32
            %mul3A_167 = arith.muli %add3A_165, %mul3A_166 : i32
            %add3A_168 = arith.addi %mul3A_26, %mul3A_167 : i32
            %dma_start3A_169 = arith.constant 0 : i32
            %dma_start3A_170 = tpu.memref_slice %arg3[%add3A_168, %dma_start3A_169] : memref<2560x128xi32, #tpu.memory_space<hbm>> -> memref<8x128xi32, #tpu.memory_space<hbm>>
            %dma_start3A_171 = arith.constant 0 : i32
            %dma_start3A_172 = tpu.memref_slice %arg3[%add3A_168, %dma_start3A_171] : memref<2560x128xi32, #tpu.memory_space<hbm>> -> memref<8x128xi32, #tpu.memory_space<hbm>>
            tpu.enqueue_dma source(%dma_start3A_172 : memref<8x128xi32, #tpu.memory_space<hbm>>) target(%arg6 : memref<8x128xi32, #tpu.memory_space<vmem>>) target_semaphore(%arg18 : memref<!tpu.dma_semaphore, #tpu.memory_space<semaphore_mem>>)
            %dma_start3A_173 = arith.constant 0 : i32
            %dma_start3A_174 = tpu.memref_slice %arg4[%add3A_168, %dma_start3A_173] : memref<2560x128xi32, #tpu.memory_space<hbm>> -> memref<8x128xi32, #tpu.memory_space<hbm>>
            %dma_start3A_175 = arith.constant 0 : i32
            %dma_start3A_176 = tpu.memref_slice %arg4[%add3A_168, %dma_start3A_175] : memref<2560x128xi32, #tpu.memory_space<hbm>> -> memref<8x128xi32, #tpu.memory_space<hbm>>
            tpu.enqueue_dma source(%dma_start3A_176 : memref<8x128xi32, #tpu.memory_space<hbm>>) target(%arg8 : memref<8x128xi32, #tpu.memory_space<vmem>>) target_semaphore(%arg18 : memref<!tpu.dma_semaphore, #tpu.memory_space<semaphore_mem>>)
          } else {
          }
          %lt3A_143 = arith.constant 7 : i32
          %lt3A_144 = arith.cmpi slt, %add3A_117, %lt3A_143 : i32
          %convert_element_type3A_145 = arith.extui %lt3A_144 : i1 to i32
          %cond3A_146 = arith.constant 0 : i32
          %cond3A_147 = arith.cmpi ne, %convert_element_type3A_145, %cond3A_146 : i32
          scf.if %cond3A_147 {
            %add3A_164 = arith.constant 1 : i32
            %add3A_165 = arith.addi %add3A_117, %add3A_164 : i32
            %dma_start3A_166 = arith.constant 0 : i32
            %dma_start3A_167 = tpu.memref_slice %arg7[%add3A_165, %dma_start3A_166] : memref<8x128xi32, #tpu.memory_space<vmem>> -> memref<1x128xi32, #tpu.memory_space<vmem>>
            %dma_start3A_168 = tpu.memref_squeeze %dma_start3A_167 : memref<1x128xi32, #tpu.memory_space<vmem>> -> memref<128xi32, #tpu.memory_space<vmem>>
            %dma_start3A_169 = arith.constant 0 : i32
            %dma_start3A_170 = arith.constant 0 : i32
            %dma_start3A_171 = tpu.memref_slice %arg2[%dma_start3A_169, %dma_start3A_170] : memref<10000x128xf32, #tpu.memory_space<hbm>> -> memref<10000x128xf32, #tpu.memory_space<hbm>>
            tpu.enqueue_indirect_dma source(%dma_start3A_171 : memref<10000x128xf32, #tpu.memory_space<hbm>>) target(%arg10 : memref<128x128xf32, #tpu.memory_space<vmem>>) offsets(%dma_start3A_168 : memref<128xi32, #tpu.memory_space<vmem>>) semaphore(%arg14 : memref<!tpu.dma_semaphore, #tpu.memory_space<semaphore_mem>>)
          } else {
          }
          %eq3A_148 = arith.constant 7 : i32
          %eq3A_149 = arith.cmpi eq, %add3A_117, %eq3A_148 : i32
          %add3A_150 = arith.constant 1 : i32
          %add3A_151 = arith.addi %add3A_59, %add3A_150 : i32
          %lt3A_152 = arith.constant 18 : i32
          %lt3A_153 = arith.cmpi slt, %add3A_151, %lt3A_152 : i32
          %and3A_154 = arith.andi %eq3A_149, %lt3A_153 : i1
          %convert_element_type3A_155 = arith.extui %and3A_154 : i1 to i32
          %cond3A_156 = arith.constant 0 : i32
          %cond3A_157 = arith.cmpi ne, %convert_element_type3A_155, %cond3A_156 : i32
          scf.if %cond3A_157 {
            %dma_wait3A_164 = arith.constant 0 : i32
            %dma_wait3A_165 = arith.constant 0 : i32
            %dma_wait3A_166 = tpu.memref_slice %arg3[%dma_wait3A_164, %dma_wait3A_165] : memref<2560x128xi32, #tpu.memory_space<hbm>> -> memref<8x128xi32, #tpu.memory_space<hbm>>
            %dma_wait3A_167 = arith.constant 0 : i32
            %dma_wait3A_168 = arith.constant 0 : i32
            %dma_wait3A_169 = tpu.memref_slice %arg3[%dma_wait3A_167, %dma_wait3A_168] : memref<2560x128xi32, #tpu.memory_space<hbm>> -> memref<8x128xi32, #tpu.memory_space<hbm>>
            tpu.wait_dma2 semaphore(%arg18 : memref<!tpu.dma_semaphore, #tpu.memory_space<semaphore_mem>>) src(%dma_wait3A_169 : memref<8x128xi32, #tpu.memory_space<hbm>>) dst(%arg6 : memref<8x128xi32, #tpu.memory_space<vmem>>)
            %dma_wait3A_170 = arith.constant 0 : i32
            %dma_wait3A_171 = arith.constant 0 : i32
            %dma_wait3A_172 = tpu.memref_slice %arg4[%dma_wait3A_170, %dma_wait3A_171] : memref<2560x128xi32, #tpu.memory_space<hbm>> -> memref<8x128xi32, #tpu.memory_space<hbm>>
            %dma_wait3A_173 = arith.constant 0 : i32
            %dma_wait3A_174 = arith.constant 0 : i32
            %dma_wait3A_175 = tpu.memref_slice %arg4[%dma_wait3A_173, %dma_wait3A_174] : memref<2560x128xi32, #tpu.memory_space<hbm>> -> memref<8x128xi32, #tpu.memory_space<hbm>>
            tpu.wait_dma2 semaphore(%arg18 : memref<!tpu.dma_semaphore, #tpu.memory_space<semaphore_mem>>) src(%dma_wait3A_175 : memref<8x128xi32, #tpu.memory_space<hbm>>) dst(%arg8 : memref<8x128xi32, #tpu.memory_space<vmem>>)
            %dma_start3A_176 = arith.constant 0 : i32
            %dma_start3A_177 = arith.constant 0 : i32
            %dma_start3A_178 = tpu.memref_slice %arg6[%dma_start3A_176, %dma_start3A_177] : memref<8x128xi32, #tpu.memory_space<vmem>> -> memref<1x128xi32, #tpu.memory_space<vmem>>
            %dma_start3A_179 = tpu.memref_squeeze %dma_start3A_178 : memref<1x128xi32, #tpu.memory_space<vmem>> -> memref<128xi32, #tpu.memory_space<vmem>>
            %dma_start3A_180 = arith.constant 0 : i32
            %dma_start3A_181 = arith.constant 0 : i32
            %dma_start3A_182 = tpu.memref_slice %arg2[%dma_start3A_180, %dma_start3A_181] : memref<10000x128xf32, #tpu.memory_space<hbm>> -> memref<10000x128xf32, #tpu.memory_space<hbm>>
            tpu.enqueue_indirect_dma source(%dma_start3A_182 : memref<10000x128xf32, #tpu.memory_space<hbm>>) target(%arg10 : memref<128x128xf32, #tpu.memory_space<vmem>>) offsets(%dma_start3A_179 : memref<128xi32, #tpu.memory_space<vmem>>) semaphore(%arg14 : memref<!tpu.dma_semaphore, #tpu.memory_space<semaphore_mem>>)
          } else {
          }
          %dma_start3A_158 = arith.constant 0 : i32
          %dma_start3A_159 = tpu.memref_slice %arg9[%add3A_117, %dma_start3A_158] : memref<8x128xi32, #tpu.memory_space<vmem>> -> memref<1x128xi32, #tpu.memory_space<vmem>>
          %dma_start3A_160 = tpu.memref_squeeze %dma_start3A_159 : memref<1x128xi32, #tpu.memory_space<vmem>> -> memref<128xi32, #tpu.memory_space<vmem>>
          %dma_start3A_161 = arith.constant 0 : i32
          %dma_start3A_162 = arith.constant 0 : i32
          %dma_start3A_163 = tpu.memref_slice %arg13[%dma_start3A_161, %dma_start3A_162] : memref<10112x128xf32, #tpu.memory_space<vmem_shared>> -> memref<10112x128xf32, #tpu.memory_space<vmem_shared>>
          tpu.enqueue_indirect_dma source(%arg11 : memref<128x128xf32, #tpu.memory_space<vmem>>) target(%dma_start3A_163 : memref<10112x128xf32, #tpu.memory_space<vmem_shared>>) offsets(%dma_start3A_160 : memref<128xi32, #tpu.memory_space<vmem>>) semaphore(%arg17 : memref<!tpu.dma_semaphore, #tpu.memory_space<semaphore_mem>>) {add = true}
        }
        %scan3A_65 = arith.constant 4 : i32
      }
      %scan3A_38 = arith.constant 9 : i32
      %dma_wait3A = arith.constant 0 : i32
      %dma_wait3A_39 = arith.constant 0 : i32
      %dma_wait3A_40 = tpu.memref_slice %arg8[%dma_wait3A, %dma_wait3A_39] : memref<8x128xi32, #tpu.memory_space<vmem>> -> memref<1x128xi32, #tpu.memory_space<vmem>>
      %dma_wait3A_41 = tpu.memref_squeeze %dma_wait3A_40 : memref<1x128xi32, #tpu.memory_space<vmem>> -> memref<128xi32, #tpu.memory_space<vmem>>
      %dma_wait3A_42 = arith.constant 0 : i32
      %dma_wait3A_43 = arith.constant 0 : i32
      %dma_wait3A_44 = tpu.memref_slice %arg13[%dma_wait3A_42, %dma_wait3A_43] : memref<10112x128xf32, #tpu.memory_space<vmem_shared>> -> memref<10112x128xf32, #tpu.memory_space<vmem_shared>>
      tpu.wait_indirect_dma semaphore(%arg17 : memref<!tpu.dma_semaphore, #tpu.memory_space<semaphore_mem>>) src(%arg11 : memref<128x128xf32, #tpu.memory_space<vmem>>) dst(%dma_wait3A_44 : memref<10112x128xf32, #tpu.memory_space<vmem_shared>>)
    } else {
    }
    %eq3A_15 = arith.constant 1 : i32
    %eq3A_16 = arith.cmpi eq, %arg0, %eq3A_15 : i32
    %convert_element_type3A_17 = arith.extui %eq3A_16 : i1 to i32
    %cond3A_18 = arith.constant 0 : i32
    %cond3A_19 = arith.cmpi ne, %convert_element_type3A_17, %cond3A_18 : i32
    scf.if %cond3A_19 {
      %mul3A_25 = arith.constant 16 : i32
      %mul3A_26 = arith.muli %arg1, %mul3A_25 : i32
      %add3A_27 = arith.constant 2304 : i32
      %add3A_28 = arith.addi %add3A_27, %mul3A_26 : i32
      "tpu.region"() ({
        %run_scoped3A = tpu.sem_alloc : memref<!tpu.dma_semaphore, #tpu.memory_space<semaphore_mem>>
        %dma_start3A_64 = arith.constant 0 : i32
        %dma_start3A_65 = tpu.memref_slice %arg3[%add3A_28, %dma_start3A_64] : memref<2560x128xi32, #tpu.memory_space<hbm>> -> memref<8x128xi32, #tpu.memory_space<hbm>>
        %dma_start3A_66 = arith.constant 0 : i32
        %dma_start3A_67 = tpu.memref_slice %arg3[%add3A_28, %dma_start3A_66] : memref<2560x128xi32, #tpu.memory_space<hbm>> -> memref<8x128xi32, #tpu.memory_space<hbm>>
        tpu.enqueue_dma source(%dma_start3A_67 : memref<8x128xi32, #tpu.memory_space<hbm>>) target(%arg6 : memref<8x128xi32, #tpu.memory_space<vmem>>) target_semaphore(%run_scoped3A : memref<!tpu.dma_semaphore, #tpu.memory_space<semaphore_mem>>)
        %dma_wait3A_68 = arith.constant 0 : i32
        %dma_wait3A_69 = tpu.memref_slice %arg3[%add3A_28, %dma_wait3A_68] : memref<2560x128xi32, #tpu.memory_space<hbm>> -> memref<8x128xi32, #tpu.memory_space<hbm>>
        %dma_wait3A_70 = arith.constant 0 : i32
        %dma_wait3A_71 = tpu.memref_slice %arg3[%add3A_28, %dma_wait3A_70] : memref<2560x128xi32, #tpu.memory_space<hbm>> -> memref<8x128xi32, #tpu.memory_space<hbm>>
        tpu.wait_dma2 semaphore(%run_scoped3A : memref<!tpu.dma_semaphore, #tpu.memory_space<semaphore_mem>>) src(%dma_wait3A_71 : memref<8x128xi32, #tpu.memory_space<hbm>>) dst(%arg6 : memref<8x128xi32, #tpu.memory_space<vmem>>)
        tpu.yield
      }) : () -> ()
      "tpu.region"() ({
        %run_scoped3A = tpu.sem_alloc : memref<!tpu.dma_semaphore, #tpu.memory_space<semaphore_mem>>
        %dma_start3A_64 = arith.constant 0 : i32
        %dma_start3A_65 = tpu.memref_slice %arg4[%add3A_28, %dma_start3A_64] : memref<2560x128xi32, #tpu.memory_space<hbm>> -> memref<8x128xi32, #tpu.memory_space<hbm>>
        %dma_start3A_66 = arith.constant 0 : i32
        %dma_start3A_67 = tpu.memref_slice %arg4[%add3A_28, %dma_start3A_66] : memref<2560x128xi32, #tpu.memory_space<hbm>> -> memref<8x128xi32, #tpu.memory_space<hbm>>
        tpu.enqueue_dma source(%dma_start3A_67 : memref<8x128xi32, #tpu.memory_space<hbm>>) target(%arg8 : memref<8x128xi32, #tpu.memory_space<vmem>>) target_semaphore(%run_scoped3A : memref<!tpu.dma_semaphore, #tpu.memory_space<semaphore_mem>>)
        %dma_wait3A_68 = arith.constant 0 : i32
        %dma_wait3A_69 = tpu.memref_slice %arg4[%add3A_28, %dma_wait3A_68] : memref<2560x128xi32, #tpu.memory_space<hbm>> -> memref<8x128xi32, #tpu.memory_space<hbm>>
        %dma_wait3A_70 = arith.constant 0 : i32
        %dma_wait3A_71 = tpu.memref_slice %arg4[%add3A_28, %dma_wait3A_70] : memref<2560x128xi32, #tpu.memory_space<hbm>> -> memref<8x128xi32, #tpu.memory_space<hbm>>
        tpu.wait_dma2 semaphore(%run_scoped3A : memref<!tpu.dma_semaphore, #tpu.memory_space<semaphore_mem>>) src(%dma_wait3A_71 : memref<8x128xi32, #tpu.memory_space<hbm>>) dst(%arg8 : memref<8x128xi32, #tpu.memory_space<vmem>>)
        tpu.yield
      }) : () -> ()
      %dma_start3A = arith.constant 0 : i32
      %dma_start3A_29 = arith.constant 0 : i32
      %dma_start3A_30 = tpu.memref_slice %arg6[%dma_start3A, %dma_start3A_29] : memref<8x128xi32, #tpu.memory_space<vmem>> -> memref<1x128xi32, #tpu.memory_space<vmem>>
      %dma_start3A_31 = tpu.memref_squeeze %dma_start3A_30 : memref<1x128xi32, #tpu.memory_space<vmem>> -> memref<128xi32, #tpu.memory_space<vmem>>
      %dma_start3A_32 = arith.constant 0 : i32
      %dma_start3A_33 = arith.constant 0 : i32
      %dma_start3A_34 = tpu.memref_slice %arg2[%dma_start3A_32, %dma_start3A_33] : memref<10000x128xf32, #tpu.memory_space<hbm>> -> memref<10000x128xf32, #tpu.memory_space<hbm>>
      tpu.enqueue_indirect_dma source(%dma_start3A_34 : memref<10000x128xf32, #tpu.memory_space<hbm>>) target(%arg10 : memref<128x128xf32, #tpu.memory_space<vmem>>) offsets(%dma_start3A_31 : memref<128xi32, #tpu.memory_space<vmem>>) semaphore(%arg14 : memref<!tpu.dma_semaphore, #tpu.memory_space<semaphore_mem>>)
      %scan3A_35 = arith.constant 0 : i32
      %scan3A_36 = arith.constant 0 : i32
      %mul3A_37 = arith.constant 2 : i32
      %mul3A_38 = arith.muli %mul3A_37, %scan3A_36 : i32
      %add3A_39 = arith.constant 0 : i32
      %add3A_40 = arith.addi %mul3A_38, %add3A_39 : i32
      %scan3A_41 = arith.constant 0 : i32
      %scan3A_42 = arith.constant 0 : i32
      %scan3A_43 = arith.constant 4 : i32
      %scan3A_44 = arith.addi %scan3A_42, %scan3A_43 : i32
      %scan3A_45 = arith.constant 1 : i32
      scf.for %scan3A_64 = %scan3A_42 to %scan3A_44 step %scan3A_45  : i32 {
        %mul3A_65 = arith.constant 2 : i32
        %mul3A_66 = arith.muli %mul3A_65, %scan3A_64 : i32
        %add3A_67 = arith.constant 0 : i32
        %add3A_68 = arith.addi %mul3A_66, %add3A_67 : i32
        %mul3A_69 = arith.constant 8 : i32
        %mul3A_70 = arith.muli %add3A_40, %mul3A_69 : i32
        %add3A_71 = arith.addi %mul3A_70, %add3A_68 : i32
        %dma_wait3A_72 = arith.constant 0 : i32
        %dma_wait3A_73 = arith.constant 0 : i32
        %dma_wait3A_74 = tpu.memref_slice %arg6[%dma_wait3A_72, %dma_wait3A_73] : memref<8x128xi32, #tpu.memory_space<vmem>> -> memref<1x128xi32, #tpu.memory_space<vmem>>
        %dma_wait3A_75 = tpu.memref_squeeze %dma_wait3A_74 : memref<1x128xi32, #tpu.memory_space<vmem>> -> memref<128xi32, #tpu.memory_space<vmem>>
        %dma_wait3A_76 = arith.constant 0 : i32
        %dma_wait3A_77 = arith.constant 0 : i32
        %dma_wait3A_78 = tpu.memref_slice %arg2[%dma_wait3A_76, %dma_wait3A_77] : memref<10000x128xf32, #tpu.memory_space<hbm>> -> memref<10000x128xf32, #tpu.memory_space<hbm>>
        tpu.wait_indirect_dma semaphore(%arg14 : memref<!tpu.dma_semaphore, #tpu.memory_space<semaphore_mem>>) src(%dma_wait3A_78 : memref<10000x128xf32, #tpu.memory_space<hbm>>) dst(%arg10 : memref<128x128xf32, #tpu.memory_space<vmem>>)
        %gt3A = arith.constant 0 : i32
        %gt3A_79 = arith.cmpi sgt, %add3A_71, %gt3A : i32
        %convert_element_type3A_80 = arith.extui %gt3A_79 : i1 to i32
        %cond3A_81 = arith.constant 0 : i32
        %cond3A_82 = arith.cmpi ne, %convert_element_type3A_80, %cond3A_81 : i32
        scf.if %cond3A_82 {
          %dma_wait3A_162 = arith.constant 0 : i32
          %dma_wait3A_163 = arith.constant 0 : i32
          %dma_wait3A_164 = tpu.memref_slice %arg8[%dma_wait3A_162, %dma_wait3A_163] : memref<8x128xi32, #tpu.memory_space<vmem>> -> memref<1x128xi32, #tpu.memory_space<vmem>>
          %dma_wait3A_165 = tpu.memref_squeeze %dma_wait3A_164 : memref<1x128xi32, #tpu.memory_space<vmem>> -> memref<128xi32, #tpu.memory_space<vmem>>
          %dma_wait3A_166 = arith.constant 0 : i32
          %dma_wait3A_167 = arith.constant 0 : i32
          %dma_wait3A_168 = tpu.memref_slice %arg13[%dma_wait3A_166, %dma_wait3A_167] : memref<10112x128xf32, #tpu.memory_space<vmem_shared>> -> memref<10112x128xf32, #tpu.memory_space<vmem_shared>>
          tpu.wait_indirect_dma semaphore(%arg17 : memref<!tpu.dma_semaphore, #tpu.memory_space<semaphore_mem>>) src(%arg11 : memref<128x128xf32, #tpu.memory_space<vmem>>) dst(%dma_wait3A_168 : memref<10112x128xf32, #tpu.memory_space<vmem_shared>>)
        } else {
        }
        %eq3A_83 = arith.constant 0 : i32
        %eq3A_84 = arith.cmpi eq, %add3A_68, %eq3A_83 : i32
        %add3A_85 = arith.constant 1 : i32
        %add3A_86 = arith.addi %add3A_40, %add3A_85 : i32
        %lt3A = arith.constant 2 : i32
        %lt3A_87 = arith.cmpi slt, %add3A_86, %lt3A : i32
        %and3A = arith.andi %eq3A_84, %lt3A_87 : i1
        %convert_element_type3A_88 = arith.extui %and3A : i1 to i32
        %cond3A_89 = arith.constant 0 : i32
        %cond3A_90 = arith.cmpi ne, %convert_element_type3A_88, %cond3A_89 : i32
        scf.if %cond3A_90 {
          %add3A_162 = arith.constant 1 : i32
          %add3A_163 = arith.addi %add3A_40, %add3A_162 : i32
          %mul3A_164 = arith.constant 8 : i32
          %mul3A_165 = arith.muli %add3A_163, %mul3A_164 : i32
          %add3A_166 = arith.addi %add3A_28, %mul3A_165 : i32
          %dma_start3A_167 = arith.constant 0 : i32
          %dma_start3A_168 = tpu.memref_slice %arg3[%add3A_166, %dma_start3A_167] : memref<2560x128xi32, #tpu.memory_space<hbm>> -> memref<8x128xi32, #tpu.memory_space<hbm>>
          %dma_start3A_169 = arith.constant 0 : i32
          %dma_start3A_170 = tpu.memref_slice %arg3[%add3A_166, %dma_start3A_169] : memref<2560x128xi32, #tpu.memory_space<hbm>> -> memref<8x128xi32, #tpu.memory_space<hbm>>
          tpu.enqueue_dma source(%dma_start3A_170 : memref<8x128xi32, #tpu.memory_space<hbm>>) target(%arg7 : memref<8x128xi32, #tpu.memory_space<vmem>>) target_semaphore(%arg18 : memref<!tpu.dma_semaphore, #tpu.memory_space<semaphore_mem>>)
          %dma_start3A_171 = arith.constant 0 : i32
          %dma_start3A_172 = tpu.memref_slice %arg4[%add3A_166, %dma_start3A_171] : memref<2560x128xi32, #tpu.memory_space<hbm>> -> memref<8x128xi32, #tpu.memory_space<hbm>>
          %dma_start3A_173 = arith.constant 0 : i32
          %dma_start3A_174 = tpu.memref_slice %arg4[%add3A_166, %dma_start3A_173] : memref<2560x128xi32, #tpu.memory_space<hbm>> -> memref<8x128xi32, #tpu.memory_space<hbm>>
          tpu.enqueue_dma source(%dma_start3A_174 : memref<8x128xi32, #tpu.memory_space<hbm>>) target(%arg9 : memref<8x128xi32, #tpu.memory_space<vmem>>) target_semaphore(%arg18 : memref<!tpu.dma_semaphore, #tpu.memory_space<semaphore_mem>>)
        } else {
        }
        %lt3A_91 = arith.constant 7 : i32
        %lt3A_92 = arith.cmpi slt, %add3A_68, %lt3A_91 : i32
        %convert_element_type3A_93 = arith.extui %lt3A_92 : i1 to i32
        %cond3A_94 = arith.constant 0 : i32
        %cond3A_95 = arith.cmpi ne, %convert_element_type3A_93, %cond3A_94 : i32
        scf.if %cond3A_95 {
          %add3A_162 = arith.constant 1 : i32
          %add3A_163 = arith.addi %add3A_68, %add3A_162 : i32
          %dma_start3A_164 = arith.constant 0 : i32
          %dma_start3A_165 = tpu.memref_slice %arg6[%add3A_163, %dma_start3A_164] : memref<8x128xi32, #tpu.memory_space<vmem>> -> memref<1x128xi32, #tpu.memory_space<vmem>>
          %dma_start3A_166 = tpu.memref_squeeze %dma_start3A_165 : memref<1x128xi32, #tpu.memory_space<vmem>> -> memref<128xi32, #tpu.memory_space<vmem>>
          %dma_start3A_167 = arith.constant 0 : i32
          %dma_start3A_168 = arith.constant 0 : i32
          %dma_start3A_169 = tpu.memref_slice %arg2[%dma_start3A_167, %dma_start3A_168] : memref<10000x128xf32, #tpu.memory_space<hbm>> -> memref<10000x128xf32, #tpu.memory_space<hbm>>
          tpu.enqueue_indirect_dma source(%dma_start3A_169 : memref<10000x128xf32, #tpu.memory_space<hbm>>) target(%arg11 : memref<128x128xf32, #tpu.memory_space<vmem>>) offsets(%dma_start3A_166 : memref<128xi32, #tpu.memory_space<vmem>>) semaphore(%arg15 : memref<!tpu.dma_semaphore, #tpu.memory_space<semaphore_mem>>)
        } else {
        }
        %eq3A_96 = arith.constant 7 : i32
        %eq3A_97 = arith.cmpi eq, %add3A_68, %eq3A_96 : i32
        %add3A_98 = arith.constant 1 : i32
        %add3A_99 = arith.addi %add3A_40, %add3A_98 : i32
        %lt3A_100 = arith.constant 2 : i32
        %lt3A_101 = arith.cmpi slt, %add3A_99, %lt3A_100 : i32
        %and3A_102 = arith.andi %eq3A_97, %lt3A_101 : i1
        %convert_element_type3A_103 = arith.extui %and3A_102 : i1 to i32
        %cond3A_104 = arith.constant 0 : i32
        %cond3A_105 = arith.cmpi ne, %convert_element_type3A_103, %cond3A_104 : i32
        scf.if %cond3A_105 {
          %dma_wait3A_162 = arith.constant 0 : i32
          %dma_wait3A_163 = arith.constant 0 : i32
          %dma_wait3A_164 = tpu.memref_slice %arg3[%dma_wait3A_162, %dma_wait3A_163] : memref<2560x128xi32, #tpu.memory_space<hbm>> -> memref<8x128xi32, #tpu.memory_space<hbm>>
          %dma_wait3A_165 = arith.constant 0 : i32
          %dma_wait3A_166 = arith.constant 0 : i32
          %dma_wait3A_167 = tpu.memref_slice %arg3[%dma_wait3A_165, %dma_wait3A_166] : memref<2560x128xi32, #tpu.memory_space<hbm>> -> memref<8x128xi32, #tpu.memory_space<hbm>>
          tpu.wait_dma2 semaphore(%arg18 : memref<!tpu.dma_semaphore, #tpu.memory_space<semaphore_mem>>) src(%dma_wait3A_167 : memref<8x128xi32, #tpu.memory_space<hbm>>) dst(%arg7 : memref<8x128xi32, #tpu.memory_space<vmem>>)
          %dma_wait3A_168 = arith.constant 0 : i32
          %dma_wait3A_169 = arith.constant 0 : i32
          %dma_wait3A_170 = tpu.memref_slice %arg4[%dma_wait3A_168, %dma_wait3A_169] : memref<2560x128xi32, #tpu.memory_space<hbm>> -> memref<8x128xi32, #tpu.memory_space<hbm>>
          %dma_wait3A_171 = arith.constant 0 : i32
          %dma_wait3A_172 = arith.constant 0 : i32
          %dma_wait3A_173 = tpu.memref_slice %arg4[%dma_wait3A_171, %dma_wait3A_172] : memref<2560x128xi32, #tpu.memory_space<hbm>> -> memref<8x128xi32, #tpu.memory_space<hbm>>
          tpu.wait_dma2 semaphore(%arg18 : memref<!tpu.dma_semaphore, #tpu.memory_space<semaphore_mem>>) src(%dma_wait3A_173 : memref<8x128xi32, #tpu.memory_space<hbm>>) dst(%arg9 : memref<8x128xi32, #tpu.memory_space<vmem>>)
          %dma_start3A_174 = arith.constant 0 : i32
          %dma_start3A_175 = arith.constant 0 : i32
          %dma_start3A_176 = tpu.memref_slice %arg7[%dma_start3A_174, %dma_start3A_175] : memref<8x128xi32, #tpu.memory_space<vmem>> -> memref<1x128xi32, #tpu.memory_space<vmem>>
          %dma_start3A_177 = tpu.memref_squeeze %dma_start3A_176 : memref<1x128xi32, #tpu.memory_space<vmem>> -> memref<128xi32, #tpu.memory_space<vmem>>
          %dma_start3A_178 = arith.constant 0 : i32
          %dma_start3A_179 = arith.constant 0 : i32
          %dma_start3A_180 = tpu.memref_slice %arg2[%dma_start3A_178, %dma_start3A_179] : memref<10000x128xf32, #tpu.memory_space<hbm>> -> memref<10000x128xf32, #tpu.memory_space<hbm>>
          tpu.enqueue_indirect_dma source(%dma_start3A_180 : memref<10000x128xf32, #tpu.memory_space<hbm>>) target(%arg11 : memref<128x128xf32, #tpu.memory_space<vmem>>) offsets(%dma_start3A_177 : memref<128xi32, #tpu.memory_space<vmem>>) semaphore(%arg15 : memref<!tpu.dma_semaphore, #tpu.memory_space<semaphore_mem>>)
        } else {
        }
        %dma_start3A_106 = arith.constant 0 : i32
        %dma_start3A_107 = tpu.memref_slice %arg8[%add3A_68, %dma_start3A_106] : memref<8x128xi32, #tpu.memory_space<vmem>> -> memref<1x128xi32, #tpu.memory_space<vmem>>
        %dma_start3A_108 = tpu.memref_squeeze %dma_start3A_107 : memref<1x128xi32, #tpu.memory_space<vmem>> -> memref<128xi32, #tpu.memory_space<vmem>>
        %dma_start3A_109 = arith.constant 0 : i32
        %dma_start3A_110 = arith.constant 0 : i32
        %dma_start3A_111 = tpu.memref_slice %arg13[%dma_start3A_109, %dma_start3A_110] : memref<10112x128xf32, #tpu.memory_space<vmem_shared>> -> memref<10112x128xf32, #tpu.memory_space<vmem_shared>>
        tpu.enqueue_indirect_dma source(%arg10 : memref<128x128xf32, #tpu.memory_space<vmem>>) target(%dma_start3A_111 : memref<10112x128xf32, #tpu.memory_space<vmem_shared>>) offsets(%dma_start3A_108 : memref<128xi32, #tpu.memory_space<vmem>>) semaphore(%arg16 : memref<!tpu.dma_semaphore, #tpu.memory_space<semaphore_mem>>) {add = true}
        %mul3A_112 = arith.constant 2 : i32
        %mul3A_113 = arith.muli %mul3A_112, %scan3A_64 : i32
        %add3A_114 = arith.constant 1 : i32
        %add3A_115 = arith.addi %mul3A_113, %add3A_114 : i32
        %mul3A_116 = arith.constant 8 : i32
        %mul3A_117 = arith.muli %add3A_40, %mul3A_116 : i32
        %add3A_118 = arith.addi %mul3A_117, %add3A_115 : i32
        %dma_wait3A_119 = arith.constant 0 : i32
        %dma_wait3A_120 = arith.constant 0 : i32
        %dma_wait3A_121 = tpu.memref_slice %arg6[%dma_wait3A_119, %dma_wait3A_120] : memref<8x128xi32, #tpu.memory_space<vmem>> -> memref<1x128xi32, #tpu.memory_space<vmem>>
        %dma_wait3A_122 = tpu.memref_squeeze %dma_wait3A_121 : memref<1x128xi32, #tpu.memory_space<vmem>> -> memref<128xi32, #tpu.memory_space<vmem>>
        %dma_wait3A_123 = arith.constant 0 : i32
        %dma_wait3A_124 = arith.constant 0 : i32
        %dma_wait3A_125 = tpu.memref_slice %arg2[%dma_wait3A_123, %dma_wait3A_124] : memref<10000x128xf32, #tpu.memory_space<hbm>> -> memref<10000x128xf32, #tpu.memory_space<hbm>>
        tpu.wait_indirect_dma semaphore(%arg15 : memref<!tpu.dma_semaphore, #tpu.memory_space<semaphore_mem>>) src(%dma_wait3A_125 : memref<10000x128xf32, #tpu.memory_space<hbm>>) dst(%arg11 : memref<128x128xf32, #tpu.memory_space<vmem>>)
        %gt3A_126 = arith.constant 0 : i32
        %gt3A_127 = arith.cmpi sgt, %add3A_118, %gt3A_126 : i32
        %convert_element_type3A_128 = arith.extui %gt3A_127 : i1 to i32
        %cond3A_129 = arith.constant 0 : i32
        %cond3A_130 = arith.cmpi ne, %convert_element_type3A_128, %cond3A_129 : i32
        scf.if %cond3A_130 {
          %dma_wait3A_162 = arith.constant 0 : i32
          %dma_wait3A_163 = arith.constant 0 : i32
          %dma_wait3A_164 = tpu.memref_slice %arg8[%dma_wait3A_162, %dma_wait3A_163] : memref<8x128xi32, #tpu.memory_space<vmem>> -> memref<1x128xi32, #tpu.memory_space<vmem>>
          %dma_wait3A_165 = tpu.memref_squeeze %dma_wait3A_164 : memref<1x128xi32, #tpu.memory_space<vmem>> -> memref<128xi32, #tpu.memory_space<vmem>>
          %dma_wait3A_166 = arith.constant 0 : i32
          %dma_wait3A_167 = arith.constant 0 : i32
          %dma_wait3A_168 = tpu.memref_slice %arg13[%dma_wait3A_166, %dma_wait3A_167] : memref<10112x128xf32, #tpu.memory_space<vmem_shared>> -> memref<10112x128xf32, #tpu.memory_space<vmem_shared>>
          tpu.wait_indirect_dma semaphore(%arg16 : memref<!tpu.dma_semaphore, #tpu.memory_space<semaphore_mem>>) src(%arg10 : memref<128x128xf32, #tpu.memory_space<vmem>>) dst(%dma_wait3A_168 : memref<10112x128xf32, #tpu.memory_space<vmem_shared>>)
        } else {
        }
        %eq3A_131 = arith.constant 0 : i32
        %eq3A_132 = arith.cmpi eq, %add3A_115, %eq3A_131 : i32
        %add3A_133 = arith.constant 1 : i32
        %add3A_134 = arith.addi %add3A_40, %add3A_133 : i32
        %lt3A_135 = arith.constant 2 : i32
        %lt3A_136 = arith.cmpi slt, %add3A_134, %lt3A_135 : i32
        %and3A_137 = arith.andi %eq3A_132, %lt3A_136 : i1
        %convert_element_type3A_138 = arith.extui %and3A_137 : i1 to i32
        %cond3A_139 = arith.constant 0 : i32
        %cond3A_140 = arith.cmpi ne, %convert_element_type3A_138, %cond3A_139 : i32
        scf.if %cond3A_140 {
          %add3A_162 = arith.constant 1 : i32
          %add3A_163 = arith.addi %add3A_40, %add3A_162 : i32
          %mul3A_164 = arith.constant 8 : i32
          %mul3A_165 = arith.muli %add3A_163, %mul3A_164 : i32
          %add3A_166 = arith.addi %add3A_28, %mul3A_165 : i32
          %dma_start3A_167 = arith.constant 0 : i32
          %dma_start3A_168 = tpu.memref_slice %arg3[%add3A_166, %dma_start3A_167] : memref<2560x128xi32, #tpu.memory_space<hbm>> -> memref<8x128xi32, #tpu.memory_space<hbm>>
          %dma_start3A_169 = arith.constant 0 : i32
          %dma_start3A_170 = tpu.memref_slice %arg3[%add3A_166, %dma_start3A_169] : memref<2560x128xi32, #tpu.memory_space<hbm>> -> memref<8x128xi32, #tpu.memory_space<hbm>>
          tpu.enqueue_dma source(%dma_start3A_170 : memref<8x128xi32, #tpu.memory_space<hbm>>) target(%arg7 : memref<8x128xi32, #tpu.memory_space<vmem>>) target_semaphore(%arg18 : memref<!tpu.dma_semaphore, #tpu.memory_space<semaphore_mem>>)
          %dma_start3A_171 = arith.constant 0 : i32
          %dma_start3A_172 = tpu.memref_slice %arg4[%add3A_166, %dma_start3A_171] : memref<2560x128xi32, #tpu.memory_space<hbm>> -> memref<8x128xi32, #tpu.memory_space<hbm>>
          %dma_start3A_173 = arith.constant 0 : i32
          %dma_start3A_174 = tpu.memref_slice %arg4[%add3A_166, %dma_start3A_173] : memref<2560x128xi32, #tpu.memory_space<hbm>> -> memref<8x128xi32, #tpu.memory_space<hbm>>
          tpu.enqueue_dma source(%dma_start3A_174 : memref<8x128xi32, #tpu.memory_space<hbm>>) target(%arg9 : memref<8x128xi32, #tpu.memory_space<vmem>>) target_semaphore(%arg18 : memref<!tpu.dma_semaphore, #tpu.memory_space<semaphore_mem>>)
        } else {
        }
        %lt3A_141 = arith.constant 7 : i32
        %lt3A_142 = arith.cmpi slt, %add3A_115, %lt3A_141 : i32
        %convert_element_type3A_143 = arith.extui %lt3A_142 : i1 to i32
        %cond3A_144 = arith.constant 0 : i32
        %cond3A_145 = arith.cmpi ne, %convert_element_type3A_143, %cond3A_144 : i32
        scf.if %cond3A_145 {
          %add3A_162 = arith.constant 1 : i32
          %add3A_163 = arith.addi %add3A_115, %add3A_162 : i32
          %dma_start3A_164 = arith.constant 0 : i32
          %dma_start3A_165 = tpu.memref_slice %arg6[%add3A_163, %dma_start3A_164] : memref<8x128xi32, #tpu.memory_space<vmem>> -> memref<1x128xi32, #tpu.memory_space<vmem>>
          %dma_start3A_166 = tpu.memref_squeeze %dma_start3A_165 : memref<1x128xi32, #tpu.memory_space<vmem>> -> memref<128xi32, #tpu.memory_space<vmem>>
          %dma_start3A_167 = arith.constant 0 : i32
          %dma_start3A_168 = arith.constant 0 : i32
          %dma_start3A_169 = tpu.memref_slice %arg2[%dma_start3A_167, %dma_start3A_168] : memref<10000x128xf32, #tpu.memory_space<hbm>> -> memref<10000x128xf32, #tpu.memory_space<hbm>>
          tpu.enqueue_indirect_dma source(%dma_start3A_169 : memref<10000x128xf32, #tpu.memory_space<hbm>>) target(%arg10 : memref<128x128xf32, #tpu.memory_space<vmem>>) offsets(%dma_start3A_166 : memref<128xi32, #tpu.memory_space<vmem>>) semaphore(%arg14 : memref<!tpu.dma_semaphore, #tpu.memory_space<semaphore_mem>>)
        } else {
        }
        %eq3A_146 = arith.constant 7 : i32
        %eq3A_147 = arith.cmpi eq, %add3A_115, %eq3A_146 : i32
        %add3A_148 = arith.constant 1 : i32
        %add3A_149 = arith.addi %add3A_40, %add3A_148 : i32
        %lt3A_150 = arith.constant 2 : i32
        %lt3A_151 = arith.cmpi slt, %add3A_149, %lt3A_150 : i32
        %and3A_152 = arith.andi %eq3A_147, %lt3A_151 : i1
        %convert_element_type3A_153 = arith.extui %and3A_152 : i1 to i32
        %cond3A_154 = arith.constant 0 : i32
        %cond3A_155 = arith.cmpi ne, %convert_element_type3A_153, %cond3A_154 : i32
        scf.if %cond3A_155 {
          %dma_wait3A_162 = arith.constant 0 : i32
          %dma_wait3A_163 = arith.constant 0 : i32
          %dma_wait3A_164 = tpu.memref_slice %arg3[%dma_wait3A_162, %dma_wait3A_163] : memref<2560x128xi32, #tpu.memory_space<hbm>> -> memref<8x128xi32, #tpu.memory_space<hbm>>
          %dma_wait3A_165 = arith.constant 0 : i32
          %dma_wait3A_166 = arith.constant 0 : i32
          %dma_wait3A_167 = tpu.memref_slice %arg3[%dma_wait3A_165, %dma_wait3A_166] : memref<2560x128xi32, #tpu.memory_space<hbm>> -> memref<8x128xi32, #tpu.memory_space<hbm>>
          tpu.wait_dma2 semaphore(%arg18 : memref<!tpu.dma_semaphore, #tpu.memory_space<semaphore_mem>>) src(%dma_wait3A_167 : memref<8x128xi32, #tpu.memory_space<hbm>>) dst(%arg7 : memref<8x128xi32, #tpu.memory_space<vmem>>)
          %dma_wait3A_168 = arith.constant 0 : i32
          %dma_wait3A_169 = arith.constant 0 : i32
          %dma_wait3A_170 = tpu.memref_slice %arg4[%dma_wait3A_168, %dma_wait3A_169] : memref<2560x128xi32, #tpu.memory_space<hbm>> -> memref<8x128xi32, #tpu.memory_space<hbm>>
          %dma_wait3A_171 = arith.constant 0 : i32
          %dma_wait3A_172 = arith.constant 0 : i32
          %dma_wait3A_173 = tpu.memref_slice %arg4[%dma_wait3A_171, %dma_wait3A_172] : memref<2560x128xi32, #tpu.memory_space<hbm>> -> memref<8x128xi32, #tpu.memory_space<hbm>>
          tpu.wait_dma2 semaphore(%arg18 : memref<!tpu.dma_semaphore, #tpu.memory_space<semaphore_mem>>) src(%dma_wait3A_173 : memref<8x128xi32, #tpu.memory_space<hbm>>) dst(%arg9 : memref<8x128xi32, #tpu.memory_space<vmem>>)
          %dma_start3A_174 = arith.constant 0 : i32
          %dma_start3A_175 = arith.constant 0 : i32
          %dma_start3A_176 = tpu.memref_slice %arg7[%dma_start3A_174, %dma_start3A_175] : memref<8x128xi32, #tpu.memory_space<vmem>> -> memref<1x128xi32, #tpu.memory_space<vmem>>
          %dma_start3A_177 = tpu.memref_squeeze %dma_start3A_176 : memref<1x128xi32, #tpu.memory_space<vmem>> -> memref<128xi32, #tpu.memory_space<vmem>>
          %dma_start3A_178 = arith.constant 0 : i32
          %dma_start3A_179 = arith.constant 0 : i32
          %dma_start3A_180 = tpu.memref_slice %arg2[%dma_start3A_178, %dma_start3A_179] : memref<10000x128xf32, #tpu.memory_space<hbm>> -> memref<10000x128xf32, #tpu.memory_space<hbm>>
          tpu.enqueue_indirect_dma source(%dma_start3A_180 : memref<10000x128xf32, #tpu.memory_space<hbm>>) target(%arg10 : memref<128x128xf32, #tpu.memory_space<vmem>>) offsets(%dma_start3A_177 : memref<128xi32, #tpu.memory_space<vmem>>) semaphore(%arg14 : memref<!tpu.dma_semaphore, #tpu.memory_space<semaphore_mem>>)
        } else {
        }
        %dma_start3A_156 = arith.constant 0 : i32
        %dma_start3A_157 = tpu.memref_slice %arg8[%add3A_115, %dma_start3A_156] : memref<8x128xi32, #tpu.memory_space<vmem>> -> memref<1x128xi32, #tpu.memory_space<vmem>>
        %dma_start3A_158 = tpu.memref_squeeze %dma_start3A_157 : memref<1x128xi32, #tpu.memory_space<vmem>> -> memref<128xi32, #tpu.memory_space<vmem>>
        %dma_start3A_159 = arith.constant 0 : i32
        %dma_start3A_160 = arith.constant 0 : i32
        %dma_start3A_161 = tpu.memref_slice %arg13[%dma_start3A_159, %dma_start3A_160] : memref<10112x128xf32, #tpu.memory_space<vmem_shared>> -> memref<10112x128xf32, #tpu.memory_space<vmem_shared>>
        tpu.enqueue_indirect_dma source(%arg11 : memref<128x128xf32, #tpu.memory_space<vmem>>) target(%dma_start3A_161 : memref<10112x128xf32, #tpu.memory_space<vmem_shared>>) offsets(%dma_start3A_158 : memref<128xi32, #tpu.memory_space<vmem>>) semaphore(%arg17 : memref<!tpu.dma_semaphore, #tpu.memory_space<semaphore_mem>>) {add = true}
      }
      %scan3A_46 = arith.constant 4 : i32
      %mul3A_47 = arith.constant 2 : i32
      %mul3A_48 = arith.muli %mul3A_47, %scan3A_36 : i32
      %add3A_49 = arith.constant 1 : i32
      %add3A_50 = arith.addi %mul3A_48, %add3A_49 : i32
      %scan3A_51 = arith.constant 0 : i32
      %scan3A_52 = arith.constant 0 : i32
      %scan3A_53 = arith.constant 4 : i32
      %scan3A_54 = arith.addi %scan3A_52, %scan3A_53 : i32
      %scan3A_55 = arith.constant 1 : i32
      scf.for %scan3A_64 = %scan3A_52 to %scan3A_54 step %scan3A_55  : i32 {
        %mul3A_65 = arith.constant 2 : i32
        %mul3A_66 = arith.muli %mul3A_65, %scan3A_64 : i32
        %add3A_67 = arith.constant 0 : i32
        %add3A_68 = arith.addi %mul3A_66, %add3A_67 : i32
        %mul3A_69 = arith.constant 8 : i32
        %mul3A_70 = arith.muli %add3A_50, %mul3A_69 : i32
        %add3A_71 = arith.addi %mul3A_70, %add3A_68 : i32
        %dma_wait3A_72 = arith.constant 0 : i32
        %dma_wait3A_73 = arith.constant 0 : i32
        %dma_wait3A_74 = tpu.memref_slice %arg7[%dma_wait3A_72, %dma_wait3A_73] : memref<8x128xi32, #tpu.memory_space<vmem>> -> memref<1x128xi32, #tpu.memory_space<vmem>>
        %dma_wait3A_75 = tpu.memref_squeeze %dma_wait3A_74 : memref<1x128xi32, #tpu.memory_space<vmem>> -> memref<128xi32, #tpu.memory_space<vmem>>
        %dma_wait3A_76 = arith.constant 0 : i32
        %dma_wait3A_77 = arith.constant 0 : i32
        %dma_wait3A_78 = tpu.memref_slice %arg2[%dma_wait3A_76, %dma_wait3A_77] : memref<10000x128xf32, #tpu.memory_space<hbm>> -> memref<10000x128xf32, #tpu.memory_space<hbm>>
        tpu.wait_indirect_dma semaphore(%arg14 : memref<!tpu.dma_semaphore, #tpu.memory_space<semaphore_mem>>) src(%dma_wait3A_78 : memref<10000x128xf32, #tpu.memory_space<hbm>>) dst(%arg10 : memref<128x128xf32, #tpu.memory_space<vmem>>)
        %gt3A = arith.constant 0 : i32
        %gt3A_79 = arith.cmpi sgt, %add3A_71, %gt3A : i32
        %convert_element_type3A_80 = arith.extui %gt3A_79 : i1 to i32
        %cond3A_81 = arith.constant 0 : i32
        %cond3A_82 = arith.cmpi ne, %convert_element_type3A_80, %cond3A_81 : i32
        scf.if %cond3A_82 {
          %dma_wait3A_162 = arith.constant 0 : i32
          %dma_wait3A_163 = arith.constant 0 : i32
          %dma_wait3A_164 = tpu.memref_slice %arg9[%dma_wait3A_162, %dma_wait3A_163] : memref<8x128xi32, #tpu.memory_space<vmem>> -> memref<1x128xi32, #tpu.memory_space<vmem>>
          %dma_wait3A_165 = tpu.memref_squeeze %dma_wait3A_164 : memref<1x128xi32, #tpu.memory_space<vmem>> -> memref<128xi32, #tpu.memory_space<vmem>>
          %dma_wait3A_166 = arith.constant 0 : i32
          %dma_wait3A_167 = arith.constant 0 : i32
          %dma_wait3A_168 = tpu.memref_slice %arg13[%dma_wait3A_166, %dma_wait3A_167] : memref<10112x128xf32, #tpu.memory_space<vmem_shared>> -> memref<10112x128xf32, #tpu.memory_space<vmem_shared>>
          tpu.wait_indirect_dma semaphore(%arg17 : memref<!tpu.dma_semaphore, #tpu.memory_space<semaphore_mem>>) src(%arg11 : memref<128x128xf32, #tpu.memory_space<vmem>>) dst(%dma_wait3A_168 : memref<10112x128xf32, #tpu.memory_space<vmem_shared>>)
        } else {
        }
        %eq3A_83 = arith.constant 0 : i32
        %eq3A_84 = arith.cmpi eq, %add3A_68, %eq3A_83 : i32
        %add3A_85 = arith.constant 1 : i32
        %add3A_86 = arith.addi %add3A_50, %add3A_85 : i32
        %lt3A = arith.constant 2 : i32
        %lt3A_87 = arith.cmpi slt, %add3A_86, %lt3A : i32
        %and3A = arith.andi %eq3A_84, %lt3A_87 : i1
        %convert_element_type3A_88 = arith.extui %and3A : i1 to i32
        %cond3A_89 = arith.constant 0 : i32
        %cond3A_90 = arith.cmpi ne, %convert_element_type3A_88, %cond3A_89 : i32
        scf.if %cond3A_90 {
          %add3A_162 = arith.constant 1 : i32
          %add3A_163 = arith.addi %add3A_50, %add3A_162 : i32
          %mul3A_164 = arith.constant 8 : i32
          %mul3A_165 = arith.muli %add3A_163, %mul3A_164 : i32
          %add3A_166 = arith.addi %add3A_28, %mul3A_165 : i32
          %dma_start3A_167 = arith.constant 0 : i32
          %dma_start3A_168 = tpu.memref_slice %arg3[%add3A_166, %dma_start3A_167] : memref<2560x128xi32, #tpu.memory_space<hbm>> -> memref<8x128xi32, #tpu.memory_space<hbm>>
          %dma_start3A_169 = arith.constant 0 : i32
          %dma_start3A_170 = tpu.memref_slice %arg3[%add3A_166, %dma_start3A_169] : memref<2560x128xi32, #tpu.memory_space<hbm>> -> memref<8x128xi32, #tpu.memory_space<hbm>>
          tpu.enqueue_dma source(%dma_start3A_170 : memref<8x128xi32, #tpu.memory_space<hbm>>) target(%arg6 : memref<8x128xi32, #tpu.memory_space<vmem>>) target_semaphore(%arg18 : memref<!tpu.dma_semaphore, #tpu.memory_space<semaphore_mem>>)
          %dma_start3A_171 = arith.constant 0 : i32
          %dma_start3A_172 = tpu.memref_slice %arg4[%add3A_166, %dma_start3A_171] : memref<2560x128xi32, #tpu.memory_space<hbm>> -> memref<8x128xi32, #tpu.memory_space<hbm>>
          %dma_start3A_173 = arith.constant 0 : i32
          %dma_start3A_174 = tpu.memref_slice %arg4[%add3A_166, %dma_start3A_173] : memref<2560x128xi32, #tpu.memory_space<hbm>> -> memref<8x128xi32, #tpu.memory_space<hbm>>
          tpu.enqueue_dma source(%dma_start3A_174 : memref<8x128xi32, #tpu.memory_space<hbm>>) target(%arg8 : memref<8x128xi32, #tpu.memory_space<vmem>>) target_semaphore(%arg18 : memref<!tpu.dma_semaphore, #tpu.memory_space<semaphore_mem>>)
        } else {
        }
        %lt3A_91 = arith.constant 7 : i32
        %lt3A_92 = arith.cmpi slt, %add3A_68, %lt3A_91 : i32
        %convert_element_type3A_93 = arith.extui %lt3A_92 : i1 to i32
        %cond3A_94 = arith.constant 0 : i32
        %cond3A_95 = arith.cmpi ne, %convert_element_type3A_93, %cond3A_94 : i32
        scf.if %cond3A_95 {
          %add3A_162 = arith.constant 1 : i32
          %add3A_163 = arith.addi %add3A_68, %add3A_162 : i32
          %dma_start3A_164 = arith.constant 0 : i32
          %dma_start3A_165 = tpu.memref_slice %arg7[%add3A_163, %dma_start3A_164] : memref<8x128xi32, #tpu.memory_space<vmem>> -> memref<1x128xi32, #tpu.memory_space<vmem>>
          %dma_start3A_166 = tpu.memref_squeeze %dma_start3A_165 : memref<1x128xi32, #tpu.memory_space<vmem>> -> memref<128xi32, #tpu.memory_space<vmem>>
          %dma_start3A_167 = arith.constant 0 : i32
          %dma_start3A_168 = arith.constant 0 : i32
          %dma_start3A_169 = tpu.memref_slice %arg2[%dma_start3A_167, %dma_start3A_168] : memref<10000x128xf32, #tpu.memory_space<hbm>> -> memref<10000x128xf32, #tpu.memory_space<hbm>>
          tpu.enqueue_indirect_dma source(%dma_start3A_169 : memref<10000x128xf32, #tpu.memory_space<hbm>>) target(%arg11 : memref<128x128xf32, #tpu.memory_space<vmem>>) offsets(%dma_start3A_166 : memref<128xi32, #tpu.memory_space<vmem>>) semaphore(%arg15 : memref<!tpu.dma_semaphore, #tpu.memory_space<semaphore_mem>>)
        } else {
        }
        %eq3A_96 = arith.constant 7 : i32
        %eq3A_97 = arith.cmpi eq, %add3A_68, %eq3A_96 : i32
        %add3A_98 = arith.constant 1 : i32
        %add3A_99 = arith.addi %add3A_50, %add3A_98 : i32
        %lt3A_100 = arith.constant 2 : i32
        %lt3A_101 = arith.cmpi slt, %add3A_99, %lt3A_100 : i32
        %and3A_102 = arith.andi %eq3A_97, %lt3A_101 : i1
        %convert_element_type3A_103 = arith.extui %and3A_102 : i1 to i32
        %cond3A_104 = arith.constant 0 : i32
        %cond3A_105 = arith.cmpi ne, %convert_element_type3A_103, %cond3A_104 : i32
        scf.if %cond3A_105 {
          %dma_wait3A_162 = arith.constant 0 : i32
          %dma_wait3A_163 = arith.constant 0 : i32
          %dma_wait3A_164 = tpu.memref_slice %arg3[%dma_wait3A_162, %dma_wait3A_163] : memref<2560x128xi32, #tpu.memory_space<hbm>> -> memref<8x128xi32, #tpu.memory_space<hbm>>
          %dma_wait3A_165 = arith.constant 0 : i32
          %dma_wait3A_166 = arith.constant 0 : i32
          %dma_wait3A_167 = tpu.memref_slice %arg3[%dma_wait3A_165, %dma_wait3A_166] : memref<2560x128xi32, #tpu.memory_space<hbm>> -> memref<8x128xi32, #tpu.memory_space<hbm>>
          tpu.wait_dma2 semaphore(%arg18 : memref<!tpu.dma_semaphore, #tpu.memory_space<semaphore_mem>>) src(%dma_wait3A_167 : memref<8x128xi32, #tpu.memory_space<hbm>>) dst(%arg6 : memref<8x128xi32, #tpu.memory_space<vmem>>)
          %dma_wait3A_168 = arith.constant 0 : i32
          %dma_wait3A_169 = arith.constant 0 : i32
          %dma_wait3A_170 = tpu.memref_slice %arg4[%dma_wait3A_168, %dma_wait3A_169] : memref<2560x128xi32, #tpu.memory_space<hbm>> -> memref<8x128xi32, #tpu.memory_space<hbm>>
          %dma_wait3A_171 = arith.constant 0 : i32
          %dma_wait3A_172 = arith.constant 0 : i32
          %dma_wait3A_173 = tpu.memref_slice %arg4[%dma_wait3A_171, %dma_wait3A_172] : memref<2560x128xi32, #tpu.memory_space<hbm>> -> memref<8x128xi32, #tpu.memory_space<hbm>>
          tpu.wait_dma2 semaphore(%arg18 : memref<!tpu.dma_semaphore, #tpu.memory_space<semaphore_mem>>) src(%dma_wait3A_173 : memref<8x128xi32, #tpu.memory_space<hbm>>) dst(%arg8 : memref<8x128xi32, #tpu.memory_space<vmem>>)
          %dma_start3A_174 = arith.constant 0 : i32
          %dma_start3A_175 = arith.constant 0 : i32
          %dma_start3A_176 = tpu.memref_slice %arg6[%dma_start3A_174, %dma_start3A_175] : memref<8x128xi32, #tpu.memory_space<vmem>> -> memref<1x128xi32, #tpu.memory_space<vmem>>
          %dma_start3A_177 = tpu.memref_squeeze %dma_start3A_176 : memref<1x128xi32, #tpu.memory_space<vmem>> -> memref<128xi32, #tpu.memory_space<vmem>>
          %dma_start3A_178 = arith.constant 0 : i32
          %dma_start3A_179 = arith.constant 0 : i32
          %dma_start3A_180 = tpu.memref_slice %arg2[%dma_start3A_178, %dma_start3A_179] : memref<10000x128xf32, #tpu.memory_space<hbm>> -> memref<10000x128xf32, #tpu.memory_space<hbm>>
          tpu.enqueue_indirect_dma source(%dma_start3A_180 : memref<10000x128xf32, #tpu.memory_space<hbm>>) target(%arg11 : memref<128x128xf32, #tpu.memory_space<vmem>>) offsets(%dma_start3A_177 : memref<128xi32, #tpu.memory_space<vmem>>) semaphore(%arg15 : memref<!tpu.dma_semaphore, #tpu.memory_space<semaphore_mem>>)
        } else {
        }
        %dma_start3A_106 = arith.constant 0 : i32
        %dma_start3A_107 = tpu.memref_slice %arg9[%add3A_68, %dma_start3A_106] : memref<8x128xi32, #tpu.memory_space<vmem>> -> memref<1x128xi32, #tpu.memory_space<vmem>>
        %dma_start3A_108 = tpu.memref_squeeze %dma_start3A_107 : memref<1x128xi32, #tpu.memory_space<vmem>> -> memref<128xi32, #tpu.memory_space<vmem>>
        %dma_start3A_109 = arith.constant 0 : i32
        %dma_start3A_110 = arith.constant 0 : i32
        %dma_start3A_111 = tpu.memref_slice %arg13[%dma_start3A_109, %dma_start3A_110] : memref<10112x128xf32, #tpu.memory_space<vmem_shared>> -> memref<10112x128xf32, #tpu.memory_space<vmem_shared>>
        tpu.enqueue_indirect_dma source(%arg10 : memref<128x128xf32, #tpu.memory_space<vmem>>) target(%dma_start3A_111 : memref<10112x128xf32, #tpu.memory_space<vmem_shared>>) offsets(%dma_start3A_108 : memref<128xi32, #tpu.memory_space<vmem>>) semaphore(%arg16 : memref<!tpu.dma_semaphore, #tpu.memory_space<semaphore_mem>>) {add = true}
        %mul3A_112 = arith.constant 2 : i32
        %mul3A_113 = arith.muli %mul3A_112, %scan3A_64 : i32
        %add3A_114 = arith.constant 1 : i32
        %add3A_115 = arith.addi %mul3A_113, %add3A_114 : i32
        %mul3A_116 = arith.constant 8 : i32
        %mul3A_117 = arith.muli %add3A_50, %mul3A_116 : i32
        %add3A_118 = arith.addi %mul3A_117, %add3A_115 : i32
        %dma_wait3A_119 = arith.constant 0 : i32
        %dma_wait3A_120 = arith.constant 0 : i32
        %dma_wait3A_121 = tpu.memref_slice %arg7[%dma_wait3A_119, %dma_wait3A_120] : memref<8x128xi32, #tpu.memory_space<vmem>> -> memref<1x128xi32, #tpu.memory_space<vmem>>
        %dma_wait3A_122 = tpu.memref_squeeze %dma_wait3A_121 : memref<1x128xi32, #tpu.memory_space<vmem>> -> memref<128xi32, #tpu.memory_space<vmem>>
        %dma_wait3A_123 = arith.constant 0 : i32
        %dma_wait3A_124 = arith.constant 0 : i32
        %dma_wait3A_125 = tpu.memref_slice %arg2[%dma_wait3A_123, %dma_wait3A_124] : memref<10000x128xf32, #tpu.memory_space<hbm>> -> memref<10000x128xf32, #tpu.memory_space<hbm>>
        tpu.wait_indirect_dma semaphore(%arg15 : memref<!tpu.dma_semaphore, #tpu.memory_space<semaphore_mem>>) src(%dma_wait3A_125 : memref<10000x128xf32, #tpu.memory_space<hbm>>) dst(%arg11 : memref<128x128xf32, #tpu.memory_space<vmem>>)
        %gt3A_126 = arith.constant 0 : i32
        %gt3A_127 = arith.cmpi sgt, %add3A_118, %gt3A_126 : i32
        %convert_element_type3A_128 = arith.extui %gt3A_127 : i1 to i32
        %cond3A_129 = arith.constant 0 : i32
        %cond3A_130 = arith.cmpi ne, %convert_element_type3A_128, %cond3A_129 : i32
        scf.if %cond3A_130 {
          %dma_wait3A_162 = arith.constant 0 : i32
          %dma_wait3A_163 = arith.constant 0 : i32
          %dma_wait3A_164 = tpu.memref_slice %arg9[%dma_wait3A_162, %dma_wait3A_163] : memref<8x128xi32, #tpu.memory_space<vmem>> -> memref<1x128xi32, #tpu.memory_space<vmem>>
          %dma_wait3A_165 = tpu.memref_squeeze %dma_wait3A_164 : memref<1x128xi32, #tpu.memory_space<vmem>> -> memref<128xi32, #tpu.memory_space<vmem>>
          %dma_wait3A_166 = arith.constant 0 : i32
          %dma_wait3A_167 = arith.constant 0 : i32
          %dma_wait3A_168 = tpu.memref_slice %arg13[%dma_wait3A_166, %dma_wait3A_167] : memref<10112x128xf32, #tpu.memory_space<vmem_shared>> -> memref<10112x128xf32, #tpu.memory_space<vmem_shared>>
          tpu.wait_indirect_dma semaphore(%arg16 : memref<!tpu.dma_semaphore, #tpu.memory_space<semaphore_mem>>) src(%arg10 : memref<128x128xf32, #tpu.memory_space<vmem>>) dst(%dma_wait3A_168 : memref<10112x128xf32, #tpu.memory_space<vmem_shared>>)
        } else {
        }
        %eq3A_131 = arith.constant 0 : i32
        %eq3A_132 = arith.cmpi eq, %add3A_115, %eq3A_131 : i32
        %add3A_133 = arith.constant 1 : i32
        %add3A_134 = arith.addi %add3A_50, %add3A_133 : i32
        %lt3A_135 = arith.constant 2 : i32
        %lt3A_136 = arith.cmpi slt, %add3A_134, %lt3A_135 : i32
        %and3A_137 = arith.andi %eq3A_132, %lt3A_136 : i1
        %convert_element_type3A_138 = arith.extui %and3A_137 : i1 to i32
        %cond3A_139 = arith.constant 0 : i32
        %cond3A_140 = arith.cmpi ne, %convert_element_type3A_138, %cond3A_139 : i32
        scf.if %cond3A_140 {
          %add3A_162 = arith.constant 1 : i32
          %add3A_163 = arith.addi %add3A_50, %add3A_162 : i32
          %mul3A_164 = arith.constant 8 : i32
          %mul3A_165 = arith.muli %add3A_163, %mul3A_164 : i32
          %add3A_166 = arith.addi %add3A_28, %mul3A_165 : i32
          %dma_start3A_167 = arith.constant 0 : i32
          %dma_start3A_168 = tpu.memref_slice %arg3[%add3A_166, %dma_start3A_167] : memref<2560x128xi32, #tpu.memory_space<hbm>> -> memref<8x128xi32, #tpu.memory_space<hbm>>
          %dma_start3A_169 = arith.constant 0 : i32
          %dma_start3A_170 = tpu.memref_slice %arg3[%add3A_166, %dma_start3A_169] : memref<2560x128xi32, #tpu.memory_space<hbm>> -> memref<8x128xi32, #tpu.memory_space<hbm>>
          tpu.enqueue_dma source(%dma_start3A_170 : memref<8x128xi32, #tpu.memory_space<hbm>>) target(%arg6 : memref<8x128xi32, #tpu.memory_space<vmem>>) target_semaphore(%arg18 : memref<!tpu.dma_semaphore, #tpu.memory_space<semaphore_mem>>)
          %dma_start3A_171 = arith.constant 0 : i32
          %dma_start3A_172 = tpu.memref_slice %arg4[%add3A_166, %dma_start3A_171] : memref<2560x128xi32, #tpu.memory_space<hbm>> -> memref<8x128xi32, #tpu.memory_space<hbm>>
          %dma_start3A_173 = arith.constant 0 : i32
          %dma_start3A_174 = tpu.memref_slice %arg4[%add3A_166, %dma_start3A_173] : memref<2560x128xi32, #tpu.memory_space<hbm>> -> memref<8x128xi32, #tpu.memory_space<hbm>>
          tpu.enqueue_dma source(%dma_start3A_174 : memref<8x128xi32, #tpu.memory_space<hbm>>) target(%arg8 : memref<8x128xi32, #tpu.memory_space<vmem>>) target_semaphore(%arg18 : memref<!tpu.dma_semaphore, #tpu.memory_space<semaphore_mem>>)
        } else {
        }
        %lt3A_141 = arith.constant 7 : i32
        %lt3A_142 = arith.cmpi slt, %add3A_115, %lt3A_141 : i32
        %convert_element_type3A_143 = arith.extui %lt3A_142 : i1 to i32
        %cond3A_144 = arith.constant 0 : i32
        %cond3A_145 = arith.cmpi ne, %convert_element_type3A_143, %cond3A_144 : i32
        scf.if %cond3A_145 {
          %add3A_162 = arith.constant 1 : i32
          %add3A_163 = arith.addi %add3A_115, %add3A_162 : i32
          %dma_start3A_164 = arith.constant 0 : i32
          %dma_start3A_165 = tpu.memref_slice %arg7[%add3A_163, %dma_start3A_164] : memref<8x128xi32, #tpu.memory_space<vmem>> -> memref<1x128xi32, #tpu.memory_space<vmem>>
          %dma_start3A_166 = tpu.memref_squeeze %dma_start3A_165 : memref<1x128xi32, #tpu.memory_space<vmem>> -> memref<128xi32, #tpu.memory_space<vmem>>
          %dma_start3A_167 = arith.constant 0 : i32
          %dma_start3A_168 = arith.constant 0 : i32
          %dma_start3A_169 = tpu.memref_slice %arg2[%dma_start3A_167, %dma_start3A_168] : memref<10000x128xf32, #tpu.memory_space<hbm>> -> memref<10000x128xf32, #tpu.memory_space<hbm>>
          tpu.enqueue_indirect_dma source(%dma_start3A_169 : memref<10000x128xf32, #tpu.memory_space<hbm>>) target(%arg10 : memref<128x128xf32, #tpu.memory_space<vmem>>) offsets(%dma_start3A_166 : memref<128xi32, #tpu.memory_space<vmem>>) semaphore(%arg14 : memref<!tpu.dma_semaphore, #tpu.memory_space<semaphore_mem>>)
        } else {
        }
        %eq3A_146 = arith.constant 7 : i32
        %eq3A_147 = arith.cmpi eq, %add3A_115, %eq3A_146 : i32
        %add3A_148 = arith.constant 1 : i32
        %add3A_149 = arith.addi %add3A_50, %add3A_148 : i32
        %lt3A_150 = arith.constant 2 : i32
        %lt3A_151 = arith.cmpi slt, %add3A_149, %lt3A_150 : i32
        %and3A_152 = arith.andi %eq3A_147, %lt3A_151 : i1
        %convert_element_type3A_153 = arith.extui %and3A_152 : i1 to i32
        %cond3A_154 = arith.constant 0 : i32
        %cond3A_155 = arith.cmpi ne, %convert_element_type3A_153, %cond3A_154 : i32
        scf.if %cond3A_155 {
          %dma_wait3A_162 = arith.constant 0 : i32
          %dma_wait3A_163 = arith.constant 0 : i32
          %dma_wait3A_164 = tpu.memref_slice %arg3[%dma_wait3A_162, %dma_wait3A_163] : memref<2560x128xi32, #tpu.memory_space<hbm>> -> memref<8x128xi32, #tpu.memory_space<hbm>>
          %dma_wait3A_165 = arith.constant 0 : i32
          %dma_wait3A_166 = arith.constant 0 : i32
          %dma_wait3A_167 = tpu.memref_slice %arg3[%dma_wait3A_165, %dma_wait3A_166] : memref<2560x128xi32, #tpu.memory_space<hbm>> -> memref<8x128xi32, #tpu.memory_space<hbm>>
          tpu.wait_dma2 semaphore(%arg18 : memref<!tpu.dma_semaphore, #tpu.memory_space<semaphore_mem>>) src(%dma_wait3A_167 : memref<8x128xi32, #tpu.memory_space<hbm>>) dst(%arg6 : memref<8x128xi32, #tpu.memory_space<vmem>>)
          %dma_wait3A_168 = arith.constant 0 : i32
          %dma_wait3A_169 = arith.constant 0 : i32
          %dma_wait3A_170 = tpu.memref_slice %arg4[%dma_wait3A_168, %dma_wait3A_169] : memref<2560x128xi32, #tpu.memory_space<hbm>> -> memref<8x128xi32, #tpu.memory_space<hbm>>
          %dma_wait3A_171 = arith.constant 0 : i32
          %dma_wait3A_172 = arith.constant 0 : i32
          %dma_wait3A_173 = tpu.memref_slice %arg4[%dma_wait3A_171, %dma_wait3A_172] : memref<2560x128xi32, #tpu.memory_space<hbm>> -> memref<8x128xi32, #tpu.memory_space<hbm>>
          tpu.wait_dma2 semaphore(%arg18 : memref<!tpu.dma_semaphore, #tpu.memory_space<semaphore_mem>>) src(%dma_wait3A_173 : memref<8x128xi32, #tpu.memory_space<hbm>>) dst(%arg8 : memref<8x128xi32, #tpu.memory_space<vmem>>)
          %dma_start3A_174 = arith.constant 0 : i32
          %dma_start3A_175 = arith.constant 0 : i32
          %dma_start3A_176 = tpu.memref_slice %arg6[%dma_start3A_174, %dma_start3A_175] : memref<8x128xi32, #tpu.memory_space<vmem>> -> memref<1x128xi32, #tpu.memory_space<vmem>>
          %dma_start3A_177 = tpu.memref_squeeze %dma_start3A_176 : memref<1x128xi32, #tpu.memory_space<vmem>> -> memref<128xi32, #tpu.memory_space<vmem>>
          %dma_start3A_178 = arith.constant 0 : i32
          %dma_start3A_179 = arith.constant 0 : i32
          %dma_start3A_180 = tpu.memref_slice %arg2[%dma_start3A_178, %dma_start3A_179] : memref<10000x128xf32, #tpu.memory_space<hbm>> -> memref<10000x128xf32, #tpu.memory_space<hbm>>
          tpu.enqueue_indirect_dma source(%dma_start3A_180 : memref<10000x128xf32, #tpu.memory_space<hbm>>) target(%arg10 : memref<128x128xf32, #tpu.memory_space<vmem>>) offsets(%dma_start3A_177 : memref<128xi32, #tpu.memory_space<vmem>>) semaphore(%arg14 : memref<!tpu.dma_semaphore, #tpu.memory_space<semaphore_mem>>)
        } else {
        }
        %dma_start3A_156 = arith.constant 0 : i32
        %dma_start3A_157 = tpu.memref_slice %arg9[%add3A_115, %dma_start3A_156] : memref<8x128xi32, #tpu.memory_space<vmem>> -> memref<1x128xi32, #tpu.memory_space<vmem>>
        %dma_start3A_158 = tpu.memref_squeeze %dma_start3A_157 : memref<1x128xi32, #tpu.memory_space<vmem>> -> memref<128xi32, #tpu.memory_space<vmem>>
        %dma_start3A_159 = arith.constant 0 : i32
        %dma_start3A_160 = arith.constant 0 : i32
        %dma_start3A_161 = tpu.memref_slice %arg13[%dma_start3A_159, %dma_start3A_160] : memref<10112x128xf32, #tpu.memory_space<vmem_shared>> -> memref<10112x128xf32, #tpu.memory_space<vmem_shared>>
        tpu.enqueue_indirect_dma source(%arg11 : memref<128x128xf32, #tpu.memory_space<vmem>>) target(%dma_start3A_161 : memref<10112x128xf32, #tpu.memory_space<vmem_shared>>) offsets(%dma_start3A_158 : memref<128xi32, #tpu.memory_space<vmem>>) semaphore(%arg17 : memref<!tpu.dma_semaphore, #tpu.memory_space<semaphore_mem>>) {add = true}
      }
      %scan3A_56 = arith.constant 4 : i32
      %scan3A_57 = arith.constant 1 : i32
      %dma_wait3A = arith.constant 0 : i32
      %dma_wait3A_58 = arith.constant 0 : i32
      %dma_wait3A_59 = tpu.memref_slice %arg8[%dma_wait3A, %dma_wait3A_58] : memref<8x128xi32, #tpu.memory_space<vmem>> -> memref<1x128xi32, #tpu.memory_space<vmem>>
      %dma_wait3A_60 = tpu.memref_squeeze %dma_wait3A_59 : memref<1x128xi32, #tpu.memory_space<vmem>> -> memref<128xi32, #tpu.memory_space<vmem>>
      %dma_wait3A_61 = arith.constant 0 : i32
      %dma_wait3A_62 = arith.constant 0 : i32
      %dma_wait3A_63 = tpu.memref_slice %arg13[%dma_wait3A_61, %dma_wait3A_62] : memref<10112x128xf32, #tpu.memory_space<vmem_shared>> -> memref<10112x128xf32, #tpu.memory_space<vmem_shared>>
      tpu.wait_indirect_dma semaphore(%arg17 : memref<!tpu.dma_semaphore, #tpu.memory_space<semaphore_mem>>) src(%arg11 : memref<128x128xf32, #tpu.memory_space<vmem>>) dst(%dma_wait3A_63 : memref<10112x128xf32, #tpu.memory_space<vmem_shared>>)
    } else {
    }
    %barrier3A_20 = arith.constant 0 : index
    tpu.barrier barrier_id(%barrier3A_20)
    %mul3A_21 = arith.constant 632 : i32
    %mul3A_22 = arith.muli %arg1, %mul3A_21 : i32
    %mul3A_23 = arith.constant 632 : i32
    %mul3A_24 = arith.muli %arg1, %mul3A_23 : i32
    "tpu.region"() ({
      %run_scoped3A = tpu.sem_alloc : memref<!tpu.dma_semaphore, #tpu.memory_space<semaphore_mem>>
      %dma_start3A = arith.constant 0 : i32
      %dma_start3A_25 = tpu.memref_slice %arg5[%arg0, %mul3A_24, %dma_start3A] : memref<2x10112x128xf32, #tpu.memory_space<hbm>> -> memref<1x632x128xf32, #tpu.memory_space<hbm>>
      %dma_start3A_26 = tpu.memref_squeeze %dma_start3A_25 : memref<1x632x128xf32, #tpu.memory_space<hbm>> -> memref<632x128xf32, #tpu.memory_space<hbm>>
      %dma_start3A_27 = arith.constant 0 : i32
      %dma_start3A_28 = tpu.memref_slice %arg13[%mul3A_22, %dma_start3A_27] : memref<10112x128xf32, #tpu.memory_space<vmem_shared>> -> memref<632x128xf32, #tpu.memory_space<vmem_shared>>
      tpu.enqueue_dma source(%dma_start3A_28 : memref<632x128xf32, #tpu.memory_space<vmem_shared>>) target(%dma_start3A_26 : memref<632x128xf32, #tpu.memory_space<hbm>>) target_semaphore(%run_scoped3A : memref<!tpu.dma_semaphore, #tpu.memory_space<semaphore_mem>>)
      %dma_wait3A = arith.constant 0 : i32
      %dma_wait3A_29 = tpu.memref_slice %arg5[%arg0, %mul3A_24, %dma_wait3A] : memref<2x10112x128xf32, #tpu.memory_space<hbm>> -> memref<1x632x128xf32, #tpu.memory_space<hbm>>
      %dma_wait3A_30 = tpu.memref_squeeze %dma_wait3A_29 : memref<1x632x128xf32, #tpu.memory_space<hbm>> -> memref<632x128xf32, #tpu.memory_space<hbm>>
      %dma_wait3A_31 = arith.constant 0 : i32
      %dma_wait3A_32 = tpu.memref_slice %arg13[%mul3A_22, %dma_wait3A_31] : memref<10112x128xf32, #tpu.memory_space<vmem_shared>> -> memref<632x128xf32, #tpu.memory_space<vmem_shared>>
      tpu.wait_dma2 semaphore(%run_scoped3A : memref<!tpu.dma_semaphore, #tpu.memory_space<semaphore_mem>>) src(%dma_wait3A_32 : memref<632x128xf32, #tpu.memory_space<vmem_shared>>) dst(%dma_wait3A_30 : memref<632x128xf32, #tpu.memory_space<hbm>>)
      tpu.yield
    }) : () -> ()
    return
  }
}

#map = affine_map<(d0, d1) -> (0, 0)>
#map1 = affine_map<(d0, d1) -> (0, 0, 0)>
module attributes {stable_mosaic.version = 14 : i64} {
  func.func @_segsum(%arg0: i32, %arg1: i32, %arg2: memref<10000x128xf32, #tpu.memory_space<hbm>>, %arg3: memref<2560x128xi32, #tpu.memory_space<hbm>>, %arg4: memref<2560x128xi32, #tpu.memory_space<hbm>>, %arg5: memref<2x10112x128xf32, #tpu.memory_space<hbm>>, %arg6: memref<8x128xi32, #tpu.memory_space<vmem>>, %arg7: memref<8x128xi32, #tpu.memory_space<vmem>>, %arg8: memref<8x128xi32, #tpu.memory_space<vmem>>, %arg9: memref<8x128xi32, #tpu.memory_space<vmem>>, %arg10: memref<128x128xf32, #tpu.memory_space<vmem>>, %arg11: memref<128x128xf32, #tpu.memory_space<vmem>>, %arg12: memref<40x128xf32, #tpu.memory_space<vmem>>, %arg13: memref<10112x128xf32, #tpu.memory_space<vmem_shared>>, %arg14: memref<!tpu.dma_semaphore, #tpu.memory_space<semaphore_mem>>, %arg15: memref<!tpu.dma_semaphore, #tpu.memory_space<semaphore_mem>>, %arg16: memref<!tpu.dma_semaphore, #tpu.memory_space<semaphore_mem>>, %arg17: memref<!tpu.dma_semaphore, #tpu.memory_space<semaphore_mem>>, %arg18: memref<!tpu.dma_semaphore, #tpu.memory_space<semaphore_mem>>) attributes {dimension_semantics = [#tpu.dimension_semantics<core_parallel>, #tpu.dimension_semantics<subcore_parallel>], iteration_bounds = array<i64: 2, 16>, scalar_prefetch = 0 : i64, scratch_operands = 13 : i64, tpu.core_type = #tpu.core_type<sc_vector_subcore>, window_params = [{transform_indices = #map}, {transform_indices = #map}, {transform_indices = #map}, {transform_indices = #map1}]} {
    %scan3A = arith.constant 0 : i32
    %scan3A_0 = arith.constant 0 : i32
    %scan3A_1 = arith.constant 40 : i32
    %scan3A_2 = arith.addi %scan3A_0, %scan3A_1 : i32
    %scan3A_3 = arith.constant 1 : i32
    scf.for %scan3A_25 = %scan3A_0 to %scan3A_2 step %scan3A_3  : i32 {
      %broadcast_in_dim3A = arith.constant 0.000000e+00 : f32
      %broadcast_in_dim3A_26 = vector.broadcast %broadcast_in_dim3A : f32 to vector<16xf32>
      %swap3A = arith.index_cast %scan3A_25 : i32 to index
      %swap3A_27 = arith.constant 0 : index
      %swap3A_28 = tpu.vector_load %arg12[%swap3A, %swap3A_27] {strides = array<i32>} : memref<40x128xf32, #tpu.memory_space<vmem>>, vector<1x16xf32>,
      %swap3A_29 = vector.shape_cast %swap3A_28 : vector<1x16xf32> to vector<16xf32>
      %swap3A_30 = vector.shape_cast %broadcast_in_dim3A_26 : vector<16xf32> to vector<1x16xf32>
      tpu.vector_store %arg12[%swap3A, %swap3A_27], %swap3A_30 {strides = array<i32>} : memref<40x128xf32, #tpu.memory_space<vmem>>, vector<1x16xf32>,
      %broadcast_in_dim3A_31 = arith.constant 0.000000e+00 : f32
      %broadcast_in_dim3A_32 = vector.broadcast %broadcast_in_dim3A_31 : f32 to vector<16xf32>
      %swap3A_33 = arith.index_cast %scan3A_25 : i32 to index
      %swap3A_34 = arith.constant 16 : index
      %swap3A_35 = tpu.vector_load %arg12[%swap3A_33, %swap3A_34] {strides = array<i32>} : memref<40x128xf32, #tpu.memory_space<vmem>>, vector<1x16xf32>,
      %swap3A_36 = vector.shape_cast %swap3A_35 : vector<1x16xf32> to vector<16xf32>
      %swap3A_37 = vector.shape_cast %broadcast_in_dim3A_32 : vector<16xf32> to vector<1x16xf32>
      tpu.vector_store %arg12[%swap3A_33, %swap3A_34], %swap3A_37 {strides = array<i32>} : memref<40x128xf32, #tpu.memory_space<vmem>>, vector<1x16xf32>,
      %broadcast_in_dim3A_38 = arith.constant 0.000000e+00 : f32
      %broadcast_in_dim3A_39 = vector.broadcast %broadcast_in_dim3A_38 : f32 to vector<16xf32>
      %swap3A_40 = arith.index_cast %scan3A_25 : i32 to index
      %swap3A_41 = arith.constant 32 : index
      %swap3A_42 = tpu.vector_load %arg12[%swap3A_40, %swap3A_41] {strides = array<i32>} : memref<40x128xf32, #tpu.memory_space<vmem>>, vector<1x16xf32>,
      %swap3A_43 = vector.shape_cast %swap3A_42 : vector<1x16xf32> to vector<16xf32>
      %swap3A_44 = vector.shape_cast %broadcast_in_dim3A_39 : vector<16xf32> to vector<1x16xf32>
      tpu.vector_store %arg12[%swap3A_40, %swap3A_41], %swap3A_44 {strides = array<i32>} : memref<40x128xf32, #tpu.memory_space<vmem>>, vector<1x16xf32>,
      %broadcast_in_dim3A_45 = arith.constant 0.000000e+00 : f32
      %broadcast_in_dim3A_46 = vector.broadcast %broadcast_in_dim3A_45 : f32 to vector<16xf32>
      %swap3A_47 = arith.index_cast %scan3A_25 : i32 to index
      %swap3A_48 = arith.constant 48 : index
      %swap3A_49 = tpu.vector_load %arg12[%swap3A_47, %swap3A_48] {strides = array<i32>} : memref<40x128xf32, #tpu.memory_space<vmem>>, vector<1x16xf32>,
      %swap3A_50 = vector.shape_cast %swap3A_49 : vector<1x16xf32> to vector<16xf32>
      %swap3A_51 = vector.shape_cast %broadcast_in_dim3A_46 : vector<16xf32> to vector<1x16xf32>
      tpu.vector_store %arg12[%swap3A_47, %swap3A_48], %swap3A_51 {strides = array<i32>} : memref<40x128xf32, #tpu.memory_space<vmem>>, vector<1x16xf32>,
      %broadcast_in_dim3A_52 = arith.constant 0.000000e+00 : f32
      %broadcast_in_dim3A_53 = vector.broadcast %broadcast_in_dim3A_52 : f32 to vector<16xf32>
      %swap3A_54 = arith.index_cast %scan3A_25 : i32 to index
      %swap3A_55 = arith.constant 64 : index
      %swap3A_56 = tpu.vector_load %arg12[%swap3A_54, %swap3A_55] {strides = array<i32>} : memref<40x128xf32, #tpu.memory_space<vmem>>, vector<1x16xf32>,
      %swap3A_57 = vector.shape_cast %swap3A_56 : vector<1x16xf32> to vector<16xf32>
      %swap3A_58 = vector.shape_cast %broadcast_in_dim3A_53 : vector<16xf32> to vector<1x16xf32>
      tpu.vector_store %arg12[%swap3A_54, %swap3A_55], %swap3A_58 {strides = array<i32>} : memref<40x128xf32, #tpu.memory_space<vmem>>, vector<1x16xf32>,
      %broadcast_in_dim3A_59 = arith.constant 0.000000e+00 : f32
      %broadcast_in_dim3A_60 = vector.broadcast %broadcast_in_dim3A_59 : f32 to vector<16xf32>
      %swap3A_61 = arith.index_cast %scan3A_25 : i32 to index
      %swap3A_62 = arith.constant 80 : index
      %swap3A_63 = tpu.vector_load %arg12[%swap3A_61, %swap3A_62] {strides = array<i32>} : memref<40x128xf32, #tpu.memory_space<vmem>>, vector<1x16xf32>,
      %swap3A_64 = vector.shape_cast %swap3A_63 : vector<1x16xf32> to vector<16xf32>
      %swap3A_65 = vector.shape_cast %broadcast_in_dim3A_60 : vector<16xf32> to vector<1x16xf32>
      tpu.vector_store %arg12[%swap3A_61, %swap3A_62], %swap3A_65 {strides = array<i32>} : memref<40x128xf32, #tpu.memory_space<vmem>>, vector<1x16xf32>,
      %broadcast_in_dim3A_66 = arith.constant 0.000000e+00 : f32
      %broadcast_in_dim3A_67 = vector.broadcast %broadcast_in_dim3A_66 : f32 to vector<16xf32>
      %swap3A_68 = arith.index_cast %scan3A_25 : i32 to index
      %swap3A_69 = arith.constant 96 : index
      %swap3A_70 = tpu.vector_load %arg12[%swap3A_68, %swap3A_69] {strides = array<i32>} : memref<40x128xf32, #tpu.memory_space<vmem>>, vector<1x16xf32>,
      %swap3A_71 = vector.shape_cast %swap3A_70 : vector<1x16xf32> to vector<16xf32>
      %swap3A_72 = vector.shape_cast %broadcast_in_dim3A_67 : vector<16xf32> to vector<1x16xf32>
      tpu.vector_store %arg12[%swap3A_68, %swap3A_69], %swap3A_72 {strides = array<i32>} : memref<40x128xf32, #tpu.memory_space<vmem>>, vector<1x16xf32>,
      %broadcast_in_dim3A_73 = arith.constant 0.000000e+00 : f32
      %broadcast_in_dim3A_74 = vector.broadcast %broadcast_in_dim3A_73 : f32 to vector<16xf32>
      %swap3A_75 = arith.index_cast %scan3A_25 : i32 to index
      %swap3A_76 = arith.constant 112 : index
      %swap3A_77 = tpu.vector_load %arg12[%swap3A_75, %swap3A_76] {strides = array<i32>} : memref<40x128xf32, #tpu.memory_space<vmem>>, vector<1x16xf32>,
      %swap3A_78 = vector.shape_cast %swap3A_77 : vector<1x16xf32> to vector<16xf32>
      %swap3A_79 = vector.shape_cast %broadcast_in_dim3A_74 : vector<16xf32> to vector<1x16xf32>
      tpu.vector_store %arg12[%swap3A_75, %swap3A_76], %swap3A_79 {strides = array<i32>} : memref<40x128xf32, #tpu.memory_space<vmem>>, vector<1x16xf32>,
    }
    %scan3A_4 = arith.constant 40 : i32
    %scan3A_5 = arith.constant 0 : i32
    %scan3A_6 = arith.constant 0 : i32
    %scan3A_7 = arith.constant 15 : i32
    %scan3A_8 = arith.addi %scan3A_6, %scan3A_7 : i32
    %scan3A_9 = arith.constant 1 : i32
    scf.for %scan3A_25 = %scan3A_6 to %scan3A_8 step %scan3A_9  : i32 {
      %mul3A_26 = arith.constant 632 : i32
      %mul3A_27 = arith.muli %arg1, %mul3A_26 : i32
      %mul3A_28 = arith.constant 40 : i32
      %mul3A_29 = arith.muli %scan3A_25, %mul3A_28 : i32
      %add3A_30 = arith.addi %mul3A_27, %mul3A_29 : i32
      "tpu.region"() ({
        %run_scoped3A = tpu.sem_alloc : memref<!tpu.dma_semaphore, #tpu.memory_space<semaphore_mem>>
        %dma_start3A = arith.constant 0 : i32
        %dma_start3A_31 = tpu.memref_slice %arg13[%add3A_30, %dma_start3A] : memref<10112x128xf32, #tpu.memory_space<vmem_shared>> -> memref<40x128xf32, #tpu.memory_space<vmem_shared>>
        %dma_start3A_32 = arith.constant 0 : i32
        %dma_start3A_33 = tpu.memref_slice %arg13[%add3A_30, %dma_start3A_32] : memref<10112x128xf32, #tpu.memory_space<vmem_shared>> -> memref<40x128xf32, #tpu.memory_space<vmem_shared>>
        tpu.enqueue_dma source(%arg12 : memref<40x128xf32, #tpu.memory_space<vmem>>) target(%dma_start3A_33 : memref<40x128xf32, #tpu.memory_space<vmem_shared>>) target_semaphore(%run_scoped3A : memref<!tpu.dma_semaphore, #tpu.memory_space<semaphore_mem>>)
        %dma_wait3A = arith.constant 0 : i32
        %dma_wait3A_34 = tpu.memref_slice %arg13[%add3A_30, %dma_wait3A] : memref<10112x128xf32, #tpu.memory_space<vmem_shared>> -> memref<40x128xf32, #tpu.memory_space<vmem_shared>>
        %dma_wait3A_35 = arith.constant 0 : i32
        %dma_wait3A_36 = tpu.memref_slice %arg13[%add3A_30, %dma_wait3A_35] : memref<10112x128xf32, #tpu.memory_space<vmem_shared>> -> memref<40x128xf32, #tpu.memory_space<vmem_shared>>
        tpu.wait_dma2 semaphore(%run_scoped3A : memref<!tpu.dma_semaphore, #tpu.memory_space<semaphore_mem>>) src(%arg12 : memref<40x128xf32, #tpu.memory_space<vmem>>) dst(%dma_wait3A_36 : memref<40x128xf32, #tpu.memory_space<vmem_shared>>)
        tpu.yield
      }) : () -> ()
    }
    %scan3A_10 = arith.constant 15 : i32
    %mul3A = arith.constant 632 : i32
    %mul3A_11 = arith.muli %arg1, %mul3A : i32
    %add3A = arith.constant 600 : i32
    %add3A_12 = arith.addi %mul3A_11, %add3A : i32
    "tpu.region"() ({
      %run_scoped3A = tpu.sem_alloc : memref<!tpu.dma_semaphore, #tpu.memory_space<semaphore_mem>>
      %dma_start3A = arith.constant 0 : i32
      %dma_start3A_25 = arith.constant 0 : i32
      %dma_start3A_26 = tpu.memref_slice %arg12[%dma_start3A, %dma_start3A_25] : memref<40x128xf32, #tpu.memory_space<vmem>> -> memref<32x128xf32, #tpu.memory_space<vmem>>
      %dma_start3A_27 = arith.constant 0 : i32
      %dma_start3A_28 = tpu.memref_slice %arg13[%add3A_12, %dma_start3A_27] : memref<10112x128xf32, #tpu.memory_space<vmem_shared>> -> memref<32x128xf32, #tpu.memory_space<vmem_shared>>
      %dma_start3A_29 = arith.constant 0 : i32
      %dma_start3A_30 = tpu.memref_slice %arg13[%add3A_12, %dma_start3A_29] : memref<10112x128xf32, #tpu.memory_space<vmem_shared>> -> memref<32x128xf32, #tpu.memory_space<vmem_shared>>
      %dma_start3A_31 = arith.constant 0 : i32
      %dma_start3A_32 = arith.constant 0 : i32
      %dma_start3A_33 = tpu.memref_slice %arg12[%dma_start3A_31, %dma_start3A_32] : memref<40x128xf32, #tpu.memory_space<vmem>> -> memref<32x128xf32, #tpu.memory_space<vmem>>
      tpu.enqueue_dma source(%dma_start3A_33 : memref<32x128xf32, #tpu.memory_space<vmem>>) target(%dma_start3A_30 : memref<32x128xf32, #tpu.memory_space<vmem_shared>>) target_semaphore(%run_scoped3A : memref<!tpu.dma_semaphore, #tpu.memory_space<semaphore_mem>>)
      %dma_wait3A = arith.constant 0 : i32
      %dma_wait3A_34 = arith.constant 0 : i32
      %dma_wait3A_35 = tpu.memref_slice %arg12[%dma_wait3A, %dma_wait3A_34] : memref<40x128xf32, #tpu.memory_space<vmem>> -> memref<32x128xf32, #tpu.memory_space<vmem>>
      %dma_wait3A_36 = arith.constant 0 : i32
      %dma_wait3A_37 = tpu.memref_slice %arg13[%add3A_12, %dma_wait3A_36] : memref<10112x128xf32, #tpu.memory_space<vmem_shared>> -> memref<32x128xf32, #tpu.memory_space<vmem_shared>>
      %dma_wait3A_38 = arith.constant 0 : i32
      %dma_wait3A_39 = tpu.memref_slice %arg13[%add3A_12, %dma_wait3A_38] : memref<10112x128xf32, #tpu.memory_space<vmem_shared>> -> memref<32x128xf32, #tpu.memory_space<vmem_shared>>
      %dma_wait3A_40 = arith.constant 0 : i32
      %dma_wait3A_41 = arith.constant 0 : i32
      %dma_wait3A_42 = tpu.memref_slice %arg12[%dma_wait3A_40, %dma_wait3A_41] : memref<40x128xf32, #tpu.memory_space<vmem>> -> memref<32x128xf32, #tpu.memory_space<vmem>>
      tpu.wait_dma2 semaphore(%run_scoped3A : memref<!tpu.dma_semaphore, #tpu.memory_space<semaphore_mem>>) src(%dma_wait3A_42 : memref<32x128xf32, #tpu.memory_space<vmem>>) dst(%dma_wait3A_39 : memref<32x128xf32, #tpu.memory_space<vmem_shared>>)
      tpu.yield
    }) : () -> ()
    %barrier3A = arith.constant 0 : index
    tpu.barrier barrier_id(%barrier3A)
    %eq3A = arith.constant 0 : i32
    %eq3A_13 = arith.cmpi eq, %arg0, %eq3A : i32
    %convert_element_type3A = arith.extui %eq3A_13 : i1 to i32
    %cond3A = arith.constant 0 : i32
    %cond3A_14 = arith.cmpi ne, %convert_element_type3A, %cond3A : i32
    scf.if %cond3A_14 {
      %mul3A_25 = arith.constant 144 : i32
      %mul3A_26 = arith.muli %arg1, %mul3A_25 : i32
      "tpu.region"() ({
        %run_scoped3A = tpu.sem_alloc : memref<!tpu.dma_semaphore, #tpu.memory_space<semaphore_mem>>
        %dma_start3A_45 = arith.constant 0 : i32
        %dma_start3A_46 = tpu.memref_slice %arg3[%mul3A_26, %dma_start3A_45] : memref<2560x128xi32, #tpu.memory_space<hbm>> -> memref<8x128xi32, #tpu.memory_space<hbm>>
        %dma_start3A_47 = arith.constant 0 : i32
        %dma_start3A_48 = tpu.memref_slice %arg3[%mul3A_26, %dma_start3A_47] : memref<2560x128xi32, #tpu.memory_space<hbm>> -> memref<8x128xi32, #tpu.memory_space<hbm>>
        tpu.enqueue_dma source(%dma_start3A_48 : memref<8x128xi32, #tpu.memory_space<hbm>>) target(%arg6 : memref<8x128xi32, #tpu.memory_space<vmem>>) target_semaphore(%run_scoped3A : memref<!tpu.dma_semaphore, #tpu.memory_space<semaphore_mem>>)
        %dma_wait3A_49 = arith.constant 0 : i32
        %dma_wait3A_50 = tpu.memref_slice %arg3[%mul3A_26, %dma_wait3A_49] : memref<2560x128xi32, #tpu.memory_space<hbm>> -> memref<8x128xi32, #tpu.memory_space<hbm>>
        %dma_wait3A_51 = arith.constant 0 : i32
        %dma_wait3A_52 = tpu.memref_slice %arg3[%mul3A_26, %dma_wait3A_51] : memref<2560x128xi32, #tpu.memory_space<hbm>> -> memref<8x128xi32, #tpu.memory_space<hbm>>
        tpu.wait_dma2 semaphore(%run_scoped3A : memref<!tpu.dma_semaphore, #tpu.memory_space<semaphore_mem>>) src(%dma_wait3A_52 : memref<8x128xi32, #tpu.memory_space<hbm>>) dst(%arg6 : memref<8x128xi32, #tpu.memory_space<vmem>>)
        tpu.yield
      }) : () -> ()
      "tpu.region"() ({
        %run_scoped3A = tpu.sem_alloc : memref<!tpu.dma_semaphore, #tpu.memory_space<semaphore_mem>>
        %dma_start3A_45 = arith.constant 0 : i32
        %dma_start3A_46 = tpu.memref_slice %arg4[%mul3A_26, %dma_start3A_45] : memref<2560x128xi32, #tpu.memory_space<hbm>> -> memref<8x128xi32, #tpu.memory_space<hbm>>
        %dma_start3A_47 = arith.constant 0 : i32
        %dma_start3A_48 = tpu.memref_slice %arg4[%mul3A_26, %dma_start3A_47] : memref<2560x128xi32, #tpu.memory_space<hbm>> -> memref<8x128xi32, #tpu.memory_space<hbm>>
        tpu.enqueue_dma source(%dma_start3A_48 : memref<8x128xi32, #tpu.memory_space<hbm>>) target(%arg8 : memref<8x128xi32, #tpu.memory_space<vmem>>) target_semaphore(%run_scoped3A : memref<!tpu.dma_semaphore, #tpu.memory_space<semaphore_mem>>)
        %dma_wait3A_49 = arith.constant 0 : i32
        %dma_wait3A_50 = tpu.memref_slice %arg4[%mul3A_26, %dma_wait3A_49] : memref<2560x128xi32, #tpu.memory_space<hbm>> -> memref<8x128xi32, #tpu.memory_space<hbm>>
        %dma_wait3A_51 = arith.constant 0 : i32
        %dma_wait3A_52 = tpu.memref_slice %arg4[%mul3A_26, %dma_wait3A_51] : memref<2560x128xi32, #tpu.memory_space<hbm>> -> memref<8x128xi32, #tpu.memory_space<hbm>>
        tpu.wait_dma2 semaphore(%run_scoped3A : memref<!tpu.dma_semaphore, #tpu.memory_space<semaphore_mem>>) src(%dma_wait3A_52 : memref<8x128xi32, #tpu.memory_space<hbm>>) dst(%arg8 : memref<8x128xi32, #tpu.memory_space<vmem>>)
        tpu.yield
      }) : () -> ()
      %dma_start3A = arith.constant 0 : i32
      %dma_start3A_27 = arith.constant 0 : i32
      %dma_start3A_28 = tpu.memref_slice %arg6[%dma_start3A, %dma_start3A_27] : memref<8x128xi32, #tpu.memory_space<vmem>> -> memref<1x128xi32, #tpu.memory_space<vmem>>
      %dma_start3A_29 = tpu.memref_squeeze %dma_start3A_28 : memref<1x128xi32, #tpu.memory_space<vmem>> -> memref<128xi32, #tpu.memory_space<vmem>>
      %dma_start3A_30 = arith.constant 0 : i32
      %dma_start3A_31 = arith.constant 0 : i32
      %dma_start3A_32 = tpu.memref_slice %arg2[%dma_start3A_30, %dma_start3A_31] : memref<10000x128xf32, #tpu.memory_space<hbm>> -> memref<10000x128xf32, #tpu.memory_space<hbm>>
      tpu.enqueue_indirect_dma source(%dma_start3A_32 : memref<10000x128xf32, #tpu.memory_space<hbm>>) target(%arg10 : memref<128x128xf32, #tpu.memory_space<vmem>>) offsets(%dma_start3A_29 : memref<128xi32, #tpu.memory_space<vmem>>) semaphore(%arg14 : memref<!tpu.dma_semaphore, #tpu.memory_space<semaphore_mem>>)
      %scan3A_33 = arith.constant 0 : i32
      %scan3A_34 = arith.constant 0 : i32
      %scan3A_35 = arith.constant 9 : i32
      %scan3A_36 = arith.addi %scan3A_34, %scan3A_35 : i32
      %scan3A_37 = arith.constant 1 : i32
      scf.for %scan3A_45 = %scan3A_34 to %scan3A_36 step %scan3A_37  : i32 {
        %mul3A_46 = arith.constant 2 : i32
        %mul3A_47 = arith.muli %mul3A_46, %scan3A_45 : i32
        %add3A_48 = arith.constant 0 : i32
        %add3A_49 = arith.addi %mul3A_47, %add3A_48 : i32
        %scan3A_50 = arith.constant 0 : i32
        %scan3A_51 = arith.constant 0 : i32
        %scan3A_52 = arith.constant 4 : i32
        %scan3A_53 = arith.addi %scan3A_51, %scan3A_52 : i32
        %scan3A_54 = arith.constant 1 : i32
        scf.for %scan3A_66 = %scan3A_51 to %scan3A_53 step %scan3A_54  : i32 {
          %mul3A_67 = arith.constant 2 : i32
          %mul3A_68 = arith.muli %mul3A_67, %scan3A_66 : i32
          %add3A_69 = arith.constant 0 : i32
          %add3A_70 = arith.addi %mul3A_68, %add3A_69 : i32
          %mul3A_71 = arith.constant 8 : i32
          %mul3A_72 = arith.muli %add3A_49, %mul3A_71 : i32
          %add3A_73 = arith.addi %mul3A_72, %add3A_70 : i32
          %dma_wait3A_74 = arith.constant 0 : i32
          %dma_wait3A_75 = arith.constant 0 : i32
          %dma_wait3A_76 = tpu.memref_slice %arg6[%dma_wait3A_74, %dma_wait3A_75] : memref<8x128xi32, #tpu.memory_space<vmem>> -> memref<1x128xi32, #tpu.memory_space<vmem>>
          %dma_wait3A_77 = tpu.memref_squeeze %dma_wait3A_76 : memref<1x128xi32, #tpu.memory_space<vmem>> -> memref<128xi32, #tpu.memory_space<vmem>>
          %dma_wait3A_78 = arith.constant 0 : i32
          %dma_wait3A_79 = arith.constant 0 : i32
          %dma_wait3A_80 = tpu.memref_slice %arg2[%dma_wait3A_78, %dma_wait3A_79] : memref<10000x128xf32, #tpu.memory_space<hbm>> -> memref<10000x128xf32, #tpu.memory_space<hbm>>
          tpu.wait_indirect_dma semaphore(%arg14 : memref<!tpu.dma_semaphore, #tpu.memory_space<semaphore_mem>>) src(%dma_wait3A_80 : memref<10000x128xf32, #tpu.memory_space<hbm>>) dst(%arg10 : memref<128x128xf32, #tpu.memory_space<vmem>>)
          %gt3A = arith.constant 0 : i32
          %gt3A_81 = arith.cmpi sgt, %add3A_73, %gt3A : i32
          %convert_element_type3A_82 = arith.extui %gt3A_81 : i1 to i32
          %cond3A_83 = arith.constant 0 : i32
          %cond3A_84 = arith.cmpi ne, %convert_element_type3A_82, %cond3A_83 : i32
          scf.if %cond3A_84 {
            %dma_wait3A_164 = arith.constant 0 : i32
            %dma_wait3A_165 = arith.constant 0 : i32
            %dma_wait3A_166 = tpu.memref_slice %arg8[%dma_wait3A_164, %dma_wait3A_165] : memref<8x128xi32, #tpu.memory_space<vmem>> -> memref<1x128xi32, #tpu.memory_space<vmem>>
            %dma_wait3A_167 = tpu.memref_squeeze %dma_wait3A_166 : memref<1x128xi32, #tpu.memory_space<vmem>> -> memref<128xi32, #tpu.memory_space<vmem>>
            %dma_wait3A_168 = arith.constant 0 : i32
            %dma_wait3A_169 = arith.constant 0 : i32
            %dma_wait3A_170 = tpu.memref_slice %arg13[%dma_wait3A_168, %dma_wait3A_169] : memref<10112x128xf32, #tpu.memory_space<vmem_shared>> -> memref<10112x128xf32, #tpu.memory_space<vmem_shared>>
            tpu.wait_indirect_dma semaphore(%arg17 : memref<!tpu.dma_semaphore, #tpu.memory_space<semaphore_mem>>) src(%arg11 : memref<128x128xf32, #tpu.memory_space<vmem>>) dst(%dma_wait3A_170 : memref<10112x128xf32, #tpu.memory_space<vmem_shared>>)
          } else {
          }
          %eq3A_85 = arith.constant 0 : i32
          %eq3A_86 = arith.cmpi eq, %add3A_70, %eq3A_85 : i32
          %add3A_87 = arith.constant 1 : i32
          %add3A_88 = arith.addi %add3A_49, %add3A_87 : i32
          %lt3A = arith.constant 18 : i32
          %lt3A_89 = arith.cmpi slt, %add3A_88, %lt3A : i32
          %and3A = arith.andi %eq3A_86, %lt3A_89 : i1
          %convert_element_type3A_90 = arith.extui %and3A : i1 to i32
          %cond3A_91 = arith.constant 0 : i32
          %cond3A_92 = arith.cmpi ne, %convert_element_type3A_90, %cond3A_91 : i32
          scf.if %cond3A_92 {
            %add3A_164 = arith.constant 1 : i32
            %add3A_165 = arith.addi %add3A_49, %add3A_164 : i32
            %mul3A_166 = arith.constant 8 : i32
            %mul3A_167 = arith.muli %add3A_165, %mul3A_166 : i32
            %add3A_168 = arith.addi %mul3A_26, %mul3A_167 : i32
            %dma_start3A_169 = arith.constant 0 : i32
            %dma_start3A_170 = tpu.memref_slice %arg3[%add3A_168, %dma_start3A_169] : memref<2560x128xi32, #tpu.memory_space<hbm>> -> memref<8x128xi32, #tpu.memory_space<hbm>>
            %dma_start3A_171 = arith.constant 0 : i32
            %dma_start3A_172 = tpu.memref_slice %arg3[%add3A_168, %dma_start3A_171] : memref<2560x128xi32, #tpu.memory_space<hbm>> -> memref<8x128xi32, #tpu.memory_space<hbm>>
            tpu.enqueue_dma source(%dma_start3A_172 : memref<8x128xi32, #tpu.memory_space<hbm>>) target(%arg7 : memref<8x128xi32, #tpu.memory_space<vmem>>) target_semaphore(%arg18 : memref<!tpu.dma_semaphore, #tpu.memory_space<semaphore_mem>>)
            %dma_start3A_173 = arith.constant 0 : i32
            %dma_start3A_174 = tpu.memref_slice %arg4[%add3A_168, %dma_start3A_173] : memref<2560x128xi32, #tpu.memory_space<hbm>> -> memref<8x128xi32, #tpu.memory_space<hbm>>
            %dma_start3A_175 = arith.constant 0 : i32
            %dma_start3A_176 = tpu.memref_slice %arg4[%add3A_168, %dma_start3A_175] : memref<2560x128xi32, #tpu.memory_space<hbm>> -> memref<8x128xi32, #tpu.memory_space<hbm>>
            tpu.enqueue_dma source(%dma_start3A_176 : memref<8x128xi32, #tpu.memory_space<hbm>>) target(%arg9 : memref<8x128xi32, #tpu.memory_space<vmem>>) target_semaphore(%arg18 : memref<!tpu.dma_semaphore, #tpu.memory_space<semaphore_mem>>)
          } else {
          }
          %lt3A_93 = arith.constant 7 : i32
          %lt3A_94 = arith.cmpi slt, %add3A_70, %lt3A_93 : i32
          %convert_element_type3A_95 = arith.extui %lt3A_94 : i1 to i32
          %cond3A_96 = arith.constant 0 : i32
          %cond3A_97 = arith.cmpi ne, %convert_element_type3A_95, %cond3A_96 : i32
          scf.if %cond3A_97 {
            %add3A_164 = arith.constant 1 : i32
            %add3A_165 = arith.addi %add3A_70, %add3A_164 : i32
            %dma_start3A_166 = arith.constant 0 : i32
            %dma_start3A_167 = tpu.memref_slice %arg6[%add3A_165, %dma_start3A_166] : memref<8x128xi32, #tpu.memory_space<vmem>> -> memref<1x128xi32, #tpu.memory_space<vmem>>
            %dma_start3A_168 = tpu.memref_squeeze %dma_start3A_167 : memref<1x128xi32, #tpu.memory_space<vmem>> -> memref<128xi32, #tpu.memory_space<vmem>>
            %dma_start3A_169 = arith.constant 0 : i32
            %dma_start3A_170 = arith.constant 0 : i32
            %dma_start3A_171 = tpu.memref_slice %arg2[%dma_start3A_169, %dma_start3A_170] : memref<10000x128xf32, #tpu.memory_space<hbm>> -> memref<10000x128xf32, #tpu.memory_space<hbm>>
            tpu.enqueue_indirect_dma source(%dma_start3A_171 : memref<10000x128xf32, #tpu.memory_space<hbm>>) target(%arg11 : memref<128x128xf32, #tpu.memory_space<vmem>>) offsets(%dma_start3A_168 : memref<128xi32, #tpu.memory_space<vmem>>) semaphore(%arg15 : memref<!tpu.dma_semaphore, #tpu.memory_space<semaphore_mem>>)
          } else {
          }
          %eq3A_98 = arith.constant 7 : i32
          %eq3A_99 = arith.cmpi eq, %add3A_70, %eq3A_98 : i32
          %add3A_100 = arith.constant 1 : i32
          %add3A_101 = arith.addi %add3A_49, %add3A_100 : i32
          %lt3A_102 = arith.constant 18 : i32
          %lt3A_103 = arith.cmpi slt, %add3A_101, %lt3A_102 : i32
          %and3A_104 = arith.andi %eq3A_99, %lt3A_103 : i1
          %convert_element_type3A_105 = arith.extui %and3A_104 : i1 to i32
          %cond3A_106 = arith.constant 0 : i32
          %cond3A_107 = arith.cmpi ne, %convert_element_type3A_105, %cond3A_106 : i32
          scf.if %cond3A_107 {
            %dma_wait3A_164 = arith.constant 0 : i32
            %dma_wait3A_165 = arith.constant 0 : i32
            %dma_wait3A_166 = tpu.memref_slice %arg3[%dma_wait3A_164, %dma_wait3A_165] : memref<2560x128xi32, #tpu.memory_space<hbm>> -> memref<8x128xi32, #tpu.memory_space<hbm>>
            %dma_wait3A_167 = arith.constant 0 : i32
            %dma_wait3A_168 = arith.constant 0 : i32
            %dma_wait3A_169 = tpu.memref_slice %arg3[%dma_wait3A_167, %dma_wait3A_168] : memref<2560x128xi32, #tpu.memory_space<hbm>> -> memref<8x128xi32, #tpu.memory_space<hbm>>
            tpu.wait_dma2 semaphore(%arg18 : memref<!tpu.dma_semaphore, #tpu.memory_space<semaphore_mem>>) src(%dma_wait3A_169 : memref<8x128xi32, #tpu.memory_space<hbm>>) dst(%arg7 : memref<8x128xi32, #tpu.memory_space<vmem>>)
            %dma_wait3A_170 = arith.constant 0 : i32
            %dma_wait3A_171 = arith.constant 0 : i32
            %dma_wait3A_172 = tpu.memref_slice %arg4[%dma_wait3A_170, %dma_wait3A_171] : memref<2560x128xi32, #tpu.memory_space<hbm>> -> memref<8x128xi32, #tpu.memory_space<hbm>>
            %dma_wait3A_173 = arith.constant 0 : i32
            %dma_wait3A_174 = arith.constant 0 : i32
            %dma_wait3A_175 = tpu.memref_slice %arg4[%dma_wait3A_173, %dma_wait3A_174] : memref<2560x128xi32, #tpu.memory_space<hbm>> -> memref<8x128xi32, #tpu.memory_space<hbm>>
            tpu.wait_dma2 semaphore(%arg18 : memref<!tpu.dma_semaphore, #tpu.memory_space<semaphore_mem>>) src(%dma_wait3A_175 : memref<8x128xi32, #tpu.memory_space<hbm>>) dst(%arg9 : memref<8x128xi32, #tpu.memory_space<vmem>>)
            %dma_start3A_176 = arith.constant 0 : i32
            %dma_start3A_177 = arith.constant 0 : i32
            %dma_start3A_178 = tpu.memref_slice %arg7[%dma_start3A_176, %dma_start3A_177] : memref<8x128xi32, #tpu.memory_space<vmem>> -> memref<1x128xi32, #tpu.memory_space<vmem>>
            %dma_start3A_179 = tpu.memref_squeeze %dma_start3A_178 : memref<1x128xi32, #tpu.memory_space<vmem>> -> memref<128xi32, #tpu.memory_space<vmem>>
            %dma_start3A_180 = arith.constant 0 : i32
            %dma_start3A_181 = arith.constant 0 : i32
            %dma_start3A_182 = tpu.memref_slice %arg2[%dma_start3A_180, %dma_start3A_181] : memref<10000x128xf32, #tpu.memory_space<hbm>> -> memref<10000x128xf32, #tpu.memory_space<hbm>>
            tpu.enqueue_indirect_dma source(%dma_start3A_182 : memref<10000x128xf32, #tpu.memory_space<hbm>>) target(%arg11 : memref<128x128xf32, #tpu.memory_space<vmem>>) offsets(%dma_start3A_179 : memref<128xi32, #tpu.memory_space<vmem>>) semaphore(%arg15 : memref<!tpu.dma_semaphore, #tpu.memory_space<semaphore_mem>>)
          } else {
          }
          %dma_start3A_108 = arith.constant 0 : i32
          %dma_start3A_109 = tpu.memref_slice %arg8[%add3A_70, %dma_start3A_108] : memref<8x128xi32, #tpu.memory_space<vmem>> -> memref<1x128xi32, #tpu.memory_space<vmem>>
          %dma_start3A_110 = tpu.memref_squeeze %dma_start3A_109 : memref<1x128xi32, #tpu.memory_space<vmem>> -> memref<128xi32, #tpu.memory_space<vmem>>
          %dma_start3A_111 = arith.constant 0 : i32
          %dma_start3A_112 = arith.constant 0 : i32
          %dma_start3A_113 = tpu.memref_slice %arg13[%dma_start3A_111, %dma_start3A_112] : memref<10112x128xf32, #tpu.memory_space<vmem_shared>> -> memref<10112x128xf32, #tpu.memory_space<vmem_shared>>
          tpu.enqueue_indirect_dma source(%arg10 : memref<128x128xf32, #tpu.memory_space<vmem>>) target(%dma_start3A_113 : memref<10112x128xf32, #tpu.memory_space<vmem_shared>>) offsets(%dma_start3A_110 : memref<128xi32, #tpu.memory_space<vmem>>) semaphore(%arg16 : memref<!tpu.dma_semaphore, #tpu.memory_space<semaphore_mem>>) {add = true}
          %mul3A_114 = arith.constant 2 : i32
          %mul3A_115 = arith.muli %mul3A_114, %scan3A_66 : i32
          %add3A_116 = arith.constant 1 : i32
          %add3A_117 = arith.addi %mul3A_115, %add3A_116 : i32
          %mul3A_118 = arith.constant 8 : i32
          %mul3A_119 = arith.muli %add3A_49, %mul3A_118 : i32
          %add3A_120 = arith.addi %mul3A_119, %add3A_117 : i32
          %dma_wait3A_121 = arith.constant 0 : i32
          %dma_wait3A_122 = arith.constant 0 : i32
          %dma_wait3A_123 = tpu.memref_slice %arg6[%dma_wait3A_121, %dma_wait3A_122] : memref<8x128xi32, #tpu.memory_space<vmem>> -> memref<1x128xi32, #tpu.memory_space<vmem>>
          %dma_wait3A_124 = tpu.memref_squeeze %dma_wait3A_123 : memref<1x128xi32, #tpu.memory_space<vmem>> -> memref<128xi32, #tpu.memory_space<vmem>>
          %dma_wait3A_125 = arith.constant 0 : i32
          %dma_wait3A_126 = arith.constant 0 : i32
          %dma_wait3A_127 = tpu.memref_slice %arg2[%dma_wait3A_125, %dma_wait3A_126] : memref<10000x128xf32, #tpu.memory_space<hbm>> -> memref<10000x128xf32, #tpu.memory_space<hbm>>
          tpu.wait_indirect_dma semaphore(%arg15 : memref<!tpu.dma_semaphore, #tpu.memory_space<semaphore_mem>>) src(%dma_wait3A_127 : memref<10000x128xf32, #tpu.memory_space<hbm>>) dst(%arg11 : memref<128x128xf32, #tpu.memory_space<vmem>>)
          %gt3A_128 = arith.constant 0 : i32
          %gt3A_129 = arith.cmpi sgt, %add3A_120, %gt3A_128 : i32
          %convert_element_type3A_130 = arith.extui %gt3A_129 : i1 to i32
          %cond3A_131 = arith.constant 0 : i32
          %cond3A_132 = arith.cmpi ne, %convert_element_type3A_130, %cond3A_131 : i32
          scf.if %cond3A_132 {
            %dma_wait3A_164 = arith.constant 0 : i32
            %dma_wait3A_165 = arith.constant 0 : i32
            %dma_wait3A_166 = tpu.memref_slice %arg8[%dma_wait3A_164, %dma_wait3A_165] : memref<8x128xi32, #tpu.memory_space<vmem>> -> memref<1x128xi32, #tpu.memory_space<vmem>>
            %dma_wait3A_167 = tpu.memref_squeeze %dma_wait3A_166 : memref<1x128xi32, #tpu.memory_space<vmem>> -> memref<128xi32, #tpu.memory_space<vmem>>
            %dma_wait3A_168 = arith.constant 0 : i32
            %dma_wait3A_169 = arith.constant 0 : i32
            %dma_wait3A_170 = tpu.memref_slice %arg13[%dma_wait3A_168, %dma_wait3A_169] : memref<10112x128xf32, #tpu.memory_space<vmem_shared>> -> memref<10112x128xf32, #tpu.memory_space<vmem_shared>>
            tpu.wait_indirect_dma semaphore(%arg16 : memref<!tpu.dma_semaphore, #tpu.memory_space<semaphore_mem>>) src(%arg10 : memref<128x128xf32, #tpu.memory_space<vmem>>) dst(%dma_wait3A_170 : memref<10112x128xf32, #tpu.memory_space<vmem_shared>>)
          } else {
          }
          %eq3A_133 = arith.constant 0 : i32
          %eq3A_134 = arith.cmpi eq, %add3A_117, %eq3A_133 : i32
          %add3A_135 = arith.constant 1 : i32
          %add3A_136 = arith.addi %add3A_49, %add3A_135 : i32
          %lt3A_137 = arith.constant 18 : i32
          %lt3A_138 = arith.cmpi slt, %add3A_136, %lt3A_137 : i32
          %and3A_139 = arith.andi %eq3A_134, %lt3A_138 : i1
          %convert_element_type3A_140 = arith.extui %and3A_139 : i1 to i32
          %cond3A_141 = arith.constant 0 : i32
          %cond3A_142 = arith.cmpi ne, %convert_element_type3A_140, %cond3A_141 : i32
          scf.if %cond3A_142 {
            %add3A_164 = arith.constant 1 : i32
            %add3A_165 = arith.addi %add3A_49, %add3A_164 : i32
            %mul3A_166 = arith.constant 8 : i32
            %mul3A_167 = arith.muli %add3A_165, %mul3A_166 : i32
            %add3A_168 = arith.addi %mul3A_26, %mul3A_167 : i32
            %dma_start3A_169 = arith.constant 0 : i32
            %dma_start3A_170 = tpu.memref_slice %arg3[%add3A_168, %dma_start3A_169] : memref<2560x128xi32, #tpu.memory_space<hbm>> -> memref<8x128xi32, #tpu.memory_space<hbm>>
            %dma_start3A_171 = arith.constant 0 : i32
            %dma_start3A_172 = tpu.memref_slice %arg3[%add3A_168, %dma_start3A_171] : memref<2560x128xi32, #tpu.memory_space<hbm>> -> memref<8x128xi32, #tpu.memory_space<hbm>>
            tpu.enqueue_dma source(%dma_start3A_172 : memref<8x128xi32, #tpu.memory_space<hbm>>) target(%arg7 : memref<8x128xi32, #tpu.memory_space<vmem>>) target_semaphore(%arg18 : memref<!tpu.dma_semaphore, #tpu.memory_space<semaphore_mem>>)
            %dma_start3A_173 = arith.constant 0 : i32
            %dma_start3A_174 = tpu.memref_slice %arg4[%add3A_168, %dma_start3A_173] : memref<2560x128xi32, #tpu.memory_space<hbm>> -> memref<8x128xi32, #tpu.memory_space<hbm>>
            %dma_start3A_175 = arith.constant 0 : i32
            %dma_start3A_176 = tpu.memref_slice %arg4[%add3A_168, %dma_start3A_175] : memref<2560x128xi32, #tpu.memory_space<hbm>> -> memref<8x128xi32, #tpu.memory_space<hbm>>
            tpu.enqueue_dma source(%dma_start3A_176 : memref<8x128xi32, #tpu.memory_space<hbm>>) target(%arg9 : memref<8x128xi32, #tpu.memory_space<vmem>>) target_semaphore(%arg18 : memref<!tpu.dma_semaphore, #tpu.memory_space<semaphore_mem>>)
          } else {
          }
          %lt3A_143 = arith.constant 7 : i32
          %lt3A_144 = arith.cmpi slt, %add3A_117, %lt3A_143 : i32
          %convert_element_type3A_145 = arith.extui %lt3A_144 : i1 to i32
          %cond3A_146 = arith.constant 0 : i32
          %cond3A_147 = arith.cmpi ne, %convert_element_type3A_145, %cond3A_146 : i32
          scf.if %cond3A_147 {
            %add3A_164 = arith.constant 1 : i32
            %add3A_165 = arith.addi %add3A_117, %add3A_164 : i32
            %dma_start3A_166 = arith.constant 0 : i32
            %dma_start3A_167 = tpu.memref_slice %arg6[%add3A_165, %dma_start3A_166] : memref<8x128xi32, #tpu.memory_space<vmem>> -> memref<1x128xi32, #tpu.memory_space<vmem>>
            %dma_start3A_168 = tpu.memref_squeeze %dma_start3A_167 : memref<1x128xi32, #tpu.memory_space<vmem>> -> memref<128xi32, #tpu.memory_space<vmem>>
            %dma_start3A_169 = arith.constant 0 : i32
            %dma_start3A_170 = arith.constant 0 : i32
            %dma_start3A_171 = tpu.memref_slice %arg2[%dma_start3A_169, %dma_start3A_170] : memref<10000x128xf32, #tpu.memory_space<hbm>> -> memref<10000x128xf32, #tpu.memory_space<hbm>>
            tpu.enqueue_indirect_dma source(%dma_start3A_171 : memref<10000x128xf32, #tpu.memory_space<hbm>>) target(%arg10 : memref<128x128xf32, #tpu.memory_space<vmem>>) offsets(%dma_start3A_168 : memref<128xi32, #tpu.memory_space<vmem>>) semaphore(%arg14 : memref<!tpu.dma_semaphore, #tpu.memory_space<semaphore_mem>>)
          } else {
          }
          %eq3A_148 = arith.constant 7 : i32
          %eq3A_149 = arith.cmpi eq, %add3A_117, %eq3A_148 : i32
          %add3A_150 = arith.constant 1 : i32
          %add3A_151 = arith.addi %add3A_49, %add3A_150 : i32
          %lt3A_152 = arith.constant 18 : i32
          %lt3A_153 = arith.cmpi slt, %add3A_151, %lt3A_152 : i32
          %and3A_154 = arith.andi %eq3A_149, %lt3A_153 : i1
          %convert_element_type3A_155 = arith.extui %and3A_154 : i1 to i32
          %cond3A_156 = arith.constant 0 : i32
          %cond3A_157 = arith.cmpi ne, %convert_element_type3A_155, %cond3A_156 : i32
          scf.if %cond3A_157 {
            %dma_wait3A_164 = arith.constant 0 : i32
            %dma_wait3A_165 = arith.constant 0 : i32
            %dma_wait3A_166 = tpu.memref_slice %arg3[%dma_wait3A_164, %dma_wait3A_165] : memref<2560x128xi32, #tpu.memory_space<hbm>> -> memref<8x128xi32, #tpu.memory_space<hbm>>
            %dma_wait3A_167 = arith.constant 0 : i32
            %dma_wait3A_168 = arith.constant 0 : i32
            %dma_wait3A_169 = tpu.memref_slice %arg3[%dma_wait3A_167, %dma_wait3A_168] : memref<2560x128xi32, #tpu.memory_space<hbm>> -> memref<8x128xi32, #tpu.memory_space<hbm>>
            tpu.wait_dma2 semaphore(%arg18 : memref<!tpu.dma_semaphore, #tpu.memory_space<semaphore_mem>>) src(%dma_wait3A_169 : memref<8x128xi32, #tpu.memory_space<hbm>>) dst(%arg7 : memref<8x128xi32, #tpu.memory_space<vmem>>)
            %dma_wait3A_170 = arith.constant 0 : i32
            %dma_wait3A_171 = arith.constant 0 : i32
            %dma_wait3A_172 = tpu.memref_slice %arg4[%dma_wait3A_170, %dma_wait3A_171] : memref<2560x128xi32, #tpu.memory_space<hbm>> -> memref<8x128xi32, #tpu.memory_space<hbm>>
            %dma_wait3A_173 = arith.constant 0 : i32
            %dma_wait3A_174 = arith.constant 0 : i32
            %dma_wait3A_175 = tpu.memref_slice %arg4[%dma_wait3A_173, %dma_wait3A_174] : memref<2560x128xi32, #tpu.memory_space<hbm>> -> memref<8x128xi32, #tpu.memory_space<hbm>>
            tpu.wait_dma2 semaphore(%arg18 : memref<!tpu.dma_semaphore, #tpu.memory_space<semaphore_mem>>) src(%dma_wait3A_175 : memref<8x128xi32, #tpu.memory_space<hbm>>) dst(%arg9 : memref<8x128xi32, #tpu.memory_space<vmem>>)
            %dma_start3A_176 = arith.constant 0 : i32
            %dma_start3A_177 = arith.constant 0 : i32
            %dma_start3A_178 = tpu.memref_slice %arg7[%dma_start3A_176, %dma_start3A_177] : memref<8x128xi32, #tpu.memory_space<vmem>> -> memref<1x128xi32, #tpu.memory_space<vmem>>
            %dma_start3A_179 = tpu.memref_squeeze %dma_start3A_178 : memref<1x128xi32, #tpu.memory_space<vmem>> -> memref<128xi32, #tpu.memory_space<vmem>>
            %dma_start3A_180 = arith.constant 0 : i32
            %dma_start3A_181 = arith.constant 0 : i32
            %dma_start3A_182 = tpu.memref_slice %arg2[%dma_start3A_180, %dma_start3A_181] : memref<10000x128xf32, #tpu.memory_space<hbm>> -> memref<10000x128xf32, #tpu.memory_space<hbm>>
            tpu.enqueue_indirect_dma source(%dma_start3A_182 : memref<10000x128xf32, #tpu.memory_space<hbm>>) target(%arg10 : memref<128x128xf32, #tpu.memory_space<vmem>>) offsets(%dma_start3A_179 : memref<128xi32, #tpu.memory_space<vmem>>) semaphore(%arg14 : memref<!tpu.dma_semaphore, #tpu.memory_space<semaphore_mem>>)
          } else {
          }
          %dma_start3A_158 = arith.constant 0 : i32
          %dma_start3A_159 = tpu.memref_slice %arg8[%add3A_117, %dma_start3A_158] : memref<8x128xi32, #tpu.memory_space<vmem>> -> memref<1x128xi32, #tpu.memory_space<vmem>>
          %dma_start3A_160 = tpu.memref_squeeze %dma_start3A_159 : memref<1x128xi32, #tpu.memory_space<vmem>> -> memref<128xi32, #tpu.memory_space<vmem>>
          %dma_start3A_161 = arith.constant 0 : i32
          %dma_start3A_162 = arith.constant 0 : i32
          %dma_start3A_163 = tpu.memref_slice %arg13[%dma_start3A_161, %dma_start3A_162] : memref<10112x128xf32, #tpu.memory_space<vmem_shared>> -> memref<10112x128xf32, #tpu.memory_space<vmem_shared>>
          tpu.enqueue_indirect_dma source(%arg11 : memref<128x128xf32, #tpu.memory_space<vmem>>) target(%dma_start3A_163 : memref<10112x128xf32, #tpu.memory_space<vmem_shared>>) offsets(%dma_start3A_160 : memref<128xi32, #tpu.memory_space<vmem>>) semaphore(%arg17 : memref<!tpu.dma_semaphore, #tpu.memory_space<semaphore_mem>>) {add = true}
        }
        %scan3A_55 = arith.constant 4 : i32
        %mul3A_56 = arith.constant 2 : i32
        %mul3A_57 = arith.muli %mul3A_56, %scan3A_45 : i32
        %add3A_58 = arith.constant 1 : i32
        %add3A_59 = arith.addi %mul3A_57, %add3A_58 : i32
        %scan3A_60 = arith.constant 0 : i32
        %scan3A_61 = arith.constant 0 : i32
        %scan3A_62 = arith.constant 4 : i32
        %scan3A_63 = arith.addi %scan3A_61, %scan3A_62 : i32
        %scan3A_64 = arith.constant 1 : i32
        scf.for %scan3A_66 = %scan3A_61 to %scan3A_63 step %scan3A_64  : i32 {
          %mul3A_67 = arith.constant 2 : i32
          %mul3A_68 = arith.muli %mul3A_67, %scan3A_66 : i32
          %add3A_69 = arith.constant 0 : i32
          %add3A_70 = arith.addi %mul3A_68, %add3A_69 : i32
          %mul3A_71 = arith.constant 8 : i32
          %mul3A_72 = arith.muli %add3A_59, %mul3A_71 : i32
          %add3A_73 = arith.addi %mul3A_72, %add3A_70 : i32
          %dma_wait3A_74 = arith.constant 0 : i32
          %dma_wait3A_75 = arith.constant 0 : i32
          %dma_wait3A_76 = tpu.memref_slice %arg7[%dma_wait3A_74, %dma_wait3A_75] : memref<8x128xi32, #tpu.memory_space<vmem>> -> memref<1x128xi32, #tpu.memory_space<vmem>>
          %dma_wait3A_77 = tpu.memref_squeeze %dma_wait3A_76 : memref<1x128xi32, #tpu.memory_space<vmem>> -> memref<128xi32, #tpu.memory_space<vmem>>
          %dma_wait3A_78 = arith.constant 0 : i32
          %dma_wait3A_79 = arith.constant 0 : i32
          %dma_wait3A_80 = tpu.memref_slice %arg2[%dma_wait3A_78, %dma_wait3A_79] : memref<10000x128xf32, #tpu.memory_space<hbm>> -> memref<10000x128xf32, #tpu.memory_space<hbm>>
          tpu.wait_indirect_dma semaphore(%arg14 : memref<!tpu.dma_semaphore, #tpu.memory_space<semaphore_mem>>) src(%dma_wait3A_80 : memref<10000x128xf32, #tpu.memory_space<hbm>>) dst(%arg10 : memref<128x128xf32, #tpu.memory_space<vmem>>)
          %gt3A = arith.constant 0 : i32
          %gt3A_81 = arith.cmpi sgt, %add3A_73, %gt3A : i32
          %convert_element_type3A_82 = arith.extui %gt3A_81 : i1 to i32
          %cond3A_83 = arith.constant 0 : i32
          %cond3A_84 = arith.cmpi ne, %convert_element_type3A_82, %cond3A_83 : i32
          scf.if %cond3A_84 {
            %dma_wait3A_164 = arith.constant 0 : i32
            %dma_wait3A_165 = arith.constant 0 : i32
            %dma_wait3A_166 = tpu.memref_slice %arg9[%dma_wait3A_164, %dma_wait3A_165] : memref<8x128xi32, #tpu.memory_space<vmem>> -> memref<1x128xi32, #tpu.memory_space<vmem>>
            %dma_wait3A_167 = tpu.memref_squeeze %dma_wait3A_166 : memref<1x128xi32, #tpu.memory_space<vmem>> -> memref<128xi32, #tpu.memory_space<vmem>>
            %dma_wait3A_168 = arith.constant 0 : i32
            %dma_wait3A_169 = arith.constant 0 : i32
            %dma_wait3A_170 = tpu.memref_slice %arg13[%dma_wait3A_168, %dma_wait3A_169] : memref<10112x128xf32, #tpu.memory_space<vmem_shared>> -> memref<10112x128xf32, #tpu.memory_space<vmem_shared>>
            tpu.wait_indirect_dma semaphore(%arg17 : memref<!tpu.dma_semaphore, #tpu.memory_space<semaphore_mem>>) src(%arg11 : memref<128x128xf32, #tpu.memory_space<vmem>>) dst(%dma_wait3A_170 : memref<10112x128xf32, #tpu.memory_space<vmem_shared>>)
          } else {
          }
          %eq3A_85 = arith.constant 0 : i32
          %eq3A_86 = arith.cmpi eq, %add3A_70, %eq3A_85 : i32
          %add3A_87 = arith.constant 1 : i32
          %add3A_88 = arith.addi %add3A_59, %add3A_87 : i32
          %lt3A = arith.constant 18 : i32
          %lt3A_89 = arith.cmpi slt, %add3A_88, %lt3A : i32
          %and3A = arith.andi %eq3A_86, %lt3A_89 : i1
          %convert_element_type3A_90 = arith.extui %and3A : i1 to i32
          %cond3A_91 = arith.constant 0 : i32
          %cond3A_92 = arith.cmpi ne, %convert_element_type3A_90, %cond3A_91 : i32
          scf.if %cond3A_92 {
            %add3A_164 = arith.constant 1 : i32
            %add3A_165 = arith.addi %add3A_59, %add3A_164 : i32
            %mul3A_166 = arith.constant 8 : i32
            %mul3A_167 = arith.muli %add3A_165, %mul3A_166 : i32
            %add3A_168 = arith.addi %mul3A_26, %mul3A_167 : i32
            %dma_start3A_169 = arith.constant 0 : i32
            %dma_start3A_170 = tpu.memref_slice %arg3[%add3A_168, %dma_start3A_169] : memref<2560x128xi32, #tpu.memory_space<hbm>> -> memref<8x128xi32, #tpu.memory_space<hbm>>
            %dma_start3A_171 = arith.constant 0 : i32
            %dma_start3A_172 = tpu.memref_slice %arg3[%add3A_168, %dma_start3A_171] : memref<2560x128xi32, #tpu.memory_space<hbm>> -> memref<8x128xi32, #tpu.memory_space<hbm>>
            tpu.enqueue_dma source(%dma_start3A_172 : memref<8x128xi32, #tpu.memory_space<hbm>>) target(%arg6 : memref<8x128xi32, #tpu.memory_space<vmem>>) target_semaphore(%arg18 : memref<!tpu.dma_semaphore, #tpu.memory_space<semaphore_mem>>)
            %dma_start3A_173 = arith.constant 0 : i32
            %dma_start3A_174 = tpu.memref_slice %arg4[%add3A_168, %dma_start3A_173] : memref<2560x128xi32, #tpu.memory_space<hbm>> -> memref<8x128xi32, #tpu.memory_space<hbm>>
            %dma_start3A_175 = arith.constant 0 : i32
            %dma_start3A_176 = tpu.memref_slice %arg4[%add3A_168, %dma_start3A_175] : memref<2560x128xi32, #tpu.memory_space<hbm>> -> memref<8x128xi32, #tpu.memory_space<hbm>>
            tpu.enqueue_dma source(%dma_start3A_176 : memref<8x128xi32, #tpu.memory_space<hbm>>) target(%arg8 : memref<8x128xi32, #tpu.memory_space<vmem>>) target_semaphore(%arg18 : memref<!tpu.dma_semaphore, #tpu.memory_space<semaphore_mem>>)
          } else {
          }
          %lt3A_93 = arith.constant 7 : i32
          %lt3A_94 = arith.cmpi slt, %add3A_70, %lt3A_93 : i32
          %convert_element_type3A_95 = arith.extui %lt3A_94 : i1 to i32
          %cond3A_96 = arith.constant 0 : i32
          %cond3A_97 = arith.cmpi ne, %convert_element_type3A_95, %cond3A_96 : i32
          scf.if %cond3A_97 {
            %add3A_164 = arith.constant 1 : i32
            %add3A_165 = arith.addi %add3A_70, %add3A_164 : i32
            %dma_start3A_166 = arith.constant 0 : i32
            %dma_start3A_167 = tpu.memref_slice %arg7[%add3A_165, %dma_start3A_166] : memref<8x128xi32, #tpu.memory_space<vmem>> -> memref<1x128xi32, #tpu.memory_space<vmem>>
            %dma_start3A_168 = tpu.memref_squeeze %dma_start3A_167 : memref<1x128xi32, #tpu.memory_space<vmem>> -> memref<128xi32, #tpu.memory_space<vmem>>
            %dma_start3A_169 = arith.constant 0 : i32
            %dma_start3A_170 = arith.constant 0 : i32
            %dma_start3A_171 = tpu.memref_slice %arg2[%dma_start3A_169, %dma_start3A_170] : memref<10000x128xf32, #tpu.memory_space<hbm>> -> memref<10000x128xf32, #tpu.memory_space<hbm>>
            tpu.enqueue_indirect_dma source(%dma_start3A_171 : memref<10000x128xf32, #tpu.memory_space<hbm>>) target(%arg11 : memref<128x128xf32, #tpu.memory_space<vmem>>) offsets(%dma_start3A_168 : memref<128xi32, #tpu.memory_space<vmem>>) semaphore(%arg15 : memref<!tpu.dma_semaphore, #tpu.memory_space<semaphore_mem>>)
          } else {
          }
          %eq3A_98 = arith.constant 7 : i32
          %eq3A_99 = arith.cmpi eq, %add3A_70, %eq3A_98 : i32
          %add3A_100 = arith.constant 1 : i32
          %add3A_101 = arith.addi %add3A_59, %add3A_100 : i32
          %lt3A_102 = arith.constant 18 : i32
          %lt3A_103 = arith.cmpi slt, %add3A_101, %lt3A_102 : i32
          %and3A_104 = arith.andi %eq3A_99, %lt3A_103 : i1
          %convert_element_type3A_105 = arith.extui %and3A_104 : i1 to i32
          %cond3A_106 = arith.constant 0 : i32
          %cond3A_107 = arith.cmpi ne, %convert_element_type3A_105, %cond3A_106 : i32
          scf.if %cond3A_107 {
            %dma_wait3A_164 = arith.constant 0 : i32
            %dma_wait3A_165 = arith.constant 0 : i32
            %dma_wait3A_166 = tpu.memref_slice %arg3[%dma_wait3A_164, %dma_wait3A_165] : memref<2560x128xi32, #tpu.memory_space<hbm>> -> memref<8x128xi32, #tpu.memory_space<hbm>>
            %dma_wait3A_167 = arith.constant 0 : i32
            %dma_wait3A_168 = arith.constant 0 : i32
            %dma_wait3A_169 = tpu.memref_slice %arg3[%dma_wait3A_167, %dma_wait3A_168] : memref<2560x128xi32, #tpu.memory_space<hbm>> -> memref<8x128xi32, #tpu.memory_space<hbm>>
            tpu.wait_dma2 semaphore(%arg18 : memref<!tpu.dma_semaphore, #tpu.memory_space<semaphore_mem>>) src(%dma_wait3A_169 : memref<8x128xi32, #tpu.memory_space<hbm>>) dst(%arg6 : memref<8x128xi32, #tpu.memory_space<vmem>>)
            %dma_wait3A_170 = arith.constant 0 : i32
            %dma_wait3A_171 = arith.constant 0 : i32
            %dma_wait3A_172 = tpu.memref_slice %arg4[%dma_wait3A_170, %dma_wait3A_171] : memref<2560x128xi32, #tpu.memory_space<hbm>> -> memref<8x128xi32, #tpu.memory_space<hbm>>
            %dma_wait3A_173 = arith.constant 0 : i32
            %dma_wait3A_174 = arith.constant 0 : i32
            %dma_wait3A_175 = tpu.memref_slice %arg4[%dma_wait3A_173, %dma_wait3A_174] : memref<2560x128xi32, #tpu.memory_space<hbm>> -> memref<8x128xi32, #tpu.memory_space<hbm>>
            tpu.wait_dma2 semaphore(%arg18 : memref<!tpu.dma_semaphore, #tpu.memory_space<semaphore_mem>>) src(%dma_wait3A_175 : memref<8x128xi32, #tpu.memory_space<hbm>>) dst(%arg8 : memref<8x128xi32, #tpu.memory_space<vmem>>)
            %dma_start3A_176 = arith.constant 0 : i32
            %dma_start3A_177 = arith.constant 0 : i32
            %dma_start3A_178 = tpu.memref_slice %arg6[%dma_start3A_176, %dma_start3A_177] : memref<8x128xi32, #tpu.memory_space<vmem>> -> memref<1x128xi32, #tpu.memory_space<vmem>>
            %dma_start3A_179 = tpu.memref_squeeze %dma_start3A_178 : memref<1x128xi32, #tpu.memory_space<vmem>> -> memref<128xi32, #tpu.memory_space<vmem>>
            %dma_start3A_180 = arith.constant 0 : i32
            %dma_start3A_181 = arith.constant 0 : i32
            %dma_start3A_182 = tpu.memref_slice %arg2[%dma_start3A_180, %dma_start3A_181] : memref<10000x128xf32, #tpu.memory_space<hbm>> -> memref<10000x128xf32, #tpu.memory_space<hbm>>
            tpu.enqueue_indirect_dma source(%dma_start3A_182 : memref<10000x128xf32, #tpu.memory_space<hbm>>) target(%arg11 : memref<128x128xf32, #tpu.memory_space<vmem>>) offsets(%dma_start3A_179 : memref<128xi32, #tpu.memory_space<vmem>>) semaphore(%arg15 : memref<!tpu.dma_semaphore, #tpu.memory_space<semaphore_mem>>)
          } else {
          }
          %dma_start3A_108 = arith.constant 0 : i32
          %dma_start3A_109 = tpu.memref_slice %arg9[%add3A_70, %dma_start3A_108] : memref<8x128xi32, #tpu.memory_space<vmem>> -> memref<1x128xi32, #tpu.memory_space<vmem>>
          %dma_start3A_110 = tpu.memref_squeeze %dma_start3A_109 : memref<1x128xi32, #tpu.memory_space<vmem>> -> memref<128xi32, #tpu.memory_space<vmem>>
          %dma_start3A_111 = arith.constant 0 : i32
          %dma_start3A_112 = arith.constant 0 : i32
          %dma_start3A_113 = tpu.memref_slice %arg13[%dma_start3A_111, %dma_start3A_112] : memref<10112x128xf32, #tpu.memory_space<vmem_shared>> -> memref<10112x128xf32, #tpu.memory_space<vmem_shared>>
          tpu.enqueue_indirect_dma source(%arg10 : memref<128x128xf32, #tpu.memory_space<vmem>>) target(%dma_start3A_113 : memref<10112x128xf32, #tpu.memory_space<vmem_shared>>) offsets(%dma_start3A_110 : memref<128xi32, #tpu.memory_space<vmem>>) semaphore(%arg16 : memref<!tpu.dma_semaphore, #tpu.memory_space<semaphore_mem>>) {add = true}
          %mul3A_114 = arith.constant 2 : i32
          %mul3A_115 = arith.muli %mul3A_114, %scan3A_66 : i32
          %add3A_116 = arith.constant 1 : i32
          %add3A_117 = arith.addi %mul3A_115, %add3A_116 : i32
          %mul3A_118 = arith.constant 8 : i32
          %mul3A_119 = arith.muli %add3A_59, %mul3A_118 : i32
          %add3A_120 = arith.addi %mul3A_119, %add3A_117 : i32
          %dma_wait3A_121 = arith.constant 0 : i32
          %dma_wait3A_122 = arith.constant 0 : i32
          %dma_wait3A_123 = tpu.memref_slice %arg7[%dma_wait3A_121, %dma_wait3A_122] : memref<8x128xi32, #tpu.memory_space<vmem>> -> memref<1x128xi32, #tpu.memory_space<vmem>>
          %dma_wait3A_124 = tpu.memref_squeeze %dma_wait3A_123 : memref<1x128xi32, #tpu.memory_space<vmem>> -> memref<128xi32, #tpu.memory_space<vmem>>
          %dma_wait3A_125 = arith.constant 0 : i32
          %dma_wait3A_126 = arith.constant 0 : i32
          %dma_wait3A_127 = tpu.memref_slice %arg2[%dma_wait3A_125, %dma_wait3A_126] : memref<10000x128xf32, #tpu.memory_space<hbm>> -> memref<10000x128xf32, #tpu.memory_space<hbm>>
          tpu.wait_indirect_dma semaphore(%arg15 : memref<!tpu.dma_semaphore, #tpu.memory_space<semaphore_mem>>) src(%dma_wait3A_127 : memref<10000x128xf32, #tpu.memory_space<hbm>>) dst(%arg11 : memref<128x128xf32, #tpu.memory_space<vmem>>)
          %gt3A_128 = arith.constant 0 : i32
          %gt3A_129 = arith.cmpi sgt, %add3A_120, %gt3A_128 : i32
          %convert_element_type3A_130 = arith.extui %gt3A_129 : i1 to i32
          %cond3A_131 = arith.constant 0 : i32
          %cond3A_132 = arith.cmpi ne, %convert_element_type3A_130, %cond3A_131 : i32
          scf.if %cond3A_132 {
            %dma_wait3A_164 = arith.constant 0 : i32
            %dma_wait3A_165 = arith.constant 0 : i32
            %dma_wait3A_166 = tpu.memref_slice %arg9[%dma_wait3A_164, %dma_wait3A_165] : memref<8x128xi32, #tpu.memory_space<vmem>> -> memref<1x128xi32, #tpu.memory_space<vmem>>
            %dma_wait3A_167 = tpu.memref_squeeze %dma_wait3A_166 : memref<1x128xi32, #tpu.memory_space<vmem>> -> memref<128xi32, #tpu.memory_space<vmem>>
            %dma_wait3A_168 = arith.constant 0 : i32
            %dma_wait3A_169 = arith.constant 0 : i32
            %dma_wait3A_170 = tpu.memref_slice %arg13[%dma_wait3A_168, %dma_wait3A_169] : memref<10112x128xf32, #tpu.memory_space<vmem_shared>> -> memref<10112x128xf32, #tpu.memory_space<vmem_shared>>
            tpu.wait_indirect_dma semaphore(%arg16 : memref<!tpu.dma_semaphore, #tpu.memory_space<semaphore_mem>>) src(%arg10 : memref<128x128xf32, #tpu.memory_space<vmem>>) dst(%dma_wait3A_170 : memref<10112x128xf32, #tpu.memory_space<vmem_shared>>)
          } else {
          }
          %eq3A_133 = arith.constant 0 : i32
          %eq3A_134 = arith.cmpi eq, %add3A_117, %eq3A_133 : i32
          %add3A_135 = arith.constant 1 : i32
          %add3A_136 = arith.addi %add3A_59, %add3A_135 : i32
          %lt3A_137 = arith.constant 18 : i32
          %lt3A_138 = arith.cmpi slt, %add3A_136, %lt3A_137 : i32
          %and3A_139 = arith.andi %eq3A_134, %lt3A_138 : i1
          %convert_element_type3A_140 = arith.extui %and3A_139 : i1 to i32
          %cond3A_141 = arith.constant 0 : i32
          %cond3A_142 = arith.cmpi ne, %convert_element_type3A_140, %cond3A_141 : i32
          scf.if %cond3A_142 {
            %add3A_164 = arith.constant 1 : i32
            %add3A_165 = arith.addi %add3A_59, %add3A_164 : i32
            %mul3A_166 = arith.constant 8 : i32
            %mul3A_167 = arith.muli %add3A_165, %mul3A_166 : i32
            %add3A_168 = arith.addi %mul3A_26, %mul3A_167 : i32
            %dma_start3A_169 = arith.constant 0 : i32
            %dma_start3A_170 = tpu.memref_slice %arg3[%add3A_168, %dma_start3A_169] : memref<2560x128xi32, #tpu.memory_space<hbm>> -> memref<8x128xi32, #tpu.memory_space<hbm>>
            %dma_start3A_171 = arith.constant 0 : i32
            %dma_start3A_172 = tpu.memref_slice %arg3[%add3A_168, %dma_start3A_171] : memref<2560x128xi32, #tpu.memory_space<hbm>> -> memref<8x128xi32, #tpu.memory_space<hbm>>
            tpu.enqueue_dma source(%dma_start3A_172 : memref<8x128xi32, #tpu.memory_space<hbm>>) target(%arg6 : memref<8x128xi32, #tpu.memory_space<vmem>>) target_semaphore(%arg18 : memref<!tpu.dma_semaphore, #tpu.memory_space<semaphore_mem>>)
            %dma_start3A_173 = arith.constant 0 : i32
            %dma_start3A_174 = tpu.memref_slice %arg4[%add3A_168, %dma_start3A_173] : memref<2560x128xi32, #tpu.memory_space<hbm>> -> memref<8x128xi32, #tpu.memory_space<hbm>>
            %dma_start3A_175 = arith.constant 0 : i32
            %dma_start3A_176 = tpu.memref_slice %arg4[%add3A_168, %dma_start3A_175] : memref<2560x128xi32, #tpu.memory_space<hbm>> -> memref<8x128xi32, #tpu.memory_space<hbm>>
            tpu.enqueue_dma source(%dma_start3A_176 : memref<8x128xi32, #tpu.memory_space<hbm>>) target(%arg8 : memref<8x128xi32, #tpu.memory_space<vmem>>) target_semaphore(%arg18 : memref<!tpu.dma_semaphore, #tpu.memory_space<semaphore_mem>>)
          } else {
          }
          %lt3A_143 = arith.constant 7 : i32
          %lt3A_144 = arith.cmpi slt, %add3A_117, %lt3A_143 : i32
          %convert_element_type3A_145 = arith.extui %lt3A_144 : i1 to i32
          %cond3A_146 = arith.constant 0 : i32
          %cond3A_147 = arith.cmpi ne, %convert_element_type3A_145, %cond3A_146 : i32
          scf.if %cond3A_147 {
            %add3A_164 = arith.constant 1 : i32
            %add3A_165 = arith.addi %add3A_117, %add3A_164 : i32
            %dma_start3A_166 = arith.constant 0 : i32
            %dma_start3A_167 = tpu.memref_slice %arg7[%add3A_165, %dma_start3A_166] : memref<8x128xi32, #tpu.memory_space<vmem>> -> memref<1x128xi32, #tpu.memory_space<vmem>>
            %dma_start3A_168 = tpu.memref_squeeze %dma_start3A_167 : memref<1x128xi32, #tpu.memory_space<vmem>> -> memref<128xi32, #tpu.memory_space<vmem>>
            %dma_start3A_169 = arith.constant 0 : i32
            %dma_start3A_170 = arith.constant 0 : i32
            %dma_start3A_171 = tpu.memref_slice %arg2[%dma_start3A_169, %dma_start3A_170] : memref<10000x128xf32, #tpu.memory_space<hbm>> -> memref<10000x128xf32, #tpu.memory_space<hbm>>
            tpu.enqueue_indirect_dma source(%dma_start3A_171 : memref<10000x128xf32, #tpu.memory_space<hbm>>) target(%arg10 : memref<128x128xf32, #tpu.memory_space<vmem>>) offsets(%dma_start3A_168 : memref<128xi32, #tpu.memory_space<vmem>>) semaphore(%arg14 : memref<!tpu.dma_semaphore, #tpu.memory_space<semaphore_mem>>)
          } else {
          }
          %eq3A_148 = arith.constant 7 : i32
          %eq3A_149 = arith.cmpi eq, %add3A_117, %eq3A_148 : i32
          %add3A_150 = arith.constant 1 : i32
          %add3A_151 = arith.addi %add3A_59, %add3A_150 : i32
          %lt3A_152 = arith.constant 18 : i32
          %lt3A_153 = arith.cmpi slt, %add3A_151, %lt3A_152 : i32
          %and3A_154 = arith.andi %eq3A_149, %lt3A_153 : i1
          %convert_element_type3A_155 = arith.extui %and3A_154 : i1 to i32
          %cond3A_156 = arith.constant 0 : i32
          %cond3A_157 = arith.cmpi ne, %convert_element_type3A_155, %cond3A_156 : i32
          scf.if %cond3A_157 {
            %dma_wait3A_164 = arith.constant 0 : i32
            %dma_wait3A_165 = arith.constant 0 : i32
            %dma_wait3A_166 = tpu.memref_slice %arg3[%dma_wait3A_164, %dma_wait3A_165] : memref<2560x128xi32, #tpu.memory_space<hbm>> -> memref<8x128xi32, #tpu.memory_space<hbm>>
            %dma_wait3A_167 = arith.constant 0 : i32
            %dma_wait3A_168 = arith.constant 0 : i32
            %dma_wait3A_169 = tpu.memref_slice %arg3[%dma_wait3A_167, %dma_wait3A_168] : memref<2560x128xi32, #tpu.memory_space<hbm>> -> memref<8x128xi32, #tpu.memory_space<hbm>>
            tpu.wait_dma2 semaphore(%arg18 : memref<!tpu.dma_semaphore, #tpu.memory_space<semaphore_mem>>) src(%dma_wait3A_169 : memref<8x128xi32, #tpu.memory_space<hbm>>) dst(%arg6 : memref<8x128xi32, #tpu.memory_space<vmem>>)
            %dma_wait3A_170 = arith.constant 0 : i32
            %dma_wait3A_171 = arith.constant 0 : i32
            %dma_wait3A_172 = tpu.memref_slice %arg4[%dma_wait3A_170, %dma_wait3A_171] : memref<2560x128xi32, #tpu.memory_space<hbm>> -> memref<8x128xi32, #tpu.memory_space<hbm>>
            %dma_wait3A_173 = arith.constant 0 : i32
            %dma_wait3A_174 = arith.constant 0 : i32
            %dma_wait3A_175 = tpu.memref_slice %arg4[%dma_wait3A_173, %dma_wait3A_174] : memref<2560x128xi32, #tpu.memory_space<hbm>> -> memref<8x128xi32, #tpu.memory_space<hbm>>
            tpu.wait_dma2 semaphore(%arg18 : memref<!tpu.dma_semaphore, #tpu.memory_space<semaphore_mem>>) src(%dma_wait3A_175 : memref<8x128xi32, #tpu.memory_space<hbm>>) dst(%arg8 : memref<8x128xi32, #tpu.memory_space<vmem>>)
            %dma_start3A_176 = arith.constant 0 : i32
            %dma_start3A_177 = arith.constant 0 : i32
            %dma_start3A_178 = tpu.memref_slice %arg6[%dma_start3A_176, %dma_start3A_177] : memref<8x128xi32, #tpu.memory_space<vmem>> -> memref<1x128xi32, #tpu.memory_space<vmem>>
            %dma_start3A_179 = tpu.memref_squeeze %dma_start3A_178 : memref<1x128xi32, #tpu.memory_space<vmem>> -> memref<128xi32, #tpu.memory_space<vmem>>
            %dma_start3A_180 = arith.constant 0 : i32
            %dma_start3A_181 = arith.constant 0 : i32
            %dma_start3A_182 = tpu.memref_slice %arg2[%dma_start3A_180, %dma_start3A_181] : memref<10000x128xf32, #tpu.memory_space<hbm>> -> memref<10000x128xf32, #tpu.memory_space<hbm>>
            tpu.enqueue_indirect_dma source(%dma_start3A_182 : memref<10000x128xf32, #tpu.memory_space<hbm>>) target(%arg10 : memref<128x128xf32, #tpu.memory_space<vmem>>) offsets(%dma_start3A_179 : memref<128xi32, #tpu.memory_space<vmem>>) semaphore(%arg14 : memref<!tpu.dma_semaphore, #tpu.memory_space<semaphore_mem>>)
          } else {
          }
          %dma_start3A_158 = arith.constant 0 : i32
          %dma_start3A_159 = tpu.memref_slice %arg9[%add3A_117, %dma_start3A_158] : memref<8x128xi32, #tpu.memory_space<vmem>> -> memref<1x128xi32, #tpu.memory_space<vmem>>
          %dma_start3A_160 = tpu.memref_squeeze %dma_start3A_159 : memref<1x128xi32, #tpu.memory_space<vmem>> -> memref<128xi32, #tpu.memory_space<vmem>>
          %dma_start3A_161 = arith.constant 0 : i32
          %dma_start3A_162 = arith.constant 0 : i32
          %dma_start3A_163 = tpu.memref_slice %arg13[%dma_start3A_161, %dma_start3A_162] : memref<10112x128xf32, #tpu.memory_space<vmem_shared>> -> memref<10112x128xf32, #tpu.memory_space<vmem_shared>>
          tpu.enqueue_indirect_dma source(%arg11 : memref<128x128xf32, #tpu.memory_space<vmem>>) target(%dma_start3A_163 : memref<10112x128xf32, #tpu.memory_space<vmem_shared>>) offsets(%dma_start3A_160 : memref<128xi32, #tpu.memory_space<vmem>>) semaphore(%arg17 : memref<!tpu.dma_semaphore, #tpu.memory_space<semaphore_mem>>) {add = true}
        }
        %scan3A_65 = arith.constant 4 : i32
      }
      %scan3A_38 = arith.constant 9 : i32
      %dma_wait3A = arith.constant 0 : i32
      %dma_wait3A_39 = arith.constant 0 : i32
      %dma_wait3A_40 = tpu.memref_slice %arg8[%dma_wait3A, %dma_wait3A_39] : memref<8x128xi32, #tpu.memory_space<vmem>> -> memref<1x128xi32, #tpu.memory_space<vmem>>
      %dma_wait3A_41 = tpu.memref_squeeze %dma_wait3A_40 : memref<1x128xi32, #tpu.memory_space<vmem>> -> memref<128xi32, #tpu.memory_space<vmem>>
      %dma_wait3A_42 = arith.constant 0 : i32
      %dma_wait3A_43 = arith.constant 0 : i32
      %dma_wait3A_44 = tpu.memref_slice %arg13[%dma_wait3A_42, %dma_wait3A_43] : memref<10112x128xf32, #tpu.memory_space<vmem_shared>> -> memref<10112x128xf32, #tpu.memory_space<vmem_shared>>
      tpu.wait_indirect_dma semaphore(%arg17 : memref<!tpu.dma_semaphore, #tpu.memory_space<semaphore_mem>>) src(%arg11 : memref<128x128xf32, #tpu.memory_space<vmem>>) dst(%dma_wait3A_44 : memref<10112x128xf32, #tpu.memory_space<vmem_shared>>)
    } else {
    }
    %eq3A_15 = arith.constant 1 : i32
    %eq3A_16 = arith.cmpi eq, %arg0, %eq3A_15 : i32
    %convert_element_type3A_17 = arith.extui %eq3A_16 : i1 to i32
    %cond3A_18 = arith.constant 0 : i32
    %cond3A_19 = arith.cmpi ne, %convert_element_type3A_17, %cond3A_18 : i32
    scf.if %cond3A_19 {
      %mul3A_25 = arith.constant 16 : i32
      %mul3A_26 = arith.muli %arg1, %mul3A_25 : i32
      %add3A_27 = arith.constant 2304 : i32
      %add3A_28 = arith.addi %add3A_27, %mul3A_26 : i32
      "tpu.region"() ({
        %run_scoped3A = tpu.sem_alloc : memref<!tpu.dma_semaphore, #tpu.memory_space<semaphore_mem>>
        %dma_start3A_64 = arith.constant 0 : i32
        %dma_start3A_65 = tpu.memref_slice %arg3[%add3A_28, %dma_start3A_64] : memref<2560x128xi32, #tpu.memory_space<hbm>> -> memref<8x128xi32, #tpu.memory_space<hbm>>
        %dma_start3A_66 = arith.constant 0 : i32
        %dma_start3A_67 = tpu.memref_slice %arg3[%add3A_28, %dma_start3A_66] : memref<2560x128xi32, #tpu.memory_space<hbm>> -> memref<8x128xi32, #tpu.memory_space<hbm>>
        tpu.enqueue_dma source(%dma_start3A_67 : memref<8x128xi32, #tpu.memory_space<hbm>>) target(%arg6 : memref<8x128xi32, #tpu.memory_space<vmem>>) target_semaphore(%run_scoped3A : memref<!tpu.dma_semaphore, #tpu.memory_space<semaphore_mem>>)
        %dma_wait3A_68 = arith.constant 0 : i32
        %dma_wait3A_69 = tpu.memref_slice %arg3[%add3A_28, %dma_wait3A_68] : memref<2560x128xi32, #tpu.memory_space<hbm>> -> memref<8x128xi32, #tpu.memory_space<hbm>>
        %dma_wait3A_70 = arith.constant 0 : i32
        %dma_wait3A_71 = tpu.memref_slice %arg3[%add3A_28, %dma_wait3A_70] : memref<2560x128xi32, #tpu.memory_space<hbm>> -> memref<8x128xi32, #tpu.memory_space<hbm>>
        tpu.wait_dma2 semaphore(%run_scoped3A : memref<!tpu.dma_semaphore, #tpu.memory_space<semaphore_mem>>) src(%dma_wait3A_71 : memref<8x128xi32, #tpu.memory_space<hbm>>) dst(%arg6 : memref<8x128xi32, #tpu.memory_space<vmem>>)
        tpu.yield
      }) : () -> ()
      "tpu.region"() ({
        %run_scoped3A = tpu.sem_alloc : memref<!tpu.dma_semaphore, #tpu.memory_space<semaphore_mem>>
        %dma_start3A_64 = arith.constant 0 : i32
        %dma_start3A_65 = tpu.memref_slice %arg4[%add3A_28, %dma_start3A_64] : memref<2560x128xi32, #tpu.memory_space<hbm>> -> memref<8x128xi32, #tpu.memory_space<hbm>>
        %dma_start3A_66 = arith.constant 0 : i32
        %dma_start3A_67 = tpu.memref_slice %arg4[%add3A_28, %dma_start3A_66] : memref<2560x128xi32, #tpu.memory_space<hbm>> -> memref<8x128xi32, #tpu.memory_space<hbm>>
        tpu.enqueue_dma source(%dma_start3A_67 : memref<8x128xi32, #tpu.memory_space<hbm>>) target(%arg8 : memref<8x128xi32, #tpu.memory_space<vmem>>) target_semaphore(%run_scoped3A : memref<!tpu.dma_semaphore, #tpu.memory_space<semaphore_mem>>)
        %dma_wait3A_68 = arith.constant 0 : i32
        %dma_wait3A_69 = tpu.memref_slice %arg4[%add3A_28, %dma_wait3A_68] : memref<2560x128xi32, #tpu.memory_space<hbm>> -> memref<8x128xi32, #tpu.memory_space<hbm>>
        %dma_wait3A_70 = arith.constant 0 : i32
        %dma_wait3A_71 = tpu.memref_slice %arg4[%add3A_28, %dma_wait3A_70] : memref<2560x128xi32, #tpu.memory_space<hbm>> -> memref<8x128xi32, #tpu.memory_space<hbm>>
        tpu.wait_dma2 semaphore(%run_scoped3A : memref<!tpu.dma_semaphore, #tpu.memory_space<semaphore_mem>>) src(%dma_wait3A_71 : memref<8x128xi32, #tpu.memory_space<hbm>>) dst(%arg8 : memref<8x128xi32, #tpu.memory_space<vmem>>)
        tpu.yield
      }) : () -> ()
      %dma_start3A = arith.constant 0 : i32
      %dma_start3A_29 = arith.constant 0 : i32
      %dma_start3A_30 = tpu.memref_slice %arg6[%dma_start3A, %dma_start3A_29] : memref<8x128xi32, #tpu.memory_space<vmem>> -> memref<1x128xi32, #tpu.memory_space<vmem>>
      %dma_start3A_31 = tpu.memref_squeeze %dma_start3A_30 : memref<1x128xi32, #tpu.memory_space<vmem>> -> memref<128xi32, #tpu.memory_space<vmem>>
      %dma_start3A_32 = arith.constant 0 : i32
      %dma_start3A_33 = arith.constant 0 : i32
      %dma_start3A_34 = tpu.memref_slice %arg2[%dma_start3A_32, %dma_start3A_33] : memref<10000x128xf32, #tpu.memory_space<hbm>> -> memref<10000x128xf32, #tpu.memory_space<hbm>>
      tpu.enqueue_indirect_dma source(%dma_start3A_34 : memref<10000x128xf32, #tpu.memory_space<hbm>>) target(%arg10 : memref<128x128xf32, #tpu.memory_space<vmem>>) offsets(%dma_start3A_31 : memref<128xi32, #tpu.memory_space<vmem>>) semaphore(%arg14 : memref<!tpu.dma_semaphore, #tpu.memory_space<semaphore_mem>>)
      %scan3A_35 = arith.constant 0 : i32
      %scan3A_36 = arith.constant 0 : i32
      %mul3A_37 = arith.constant 2 : i32
      %mul3A_38 = arith.muli %mul3A_37, %scan3A_36 : i32
      %add3A_39 = arith.constant 0 : i32
      %add3A_40 = arith.addi %mul3A_38, %add3A_39 : i32
      %scan3A_41 = arith.constant 0 : i32
      %scan3A_42 = arith.constant 0 : i32
      %scan3A_43 = arith.constant 4 : i32
      %scan3A_44 = arith.addi %scan3A_42, %scan3A_43 : i32
      %scan3A_45 = arith.constant 1 : i32
      scf.for %scan3A_64 = %scan3A_42 to %scan3A_44 step %scan3A_45  : i32 {
        %mul3A_65 = arith.constant 2 : i32
        %mul3A_66 = arith.muli %mul3A_65, %scan3A_64 : i32
        %add3A_67 = arith.constant 0 : i32
        %add3A_68 = arith.addi %mul3A_66, %add3A_67 : i32
        %mul3A_69 = arith.constant 8 : i32
        %mul3A_70 = arith.muli %add3A_40, %mul3A_69 : i32
        %add3A_71 = arith.addi %mul3A_70, %add3A_68 : i32
        %dma_wait3A_72 = arith.constant 0 : i32
        %dma_wait3A_73 = arith.constant 0 : i32
        %dma_wait3A_74 = tpu.memref_slice %arg6[%dma_wait3A_72, %dma_wait3A_73] : memref<8x128xi32, #tpu.memory_space<vmem>> -> memref<1x128xi32, #tpu.memory_space<vmem>>
        %dma_wait3A_75 = tpu.memref_squeeze %dma_wait3A_74 : memref<1x128xi32, #tpu.memory_space<vmem>> -> memref<128xi32, #tpu.memory_space<vmem>>
        %dma_wait3A_76 = arith.constant 0 : i32
        %dma_wait3A_77 = arith.constant 0 : i32
        %dma_wait3A_78 = tpu.memref_slice %arg2[%dma_wait3A_76, %dma_wait3A_77] : memref<10000x128xf32, #tpu.memory_space<hbm>> -> memref<10000x128xf32, #tpu.memory_space<hbm>>
        tpu.wait_indirect_dma semaphore(%arg14 : memref<!tpu.dma_semaphore, #tpu.memory_space<semaphore_mem>>) src(%dma_wait3A_78 : memref<10000x128xf32, #tpu.memory_space<hbm>>) dst(%arg10 : memref<128x128xf32, #tpu.memory_space<vmem>>)
        %gt3A = arith.constant 0 : i32
        %gt3A_79 = arith.cmpi sgt, %add3A_71, %gt3A : i32
        %convert_element_type3A_80 = arith.extui %gt3A_79 : i1 to i32
        %cond3A_81 = arith.constant 0 : i32
        %cond3A_82 = arith.cmpi ne, %convert_element_type3A_80, %cond3A_81 : i32
        scf.if %cond3A_82 {
          %dma_wait3A_162 = arith.constant 0 : i32
          %dma_wait3A_163 = arith.constant 0 : i32
          %dma_wait3A_164 = tpu.memref_slice %arg8[%dma_wait3A_162, %dma_wait3A_163] : memref<8x128xi32, #tpu.memory_space<vmem>> -> memref<1x128xi32, #tpu.memory_space<vmem>>
          %dma_wait3A_165 = tpu.memref_squeeze %dma_wait3A_164 : memref<1x128xi32, #tpu.memory_space<vmem>> -> memref<128xi32, #tpu.memory_space<vmem>>
          %dma_wait3A_166 = arith.constant 0 : i32
          %dma_wait3A_167 = arith.constant 0 : i32
          %dma_wait3A_168 = tpu.memref_slice %arg13[%dma_wait3A_166, %dma_wait3A_167] : memref<10112x128xf32, #tpu.memory_space<vmem_shared>> -> memref<10112x128xf32, #tpu.memory_space<vmem_shared>>
          tpu.wait_indirect_dma semaphore(%arg17 : memref<!tpu.dma_semaphore, #tpu.memory_space<semaphore_mem>>) src(%arg11 : memref<128x128xf32, #tpu.memory_space<vmem>>) dst(%dma_wait3A_168 : memref<10112x128xf32, #tpu.memory_space<vmem_shared>>)
        } else {
        }
        %eq3A_83 = arith.constant 0 : i32
        %eq3A_84 = arith.cmpi eq, %add3A_68, %eq3A_83 : i32
        %add3A_85 = arith.constant 1 : i32
        %add3A_86 = arith.addi %add3A_40, %add3A_85 : i32
        %lt3A = arith.constant 2 : i32
        %lt3A_87 = arith.cmpi slt, %add3A_86, %lt3A : i32
        %and3A = arith.andi %eq3A_84, %lt3A_87 : i1
        %convert_element_type3A_88 = arith.extui %and3A : i1 to i32
        %cond3A_89 = arith.constant 0 : i32
        %cond3A_90 = arith.cmpi ne, %convert_element_type3A_88, %cond3A_89 : i32
        scf.if %cond3A_90 {
          %add3A_162 = arith.constant 1 : i32
          %add3A_163 = arith.addi %add3A_40, %add3A_162 : i32
          %mul3A_164 = arith.constant 8 : i32
          %mul3A_165 = arith.muli %add3A_163, %mul3A_164 : i32
          %add3A_166 = arith.addi %add3A_28, %mul3A_165 : i32
          %dma_start3A_167 = arith.constant 0 : i32
          %dma_start3A_168 = tpu.memref_slice %arg3[%add3A_166, %dma_start3A_167] : memref<2560x128xi32, #tpu.memory_space<hbm>> -> memref<8x128xi32, #tpu.memory_space<hbm>>
          %dma_start3A_169 = arith.constant 0 : i32
          %dma_start3A_170 = tpu.memref_slice %arg3[%add3A_166, %dma_start3A_169] : memref<2560x128xi32, #tpu.memory_space<hbm>> -> memref<8x128xi32, #tpu.memory_space<hbm>>
          tpu.enqueue_dma source(%dma_start3A_170 : memref<8x128xi32, #tpu.memory_space<hbm>>) target(%arg7 : memref<8x128xi32, #tpu.memory_space<vmem>>) target_semaphore(%arg18 : memref<!tpu.dma_semaphore, #tpu.memory_space<semaphore_mem>>)
          %dma_start3A_171 = arith.constant 0 : i32
          %dma_start3A_172 = tpu.memref_slice %arg4[%add3A_166, %dma_start3A_171] : memref<2560x128xi32, #tpu.memory_space<hbm>> -> memref<8x128xi32, #tpu.memory_space<hbm>>
          %dma_start3A_173 = arith.constant 0 : i32
          %dma_start3A_174 = tpu.memref_slice %arg4[%add3A_166, %dma_start3A_173] : memref<2560x128xi32, #tpu.memory_space<hbm>> -> memref<8x128xi32, #tpu.memory_space<hbm>>
          tpu.enqueue_dma source(%dma_start3A_174 : memref<8x128xi32, #tpu.memory_space<hbm>>) target(%arg9 : memref<8x128xi32, #tpu.memory_space<vmem>>) target_semaphore(%arg18 : memref<!tpu.dma_semaphore, #tpu.memory_space<semaphore_mem>>)
        } else {
        }
        %lt3A_91 = arith.constant 7 : i32
        %lt3A_92 = arith.cmpi slt, %add3A_68, %lt3A_91 : i32
        %convert_element_type3A_93 = arith.extui %lt3A_92 : i1 to i32
        %cond3A_94 = arith.constant 0 : i32
        %cond3A_95 = arith.cmpi ne, %convert_element_type3A_93, %cond3A_94 : i32
        scf.if %cond3A_95 {
          %add3A_162 = arith.constant 1 : i32
          %add3A_163 = arith.addi %add3A_68, %add3A_162 : i32
          %dma_start3A_164 = arith.constant 0 : i32
          %dma_start3A_165 = tpu.memref_slice %arg6[%add3A_163, %dma_start3A_164] : memref<8x128xi32, #tpu.memory_space<vmem>> -> memref<1x128xi32, #tpu.memory_space<vmem>>
          %dma_start3A_166 = tpu.memref_squeeze %dma_start3A_165 : memref<1x128xi32, #tpu.memory_space<vmem>> -> memref<128xi32, #tpu.memory_space<vmem>>
          %dma_start3A_167 = arith.constant 0 : i32
          %dma_start3A_168 = arith.constant 0 : i32
          %dma_start3A_169 = tpu.memref_slice %arg2[%dma_start3A_167, %dma_start3A_168] : memref<10000x128xf32, #tpu.memory_space<hbm>> -> memref<10000x128xf32, #tpu.memory_space<hbm>>
          tpu.enqueue_indirect_dma source(%dma_start3A_169 : memref<10000x128xf32, #tpu.memory_space<hbm>>) target(%arg11 : memref<128x128xf32, #tpu.memory_space<vmem>>) offsets(%dma_start3A_166 : memref<128xi32, #tpu.memory_space<vmem>>) semaphore(%arg15 : memref<!tpu.dma_semaphore, #tpu.memory_space<semaphore_mem>>)
        } else {
        }
        %eq3A_96 = arith.constant 7 : i32
        %eq3A_97 = arith.cmpi eq, %add3A_68, %eq3A_96 : i32
        %add3A_98 = arith.constant 1 : i32
        %add3A_99 = arith.addi %add3A_40, %add3A_98 : i32
        %lt3A_100 = arith.constant 2 : i32
        %lt3A_101 = arith.cmpi slt, %add3A_99, %lt3A_100 : i32
        %and3A_102 = arith.andi %eq3A_97, %lt3A_101 : i1
        %convert_element_type3A_103 = arith.extui %and3A_102 : i1 to i32
        %cond3A_104 = arith.constant 0 : i32
        %cond3A_105 = arith.cmpi ne, %convert_element_type3A_103, %cond3A_104 : i32
        scf.if %cond3A_105 {
          %dma_wait3A_162 = arith.constant 0 : i32
          %dma_wait3A_163 = arith.constant 0 : i32
          %dma_wait3A_164 = tpu.memref_slice %arg3[%dma_wait3A_162, %dma_wait3A_163] : memref<2560x128xi32, #tpu.memory_space<hbm>> -> memref<8x128xi32, #tpu.memory_space<hbm>>
          %dma_wait3A_165 = arith.constant 0 : i32
          %dma_wait3A_166 = arith.constant 0 : i32
          %dma_wait3A_167 = tpu.memref_slice %arg3[%dma_wait3A_165, %dma_wait3A_166] : memref<2560x128xi32, #tpu.memory_space<hbm>> -> memref<8x128xi32, #tpu.memory_space<hbm>>
          tpu.wait_dma2 semaphore(%arg18 : memref<!tpu.dma_semaphore, #tpu.memory_space<semaphore_mem>>) src(%dma_wait3A_167 : memref<8x128xi32, #tpu.memory_space<hbm>>) dst(%arg7 : memref<8x128xi32, #tpu.memory_space<vmem>>)
          %dma_wait3A_168 = arith.constant 0 : i32
          %dma_wait3A_169 = arith.constant 0 : i32
          %dma_wait3A_170 = tpu.memref_slice %arg4[%dma_wait3A_168, %dma_wait3A_169] : memref<2560x128xi32, #tpu.memory_space<hbm>> -> memref<8x128xi32, #tpu.memory_space<hbm>>
          %dma_wait3A_171 = arith.constant 0 : i32
          %dma_wait3A_172 = arith.constant 0 : i32
          %dma_wait3A_173 = tpu.memref_slice %arg4[%dma_wait3A_171, %dma_wait3A_172] : memref<2560x128xi32, #tpu.memory_space<hbm>> -> memref<8x128xi32, #tpu.memory_space<hbm>>
          tpu.wait_dma2 semaphore(%arg18 : memref<!tpu.dma_semaphore, #tpu.memory_space<semaphore_mem>>) src(%dma_wait3A_173 : memref<8x128xi32, #tpu.memory_space<hbm>>) dst(%arg9 : memref<8x128xi32, #tpu.memory_space<vmem>>)
          %dma_start3A_174 = arith.constant 0 : i32
          %dma_start3A_175 = arith.constant 0 : i32
          %dma_start3A_176 = tpu.memref_slice %arg7[%dma_start3A_174, %dma_start3A_175] : memref<8x128xi32, #tpu.memory_space<vmem>> -> memref<1x128xi32, #tpu.memory_space<vmem>>
          %dma_start3A_177 = tpu.memref_squeeze %dma_start3A_176 : memref<1x128xi32, #tpu.memory_space<vmem>> -> memref<128xi32, #tpu.memory_space<vmem>>
          %dma_start3A_178 = arith.constant 0 : i32
          %dma_start3A_179 = arith.constant 0 : i32
          %dma_start3A_180 = tpu.memref_slice %arg2[%dma_start3A_178, %dma_start3A_179] : memref<10000x128xf32, #tpu.memory_space<hbm>> -> memref<10000x128xf32, #tpu.memory_space<hbm>>
          tpu.enqueue_indirect_dma source(%dma_start3A_180 : memref<10000x128xf32, #tpu.memory_space<hbm>>) target(%arg11 : memref<128x128xf32, #tpu.memory_space<vmem>>) offsets(%dma_start3A_177 : memref<128xi32, #tpu.memory_space<vmem>>) semaphore(%arg15 : memref<!tpu.dma_semaphore, #tpu.memory_space<semaphore_mem>>)
        } else {
        }
        %dma_start3A_106 = arith.constant 0 : i32
        %dma_start3A_107 = tpu.memref_slice %arg8[%add3A_68, %dma_start3A_106] : memref<8x128xi32, #tpu.memory_space<vmem>> -> memref<1x128xi32, #tpu.memory_space<vmem>>
        %dma_start3A_108 = tpu.memref_squeeze %dma_start3A_107 : memref<1x128xi32, #tpu.memory_space<vmem>> -> memref<128xi32, #tpu.memory_space<vmem>>
        %dma_start3A_109 = arith.constant 0 : i32
        %dma_start3A_110 = arith.constant 0 : i32
        %dma_start3A_111 = tpu.memref_slice %arg13[%dma_start3A_109, %dma_start3A_110] : memref<10112x128xf32, #tpu.memory_space<vmem_shared>> -> memref<10112x128xf32, #tpu.memory_space<vmem_shared>>
        tpu.enqueue_indirect_dma source(%arg10 : memref<128x128xf32, #tpu.memory_space<vmem>>) target(%dma_start3A_111 : memref<10112x128xf32, #tpu.memory_space<vmem_shared>>) offsets(%dma_start3A_108 : memref<128xi32, #tpu.memory_space<vmem>>) semaphore(%arg16 : memref<!tpu.dma_semaphore, #tpu.memory_space<semaphore_mem>>) {add = true}
        %mul3A_112 = arith.constant 2 : i32
        %mul3A_113 = arith.muli %mul3A_112, %scan3A_64 : i32
        %add3A_114 = arith.constant 1 : i32
        %add3A_115 = arith.addi %mul3A_113, %add3A_114 : i32
        %mul3A_116 = arith.constant 8 : i32
        %mul3A_117 = arith.muli %add3A_40, %mul3A_116 : i32
        %add3A_118 = arith.addi %mul3A_117, %add3A_115 : i32
        %dma_wait3A_119 = arith.constant 0 : i32
        %dma_wait3A_120 = arith.constant 0 : i32
        %dma_wait3A_121 = tpu.memref_slice %arg6[%dma_wait3A_119, %dma_wait3A_120] : memref<8x128xi32, #tpu.memory_space<vmem>> -> memref<1x128xi32, #tpu.memory_space<vmem>>
        %dma_wait3A_122 = tpu.memref_squeeze %dma_wait3A_121 : memref<1x128xi32, #tpu.memory_space<vmem>> -> memref<128xi32, #tpu.memory_space<vmem>>
        %dma_wait3A_123 = arith.constant 0 : i32
        %dma_wait3A_124 = arith.constant 0 : i32
        %dma_wait3A_125 = tpu.memref_slice %arg2[%dma_wait3A_123, %dma_wait3A_124] : memref<10000x128xf32, #tpu.memory_space<hbm>> -> memref<10000x128xf32, #tpu.memory_space<hbm>>
        tpu.wait_indirect_dma semaphore(%arg15 : memref<!tpu.dma_semaphore, #tpu.memory_space<semaphore_mem>>) src(%dma_wait3A_125 : memref<10000x128xf32, #tpu.memory_space<hbm>>) dst(%arg11 : memref<128x128xf32, #tpu.memory_space<vmem>>)
        %gt3A_126 = arith.constant 0 : i32
        %gt3A_127 = arith.cmpi sgt, %add3A_118, %gt3A_126 : i32
        %convert_element_type3A_128 = arith.extui %gt3A_127 : i1 to i32
        %cond3A_129 = arith.constant 0 : i32
        %cond3A_130 = arith.cmpi ne, %convert_element_type3A_128, %cond3A_129 : i32
        scf.if %cond3A_130 {
          %dma_wait3A_162 = arith.constant 0 : i32
          %dma_wait3A_163 = arith.constant 0 : i32
          %dma_wait3A_164 = tpu.memref_slice %arg8[%dma_wait3A_162, %dma_wait3A_163] : memref<8x128xi32, #tpu.memory_space<vmem>> -> memref<1x128xi32, #tpu.memory_space<vmem>>
          %dma_wait3A_165 = tpu.memref_squeeze %dma_wait3A_164 : memref<1x128xi32, #tpu.memory_space<vmem>> -> memref<128xi32, #tpu.memory_space<vmem>>
          %dma_wait3A_166 = arith.constant 0 : i32
          %dma_wait3A_167 = arith.constant 0 : i32
          %dma_wait3A_168 = tpu.memref_slice %arg13[%dma_wait3A_166, %dma_wait3A_167] : memref<10112x128xf32, #tpu.memory_space<vmem_shared>> -> memref<10112x128xf32, #tpu.memory_space<vmem_shared>>
          tpu.wait_indirect_dma semaphore(%arg16 : memref<!tpu.dma_semaphore, #tpu.memory_space<semaphore_mem>>) src(%arg10 : memref<128x128xf32, #tpu.memory_space<vmem>>) dst(%dma_wait3A_168 : memref<10112x128xf32, #tpu.memory_space<vmem_shared>>)
        } else {
        }
        %eq3A_131 = arith.constant 0 : i32
        %eq3A_132 = arith.cmpi eq, %add3A_115, %eq3A_131 : i32
        %add3A_133 = arith.constant 1 : i32
        %add3A_134 = arith.addi %add3A_40, %add3A_133 : i32
        %lt3A_135 = arith.constant 2 : i32
        %lt3A_136 = arith.cmpi slt, %add3A_134, %lt3A_135 : i32
        %and3A_137 = arith.andi %eq3A_132, %lt3A_136 : i1
        %convert_element_type3A_138 = arith.extui %and3A_137 : i1 to i32
        %cond3A_139 = arith.constant 0 : i32
        %cond3A_140 = arith.cmpi ne, %convert_element_type3A_138, %cond3A_139 : i32
        scf.if %cond3A_140 {
          %add3A_162 = arith.constant 1 : i32
          %add3A_163 = arith.addi %add3A_40, %add3A_162 : i32
          %mul3A_164 = arith.constant 8 : i32
          %mul3A_165 = arith.muli %add3A_163, %mul3A_164 : i32
          %add3A_166 = arith.addi %add3A_28, %mul3A_165 : i32
          %dma_start3A_167 = arith.constant 0 : i32
          %dma_start3A_168 = tpu.memref_slice %arg3[%add3A_166, %dma_start3A_167] : memref<2560x128xi32, #tpu.memory_space<hbm>> -> memref<8x128xi32, #tpu.memory_space<hbm>>
          %dma_start3A_169 = arith.constant 0 : i32
          %dma_start3A_170 = tpu.memref_slice %arg3[%add3A_166, %dma_start3A_169] : memref<2560x128xi32, #tpu.memory_space<hbm>> -> memref<8x128xi32, #tpu.memory_space<hbm>>
          tpu.enqueue_dma source(%dma_start3A_170 : memref<8x128xi32, #tpu.memory_space<hbm>>) target(%arg7 : memref<8x128xi32, #tpu.memory_space<vmem>>) target_semaphore(%arg18 : memref<!tpu.dma_semaphore, #tpu.memory_space<semaphore_mem>>)
          %dma_start3A_171 = arith.constant 0 : i32
          %dma_start3A_172 = tpu.memref_slice %arg4[%add3A_166, %dma_start3A_171] : memref<2560x128xi32, #tpu.memory_space<hbm>> -> memref<8x128xi32, #tpu.memory_space<hbm>>
          %dma_start3A_173 = arith.constant 0 : i32
          %dma_start3A_174 = tpu.memref_slice %arg4[%add3A_166, %dma_start3A_173] : memref<2560x128xi32, #tpu.memory_space<hbm>> -> memref<8x128xi32, #tpu.memory_space<hbm>>
          tpu.enqueue_dma source(%dma_start3A_174 : memref<8x128xi32, #tpu.memory_space<hbm>>) target(%arg9 : memref<8x128xi32, #tpu.memory_space<vmem>>) target_semaphore(%arg18 : memref<!tpu.dma_semaphore, #tpu.memory_space<semaphore_mem>>)
        } else {
        }
        %lt3A_141 = arith.constant 7 : i32
        %lt3A_142 = arith.cmpi slt, %add3A_115, %lt3A_141 : i32
        %convert_element_type3A_143 = arith.extui %lt3A_142 : i1 to i32
        %cond3A_144 = arith.constant 0 : i32
        %cond3A_145 = arith.cmpi ne, %convert_element_type3A_143, %cond3A_144 : i32
        scf.if %cond3A_145 {
          %add3A_162 = arith.constant 1 : i32
          %add3A_163 = arith.addi %add3A_115, %add3A_162 : i32
          %dma_start3A_164 = arith.constant 0 : i32
          %dma_start3A_165 = tpu.memref_slice %arg6[%add3A_163, %dma_start3A_164] : memref<8x128xi32, #tpu.memory_space<vmem>> -> memref<1x128xi32, #tpu.memory_space<vmem>>
          %dma_start3A_166 = tpu.memref_squeeze %dma_start3A_165 : memref<1x128xi32, #tpu.memory_space<vmem>> -> memref<128xi32, #tpu.memory_space<vmem>>
          %dma_start3A_167 = arith.constant 0 : i32
          %dma_start3A_168 = arith.constant 0 : i32
          %dma_start3A_169 = tpu.memref_slice %arg2[%dma_start3A_167, %dma_start3A_168] : memref<10000x128xf32, #tpu.memory_space<hbm>> -> memref<10000x128xf32, #tpu.memory_space<hbm>>
          tpu.enqueue_indirect_dma source(%dma_start3A_169 : memref<10000x128xf32, #tpu.memory_space<hbm>>) target(%arg10 : memref<128x128xf32, #tpu.memory_space<vmem>>) offsets(%dma_start3A_166 : memref<128xi32, #tpu.memory_space<vmem>>) semaphore(%arg14 : memref<!tpu.dma_semaphore, #tpu.memory_space<semaphore_mem>>)
        } else {
        }
        %eq3A_146 = arith.constant 7 : i32
        %eq3A_147 = arith.cmpi eq, %add3A_115, %eq3A_146 : i32
        %add3A_148 = arith.constant 1 : i32
        %add3A_149 = arith.addi %add3A_40, %add3A_148 : i32
        %lt3A_150 = arith.constant 2 : i32
        %lt3A_151 = arith.cmpi slt, %add3A_149, %lt3A_150 : i32
        %and3A_152 = arith.andi %eq3A_147, %lt3A_151 : i1
        %convert_element_type3A_153 = arith.extui %and3A_152 : i1 to i32
        %cond3A_154 = arith.constant 0 : i32
        %cond3A_155 = arith.cmpi ne, %convert_element_type3A_153, %cond3A_154 : i32
        scf.if %cond3A_155 {
          %dma_wait3A_162 = arith.constant 0 : i32
          %dma_wait3A_163 = arith.constant 0 : i32
          %dma_wait3A_164 = tpu.memref_slice %arg3[%dma_wait3A_162, %dma_wait3A_163] : memref<2560x128xi32, #tpu.memory_space<hbm>> -> memref<8x128xi32, #tpu.memory_space<hbm>>
          %dma_wait3A_165 = arith.constant 0 : i32
          %dma_wait3A_166 = arith.constant 0 : i32
          %dma_wait3A_167 = tpu.memref_slice %arg3[%dma_wait3A_165, %dma_wait3A_166] : memref<2560x128xi32, #tpu.memory_space<hbm>> -> memref<8x128xi32, #tpu.memory_space<hbm>>
          tpu.wait_dma2 semaphore(%arg18 : memref<!tpu.dma_semaphore, #tpu.memory_space<semaphore_mem>>) src(%dma_wait3A_167 : memref<8x128xi32, #tpu.memory_space<hbm>>) dst(%arg7 : memref<8x128xi32, #tpu.memory_space<vmem>>)
          %dma_wait3A_168 = arith.constant 0 : i32
          %dma_wait3A_169 = arith.constant 0 : i32
          %dma_wait3A_170 = tpu.memref_slice %arg4[%dma_wait3A_168, %dma_wait3A_169] : memref<2560x128xi32, #tpu.memory_space<hbm>> -> memref<8x128xi32, #tpu.memory_space<hbm>>
          %dma_wait3A_171 = arith.constant 0 : i32
          %dma_wait3A_172 = arith.constant 0 : i32
          %dma_wait3A_173 = tpu.memref_slice %arg4[%dma_wait3A_171, %dma_wait3A_172] : memref<2560x128xi32, #tpu.memory_space<hbm>> -> memref<8x128xi32, #tpu.memory_space<hbm>>
          tpu.wait_dma2 semaphore(%arg18 : memref<!tpu.dma_semaphore, #tpu.memory_space<semaphore_mem>>) src(%dma_wait3A_173 : memref<8x128xi32, #tpu.memory_space<hbm>>) dst(%arg9 : memref<8x128xi32, #tpu.memory_space<vmem>>)
          %dma_start3A_174 = arith.constant 0 : i32
          %dma_start3A_175 = arith.constant 0 : i32
          %dma_start3A_176 = tpu.memref_slice %arg7[%dma_start3A_174, %dma_start3A_175] : memref<8x128xi32, #tpu.memory_space<vmem>> -> memref<1x128xi32, #tpu.memory_space<vmem>>
          %dma_start3A_177 = tpu.memref_squeeze %dma_start3A_176 : memref<1x128xi32, #tpu.memory_space<vmem>> -> memref<128xi32, #tpu.memory_space<vmem>>
          %dma_start3A_178 = arith.constant 0 : i32
          %dma_start3A_179 = arith.constant 0 : i32
          %dma_start3A_180 = tpu.memref_slice %arg2[%dma_start3A_178, %dma_start3A_179] : memref<10000x128xf32, #tpu.memory_space<hbm>> -> memref<10000x128xf32, #tpu.memory_space<hbm>>
          tpu.enqueue_indirect_dma source(%dma_start3A_180 : memref<10000x128xf32, #tpu.memory_space<hbm>>) target(%arg10 : memref<128x128xf32, #tpu.memory_space<vmem>>) offsets(%dma_start3A_177 : memref<128xi32, #tpu.memory_space<vmem>>) semaphore(%arg14 : memref<!tpu.dma_semaphore, #tpu.memory_space<semaphore_mem>>)
        } else {
        }
        %dma_start3A_156 = arith.constant 0 : i32
        %dma_start3A_157 = tpu.memref_slice %arg8[%add3A_115, %dma_start3A_156] : memref<8x128xi32, #tpu.memory_space<vmem>> -> memref<1x128xi32, #tpu.memory_space<vmem>>
        %dma_start3A_158 = tpu.memref_squeeze %dma_start3A_157 : memref<1x128xi32, #tpu.memory_space<vmem>> -> memref<128xi32, #tpu.memory_space<vmem>>
        %dma_start3A_159 = arith.constant 0 : i32
        %dma_start3A_160 = arith.constant 0 : i32
        %dma_start3A_161 = tpu.memref_slice %arg13[%dma_start3A_159, %dma_start3A_160] : memref<10112x128xf32, #tpu.memory_space<vmem_shared>> -> memref<10112x128xf32, #tpu.memory_space<vmem_shared>>
        tpu.enqueue_indirect_dma source(%arg11 : memref<128x128xf32, #tpu.memory_space<vmem>>) target(%dma_start3A_161 : memref<10112x128xf32, #tpu.memory_space<vmem_shared>>) offsets(%dma_start3A_158 : memref<128xi32, #tpu.memory_space<vmem>>) semaphore(%arg17 : memref<!tpu.dma_semaphore, #tpu.memory_space<semaphore_mem>>) {add = true}
      }
      %scan3A_46 = arith.constant 4 : i32
      %mul3A_47 = arith.constant 2 : i32
      %mul3A_48 = arith.muli %mul3A_47, %scan3A_36 : i32
      %add3A_49 = arith.constant 1 : i32
      %add3A_50 = arith.addi %mul3A_48, %add3A_49 : i32
      %scan3A_51 = arith.constant 0 : i32
      %scan3A_52 = arith.constant 0 : i32
      %scan3A_53 = arith.constant 4 : i32
      %scan3A_54 = arith.addi %scan3A_52, %scan3A_53 : i32
      %scan3A_55 = arith.constant 1 : i32
      scf.for %scan3A_64 = %scan3A_52 to %scan3A_54 step %scan3A_55  : i32 {
        %mul3A_65 = arith.constant 2 : i32
        %mul3A_66 = arith.muli %mul3A_65, %scan3A_64 : i32
        %add3A_67 = arith.constant 0 : i32
        %add3A_68 = arith.addi %mul3A_66, %add3A_67 : i32
        %mul3A_69 = arith.constant 8 : i32
        %mul3A_70 = arith.muli %add3A_50, %mul3A_69 : i32
        %add3A_71 = arith.addi %mul3A_70, %add3A_68 : i32
        %dma_wait3A_72 = arith.constant 0 : i32
        %dma_wait3A_73 = arith.constant 0 : i32
        %dma_wait3A_74 = tpu.memref_slice %arg7[%dma_wait3A_72, %dma_wait3A_73] : memref<8x128xi32, #tpu.memory_space<vmem>> -> memref<1x128xi32, #tpu.memory_space<vmem>>
        %dma_wait3A_75 = tpu.memref_squeeze %dma_wait3A_74 : memref<1x128xi32, #tpu.memory_space<vmem>> -> memref<128xi32, #tpu.memory_space<vmem>>
        %dma_wait3A_76 = arith.constant 0 : i32
        %dma_wait3A_77 = arith.constant 0 : i32
        %dma_wait3A_78 = tpu.memref_slice %arg2[%dma_wait3A_76, %dma_wait3A_77] : memref<10000x128xf32, #tpu.memory_space<hbm>> -> memref<10000x128xf32, #tpu.memory_space<hbm>>
        tpu.wait_indirect_dma semaphore(%arg14 : memref<!tpu.dma_semaphore, #tpu.memory_space<semaphore_mem>>) src(%dma_wait3A_78 : memref<10000x128xf32, #tpu.memory_space<hbm>>) dst(%arg10 : memref<128x128xf32, #tpu.memory_space<vmem>>)
        %gt3A = arith.constant 0 : i32
        %gt3A_79 = arith.cmpi sgt, %add3A_71, %gt3A : i32
        %convert_element_type3A_80 = arith.extui %gt3A_79 : i1 to i32
        %cond3A_81 = arith.constant 0 : i32
        %cond3A_82 = arith.cmpi ne, %convert_element_type3A_80, %cond3A_81 : i32
        scf.if %cond3A_82 {
          %dma_wait3A_162 = arith.constant 0 : i32
          %dma_wait3A_163 = arith.constant 0 : i32
          %dma_wait3A_164 = tpu.memref_slice %arg9[%dma_wait3A_162, %dma_wait3A_163] : memref<8x128xi32, #tpu.memory_space<vmem>> -> memref<1x128xi32, #tpu.memory_space<vmem>>
          %dma_wait3A_165 = tpu.memref_squeeze %dma_wait3A_164 : memref<1x128xi32, #tpu.memory_space<vmem>> -> memref<128xi32, #tpu.memory_space<vmem>>
          %dma_wait3A_166 = arith.constant 0 : i32
          %dma_wait3A_167 = arith.constant 0 : i32
          %dma_wait3A_168 = tpu.memref_slice %arg13[%dma_wait3A_166, %dma_wait3A_167] : memref<10112x128xf32, #tpu.memory_space<vmem_shared>> -> memref<10112x128xf32, #tpu.memory_space<vmem_shared>>
          tpu.wait_indirect_dma semaphore(%arg17 : memref<!tpu.dma_semaphore, #tpu.memory_space<semaphore_mem>>) src(%arg11 : memref<128x128xf32, #tpu.memory_space<vmem>>) dst(%dma_wait3A_168 : memref<10112x128xf32, #tpu.memory_space<vmem_shared>>)
        } else {
        }
        %eq3A_83 = arith.constant 0 : i32
        %eq3A_84 = arith.cmpi eq, %add3A_68, %eq3A_83 : i32
        %add3A_85 = arith.constant 1 : i32
        %add3A_86 = arith.addi %add3A_50, %add3A_85 : i32
        %lt3A = arith.constant 2 : i32
        %lt3A_87 = arith.cmpi slt, %add3A_86, %lt3A : i32
        %and3A = arith.andi %eq3A_84, %lt3A_87 : i1
        %convert_element_type3A_88 = arith.extui %and3A : i1 to i32
        %cond3A_89 = arith.constant 0 : i32
        %cond3A_90 = arith.cmpi ne, %convert_element_type3A_88, %cond3A_89 : i32
        scf.if %cond3A_90 {
          %add3A_162 = arith.constant 1 : i32
          %add3A_163 = arith.addi %add3A_50, %add3A_162 : i32
          %mul3A_164 = arith.constant 8 : i32
          %mul3A_165 = arith.muli %add3A_163, %mul3A_164 : i32
          %add3A_166 = arith.addi %add3A_28, %mul3A_165 : i32
          %dma_start3A_167 = arith.constant 0 : i32
          %dma_start3A_168 = tpu.memref_slice %arg3[%add3A_166, %dma_start3A_167] : memref<2560x128xi32, #tpu.memory_space<hbm>> -> memref<8x128xi32, #tpu.memory_space<hbm>>
          %dma_start3A_169 = arith.constant 0 : i32
          %dma_start3A_170 = tpu.memref_slice %arg3[%add3A_166, %dma_start3A_169] : memref<2560x128xi32, #tpu.memory_space<hbm>> -> memref<8x128xi32, #tpu.memory_space<hbm>>
          tpu.enqueue_dma source(%dma_start3A_170 : memref<8x128xi32, #tpu.memory_space<hbm>>) target(%arg6 : memref<8x128xi32, #tpu.memory_space<vmem>>) target_semaphore(%arg18 : memref<!tpu.dma_semaphore, #tpu.memory_space<semaphore_mem>>)
          %dma_start3A_171 = arith.constant 0 : i32
          %dma_start3A_172 = tpu.memref_slice %arg4[%add3A_166, %dma_start3A_171] : memref<2560x128xi32, #tpu.memory_space<hbm>> -> memref<8x128xi32, #tpu.memory_space<hbm>>
          %dma_start3A_173 = arith.constant 0 : i32
          %dma_start3A_174 = tpu.memref_slice %arg4[%add3A_166, %dma_start3A_173] : memref<2560x128xi32, #tpu.memory_space<hbm>> -> memref<8x128xi32, #tpu.memory_space<hbm>>
          tpu.enqueue_dma source(%dma_start3A_174 : memref<8x128xi32, #tpu.memory_space<hbm>>) target(%arg8 : memref<8x128xi32, #tpu.memory_space<vmem>>) target_semaphore(%arg18 : memref<!tpu.dma_semaphore, #tpu.memory_space<semaphore_mem>>)
        } else {
        }
        %lt3A_91 = arith.constant 7 : i32
        %lt3A_92 = arith.cmpi slt, %add3A_68, %lt3A_91 : i32
        %convert_element_type3A_93 = arith.extui %lt3A_92 : i1 to i32
        %cond3A_94 = arith.constant 0 : i32
        %cond3A_95 = arith.cmpi ne, %convert_element_type3A_93, %cond3A_94 : i32
        scf.if %cond3A_95 {
          %add3A_162 = arith.constant 1 : i32
          %add3A_163 = arith.addi %add3A_68, %add3A_162 : i32
          %dma_start3A_164 = arith.constant 0 : i32
          %dma_start3A_165 = tpu.memref_slice %arg7[%add3A_163, %dma_start3A_164] : memref<8x128xi32, #tpu.memory_space<vmem>> -> memref<1x128xi32, #tpu.memory_space<vmem>>
          %dma_start3A_166 = tpu.memref_squeeze %dma_start3A_165 : memref<1x128xi32, #tpu.memory_space<vmem>> -> memref<128xi32, #tpu.memory_space<vmem>>
          %dma_start3A_167 = arith.constant 0 : i32
          %dma_start3A_168 = arith.constant 0 : i32
          %dma_start3A_169 = tpu.memref_slice %arg2[%dma_start3A_167, %dma_start3A_168] : memref<10000x128xf32, #tpu.memory_space<hbm>> -> memref<10000x128xf32, #tpu.memory_space<hbm>>
          tpu.enqueue_indirect_dma source(%dma_start3A_169 : memref<10000x128xf32, #tpu.memory_space<hbm>>) target(%arg11 : memref<128x128xf32, #tpu.memory_space<vmem>>) offsets(%dma_start3A_166 : memref<128xi32, #tpu.memory_space<vmem>>) semaphore(%arg15 : memref<!tpu.dma_semaphore, #tpu.memory_space<semaphore_mem>>)
        } else {
        }
        %eq3A_96 = arith.constant 7 : i32
        %eq3A_97 = arith.cmpi eq, %add3A_68, %eq3A_96 : i32
        %add3A_98 = arith.constant 1 : i32
        %add3A_99 = arith.addi %add3A_50, %add3A_98 : i32
        %lt3A_100 = arith.constant 2 : i32
        %lt3A_101 = arith.cmpi slt, %add3A_99, %lt3A_100 : i32
        %and3A_102 = arith.andi %eq3A_97, %lt3A_101 : i1
        %convert_element_type3A_103 = arith.extui %and3A_102 : i1 to i32
        %cond3A_104 = arith.constant 0 : i32
        %cond3A_105 = arith.cmpi ne, %convert_element_type3A_103, %cond3A_104 : i32
        scf.if %cond3A_105 {
          %dma_wait3A_162 = arith.constant 0 : i32
          %dma_wait3A_163 = arith.constant 0 : i32
          %dma_wait3A_164 = tpu.memref_slice %arg3[%dma_wait3A_162, %dma_wait3A_163] : memref<2560x128xi32, #tpu.memory_space<hbm>> -> memref<8x128xi32, #tpu.memory_space<hbm>>
          %dma_wait3A_165 = arith.constant 0 : i32
          %dma_wait3A_166 = arith.constant 0 : i32
          %dma_wait3A_167 = tpu.memref_slice %arg3[%dma_wait3A_165, %dma_wait3A_166] : memref<2560x128xi32, #tpu.memory_space<hbm>> -> memref<8x128xi32, #tpu.memory_space<hbm>>
          tpu.wait_dma2 semaphore(%arg18 : memref<!tpu.dma_semaphore, #tpu.memory_space<semaphore_mem>>) src(%dma_wait3A_167 : memref<8x128xi32, #tpu.memory_space<hbm>>) dst(%arg6 : memref<8x128xi32, #tpu.memory_space<vmem>>)
          %dma_wait3A_168 = arith.constant 0 : i32
          %dma_wait3A_169 = arith.constant 0 : i32
          %dma_wait3A_170 = tpu.memref_slice %arg4[%dma_wait3A_168, %dma_wait3A_169] : memref<2560x128xi32, #tpu.memory_space<hbm>> -> memref<8x128xi32, #tpu.memory_space<hbm>>
          %dma_wait3A_171 = arith.constant 0 : i32
          %dma_wait3A_172 = arith.constant 0 : i32
          %dma_wait3A_173 = tpu.memref_slice %arg4[%dma_wait3A_171, %dma_wait3A_172] : memref<2560x128xi32, #tpu.memory_space<hbm>> -> memref<8x128xi32, #tpu.memory_space<hbm>>
          tpu.wait_dma2 semaphore(%arg18 : memref<!tpu.dma_semaphore, #tpu.memory_space<semaphore_mem>>) src(%dma_wait3A_173 : memref<8x128xi32, #tpu.memory_space<hbm>>) dst(%arg8 : memref<8x128xi32, #tpu.memory_space<vmem>>)
          %dma_start3A_174 = arith.constant 0 : i32
          %dma_start3A_175 = arith.constant 0 : i32
          %dma_start3A_176 = tpu.memref_slice %arg6[%dma_start3A_174, %dma_start3A_175] : memref<8x128xi32, #tpu.memory_space<vmem>> -> memref<1x128xi32, #tpu.memory_space<vmem>>
          %dma_start3A_177 = tpu.memref_squeeze %dma_start3A_176 : memref<1x128xi32, #tpu.memory_space<vmem>> -> memref<128xi32, #tpu.memory_space<vmem>>
          %dma_start3A_178 = arith.constant 0 : i32
          %dma_start3A_179 = arith.constant 0 : i32
          %dma_start3A_180 = tpu.memref_slice %arg2[%dma_start3A_178, %dma_start3A_179] : memref<10000x128xf32, #tpu.memory_space<hbm>> -> memref<10000x128xf32, #tpu.memory_space<hbm>>
          tpu.enqueue_indirect_dma source(%dma_start3A_180 : memref<10000x128xf32, #tpu.memory_space<hbm>>) target(%arg11 : memref<128x128xf32, #tpu.memory_space<vmem>>) offsets(%dma_start3A_177 : memref<128xi32, #tpu.memory_space<vmem>>) semaphore(%arg15 : memref<!tpu.dma_semaphore, #tpu.memory_space<semaphore_mem>>)
        } else {
        }
        %dma_start3A_106 = arith.constant 0 : i32
        %dma_start3A_107 = tpu.memref_slice %arg9[%add3A_68, %dma_start3A_106] : memref<8x128xi32, #tpu.memory_space<vmem>> -> memref<1x128xi32, #tpu.memory_space<vmem>>
        %dma_start3A_108 = tpu.memref_squeeze %dma_start3A_107 : memref<1x128xi32, #tpu.memory_space<vmem>> -> memref<128xi32, #tpu.memory_space<vmem>>
        %dma_start3A_109 = arith.constant 0 : i32
        %dma_start3A_110 = arith.constant 0 : i32
        %dma_start3A_111 = tpu.memref_slice %arg13[%dma_start3A_109, %dma_start3A_110] : memref<10112x128xf32, #tpu.memory_space<vmem_shared>> -> memref<10112x128xf32, #tpu.memory_space<vmem_shared>>
        tpu.enqueue_indirect_dma source(%arg10 : memref<128x128xf32, #tpu.memory_space<vmem>>) target(%dma_start3A_111 : memref<10112x128xf32, #tpu.memory_space<vmem_shared>>) offsets(%dma_start3A_108 : memref<128xi32, #tpu.memory_space<vmem>>) semaphore(%arg16 : memref<!tpu.dma_semaphore, #tpu.memory_space<semaphore_mem>>) {add = true}
        %mul3A_112 = arith.constant 2 : i32
        %mul3A_113 = arith.muli %mul3A_112, %scan3A_64 : i32
        %add3A_114 = arith.constant 1 : i32
        %add3A_115 = arith.addi %mul3A_113, %add3A_114 : i32
        %mul3A_116 = arith.constant 8 : i32
        %mul3A_117 = arith.muli %add3A_50, %mul3A_116 : i32
        %add3A_118 = arith.addi %mul3A_117, %add3A_115 : i32
        %dma_wait3A_119 = arith.constant 0 : i32
        %dma_wait3A_120 = arith.constant 0 : i32
        %dma_wait3A_121 = tpu.memref_slice %arg7[%dma_wait3A_119, %dma_wait3A_120] : memref<8x128xi32, #tpu.memory_space<vmem>> -> memref<1x128xi32, #tpu.memory_space<vmem>>
        %dma_wait3A_122 = tpu.memref_squeeze %dma_wait3A_121 : memref<1x128xi32, #tpu.memory_space<vmem>> -> memref<128xi32, #tpu.memory_space<vmem>>
        %dma_wait3A_123 = arith.constant 0 : i32
        %dma_wait3A_124 = arith.constant 0 : i32
        %dma_wait3A_125 = tpu.memref_slice %arg2[%dma_wait3A_123, %dma_wait3A_124] : memref<10000x128xf32, #tpu.memory_space<hbm>> -> memref<10000x128xf32, #tpu.memory_space<hbm>>
        tpu.wait_indirect_dma semaphore(%arg15 : memref<!tpu.dma_semaphore, #tpu.memory_space<semaphore_mem>>) src(%dma_wait3A_125 : memref<10000x128xf32, #tpu.memory_space<hbm>>) dst(%arg11 : memref<128x128xf32, #tpu.memory_space<vmem>>)
        %gt3A_126 = arith.constant 0 : i32
        %gt3A_127 = arith.cmpi sgt, %add3A_118, %gt3A_126 : i32
        %convert_element_type3A_128 = arith.extui %gt3A_127 : i1 to i32
        %cond3A_129 = arith.constant 0 : i32
        %cond3A_130 = arith.cmpi ne, %convert_element_type3A_128, %cond3A_129 : i32
        scf.if %cond3A_130 {
          %dma_wait3A_162 = arith.constant 0 : i32
          %dma_wait3A_163 = arith.constant 0 : i32
          %dma_wait3A_164 = tpu.memref_slice %arg9[%dma_wait3A_162, %dma_wait3A_163] : memref<8x128xi32, #tpu.memory_space<vmem>> -> memref<1x128xi32, #tpu.memory_space<vmem>>
          %dma_wait3A_165 = tpu.memref_squeeze %dma_wait3A_164 : memref<1x128xi32, #tpu.memory_space<vmem>> -> memref<128xi32, #tpu.memory_space<vmem>>
          %dma_wait3A_166 = arith.constant 0 : i32
          %dma_wait3A_167 = arith.constant 0 : i32
          %dma_wait3A_168 = tpu.memref_slice %arg13[%dma_wait3A_166, %dma_wait3A_167] : memref<10112x128xf32, #tpu.memory_space<vmem_shared>> -> memref<10112x128xf32, #tpu.memory_space<vmem_shared>>
          tpu.wait_indirect_dma semaphore(%arg16 : memref<!tpu.dma_semaphore, #tpu.memory_space<semaphore_mem>>) src(%arg10 : memref<128x128xf32, #tpu.memory_space<vmem>>) dst(%dma_wait3A_168 : memref<10112x128xf32, #tpu.memory_space<vmem_shared>>)
        } else {
        }
        %eq3A_131 = arith.constant 0 : i32
        %eq3A_132 = arith.cmpi eq, %add3A_115, %eq3A_131 : i32
        %add3A_133 = arith.constant 1 : i32
        %add3A_134 = arith.addi %add3A_50, %add3A_133 : i32
        %lt3A_135 = arith.constant 2 : i32
        %lt3A_136 = arith.cmpi slt, %add3A_134, %lt3A_135 : i32
        %and3A_137 = arith.andi %eq3A_132, %lt3A_136 : i1
        %convert_element_type3A_138 = arith.extui %and3A_137 : i1 to i32
        %cond3A_139 = arith.constant 0 : i32
        %cond3A_140 = arith.cmpi ne, %convert_element_type3A_138, %cond3A_139 : i32
        scf.if %cond3A_140 {
          %add3A_162 = arith.constant 1 : i32
          %add3A_163 = arith.addi %add3A_50, %add3A_162 : i32
          %mul3A_164 = arith.constant 8 : i32
          %mul3A_165 = arith.muli %add3A_163, %mul3A_164 : i32
          %add3A_166 = arith.addi %add3A_28, %mul3A_165 : i32
          %dma_start3A_167 = arith.constant 0 : i32
          %dma_start3A_168 = tpu.memref_slice %arg3[%add3A_166, %dma_start3A_167] : memref<2560x128xi32, #tpu.memory_space<hbm>> -> memref<8x128xi32, #tpu.memory_space<hbm>>
          %dma_start3A_169 = arith.constant 0 : i32
          %dma_start3A_170 = tpu.memref_slice %arg3[%add3A_166, %dma_start3A_169] : memref<2560x128xi32, #tpu.memory_space<hbm>> -> memref<8x128xi32, #tpu.memory_space<hbm>>
          tpu.enqueue_dma source(%dma_start3A_170 : memref<8x128xi32, #tpu.memory_space<hbm>>) target(%arg6 : memref<8x128xi32, #tpu.memory_space<vmem>>) target_semaphore(%arg18 : memref<!tpu.dma_semaphore, #tpu.memory_space<semaphore_mem>>)
          %dma_start3A_171 = arith.constant 0 : i32
          %dma_start3A_172 = tpu.memref_slice %arg4[%add3A_166, %dma_start3A_171] : memref<2560x128xi32, #tpu.memory_space<hbm>> -> memref<8x128xi32, #tpu.memory_space<hbm>>
          %dma_start3A_173 = arith.constant 0 : i32
          %dma_start3A_174 = tpu.memref_slice %arg4[%add3A_166, %dma_start3A_173] : memref<2560x128xi32, #tpu.memory_space<hbm>> -> memref<8x128xi32, #tpu.memory_space<hbm>>
          tpu.enqueue_dma source(%dma_start3A_174 : memref<8x128xi32, #tpu.memory_space<hbm>>) target(%arg8 : memref<8x128xi32, #tpu.memory_space<vmem>>) target_semaphore(%arg18 : memref<!tpu.dma_semaphore, #tpu.memory_space<semaphore_mem>>)
        } else {
        }
        %lt3A_141 = arith.constant 7 : i32
        %lt3A_142 = arith.cmpi slt, %add3A_115, %lt3A_141 : i32
        %convert_element_type3A_143 = arith.extui %lt3A_142 : i1 to i32
        %cond3A_144 = arith.constant 0 : i32
        %cond3A_145 = arith.cmpi ne, %convert_element_type3A_143, %cond3A_144 : i32
        scf.if %cond3A_145 {
          %add3A_162 = arith.constant 1 : i32
          %add3A_163 = arith.addi %add3A_115, %add3A_162 : i32
          %dma_start3A_164 = arith.constant 0 : i32
          %dma_start3A_165 = tpu.memref_slice %arg7[%add3A_163, %dma_start3A_164] : memref<8x128xi32, #tpu.memory_space<vmem>> -> memref<1x128xi32, #tpu.memory_space<vmem>>
          %dma_start3A_166 = tpu.memref_squeeze %dma_start3A_165 : memref<1x128xi32, #tpu.memory_space<vmem>> -> memref<128xi32, #tpu.memory_space<vmem>>
          %dma_start3A_167 = arith.constant 0 : i32
          %dma_start3A_168 = arith.constant 0 : i32
          %dma_start3A_169 = tpu.memref_slice %arg2[%dma_start3A_167, %dma_start3A_168] : memref<10000x128xf32, #tpu.memory_space<hbm>> -> memref<10000x128xf32, #tpu.memory_space<hbm>>
          tpu.enqueue_indirect_dma source(%dma_start3A_169 : memref<10000x128xf32, #tpu.memory_space<hbm>>) target(%arg10 : memref<128x128xf32, #tpu.memory_space<vmem>>) offsets(%dma_start3A_166 : memref<128xi32, #tpu.memory_space<vmem>>) semaphore(%arg14 : memref<!tpu.dma_semaphore, #tpu.memory_space<semaphore_mem>>)
        } else {
        }
        %eq3A_146 = arith.constant 7 : i32
        %eq3A_147 = arith.cmpi eq, %add3A_115, %eq3A_146 : i32
        %add3A_148 = arith.constant 1 : i32
        %add3A_149 = arith.addi %add3A_50, %add3A_148 : i32
        %lt3A_150 = arith.constant 2 : i32
        %lt3A_151 = arith.cmpi slt, %add3A_149, %lt3A_150 : i32
        %and3A_152 = arith.andi %eq3A_147, %lt3A_151 : i1
        %convert_element_type3A_153 = arith.extui %and3A_152 : i1 to i32
        %cond3A_154 = arith.constant 0 : i32
        %cond3A_155 = arith.cmpi ne, %convert_element_type3A_153, %cond3A_154 : i32
        scf.if %cond3A_155 {
          %dma_wait3A_162 = arith.constant 0 : i32
          %dma_wait3A_163 = arith.constant 0 : i32
          %dma_wait3A_164 = tpu.memref_slice %arg3[%dma_wait3A_162, %dma_wait3A_163] : memref<2560x128xi32, #tpu.memory_space<hbm>> -> memref<8x128xi32, #tpu.memory_space<hbm>>
          %dma_wait3A_165 = arith.constant 0 : i32
          %dma_wait3A_166 = arith.constant 0 : i32
          %dma_wait3A_167 = tpu.memref_slice %arg3[%dma_wait3A_165, %dma_wait3A_166] : memref<2560x128xi32, #tpu.memory_space<hbm>> -> memref<8x128xi32, #tpu.memory_space<hbm>>
          tpu.wait_dma2 semaphore(%arg18 : memref<!tpu.dma_semaphore, #tpu.memory_space<semaphore_mem>>) src(%dma_wait3A_167 : memref<8x128xi32, #tpu.memory_space<hbm>>) dst(%arg6 : memref<8x128xi32, #tpu.memory_space<vmem>>)
          %dma_wait3A_168 = arith.constant 0 : i32
          %dma_wait3A_169 = arith.constant 0 : i32
          %dma_wait3A_170 = tpu.memref_slice %arg4[%dma_wait3A_168, %dma_wait3A_169] : memref<2560x128xi32, #tpu.memory_space<hbm>> -> memref<8x128xi32, #tpu.memory_space<hbm>>
          %dma_wait3A_171 = arith.constant 0 : i32
          %dma_wait3A_172 = arith.constant 0 : i32
          %dma_wait3A_173 = tpu.memref_slice %arg4[%dma_wait3A_171, %dma_wait3A_172] : memref<2560x128xi32, #tpu.memory_space<hbm>> -> memref<8x128xi32, #tpu.memory_space<hbm>>
          tpu.wait_dma2 semaphore(%arg18 : memref<!tpu.dma_semaphore, #tpu.memory_space<semaphore_mem>>) src(%dma_wait3A_173 : memref<8x128xi32, #tpu.memory_space<hbm>>) dst(%arg8 : memref<8x128xi32, #tpu.memory_space<vmem>>)
          %dma_start3A_174 = arith.constant 0 : i32
          %dma_start3A_175 = arith.constant 0 : i32
          %dma_start3A_176 = tpu.memref_slice %arg6[%dma_start3A_174, %dma_start3A_175] : memref<8x128xi32, #tpu.memory_space<vmem>> -> memref<1x128xi32, #tpu.memory_space<vmem>>
          %dma_start3A_177 = tpu.memref_squeeze %dma_start3A_176 : memref<1x128xi32, #tpu.memory_space<vmem>> -> memref<128xi32, #tpu.memory_space<vmem>>
          %dma_start3A_178 = arith.constant 0 : i32
          %dma_start3A_179 = arith.constant 0 : i32
          %dma_start3A_180 = tpu.memref_slice %arg2[%dma_start3A_178, %dma_start3A_179] : memref<10000x128xf32, #tpu.memory_space<hbm>> -> memref<10000x128xf32, #tpu.memory_space<hbm>>
          tpu.enqueue_indirect_dma source(%dma_start3A_180 : memref<10000x128xf32, #tpu.memory_space<hbm>>) target(%arg10 : memref<128x128xf32, #tpu.memory_space<vmem>>) offsets(%dma_start3A_177 : memref<128xi32, #tpu.memory_space<vmem>>) semaphore(%arg14 : memref<!tpu.dma_semaphore, #tpu.memory_space<semaphore_mem>>)
        } else {
        }
        %dma_start3A_156 = arith.constant 0 : i32
        %dma_start3A_157 = tpu.memref_slice %arg9[%add3A_115, %dma_start3A_156] : memref<8x128xi32, #tpu.memory_space<vmem>> -> memref<1x128xi32, #tpu.memory_space<vmem>>
        %dma_start3A_158 = tpu.memref_squeeze %dma_start3A_157 : memref<1x128xi32, #tpu.memory_space<vmem>> -> memref<128xi32, #tpu.memory_space<vmem>>
        %dma_start3A_159 = arith.constant 0 : i32
        %dma_start3A_160 = arith.constant 0 : i32
        %dma_start3A_161 = tpu.memref_slice %arg13[%dma_start3A_159, %dma_start3A_160] : memref<10112x128xf32, #tpu.memory_space<vmem_shared>> -> memref<10112x128xf32, #tpu.memory_space<vmem_shared>>
        tpu.enqueue_indirect_dma source(%arg11 : memref<128x128xf32, #tpu.memory_space<vmem>>) target(%dma_start3A_161 : memref<10112x128xf32, #tpu.memory_space<vmem_shared>>) offsets(%dma_start3A_158 : memref<128xi32, #tpu.memory_space<vmem>>) semaphore(%arg17 : memref<!tpu.dma_semaphore, #tpu.memory_space<semaphore_mem>>) {add = true}
      }
      %scan3A_56 = arith.constant 4 : i32
      %scan3A_57 = arith.constant 1 : i32
      %dma_wait3A = arith.constant 0 : i32
      %dma_wait3A_58 = arith.constant 0 : i32
      %dma_wait3A_59 = tpu.memref_slice %arg8[%dma_wait3A, %dma_wait3A_58] : memref<8x128xi32, #tpu.memory_space<vmem>> -> memref<1x128xi32, #tpu.memory_space<vmem>>
      %dma_wait3A_60 = tpu.memref_squeeze %dma_wait3A_59 : memref<1x128xi32, #tpu.memory_space<vmem>> -> memref<128xi32, #tpu.memory_space<vmem>>
      %dma_wait3A_61 = arith.constant 0 : i32
      %dma_wait3A_62 = arith.constant 0 : i32
      %dma_wait3A_63 = tpu.memref_slice %arg13[%dma_wait3A_61, %dma_wait3A_62] : memref<10112x128xf32, #tpu.memory_space<vmem_shared>> -> memref<10112x128xf32, #tpu.memory_space<vmem_shared>>
      tpu.wait_indirect_dma semaphore(%arg17 : memref<!tpu.dma_semaphore, #tpu.memory_space<semaphore_mem>>) src(%arg11 : memref<128x128xf32, #tpu.memory_space<vmem>>) dst(%dma_wait3A_63 : memref<10112x128xf32, #tpu.memory_space<vmem_shared>>)
    } else {
    }
    %barrier3A_20 = arith.constant 0 : index
    tpu.barrier barrier_id(%barrier3A_20)
    %mul3A_21 = arith.constant 632 : i32
    %mul3A_22 = arith.muli %arg1, %mul3A_21 : i32
    %mul3A_23 = arith.constant 632 : i32
    %mul3A_24 = arith.muli %arg1, %mul3A_23 : i32
    "tpu.region"() ({
      %run_scoped3A = tpu.sem_alloc : memref<!tpu.dma_semaphore, #tpu.memory_space<semaphore_mem>>
      %dma_start3A = arith.constant 0 : i32
      %dma_start3A_25 = tpu.memref_slice %arg5[%arg0, %mul3A_24, %dma_start3A] : memref<2x10112x128xf32, #tpu.memory_space<hbm>> -> memref<1x632x128xf32, #tpu.memory_space<hbm>>
      %dma_start3A_26 = tpu.memref_squeeze %dma_start3A_25 : memref<1x632x128xf32, #tpu.memory_space<hbm>> -> memref<632x128xf32, #tpu.memory_space<hbm>>
      %dma_start3A_27 = arith.constant 0 : i32
      %dma_start3A_28 = tpu.memref_slice %arg13[%mul3A_22, %dma_start3A_27] : memref<10112x128xf32, #tpu.memory_space<vmem_shared>> -> memref<632x128xf32, #tpu.memory_space<vmem_shared>>
      tpu.enqueue_dma source(%dma_start3A_28 : memref<632x128xf32, #tpu.memory_space<vmem_shared>>) target(%dma_start3A_26 : memref<632x128xf32, #tpu.memory_space<hbm>>) target_semaphore(%run_scoped3A : memref<!tpu.dma_semaphore, #tpu.memory_space<semaphore_mem>>)
      %dma_wait3A = arith.constant 0 : i32
      %dma_wait3A_29 = tpu.memref_slice %arg5[%arg0, %mul3A_24, %dma_wait3A] : memref<2x10112x128xf32, #tpu.memory_space<hbm>> -> memref<1x632x128xf32, #tpu.memory_space<hbm>>
      %dma_wait3A_30 = tpu.memref_squeeze %dma_wait3A_29 : memref<1x632x128xf32, #tpu.memory_space<hbm>> -> memref<632x128xf32, #tpu.memory_space<hbm>>
      %dma_wait3A_31 = arith.constant 0 : i32
      %dma_wait3A_32 = tpu.memref_slice %arg13[%mul3A_22, %dma_wait3A_31] : memref<10112x128xf32, #tpu.memory_space<vmem_shared>> -> memref<632x128xf32, #tpu.memory_space<vmem_shared>>
      tpu.wait_dma2 semaphore(%run_scoped3A : memref<!tpu.dma_semaphore, #tpu.memory_space<semaphore_mem>>) src(%dma_wait3A_32 : memref<632x128xf32, #tpu.memory_space<vmem_shared>>) dst(%dma_wait3A_30 : memref<632x128xf32, #tpu.memory_space<hbm>>)
      tpu.yield
    }) : () -> ()
    return
  }
}

module attributes {stable_mosaic.version = 14 : i64} {
  func.func @_layer_body(%arg0: i32, %arg1: memref<1x1xf32, #tpu.memory_space<smem>>, %arg2: memref<1000x128xf32, #tpu.memory_space<vmem>>, %arg3: memref<2x1000x128xf32, #tpu.memory_space<vmem>>, %arg4: memref<128x128xf32, #tpu.memory_space<vmem>>, %arg5: memref<1x128xf32, #tpu.memory_space<vmem>>, %arg6: memref<128x128xf32, #tpu.memory_space<vmem>>, %arg7: memref<1x128xf32, #tpu.memory_space<vmem>>, %arg8: memref<1000x128xf32, #tpu.memory_space<vmem>>, %arg9: memref<8x128xf32, #tpu.memory_space<vmem>>) attributes {dimension_semantics = [#tpu.dimension_semantics<arbitrary>], iteration_bounds = array<i64: 10>, scalar_prefetch = 0 : i64, scratch_operands = 0 : i64, tpu.core_type = #tpu.core_type<tc>, window_params = [{transform_indices = @transform_0, window_bounds = array<i64: 1, 1>}, {transform_indices = @transform_1, window_bounds = array<i64: 1000, 128>}, {transform_indices = @transform_2, window_bounds = array<i64: 2, 1000, 128>}, {pipeline_mode = #tpu.pipeline_mode<synchronous>, transform_indices = @transform_3, window_bounds = array<i64: 128, 128>}, {pipeline_mode = #tpu.pipeline_mode<synchronous>, transform_indices = @transform_4, window_bounds = array<i64: 1, 128>}, {pipeline_mode = #tpu.pipeline_mode<synchronous>, transform_indices = @transform_5, window_bounds = array<i64: 128, 128>}, {pipeline_mode = #tpu.pipeline_mode<synchronous>, transform_indices = @transform_6, window_bounds = array<i64: 1, 128>}, {transform_indices = @transform_7, window_bounds = array<i64: 1000, 128>}, {pipeline_mode = #tpu.pipeline_mode<synchronous>, transform_indices = @transform_8, window_bounds = array<i64: 8, 128>}]} {
    %get3A = arith.constant 0 : index
    %get3A_0 = arith.constant 0 : index
    %get3A_1 = vector.load %arg2[%get3A, %get3A_0] : memref<1000x128xf32, #tpu.memory_space<vmem>>, vector<1000x128xf32>
    %get3A_2 = arith.constant 0 : index
    %get3A_3 = arith.constant 0 : index
    %get3A_4 = memref.load %arg1[%get3A_2, %get3A_3] : memref<1x1xf32, #tpu.memory_space<smem>>
    %mul3A = vector.broadcast %get3A_4 : f32 to vector<1000x128xf32>
    %mul3A_5 = arith.mulf %get3A_1, %mul3A : vector<1000x128xf32>
    %get3A_6 = arith.constant 0 : index
    %get3A_7 = arith.constant 0 : index
    %get3A_8 = arith.constant 0 : index
    %get3A_9 = vector.load %arg3[%get3A_6, %get3A_7, %get3A_8] : memref<2x1000x128xf32, #tpu.memory_space<vmem>>, vector<1x1000x128xf32>
    %get3A_10 = vector.shape_cast %get3A_9 : vector<1x1000x128xf32> to vector<1000x128xf32>
    %add3A = arith.addf %mul3A_5, %get3A_10 : vector<1000x128xf32>
    %get3A_11 = arith.constant 1 : index
    %get3A_12 = arith.constant 0 : index
    %get3A_13 = arith.constant 0 : index
    %get3A_14 = vector.load %arg3[%get3A_11, %get3A_12, %get3A_13] : memref<2x1000x128xf32, #tpu.memory_space<vmem>>, vector<1x1000x128xf32>
    %get3A_15 = vector.shape_cast %get3A_14 : vector<1x1000x128xf32> to vector<1000x128xf32>
    %add3A_16 = arith.addf %add3A, %get3A_15 : vector<1000x128xf32>
    %get3A_17 = arith.constant 0 : index
    %get3A_18 = arith.constant 0 : index
    %get3A_19 = vector.load %arg4[%get3A_17, %get3A_18] : memref<128x128xf32, #tpu.memory_space<vmem>>, vector<128x128xf32>
    %dot_general3A = arith.constant dense<0.000000e+00> : vector<1000x128xf32>
    %dot_general3A_20 = tpu.matmul %add3A_16, %get3A_19, %dot_general3A {dimension_numbers = #tpu.dot_dimension_numbers<[1], [0], [0], [1], [0, 0, 1, 1], [], []>, transpose_lhs_hint = false} : vector<1000x128xf32>, vector<128x128xf32>, vector<1000x128xf32> -> vector<1000x128xf32>
    %get3A_21 = arith.constant 0 : index
    %get3A_22 = arith.constant 0 : index
    %get3A_23 = vector.load %arg5[%get3A_21, %get3A_22] : memref<1x128xf32, #tpu.memory_space<vmem>>, vector<1x128xf32>
    %add3A_24 = vector.broadcast %get3A_23 : vector<1x128xf32> to vector<1000x128xf32>
    %add3A_25 = arith.addf %dot_general3A_20, %add3A_24 : vector<1000x128xf32>
    %max3A = arith.constant 0.000000e+00 : f32
    %max3A_26 = vector.broadcast %max3A : f32 to vector<1000x128xf32>
    %max3A_27 = arith.maximumf %add3A_25, %max3A_26 : vector<1000x128xf32>
    %get3A_28 = arith.constant 0 : index
    %get3A_29 = arith.constant 0 : index
    %get3A_30 = vector.load %arg6[%get3A_28, %get3A_29] : memref<128x128xf32, #tpu.memory_space<vmem>>, vector<128x128xf32>
    %dot_general3A_31 = arith.constant dense<0.000000e+00> : vector<1000x128xf32>
    %dot_general3A_32 = tpu.matmul %max3A_27, %get3A_30, %dot_general3A_31 {dimension_numbers = #tpu.dot_dimension_numbers<[1], [0], [0], [1], [0, 0, 1, 1], [], []>, transpose_lhs_hint = false} : vector<1000x128xf32>, vector<128x128xf32>, vector<1000x128xf32> -> vector<1000x128xf32>
    %get3A_33 = arith.constant 0 : index
    %get3A_34 = arith.constant 0 : index
    %get3A_35 = vector.load %arg7[%get3A_33, %get3A_34] : memref<1x128xf32, #tpu.memory_space<vmem>>, vector<1x128xf32>
    %add3A_36 = vector.broadcast %get3A_35 : vector<1x128xf32> to vector<1000x128xf32>
    %add3A_37 = arith.addf %dot_general3A_32, %add3A_36 : vector<1000x128xf32>
    %swap3A = arith.constant 0 : index
    %swap3A_38 = arith.constant 0 : index
    %swap3A_39 = vector.load %arg8[%swap3A, %swap3A_38] : memref<1000x128xf32, #tpu.memory_space<vmem>>, vector<1000x128xf32>
    tpu.vector_store %arg8[%swap3A, %swap3A_38], %add3A_37 {strides = array<i32>} : memref<1000x128xf32, #tpu.memory_space<vmem>>, vector<1000x128xf32>,
    %eq3A = arith.constant 0 : i32
    %eq3A_40 = arith.cmpi eq, %arg0, %eq3A : i32
    %convert_element_type3A = arith.extui %eq3A_40 : i1 to i32
    %cond3A = arith.constant 0 : i32
    %cond3A_41 = arith.cmpi ne, %convert_element_type3A, %cond3A : i32
    scf.if %cond3A_41 {
      %broadcast_in_dim3A_50 = arith.constant 0.000000e+00 : f32
      %broadcast_in_dim3A_51 = vector.broadcast %broadcast_in_dim3A_50 : f32 to vector<8x128xf32>
      %swap3A_52 = arith.constant 0 : index
      %swap3A_53 = arith.constant 0 : index
      %swap3A_54 = vector.load %arg9[%swap3A_52, %swap3A_53] : memref<8x128xf32, #tpu.memory_space<vmem>>, vector<8x128xf32>
      tpu.vector_store %arg9[%swap3A_52, %swap3A_53], %broadcast_in_dim3A_51 {strides = array<i32>} : memref<8x128xf32, #tpu.memory_space<vmem>>, vector<8x128xf32>,
    } else {
    }
    %get3A_42 = arith.constant 0 : index
    %get3A_43 = arith.constant 0 : index
    %get3A_44 = vector.load %arg9[%get3A_42, %get3A_43] : memref<8x128xf32, #tpu.memory_space<vmem>>, vector<1x128xf32>
    %reduce_sum3A = arith.constant dense<0.000000e+00> : vector<128xf32>
    %reduce_sum3A_45 = vector.multi_reduction <add>, %add3A_37, %reduce_sum3A [0] : vector<1000x128xf32> to vector<128xf32>
    %broadcast_in_dim3A = vector.shape_cast %reduce_sum3A_45 : vector<128xf32> to vector<1x128xf32>
    %add3A_46 = arith.addf %get3A_44, %broadcast_in_dim3A : vector<1x128xf32>
    %swap3A_47 = arith.constant 0 : index
    %swap3A_48 = arith.constant 0 : index
    %swap3A_49 = vector.load %arg9[%swap3A_47, %swap3A_48] : memref<8x128xf32, #tpu.memory_space<vmem>>, vector<1x128xf32>
    tpu.vector_store %arg9[%swap3A_47, %swap3A_48], %add3A_46 {strides = array<i32>} : memref<8x128xf32, #tpu.memory_space<vmem>>, vector<1x128xf32>,
    return
  }
  func.func @transform_0(%arg0: i32) -> (i32, i32) {
    %c0_i32 = arith.constant 0 : i32
    %c0_i32_0 = arith.constant 0 : i32
    %c0_i32_1 = arith.constant 0 : i32
    return %c0_i32, %c0_i32_0 : i32, i32
  }
  func.func @transform_1(%arg0: i32) -> (i32, i32) {
    %c0_i32 = arith.constant 0 : i32
    %c0_i32_0 = arith.constant 0 : i32
    return %arg0, %c0_i32 : i32, i32
  }
  func.func @transform_2(%arg0: i32) -> (i32, i32, i32) {
    %c0_i32 = arith.constant 0 : i32
    %c0_i32_0 = arith.constant 0 : i32
    %c0_i32_1 = arith.constant 0 : i32
    return %c0_i32, %arg0, %c0_i32_0 : i32, i32, i32
  }
  func.func @transform_3(%arg0: i32) -> (i32, i32) {
    %c0_i32 = arith.constant 0 : i32
    %c0_i32_0 = arith.constant 0 : i32
    %c0_i32_1 = arith.constant 0 : i32
    return %c0_i32, %c0_i32_0 : i32, i32
  }
  func.func @transform_4(%arg0: i32) -> (i32, i32) {
    %c0_i32 = arith.constant 0 : i32
    %c0_i32_0 = arith.constant 0 : i32
    %c0_i32_1 = arith.constant 0 : i32
    return %c0_i32, %c0_i32_0 : i32, i32
  }
  func.func @transform_5(%arg0: i32) -> (i32, i32) {
    %c0_i32 = arith.constant 0 : i32
    %c0_i32_0 = arith.constant 0 : i32
    %c0_i32_1 = arith.constant 0 : i32
    return %c0_i32, %c0_i32_0 : i32, i32
  }
  func.func @transform_6(%arg0: i32) -> (i32, i32) {
    %c0_i32 = arith.constant 0 : i32
    %c0_i32_0 = arith.constant 0 : i32
    %c0_i32_1 = arith.constant 0 : i32
    return %c0_i32, %c0_i32_0 : i32, i32
  }
  func.func @transform_7(%arg0: i32) -> (i32, i32) {
    %c0_i32 = arith.constant 0 : i32
    %c0_i32_0 = arith.constant 0 : i32
    return %arg0, %c0_i32 : i32, i32
  }
  func.func @transform_8(%arg0: i32) -> (i32, i32) {
    %c0_i32 = arith.constant 0 : i32
    %c0_i32_0 = arith.constant 0 : i32
    %c0_i32_1 = arith.constant 0 : i32
    return %c0_i32, %c0_i32_0 : i32, i32
  }
}

module attributes {stable_mosaic.version = 14 : i64} {
  func.func @_layer_body(%arg0: i32, %arg1: memref<1x1xf32, #tpu.memory_space<smem>>, %arg2: memref<1000x128xf32, #tpu.memory_space<vmem>>, %arg3: memref<2x1000x128xf32, #tpu.memory_space<vmem>>, %arg4: memref<128x128xf32, #tpu.memory_space<vmem>>, %arg5: memref<1x128xf32, #tpu.memory_space<vmem>>, %arg6: memref<128x128xf32, #tpu.memory_space<vmem>>, %arg7: memref<1x128xf32, #tpu.memory_space<vmem>>, %arg8: memref<1000x128xf32, #tpu.memory_space<vmem>>, %arg9: memref<8x128xf32, #tpu.memory_space<vmem>>) attributes {dimension_semantics = [#tpu.dimension_semantics<arbitrary>], iteration_bounds = array<i64: 10>, scalar_prefetch = 0 : i64, scratch_operands = 0 : i64, tpu.core_type = #tpu.core_type<tc>, window_params = [{transform_indices = @transform_0, window_bounds = array<i64: 1, 1>}, {transform_indices = @transform_1, window_bounds = array<i64: 1000, 128>}, {transform_indices = @transform_2, window_bounds = array<i64: 2, 1000, 128>}, {pipeline_mode = #tpu.pipeline_mode<synchronous>, transform_indices = @transform_3, window_bounds = array<i64: 128, 128>}, {pipeline_mode = #tpu.pipeline_mode<synchronous>, transform_indices = @transform_4, window_bounds = array<i64: 1, 128>}, {pipeline_mode = #tpu.pipeline_mode<synchronous>, transform_indices = @transform_5, window_bounds = array<i64: 128, 128>}, {pipeline_mode = #tpu.pipeline_mode<synchronous>, transform_indices = @transform_6, window_bounds = array<i64: 1, 128>}, {transform_indices = @transform_7, window_bounds = array<i64: 1000, 128>}, {pipeline_mode = #tpu.pipeline_mode<synchronous>, transform_indices = @transform_8, window_bounds = array<i64: 8, 128>}]} {
    %get3A = arith.constant 0 : index
    %get3A_0 = arith.constant 0 : index
    %get3A_1 = vector.load %arg2[%get3A, %get3A_0] : memref<1000x128xf32, #tpu.memory_space<vmem>>, vector<1000x128xf32>
    %get3A_2 = arith.constant 0 : index
    %get3A_3 = arith.constant 0 : index
    %get3A_4 = memref.load %arg1[%get3A_2, %get3A_3] : memref<1x1xf32, #tpu.memory_space<smem>>
    %mul3A = vector.broadcast %get3A_4 : f32 to vector<1000x128xf32>
    %mul3A_5 = arith.mulf %get3A_1, %mul3A : vector<1000x128xf32>
    %get3A_6 = arith.constant 0 : index
    %get3A_7 = arith.constant 0 : index
    %get3A_8 = arith.constant 0 : index
    %get3A_9 = vector.load %arg3[%get3A_6, %get3A_7, %get3A_8] : memref<2x1000x128xf32, #tpu.memory_space<vmem>>, vector<1x1000x128xf32>
    %get3A_10 = vector.shape_cast %get3A_9 : vector<1x1000x128xf32> to vector<1000x128xf32>
    %add3A = arith.addf %mul3A_5, %get3A_10 : vector<1000x128xf32>
    %get3A_11 = arith.constant 1 : index
    %get3A_12 = arith.constant 0 : index
    %get3A_13 = arith.constant 0 : index
    %get3A_14 = vector.load %arg3[%get3A_11, %get3A_12, %get3A_13] : memref<2x1000x128xf32, #tpu.memory_space<vmem>>, vector<1x1000x128xf32>
    %get3A_15 = vector.shape_cast %get3A_14 : vector<1x1000x128xf32> to vector<1000x128xf32>
    %add3A_16 = arith.addf %add3A, %get3A_15 : vector<1000x128xf32>
    %get3A_17 = arith.constant 0 : index
    %get3A_18 = arith.constant 0 : index
    %get3A_19 = vector.load %arg4[%get3A_17, %get3A_18] : memref<128x128xf32, #tpu.memory_space<vmem>>, vector<128x128xf32>
    %dot_general3A = arith.constant dense<0.000000e+00> : vector<1000x128xf32>
    %dot_general3A_20 = tpu.matmul %add3A_16, %get3A_19, %dot_general3A {dimension_numbers = #tpu.dot_dimension_numbers<[1], [0], [0], [1], [0, 0, 1, 1], [], []>, transpose_lhs_hint = false} : vector<1000x128xf32>, vector<128x128xf32>, vector<1000x128xf32> -> vector<1000x128xf32>
    %get3A_21 = arith.constant 0 : index
    %get3A_22 = arith.constant 0 : index
    %get3A_23 = vector.load %arg5[%get3A_21, %get3A_22] : memref<1x128xf32, #tpu.memory_space<vmem>>, vector<1x128xf32>
    %add3A_24 = vector.broadcast %get3A_23 : vector<1x128xf32> to vector<1000x128xf32>
    %add3A_25 = arith.addf %dot_general3A_20, %add3A_24 : vector<1000x128xf32>
    %max3A = arith.constant 0.000000e+00 : f32
    %max3A_26 = vector.broadcast %max3A : f32 to vector<1000x128xf32>
    %max3A_27 = arith.maximumf %add3A_25, %max3A_26 : vector<1000x128xf32>
    %get3A_28 = arith.constant 0 : index
    %get3A_29 = arith.constant 0 : index
    %get3A_30 = vector.load %arg6[%get3A_28, %get3A_29] : memref<128x128xf32, #tpu.memory_space<vmem>>, vector<128x128xf32>
    %dot_general3A_31 = arith.constant dense<0.000000e+00> : vector<1000x128xf32>
    %dot_general3A_32 = tpu.matmul %max3A_27, %get3A_30, %dot_general3A_31 {dimension_numbers = #tpu.dot_dimension_numbers<[1], [0], [0], [1], [0, 0, 1, 1], [], []>, transpose_lhs_hint = false} : vector<1000x128xf32>, vector<128x128xf32>, vector<1000x128xf32> -> vector<1000x128xf32>
    %get3A_33 = arith.constant 0 : index
    %get3A_34 = arith.constant 0 : index
    %get3A_35 = vector.load %arg7[%get3A_33, %get3A_34] : memref<1x128xf32, #tpu.memory_space<vmem>>, vector<1x128xf32>
    %add3A_36 = vector.broadcast %get3A_35 : vector<1x128xf32> to vector<1000x128xf32>
    %add3A_37 = arith.addf %dot_general3A_32, %add3A_36 : vector<1000x128xf32>
    %swap3A = arith.constant 0 : index
    %swap3A_38 = arith.constant 0 : index
    %swap3A_39 = vector.load %arg8[%swap3A, %swap3A_38] : memref<1000x128xf32, #tpu.memory_space<vmem>>, vector<1000x128xf32>
    tpu.vector_store %arg8[%swap3A, %swap3A_38], %add3A_37 {strides = array<i32>} : memref<1000x128xf32, #tpu.memory_space<vmem>>, vector<1000x128xf32>,
    %eq3A = arith.constant 0 : i32
    %eq3A_40 = arith.cmpi eq, %arg0, %eq3A : i32
    %convert_element_type3A = arith.extui %eq3A_40 : i1 to i32
    %cond3A = arith.constant 0 : i32
    %cond3A_41 = arith.cmpi ne, %convert_element_type3A, %cond3A : i32
    scf.if %cond3A_41 {
      %broadcast_in_dim3A_50 = arith.constant 0.000000e+00 : f32
      %broadcast_in_dim3A_51 = vector.broadcast %broadcast_in_dim3A_50 : f32 to vector<8x128xf32>
      %swap3A_52 = arith.constant 0 : index
      %swap3A_53 = arith.constant 0 : index
      %swap3A_54 = vector.load %arg9[%swap3A_52, %swap3A_53] : memref<8x128xf32, #tpu.memory_space<vmem>>, vector<8x128xf32>
      tpu.vector_store %arg9[%swap3A_52, %swap3A_53], %broadcast_in_dim3A_51 {strides = array<i32>} : memref<8x128xf32, #tpu.memory_space<vmem>>, vector<8x128xf32>,
    } else {
    }
    %get3A_42 = arith.constant 0 : index
    %get3A_43 = arith.constant 0 : index
    %get3A_44 = vector.load %arg9[%get3A_42, %get3A_43] : memref<8x128xf32, #tpu.memory_space<vmem>>, vector<1x128xf32>
    %reduce_sum3A = arith.constant dense<0.000000e+00> : vector<128xf32>
    %reduce_sum3A_45 = vector.multi_reduction <add>, %add3A_37, %reduce_sum3A [0] : vector<1000x128xf32> to vector<128xf32>
    %broadcast_in_dim3A = vector.shape_cast %reduce_sum3A_45 : vector<128xf32> to vector<1x128xf32>
    %add3A_46 = arith.addf %get3A_44, %broadcast_in_dim3A : vector<1x128xf32>
    %swap3A_47 = arith.constant 0 : index
    %swap3A_48 = arith.constant 0 : index
    %swap3A_49 = vector.load %arg9[%swap3A_47, %swap3A_48] : memref<8x128xf32, #tpu.memory_space<vmem>>, vector<1x128xf32>
    tpu.vector_store %arg9[%swap3A_47, %swap3A_48], %add3A_46 {strides = array<i32>} : memref<8x128xf32, #tpu.memory_space<vmem>>, vector<1x128xf32>,
    return
  }
  func.func @transform_0(%arg0: i32) -> (i32, i32) {
    %c0_i32 = arith.constant 0 : i32
    %c0_i32_0 = arith.constant 0 : i32
    %c0_i32_1 = arith.constant 0 : i32
    return %c0_i32, %c0_i32_0 : i32, i32
  }
  func.func @transform_1(%arg0: i32) -> (i32, i32) {
    %c0_i32 = arith.constant 0 : i32
    %c0_i32_0 = arith.constant 0 : i32
    return %arg0, %c0_i32 : i32, i32
  }
  func.func @transform_2(%arg0: i32) -> (i32, i32, i32) {
    %c0_i32 = arith.constant 0 : i32
    %c0_i32_0 = arith.constant 0 : i32
    %c0_i32_1 = arith.constant 0 : i32
    return %c0_i32, %arg0, %c0_i32_0 : i32, i32, i32
  }
  func.func @transform_3(%arg0: i32) -> (i32, i32) {
    %c0_i32 = arith.constant 0 : i32
    %c0_i32_0 = arith.constant 0 : i32
    %c0_i32_1 = arith.constant 0 : i32
    return %c0_i32, %c0_i32_0 : i32, i32
  }
  func.func @transform_4(%arg0: i32) -> (i32, i32) {
    %c0_i32 = arith.constant 0 : i32
    %c0_i32_0 = arith.constant 0 : i32
    %c0_i32_1 = arith.constant 0 : i32
    return %c0_i32, %c0_i32_0 : i32, i32
  }
  func.func @transform_5(%arg0: i32) -> (i32, i32) {
    %c0_i32 = arith.constant 0 : i32
    %c0_i32_0 = arith.constant 0 : i32
    %c0_i32_1 = arith.constant 0 : i32
    return %c0_i32, %c0_i32_0 : i32, i32
  }
  func.func @transform_6(%arg0: i32) -> (i32, i32) {
    %c0_i32 = arith.constant 0 : i32
    %c0_i32_0 = arith.constant 0 : i32
    %c0_i32_1 = arith.constant 0 : i32
    return %c0_i32, %c0_i32_0 : i32, i32
  }
  func.func @transform_7(%arg0: i32) -> (i32, i32) {
    %c0_i32 = arith.constant 0 : i32
    %c0_i32_0 = arith.constant 0 : i32
    return %arg0, %c0_i32 : i32, i32
  }
  func.func @transform_8(%arg0: i32) -> (i32, i32) {
    %c0_i32 = arith.constant 0 : i32
    %c0_i32_0 = arith.constant 0 : i32
    %c0_i32_1 = arith.constant 0 : i32
    return %c0_i32, %c0_i32_0 : i32, i32
  }
}

module attributes {stable_mosaic.version = 14 : i64} {
  func.func @_head_body(%arg0: memref<8x128xf32, #tpu.memory_space<vmem>>, %arg1: memref<8x128xf32, #tpu.memory_space<vmem>>, %arg2: memref<8x128xf32, #tpu.memory_space<vmem>>, %arg3: memref<384x128xf32, #tpu.memory_space<vmem>>, %arg4: memref<1x128xf32, #tpu.memory_space<vmem>>, %arg5: memref<128x128xf32, #tpu.memory_space<vmem>>, %arg6: memref<1x128xf32, #tpu.memory_space<vmem>>, %arg7: memref<8x128xf32, #tpu.memory_space<vmem>>) attributes {dimension_semantics = [], scalar_prefetch = 0 : i64, scratch_operands = 0 : i64, tpu.core_type = #tpu.core_type<tc>} {
    %get3A = arith.constant 0 : index
    %get3A_0 = arith.constant 0 : index
    %get3A_1 = vector.load %arg0[%get3A, %get3A_0] : memref<8x128xf32, #tpu.memory_space<vmem>>, vector<1x128xf32>
    %get3A_2 = arith.constant 0 : index
    %get3A_3 = arith.constant 0 : index
    %get3A_4 = vector.load %arg3[%get3A_2, %get3A_3] : memref<384x128xf32, #tpu.memory_space<vmem>>, vector<128x128xf32>
    %dot_general3A = arith.constant dense<0.000000e+00> : vector<1x128xf32>
    %dot_general3A_5 = tpu.matmul %get3A_1, %get3A_4, %dot_general3A {dimension_numbers = #tpu.dot_dimension_numbers<[1], [0], [0], [1], [0, 0, 1, 1], [], []>, transpose_lhs_hint = false} : vector<1x128xf32>, vector<128x128xf32>, vector<1x128xf32> -> vector<1x128xf32>
    %get3A_6 = arith.constant 0 : index
    %get3A_7 = arith.constant 0 : index
    %get3A_8 = vector.load %arg1[%get3A_6, %get3A_7] : memref<8x128xf32, #tpu.memory_space<vmem>>, vector<1x128xf32>
    %get3A_9 = arith.constant 128 : index
    %get3A_10 = arith.constant 0 : index
    %get3A_11 = vector.load %arg3[%get3A_9, %get3A_10] : memref<384x128xf32, #tpu.memory_space<vmem>>, vector<128x128xf32>
    %dot_general3A_12 = arith.constant dense<0.000000e+00> : vector<1x128xf32>
    %dot_general3A_13 = tpu.matmul %get3A_8, %get3A_11, %dot_general3A_12 {dimension_numbers = #tpu.dot_dimension_numbers<[1], [0], [0], [1], [0, 0, 1, 1], [], []>, transpose_lhs_hint = false} : vector<1x128xf32>, vector<128x128xf32>, vector<1x128xf32> -> vector<1x128xf32>
    %add3A = arith.addf %dot_general3A_5, %dot_general3A_13 : vector<1x128xf32>
    %get3A_14 = arith.constant 0 : index
    %get3A_15 = arith.constant 0 : index
    %get3A_16 = vector.load %arg2[%get3A_14, %get3A_15] : memref<8x128xf32, #tpu.memory_space<vmem>>, vector<1x128xf32>
    %get3A_17 = arith.constant 256 : index
    %get3A_18 = arith.constant 0 : index
    %get3A_19 = vector.load %arg3[%get3A_17, %get3A_18] : memref<384x128xf32, #tpu.memory_space<vmem>>, vector<128x128xf32>
    %dot_general3A_20 = arith.constant dense<0.000000e+00> : vector<1x128xf32>
    %dot_general3A_21 = tpu.matmul %get3A_16, %get3A_19, %dot_general3A_20 {dimension_numbers = #tpu.dot_dimension_numbers<[1], [0], [0], [1], [0, 0, 1, 1], [], []>, transpose_lhs_hint = false} : vector<1x128xf32>, vector<128x128xf32>, vector<1x128xf32> -> vector<1x128xf32>
    %add3A_22 = arith.addf %add3A, %dot_general3A_21 : vector<1x128xf32>
    %get3A_23 = arith.constant 0 : index
    %get3A_24 = arith.constant 0 : index
    %get3A_25 = vector.load %arg4[%get3A_23, %get3A_24] : memref<1x128xf32, #tpu.memory_space<vmem>>, vector<1x128xf32>
    %add3A_26 = arith.addf %add3A_22, %get3A_25 : vector<1x128xf32>
    %max3A = arith.constant 0.000000e+00 : f32
    %max3A_27 = vector.broadcast %max3A : f32 to vector<1x128xf32>
    %max3A_28 = arith.maximumf %add3A_26, %max3A_27 : vector<1x128xf32>
    %get3A_29 = arith.constant 0 : index
    %get3A_30 = arith.constant 0 : index
    %get3A_31 = vector.load %arg5[%get3A_29, %get3A_30] : memref<128x128xf32, #tpu.memory_space<vmem>>, vector<128x128xf32>
    %dot_general3A_32 = arith.constant dense<0.000000e+00> : vector<1x128xf32>
    %dot_general3A_33 = tpu.matmul %max3A_28, %get3A_31, %dot_general3A_32 {dimension_numbers = #tpu.dot_dimension_numbers<[1], [0], [0], [1], [0, 0, 1, 1], [], []>, transpose_lhs_hint = false} : vector<1x128xf32>, vector<128x128xf32>, vector<1x128xf32> -> vector<1x128xf32>
    %get3A_34 = arith.constant 0 : index
    %get3A_35 = arith.constant 0 : index
    %get3A_36 = vector.load %arg6[%get3A_34, %get3A_35] : memref<1x128xf32, #tpu.memory_space<vmem>>, vector<1x128xf32>
    %add3A_37 = arith.addf %dot_general3A_33, %get3A_36 : vector<1x128xf32>
    %max3A_38 = arith.constant 0.000000e+00 : f32
    %max3A_39 = vector.broadcast %max3A_38 : f32 to vector<1x128xf32>
    %max3A_40 = arith.maximumf %add3A_37, %max3A_39 : vector<1x128xf32>
    %broadcast_in_dim3A = vector.shape_cast %max3A_40 : vector<1x128xf32> to vector<1x128xf32>
    %broadcast_in_dim3A_41 = vector.broadcast %broadcast_in_dim3A : vector<1x128xf32> to vector<8x128xf32>
    %swap3A = arith.constant 0 : index
    %swap3A_42 = arith.constant 0 : index
    %swap3A_43 = vector.load %arg7[%swap3A, %swap3A_42] : memref<8x128xf32, #tpu.memory_space<vmem>>, vector<8x128xf32>
    tpu.vector_store %arg7[%swap3A, %swap3A_42], %broadcast_in_dim3A_41 {strides = array<i32>} : memref<8x128xf32, #tpu.memory_space<vmem>>, vector<8x128xf32>,
    return
  }
}

</mosaic_0001>

<sc_bundles>
// kernel: kernel.12.cloned.1.call-start
scs
__scs_entry_jumppad:
0x0: {  	(pc) =	sbr.rel $0x88, $3  }
0x1: {  	(tag) =	ssettag $0x0;
	lr =	simm.s32 $0x1  }
0x2: {  	[smem:$0x3F96] =	sst lr;
	_ =	strace $0xD0000000  }
0x3: {  	_ = 	snop  }
0x4: {  	_ = 	snop  }
0x5: {  	_ = 	snop  }
0x6: {  	_ = 	snop  }
0x7: {  	_ = 	snop  }
__scs_overlays_trampoline_lowered:
0x8: {  	[smem:$0x3FA5] =	sst s0  }
0x9: {  	[smem:$0x3FA6] =	sst s1  }
0xa: {  	[smem:$0x3FA7] =	sst s2  }
0xb: {  	[smem:$0x3FA8] =	sst s3  }
0xc: {  	[smem:$0x3FA9] =	sst s4  }
0xd: {  	[smem:$0x3FAA] =	sst s5  }
0xe: {  	[smem:$0x3FAB] =	sst s6  }
0xf: {  	[smem:$0x3FAC] =	sst s7  }
0x10: {  	[smem:$0x3FAD] =	sst s8  }
0x11: {  	[smem:$0x3FAE] =	sst s9;
	s0 =	simm.s32 @!p0 $0x0  }
0x12: {  	s1 =	sld [smem:$0x3F94];
	s0 =	simm.s32 @p0 $0x1  }
0x13: {  	[smem:$0x3FAF] =	sst s0;
	s0 =	simm.s32 @!p1 $0x0  }
0x14: {  	s2 =	sld [smem:$0x3F93];
	s0 =	simm.s32 @p1 $0x1  }
0x15: {  	[smem:$0x3FB0] =	sst s0;
	s0 =	simm.s32 @!p2 $0x0  }
0x16: {  	s3 =	sld [smem:$0x3FDB];
	s0 =	simm.s32 @p2 $0x1  }
0x17: {  	s4 =	simm.s32 $0x1BF5;
	[smem:$0x3FB2] =	sst s0  }
0x18: {  	s0 =	sld [smem:$0x3F95];
	_ =	swait.ge [sflag:s4], $0x0  }
0x19: {  	s7 =	sld [smem:$0x3F96]  }
0x1a: {  	s8 =	sadd.s32 $0xFFFFE003, lr  }
0x1b: {  	s9 =	sadd.s32 $0xFFFFFEF7, lr;
	s5 =	simm.s32 $0xFFFFFFFF;
	p2 =	slt.u32 s8, $0xFFFFF086  }
0x1c: {  	p1 =	slt.u32 s9, $0xF7A;
	s5 =	simm.s32 @!p2 $0x0  }
0x1d: {  	s5 =	simm.s32 @p1 $0x1;
	p0 =	seq.s32 s7, s2  }
0x1e: {  	s7 =	smul.u32 @!p0 $0xF7A, s2;
	p2 =	seq.s32 @!p0 s5, $0x0  }
0x1f: {  	s9 =	smul.u32 $0xF7A, s1;
	s8 =	simm.s32 @!p0 $0x1BF5;
	p2 =	por !p2, p0  }
0x20: {  	[sflag:s8] =	ssyncset.s32 @!p0 $0xFFFFF086;
	s6 =	sadd.s32 @!p0 s3, s7;
	s7 =	simm.s32 @!p0 $0x108  }
0x21: {  	s3 =	sadd.s32 s3, s9;
	s6 =	sadd.s32 @!p0 $0x88, s6;
	s7 =	simm.s32 @p2 $0x1082  }
0x22: {  	[simem:s7], [sflag:s8] =	dma.local @!p0 [hbm:s6], $0xF7A  }
0x23: {  	s9 =	sor.u32 $0xD0000000, s2;
	s6 =	simm.s32 $0x108;
	_ =	swait.ge @!p0 [sflag:s8], $0x0  }
0x24: {  	s3 =	sadd.s32 $0x88, s3;
	s6 =	simm.s32 @!p1 $0x1082;
	[sflag:s4] =	ssyncset.s32 $0xFFFFF086  }
0x25: {  	[simem:s6], [sflag:s4] =	dma.local [hbm:s3], $0xF7A  }
0x26: {  	[smem:$0x3F96] =	sst s1;
	(tag) =	ssettag s2;
	_ =	strace s9  }
0x27: {  	s1 =	sld [smem:$0x3FA6]  }
0x28: {  	s2 =	sld [smem:$0x3FA7]  }
0x29: {  	s4 =	sld [smem:$0x3FA9]  }
0x2a: {  	p0 =	seq.s32 s5, $0x0;
	s5 =	sld [smem:$0x3FAA]  }
0x2b: {  	s6 =	sld [smem:$0x3FAB]  }
0x2c: {  	s7 =	sld [smem:$0x3FAC]  }
0x2d: {  	s3 =	simm.s32 $0x108;
	s8 =	sld [smem:$0x3FAD]  }
0x2e: {  	s3 =	simm.s32 @!p0 $0x1082;
	s9 =	sld [smem:$0x3FAE]  }
0x2f: {  	lr =	sadd.s32 s0, s3;
	s0 =	sld [smem:$0x3FA5]  }
0x30: {  	s3 =	sld [smem:$0x3FA8]  }
0x31: {  	[smem:$0x3FB1] =	sst s10  }
0x32: {  	s10 =	sld [smem:$0x3FAF];
	_ =	sdelay $0x3  }
0x33: {  	p0 =	seq.s32 s10, $0x1;
	s10 =	sld [smem:$0x3FB1];
	_ =	sdelay $0x3  }
0x34: {  	[smem:$0x3FB1] =	sst s10  }
0x35: {  	s10 =	sld [smem:$0x3FB0];
	_ =	sdelay $0x3  }
0x36: {  	p1 =	seq.s32 s10, $0x1;
	s10 =	sld [smem:$0x3FB1];
	_ =	sdelay $0x3  }
0x37: {  	[smem:$0x3FB1] =	sst s10  }
0x38: {  	s10 =	sld [smem:$0x3FB2]  }
0x39: {  	_ = 	snop;
	(pc) =	sbr.ind lr, $3  }
0x3a: {  	_ = 	snop  }
0x3b: {  	_ = 	snop  }
0x3c: {  	p2 =	seq.s32 s10, $0x1;
	s10 =	sld [smem:$0x3FB1]  }
0x3d: {  	_ =	shalt  }
0x3e: {  	_ =	shalt  }
0x3f: {  	_ =	shalt  }
0x40: {  	_ =	shalt  }
0x41: {  	_ =	shalt  }
0x42: {  	_ =	shalt  }
0x43: {  	_ =	shalt  }
0x44: {  	_ =	shalt  }
0x45: {  	_ =	shalt  }
0x46: {  	_ =	shalt  }
0x47: {  	_ =	shalt  }
0x48: {  	_ =	shalt  }
0x49: {  	_ =	shalt  }
0x4a: {  	_ =	shalt  }
0x4b: {  	_ =	shalt  }
0x4c: {  	_ =	shalt  }
0x4d: {  	_ =	shalt  }
0x4e: {  	_ =	shalt  }
0x4f: {  	_ =	shalt  }
0x50: {  	_ =	shalt  }
0x51: {  	_ =	shalt  }
0x52: {  	_ =	shalt  }
0x53: {  	_ =	shalt  }
0x54: {  	_ =	shalt  }
0x55: {  	_ =	shalt  }
0x56: {  	_ =	shalt  }
0x57: {  	_ =	shalt  }
0x58: {  	_ =	shalt  }
0x59: {  	_ =	shalt  }
0x5a: {  	_ =	shalt  }
0x5b: {  	_ =	shalt  }
0x5c: {  	_ =	shalt  }
0x5d: {  	_ =	shalt  }
0x5e: {  	_ =	shalt  }
0x5f: {  	_ =	shalt  }
0x60: {  	_ =	shalt  }
0x61: {  	_ =	shalt  }
0x62: {  	_ =	shalt  }
0x63: {  	_ =	shalt  }
0x64: {  	_ =	shalt  }
0x65: {  	_ =	shalt  }
0x66: {  	_ =	shalt  }
0x67: {  	_ =	shalt  }
0x68: {  	_ =	shalt  }
0x69: {  	_ =	shalt  }
0x6a: {  	_ =	shalt  }
0x6b: {  	_ =	shalt  }
0x6c: {  	_ =	shalt  }
0x6d: {  	_ =	shalt  }
0x6e: {  	_ =	shalt  }
0x6f: {  	_ =	shalt  }
0x70: {  	_ =	shalt  }
0x71: {  	_ =	shalt  }
0x72: {  	_ =	shalt  }
0x73: {  	_ =	shalt  }
0x74: {  	_ =	shalt  }
0x75: {  	_ =	shalt  }
0x76: {  	_ =	shalt  }
0x77: {  	_ =	shalt  }
0x78: {  	_ =	shalt  }
0x79: {  	_ =	shalt  }
0x7a: {  	_ =	shalt  }
0x7b: {  	_ =	shalt  }
0x7c: {  	_ =	shalt  }
0x7d: {  	_ =	shalt  }
0x7e: {  	_ =	shalt  }
0x7f: {  	_ =	shalt  }
0x80: {  	_ =	shalt  }
0x81: {  	_ =	shalt  }
0x82: {  	_ =	shalt  }
0x83: {  	_ =	shalt  }
0x84: {  	_ =	shalt  }
0x85: {  	_ =	shalt  }
0x86: {  	_ =	shalt  }
0x87: {  	_ =	shalt  }
.Lfunc_end0:
.L_simem_size_0:
called_computation.1_lowered:
.L_overlay_start_0:
0x88: {  	s2 =	sld [smem:$0x3FD9]  }
0x89: {  	s3 =	sld [smem:$0x3FFE];
	_ =	sdelay $0x1  }
0x8a: {  	s1 =	srdreg.scid  }
0x8b: {  	s0 =	sand.u32 $0x1, s1  }
0x8c: {  	s16 =	sshll.u32 s0, $0xA;
	s2 =	sadd.s32 s3, s2  }
0x8d: {  	s2 =	sadd.s32 s2, s16  }
0x8e: {  	[smem:$0x3FBD] =	sst s2  }
0x8f: {  	_ = 	snop  }
0x90: {  	(tm) =	ssettm $0x1  }
0x91: {  	s17 =	sld [smem:$0x3FFB];
	_ =	sdelay $0x3  }
0x92: {  	_ =	strace s17  }
0x93: {  	s2 =	sld [smem:$0x3FFC];
	_ =	sdelay $0x3  }
0x94: {  	_ =	strace s2  }
0x95: {  	s2 =	sld [smem:$0x3FFD];
	_ =	sdelay $0x3  }
0x96: {  	_ =	strace s2  }
0x97: {  	_ =	strace $0x8FFFFFFF  }
0x98: {  	s18 =	sld [smem:$0x3FDB];
	_ =	sdelay $0x1  }
0x99: {  	s19 =	simm.s32 $_scs_section_size  }
0x9a: {  	s4 =	simm.s32 $_size__tile_overlayer_lowered;
	s5 =	simm.s32 $_tile_overlayer_lowered  }
0x9b: {  	s22 =	simm.s32 $0x1BFF;
	s21 =	sshll.u32 s5, $0x1;
	s2 =	sadd.s32 s19, s18  }
0x9c: {  	s6 =	simm.s32 $0x0;
	s20 =	sshll.u32 s4, $0x1;
	s4 =	sadd.s32 s21, s2  }
0x9d: {  	[timem:s6], [sflag:s22] =	dma.local [hbm:s4], s20  }
0x9e: {  	_ =	swait.ge [sflag:s22], s20  }
0x9f: {  	s3 =	ssub.s32 $0x0, s20;
	[sflag:s22] =	ssyncset.done $0x0  }
0xa0: {  	[sflag:s22] =	ssyncadd.s32 s3;
	_ =	sdelay $0x1  }
0xa1: {  	s23 =	simm.s32 $0x1B8B  }
0xa2: {  	_ =	swait.ge [sflag:s23], $0x1  }
0xa3: {  	[sflag:s23] =	ssyncset.done $0x0  }
0xa4: {  	s25 =	simm.s32 $0x1B8E;
	s24 =	sld [smem:$0x3FFE];
	[sflag:s23] =	ssyncadd.s32 $0xFFFFFFFF  }
0xa5: {  	s26 =	simm.s32 $execute0_lowered;
	[smem:$0x3FD2] =	sst s25  }
0xa6: {  	s4 =	sshll.u32 s26, $0x1;
	_ =	strace $0x80000049;
	[dreg:$0x1] =	wrdreg $0xFFFFFFFF  }
0xa7: {  	s28 =	simm.s32 $_size_execute0_lowered;
	s2 =	sadd.s32 s2, s4;
	[dreg:$0x0] =	wrdreg $0x0  }
0xa8: {  	s4 =	sshll.u32 s28, $0x1;
	[dreg:$0x2] =	wrdreg s2  }
0xa9: {  	[dreg:$0x3] =	wrdreg s4  }
0xaa: {  	[dreg:$0x4] =	wrdreg $0xC0  }
0xab: {  	_ =	task [dreg:s6], $0x5FFFF  }
0xac: {  	[dreg:$0x1] =	wrdreg $0xFFFFFFFF  }
0xad: {  	[dreg:$0x0] =	wrdreg $0x60  }
0xae: {  	[dreg:$0x2] =	wrdreg s24  }
0xaf: {  	[dreg:$0x3] =	wrdreg $0xA4000  }
0xb0: {  	[dreg:$0x4] =	wrdreg $0x9  }
0xb1: {  	_ =	task.clear_ibuf [dreg:s6], $0x5FFFF;
	_ =	strace $0x90000049  }
0xb2: {  	s29 =	simm.s32 $0x9;
	_ =	strace $0x8000004B  }
0xb3: {  	_ =	swait.ge [sflag:s29], $0x1  }
0xb4: {  	[sflag:s29] =	ssyncadd.s32 $0xFFFFFFFF  }
0xb5: {  	_ =	strace $0x9000004B  }
0xb6: {  	_ =	sfence  }
0xb7: {  	s30 =	sld [smem:$0x0];
	_ =	sdelay $0x2  }
0xb8: {  	s31 =	sshll.u32 s1, $0xD;
	s1 =	sshrl.u32 s1, $0x2  }
0xb9: {  	s3 =	sand.u32 $0x4000, s31;
	s1 =	sadd.s32 s1, s30  }
0xba: {  	s0 =	sor.u32 s3, s0;
	s1 =	sshll.u32 s1, $0x11  }
0xbb: {  	s0 =	sor.u32 s1, s0  }
0xbc: {  	s0 =	sadd.s32 $0x8F2B, s0  }
0xbd: {  	[sflag:s0] =	ssyncadd.remote.s32 $0x1  }
0xbe: {  	_ =	sfence.sel $0xFFFF  }
0xbf: {  	[dreg:$0x0] =	wrdreg $0xFFFFFFFF;
	(pc) =	sbr.abs _section_cstart, $3  }
0xc0: {  	[dreg:$0x1] =	wrdreg $0xFFFFFFFF  }
0xc1: {  	_ =	task.clear_ibuf [dreg:s6], $0x2FFFF;
	_ =	strace $0x9FFFFFFF  }
0xc2: {  	(tm) =	ssettm $0x7FFFFFFF  }
0xc3: {  	_ =	shalt  }
tec
execute0_lowered:
.L_overlay_start_1:
0x0: {  	(tag) =	ssettag $0x1  }
0x1: {  	s0 =	rddreg [dreg:$0x0]  }
0x2: {  	s1 =	rddreg [dreg:$0x1]  }
0x3: {  	s2 =	srdreg.scid;
	s3 =	simm.s32 $0x0;
	s8 =	stileid.u32  }
0x4: {  	s2 =	sand.u32 $0x1, s2;
	[smem:$0x7FF] =	sst s3;
	s6 =	smul.u32 $0x13C00, s8  }
0x5: {  	s4 =	sadd.s32 $0x18000, s0;
	s21 =	smul.u32 $0x4F000, s8;
	s9 =	sadd.s32 $0xE000, s0  }
0x6: {  	s10 =	sadd.s32 $0x4000, s0;
	s23 =	smul.u32 $0x900, s8;
	s11 =	sshll.u32 s8, $0x8  }
0x7: {  	s5 =	smul.u32 $0x13C000, s2;
	_ =	strace $0x8000004A;
	s22 =	ssub.s32 $0x2, s2  }
0x8: {  	p0 =	seq.s32 s2, $0x1;
	s25 =	sor.u32 $0x9000, s11;
	s30 =	sor.u32 $0x9080, s11  }
0x9: {  	s7 =	sshrl.u32 s22, $0x1;
	s26 =	sadd.s32 s9, s25;
	s2 =	sadd.s32 s10, s25  }
0xa: {  	s11 =	sadd.s32 s10, s30;
	s5 =	sadd.s32 s6, s5;
	[dreg:$0x5] =	wrdreg s26  }
0xb: {  	s6 =	sshrl.u32 s21, $0x2;
	[dreg:$0x6] =	wrdreg s2;
	s5 =	sshrl.u32 s5, $0x3  }
0xc: {  	[dreg:$0x8] =	wrdreg s11;
	s18 =	sadd.s32 s6, s1;
	s0 =	sadd.s32 s5, s0  }
0xd: {  	s5 =	ssub.s32 s22, s7;
	s24 =	sadd.s32 $0x12C00, s18;
	[dreg:$0x3] =	wrdreg s18  }
0xe: {  	s7 =	sadd.s32 s9, s23;
	s9 =	sadd.s32 s9, s30;
	[dreg:$0x4] =	wrdreg s24  }
0xf: {  	s13 =	sadd.s32 $0x1400, s18;
	[dreg:$0x7] =	wrdreg s9  }
0x10: {  	s14 =	sadd.s32 $0x2800, s18;
	[dreg:$0xb] =	wrdreg s13  }
0x11: {  	s31 =	simm.s32 $0x6;
	s15 =	sadd.s32 $0x3C00, s18;
	[dreg:$0xc] =	wrdreg s14  }
0x12: {  	s29 =	simm.s32 $0x5;
	s16 =	sadd.s32 $0x5000, s18;
	[dreg:$0xd] =	wrdreg s15  }
0x13: {  	s28 =	simm.s32 $0xF00;
	s17 =	sadd.s32 $0x6400, s18;
	[dreg:$0xe] =	wrdreg s16  }
0x14: {  	s8 =	sadd.s32 s10, s23;
	s19 =	sadd.s32 $0x7800, s18;
	[dreg:$0xf] =	wrdreg s17  }
0x15: {  	s10 =	simm.s32 $0x1000;
	s20 =	sadd.s32 $0x8C00, s18;
	[dreg:$0x10] =	wrdreg s19  }
0x16: {  	s11 =	simm.s32 $0x1;
	s21 =	sadd.s32 $0xA000, s18;
	[dreg:$0x11] =	wrdreg s20  }
0x17: {  	s2 =	simm.s32 $0xC00;
	s22 =	sadd.s32 $0xB400, s18;
	[dreg:$0x12] =	wrdreg s21  }
0x18: {  	s6 =	simm.s32 $0x5000;
	s23 =	sadd.s32 $0xC800, s18;
	[dreg:$0x13] =	wrdreg s22  }
0x19: {  	s25 =	sadd.s32 $0xF000, s18;
	s26 =	sadd.s32 $0x10400, s18;
	[dreg:$0x14] =	wrdreg s23  }
0x1a: {  	s30 =	sadd.s32 $0x11800, s18;
	s0 =	sadd.s32 $0x67400, s0;
	[dreg:$0x16] =	wrdreg s25  }
0x1b: {  	s12 =	smax.u32 s5, $0x1;
	s24 =	sadd.s32 $0xDC00, s18;
	[dreg:$0x17] =	wrdreg s26  }
0x1c: {  	[dreg:$0x18] =	wrdreg s30;
	s9 =	simm.s32 $0x80;
	s13 =	simm.s32 $0x2  }
0x1d: {  	s14 =	simm.s32 $0x3;
	s17 =	simm.s32 $0x4;
	s19 =	simm.s32 $0xD00  }
.Ltmp0:
0x1e: {  	s20 =	simm.s32 $0x600;
	s21 =	simm.s32 $0xD80;
	(pc) =	sbr.rel .LBB2_1-.Ltmp0, $4  }
0x1f: {  	s22 =	simm.s32 $0x680;
	s23 =	simm.s32 $0xE00;
	[dreg:$0x9] =	wrdreg s0  }
0x20: {  	s25 =	simm.s32 $0xE80;
	s26 =	simm.s32 $0x780;
	[dreg:$0xa] =	wrdreg s12  }
0x21: {  	s5 =	simm.s32 $0xF80;
	s16 =	simm.s32 $0x0;
	[dreg:$0x15] =	wrdreg s24  }
0x22: {  	v0 =	vimm.f32 $0.0e+00;
	s0 =	simm.s32 $0x800;
	s12 =	simm.s32 $0x400;
	s24 =	simm.s32 $0x700  }
.LBB2_7:
0x23: {  	s15 =	rddreg [dreg:$0x5]  }
0x24: {  	[tilespmem:s3], [sflag:$0x6] =	stream.linear.gather [hbm4b:s15+s3], $0x400, $0x38;
	[tilespmem:$0x1E000] =	vst v63  }
0x25: {  	_ =	swait.ge [sflag:s31], $0x400  }
0x26: {  	[sflag:s31] =	ssyncset.done $0x0  }
0x27: {  	s18 =	rddreg [dreg:$0x6];
	[sflag:s31] =	ssyncadd.s32 $0xFFFFFC00  }
0x28: {  	[tilespmem:s0], [sflag:$0x6] =	stream.linear.gather [hbm4b:s18+s3], $0x400, $0x38;
	[tilespmem:$0x1E000] =	vst v63  }
0x29: {  	_ =	swait.ge [sflag:s31], $0x400  }
0x2a: {  	[sflag:s31] =	ssyncset.done $0x0  }
0x2b: {  	[sflag:s31] =	ssyncadd.s32 $0xFFFFFC00  }
0x2c: {  	[tilespmem:s10], [sflag:$0x1] =	stream.indirect.gather [hbm4b:s4+s9], $0x80, s3, s9, $0xb8;
	[tilespmem:$0x1E000] =	vst v63  }
0x2d: {  	_ =	swait.ge [sflag:s11], $0x4000  }
0x2e: {  	[sflag:s11] =	ssyncset.done $0x0  }
0x2f: {  	s30 =	rddreg [dreg:$0x7];
	[sflag:s11] =	ssyncadd.s32 $0xFFFFC000  }
0x30: {  	[tilespmem:s12], [sflag:$0x5] =	stream.linear.gather [hbm4b:s30+s3], $0x400, $0x38;
	[tilespmem:$0x1E000] =	vst v63  }
0x31: {  	s16 =	rddreg [dreg:$0x8]  }
0x32: {  	[tilespmem:s2], [sflag:$0x5] =	stream.linear.gather [hbm4b:s16+s3], $0x400, $0x38;
	[tilespmem:$0x1E000] =	vst v63  }
0x33: {  	_ = 	snop  }
0x34: {  	[tilespmem:s6], [sflag:$0x2] =	stream.indirect.gather [hbm4b:s4+s9], $0x80, s9, s9, $0xb8;
	[tilespmem:$0x1E000] =	vst v63  }
0x35: {  	_ = 	snop  }
0x36: {  	[spmem:s1] =	stream.indirect.scatter.add.f32 [tilespmem:s10], [sflag:$0x3], $0x80, s0, s9, $0xb8;
	[tilespmem:$0x1E000] =	vst v63  }
0x37: {  	_ =	swait.ge [sflag:s13], $0x4000  }
0x38: {  	[sflag:s13] =	ssyncset.done $0x0  }
0x39: {  	[sflag:s13] =	ssyncadd.s32 $0xFFFFC000  }
0x3a: {  	_ =	swait.ge [sflag:s14], $0x4000  }
0x3b: {  	[sflag:s14] =	ssyncset.done $0x0  }
0x3c: {  	s18 =	simm.s32 $0x100;
	[sflag:s14] =	ssyncadd.s32 $0xFFFFC000  }
0x3d: {  	[tilespmem:s10], [sflag:$0x1] =	stream.indirect.gather [hbm4b:s4+s9], $0x80, s18, s9, $0xb8;
	[tilespmem:$0x1E000] =	vst v63  }
0x3e: {  	s30 =	simm.s32 $0x880  }
0x3f: {  	[spmem:s1] =	stream.indirect.scatter.add.f32 [tilespmem:s6], [sflag:$0x4], $0x80, s30, s9, $0xb8;
	[tilespmem:$0x1E000] =	vst v63  }
0x40: {  	_ =	swait.ge [sflag:s11], $0x4000  }
0x41: {  	[sflag:s11] =	ssyncset.done $0x0  }
0x42: {  	[sflag:s11] =	ssyncadd.s32 $0xFFFFC000  }
0x43: {  	_ =	swait.ge [sflag:s17], $0x4000  }
0x44: {  	[sflag:s17] =	ssyncset.done $0x0  }
0x45: {  	s16 =	simm.s32 $0x180;
	[sflag:s17] =	ssyncadd.s32 $0xFFFFC000  }
0x46: {  	[tilespmem:s6], [sflag:$0x2] =	stream.indirect.gather [hbm4b:s4+s9], $0x80, s16, s9, $0xb8;
	[tilespmem:$0x1E000] =	vst v63  }
0x47: {  	s18 =	simm.s32 $0x900  }
0x48: {  	[spmem:s1] =	stream.indirect.scatter.add.f32 [tilespmem:s10], [sflag:$0x3], $0x80, s18, s9, $0xb8;
	[tilespmem:$0x1E000] =	vst v63  }
0x49: {  	_ =	swait.ge [sflag:s13], $0x4000  }
0x4a: {  	[sflag:s13] =	ssyncset.done $0x0  }
0x4b: {  	[sflag:s13] =	ssyncadd.s32 $0xFFFFC000  }
0x4c: {  	_ =	swait.ge [sflag:s14], $0x4000  }
0x4d: {  	[sflag:s14] =	ssyncset.done $0x0  }
0x4e: {  	s30 =	simm.s32 $0x200;
	[sflag:s14] =	ssyncadd.s32 $0xFFFFC000  }
0x4f: {  	[tilespmem:s10], [sflag:$0x1] =	stream.indirect.gather [hbm4b:s4+s9], $0x80, s30, s9, $0xb8;
	[tilespmem:$0x1E000] =	vst v63  }
0x50: {  	s16 =	simm.s32 $0x980  }
0x51: {  	[spmem:s1] =	stream.indirect.scatter.add.f32 [tilespmem:s6], [sflag:$0x4], $0x80, s16, s9, $0xb8;
	[tilespmem:$0x1E000] =	vst v63  }
0x52: {  	_ =	swait.ge [sflag:s11], $0x4000  }
0x53: {  	[sflag:s11] =	ssyncset.done $0x0  }
0x54: {  	[sflag:s11] =	ssyncadd.s32 $0xFFFFC000  }
0x55: {  	_ =	swait.ge [sflag:s17], $0x4000  }
0x56: {  	[sflag:s17] =	ssyncset.done $0x0  }
0x57: {  	s18 =	simm.s32 $0x280;
	[sflag:s17] =	ssyncadd.s32 $0xFFFFC000  }
0x58: {  	[tilespmem:s6], [sflag:$0x2] =	stream.indirect.gather [hbm4b:s4+s9], $0x80, s18, s9, $0xb8;
	[tilespmem:$0x1E000] =	vst v63  }
0x59: {  	s30 =	simm.s32 $0xA00  }
0x5a: {  	[spmem:s1] =	stream.indirect.scatter.add.f32 [tilespmem:s10], [sflag:$0x3], $0x80, s30, s9, $0xb8;
	[tilespmem:$0x1E000] =	vst v63  }
0x5b: {  	_ =	swait.ge [sflag:s13], $0x4000  }
0x5c: {  	[sflag:s13] =	ssyncset.done $0x0  }
0x5d: {  	[sflag:s13] =	ssyncadd.s32 $0xFFFFC000  }
0x5e: {  	_ =	swait.ge [sflag:s14], $0x4000  }
0x5f: {  	[sflag:s14] =	ssyncset.done $0x0  }
0x60: {  	s16 =	simm.s32 $0x300;
	[sflag:s14] =	ssyncadd.s32 $0xFFFFC000  }
0x61: {  	[tilespmem:s10], [sflag:$0x1] =	stream.indirect.gather [hbm4b:s4+s9], $0x80, s16, s9, $0xb8;
	[tilespmem:$0x1E000] =	vst v63  }
0x62: {  	s18 =	simm.s32 $0xA80  }
0x63: {  	[spmem:s1] =	stream.indirect.scatter.add.f32 [tilespmem:s6], [sflag:$0x4], $0x80, s18, s9, $0xb8;
	[tilespmem:$0x1E000] =	vst v63  }
0x64: {  	_ =	swait.ge [sflag:s11], $0x4000  }
0x65: {  	[sflag:s11] =	ssyncset.done $0x0  }
0x66: {  	[sflag:s11] =	ssyncadd.s32 $0xFFFFC000  }
0x67: {  	_ =	swait.ge [sflag:s17], $0x4000  }
0x68: {  	[sflag:s17] =	ssyncset.done $0x0  }
0x69: {  	s30 =	simm.s32 $0x380;
	[sflag:s17] =	ssyncadd.s32 $0xFFFFC000  }
0x6a: {  	[tilespmem:s6], [sflag:$0x2] =	stream.indirect.gather [hbm4b:s4+s9], $0x80, s30, s9, $0xb8;
	[tilespmem:$0x1E000] =	vst v63  }
0x6b: {  	s16 =	simm.s32 $0xB00  }
0x6c: {  	[spmem:s1] =	stream.indirect.scatter.add.f32 [tilespmem:s10], [sflag:$0x3], $0x80, s16, s9, $0xb8;
	[tilespmem:$0x1E000] =	vst v63  }
0x6d: {  	_ =	swait.ge [sflag:s13], $0x4000  }
0x6e: {  	[sflag:s13] =	ssyncset.done $0x0  }
0x6f: {  	[sflag:s13] =	ssyncadd.s32 $0xFFFFC000  }
0x70: {  	_ =	swait.ge [sflag:s14], $0x4000  }
0x71: {  	[sflag:s14] =	ssyncset.done $0x0  }
0x72: {  	[sflag:s14] =	ssyncadd.s32 $0xFFFFC000  }
0x73: {  	_ =	swait.ge [sflag:s29], $0x400  }
0x74: {  	[sflag:s29] =	ssyncset.done $0x0  }
0x75: {  	[sflag:s29] =	ssyncadd.s32 $0xFFFFFC00  }
0x76: {  	_ =	swait.ge [sflag:s29], $0x400  }
0x77: {  	[sflag:s29] =	ssyncset.done $0x0  }
0x78: {  	[sflag:s29] =	ssyncadd.s32 $0xFFFFFC00  }
0x79: {  	[tilespmem:s10], [sflag:$0x1] =	stream.indirect.gather [hbm4b:s4+s9], $0x80, s12, s9, $0xb8;
	[tilespmem:$0x1E000] =	vst v63  }
0x7a: {  	s18 =	simm.s32 $0xB80  }
0x7b: {  	[spmem:s1] =	stream.indirect.scatter.add.f32 [tilespmem:s6], [sflag:$0x4], $0x80, s18, s9, $0xb8;
	[tilespmem:$0x1E000] =	vst v63  }
0x7c: {  	_ =	swait.ge [sflag:s11], $0x4000  }
0x7d: {  	[sflag:s11] =	ssyncset.done $0x0  }
0x7e: {  	[sflag:s11] =	ssyncadd.s32 $0xFFFFC000  }
0x7f: {  	_ =	swait.ge [sflag:s17], $0x4000  }
0x80: {  	[sflag:s17] =	ssyncset.done $0x0  }
0x81: {  	s30 =	simm.s32 $0x480;
	[sflag:s17] =	ssyncadd.s32 $0xFFFFC000  }
0x82: {  	[tilespmem:s6], [sflag:$0x2] =	stream.indirect.gather [hbm4b:s4+s9], $0x80, s30, s9, $0xb8;
	[tilespmem:$0x1E000] =	vst v63  }
0x83: {  	_ = 	snop  }
0x84: {  	[spmem:s1] =	stream.indirect.scatter.add.f32 [tilespmem:s10], [sflag:$0x3], $0x80, s2, s9, $0xb8;
	[tilespmem:$0x1E000] =	vst v63  }
0x85: {  	_ =	swait.ge [sflag:s13], $0x4000  }
0x86: {  	[sflag:s13] =	ssyncset.done $0x0  }
0x87: {  	[sflag:s13] =	ssyncadd.s32 $0xFFFFC000  }
0x88: {  	_ =	swait.ge [sflag:s14], $0x4000  }
0x89: {  	[sflag:s14] =	ssyncset.done $0x0  }
0x8a: {  	s16 =	simm.s32 $0x500;
	[sflag:s14] =	ssyncadd.s32 $0xFFFFC000  }
0x8b: {  	[tilespmem:s10], [sflag:$0x1] =	stream.indirect.gather [hbm4b:s4+s9], $0x80, s16, s9, $0xb8;
	[tilespmem:$0x1E000] =	vst v63  }
0x8c: {  	s18 =	simm.s32 $0xC80  }
0x8d: {  	[spmem:s1] =	stream.indirect.scatter.add.f32 [tilespmem:s6], [sflag:$0x4], $0x80, s18, s9, $0xb8;
	[tilespmem:$0x1E000] =	vst v63  }
0x8e: {  	_ =	swait.ge [sflag:s11], $0x4000  }
0x8f: {  	[sflag:s11] =	ssyncset.done $0x0  }
0x90: {  	[sflag:s11] =	ssyncadd.s32 $0xFFFFC000  }
0x91: {  	_ =	swait.ge [sflag:s17], $0x4000  }
0x92: {  	[sflag:s17] =	ssyncset.done $0x0  }
0x93: {  	s30 =	simm.s32 $0x580;
	[sflag:s17] =	ssyncadd.s32 $0xFFFFC000  }
0x94: {  	[tilespmem:s6], [sflag:$0x2] =	stream.indirect.gather [hbm4b:s4+s9], $0x80, s30, s9, $0xb8;
	[tilespmem:$0x1E000] =	vst v63  }
0x95: {  	_ = 	snop  }
0x96: {  	[spmem:s1] =	stream.indirect.scatter.add.f32 [tilespmem:s10], [sflag:$0x3], $0x80, s19, s9, $0xb8;
	[tilespmem:$0x1E000] =	vst v63  }
0x97: {  	_ =	swait.ge [sflag:s13], $0x4000  }
0x98: {  	[sflag:s13] =	ssyncset.done $0x0  }
0x99: {  	[sflag:s13] =	ssyncadd.s32 $0xFFFFC000  }
0x9a: {  	_ =	swait.ge [sflag:s14], $0x4000  }
0x9b: {  	[sflag:s14] =	ssyncset.done $0x0  }
0x9c: {  	[sflag:s14] =	ssyncadd.s32 $0xFFFFC000  }
0x9d: {  	[tilespmem:s10], [sflag:$0x1] =	stream.indirect.gather [hbm4b:s4+s9], $0x80, s20, s9, $0xb8;
	[tilespmem:$0x1E000] =	vst v63  }
0x9e: {  	_ = 	snop  }
0x9f: {  	[spmem:s1] =	stream.indirect.scatter.add.f32 [tilespmem:s6], [sflag:$0x4], $0x80, s21, s9, $0xb8;
	[tilespmem:$0x1E000] =	vst v63  }
0xa0: {  	_ =	swait.ge [sflag:s11], $0x4000  }
0xa1: {  	[sflag:s11] =	ssyncset.done $0x0  }
0xa2: {  	[sflag:s11] =	ssyncadd.s32 $0xFFFFC000  }
0xa3: {  	_ =	swait.ge [sflag:s17], $0x4000  }
0xa4: {  	[sflag:s17] =	ssyncset.done $0x0  }
0xa5: {  	[sflag:s17] =	ssyncadd.s32 $0xFFFFC000  }
0xa6: {  	[tilespmem:s6], [sflag:$0x2] =	stream.indirect.gather [hbm4b:s4+s9], $0x80, s22, s9, $0xb8;
	[tilespmem:$0x1E000] =	vst v63  }
0xa7: {  	_ = 	snop  }
0xa8: {  	[spmem:s1] =	stream.indirect.scatter.add.f32 [tilespmem:s10], [sflag:$0x3], $0x80, s23, s9, $0xb8;
	[tilespmem:$0x1E000] =	vst v63  }
0xa9: {  	_ =	swait.ge [sflag:s13], $0x4000  }
0xaa: {  	[sflag:s13] =	ssyncset.done $0x0  }
0xab: {  	[sflag:s13] =	ssyncadd.s32 $0xFFFFC000  }
0xac: {  	_ =	swait.ge [sflag:s14], $0x4000  }
0xad: {  	[sflag:s14] =	ssyncset.done $0x0  }
0xae: {  	[sflag:s14] =	ssyncadd.s32 $0xFFFFC000  }
0xaf: {  	[tilespmem:s10], [sflag:$0x1] =	stream.indirect.gather [hbm4b:s4+s9], $0x80, s24, s9, $0xb8;
	[tilespmem:$0x1E000] =	vst v63  }
0xb0: {  	_ = 	snop  }
0xb1: {  	[spmem:s1] =	stream.indirect.scatter.add.f32 [tilespmem:s6], [sflag:$0x4], $0x80, s25, s9, $0xb8;
	[tilespmem:$0x1E000] =	vst v63  }
0xb2: {  	_ =	swait.ge [sflag:s11], $0x4000  }
0xb3: {  	[sflag:s11] =	ssyncset.done $0x0  }
0xb4: {  	[sflag:s11] =	ssyncadd.s32 $0xFFFFC000  }
0xb5: {  	_ =	swait.ge [sflag:s17], $0x4000  }
0xb6: {  	[sflag:s17] =	ssyncset.done $0x0  }
0xb7: {  	[sflag:s17] =	ssyncadd.s32 $0xFFFFC000  }
0xb8: {  	[tilespmem:s6], [sflag:$0x2] =	stream.indirect.gather [hbm4b:s4+s9], $0x80, s26, s9, $0xb8;
	[tilespmem:$0x1E000] =	vst v63  }
0xb9: {  	_ = 	snop  }
0xba: {  	[spmem:s1] =	stream.indirect.scatter.add.f32 [tilespmem:s10], [sflag:$0x3], $0x80, s28, s9, $0xb8;
	[tilespmem:$0x1E000] =	vst v63  }
0xbb: {  	_ =	swait.ge [sflag:s13], $0x4000  }
0xbc: {  	[sflag:s13] =	ssyncset.done $0x0  }
0xbd: {  	[sflag:s13] =	ssyncadd.s32 $0xFFFFC000  }
0xbe: {  	_ =	swait.ge [sflag:s14], $0x4000  }
0xbf: {  	[sflag:s14] =	ssyncset.done $0x0  }
0xc0: {  	[sflag:s14] =	ssyncadd.s32 $0xFFFFC000  }
.LBB2_8:
0xc1: {  	[spmem:s1] =	stream.indirect.scatter.add.f32 [tilespmem:s6], [sflag:$0x4], $0x80, s5, s9, $0xb8;
	[tilespmem:$0x1E000] =	vst v63  }
0xc2: {  	_ =	swait.ge [sflag:s17], $0x4000  }
0xc3: {  	[sflag:s17] =	ssyncset.done $0x0  }
0xc4: {  	[sflag:s17] =	ssyncadd.s32 $0xFFFFC000  }
0xc5: {  	s15 =	stileid.u32;
	[bflag:$0x0] =	sbarrier.arrive $0xFFFF  }
0xc6: {  	s15 =	sshll.u32 s15, $0x6;
	s18 =	rddreg [dreg:$0x3]  }
0xc7: {  	s15 =	sor.u32 $0x1C06, s15;
	s30 =	rddreg [dreg:$0x9];
	s16 =	sshrl.u32 s18, $0x3  }
0xc8: {  	[hbm:s30], [sflag:s15] =	dma.local [spmem:s16], $0x2780  }
0xc9: {  	_ =	swait.ge [sflag:s31], $0x2780  }
0xca: {  	s15 =	rddreg [dreg:$0x19]  }
0xcb: {  	s30 =	rddreg [dreg:$0xa];
	s16 =	sadd.s32 $0x1, s15  }
0xcc: {  	p1 =	sne.s32 s16, s30  }
.Ltmp1:
0xcd: {  	_ = 	snop;
	(pc) =	sbr.rel @!p1 .LBB2_9-.Ltmp1, $3  }
0xce: {  	_ =	sdelay $0x1  }
0xcf: {  	[sflag:s31] =	ssyncset.done $0x0  }
0xd0: {  	[sflag:s31] =	ssyncadd.s32 $0xFFFFD880  }
.LBB2_1:
0xd1: {  	[dreg:$0x19] =	wrdreg s16;
	s30 =	simm.s32 $0x0;
	s15 =	simm.s32 $0x200  }
.LBB2_2:
0xd2: {  	p1 =	sne.s32 s15, $0x4E00;
	[tilespmem:s30+$0x9070] =	vst v0  }
0xd3: {  	[tilespmem:s30+$0x9000] =	vst v0  }
0xd4: {  	[tilespmem:s30+$0x9010] =	vst v0  }
.Ltmp2:
0xd5: {  	[tilespmem:s30+$0x9020] =	vst v0;
	(pc) =	sbr.rel @p1 .LBB2_2-.Ltmp2, $4  }
0xd6: {  	[tilespmem:s30+$0x9030] =	vst v0  }
0xd7: {  	[tilespmem:s30+$0x9040] =	vst v0  }
0xd8: {  	[tilespmem:s30+$0x9050] =	vst v0  }
0xd9: {  	[tilespmem:s30+$0x9060] =	vst v0;
	s30 =	sshra.s32 s15, $0x2;
	s15 =	sadd.s32 $0x200, s15  }
0xda: {  	[tilespmem:s30+$0x9070] =	vst v0  }
0xdb: {  	[tilespmem:s30+$0x9000] =	vst v0  }
0xdc: {  	[tilespmem:s30+$0x9010] =	vst v0  }
0xdd: {  	[tilespmem:s30+$0x9020] =	vst v0  }
0xde: {  	[tilespmem:s30+$0x9030] =	vst v0  }
0xdf: {  	[tilespmem:s30+$0x9040] =	vst v0  }
0xe0: {  	[tilespmem:s30+$0x9050] =	vst v0  }
0xe1: {  	[tilespmem:s30+$0x9060] =	vst v0;
	s16 =	simm.s32 $0x9000  }
0xe2: {  	[spmem:s18] =	stream.linear.scatter [tilespmem:s16], [sflag:$0x6], $0x1400, $0x38;
	[tilespmem:$0x1E000] =	vst v63  }
0xe3: {  	_ =	swait.ge [sflag:s31], $0x1400  }
0xe4: {  	[sflag:s31] =	ssyncset.done $0x0  }
0xe5: {  	s15 =	rddreg [dreg:$0xb];
	[sflag:s31] =	ssyncadd.s32 $0xFFFFEC00  }
0xe6: {  	[spmem:s15] =	stream.linear.scatter [tilespmem:s16], [sflag:$0x6], $0x1400, $0x38;
	[tilespmem:$0x1E000] =	vst v63  }
0xe7: {  	_ =	swait.ge [sflag:s31], $0x1400  }
0xe8: {  	[sflag:s31] =	ssyncset.done $0x0  }
0xe9: {  	s18 =	rddreg [dreg:$0xc];
	[sflag:s31] =	ssyncadd.s32 $0xFFFFEC00  }
0xea: {  	[spmem:s18] =	stream.linear.scatter [tilespmem:s16], [sflag:$0x6], $0x1400, $0x38;
	[tilespmem:$0x1E000] =	vst v63  }
0xeb: {  	_ =	swait.ge [sflag:s31], $0x1400  }
0xec: {  	[sflag:s31] =	ssyncset.done $0x0  }
0xed: {  	s30 =	rddreg [dreg:$0xd];
	[sflag:s31] =	ssyncadd.s32 $0xFFFFEC00  }
0xee: {  	[spmem:s30] =	stream.linear.scatter [tilespmem:s16], [sflag:$0x6], $0x1400, $0x38;
	[tilespmem:$0x1E000] =	vst v63  }
0xef: {  	_ =	swait.ge [sflag:s31], $0x1400  }
0xf0: {  	[sflag:s31] =	ssyncset.done $0x0  }
0xf1: {  	s18 =	rddreg [dreg:$0xe];
	[sflag:s31] =	ssyncadd.s32 $0xFFFFEC00  }
0xf2: {  	[spmem:s18] =	stream.linear.scatter [tilespmem:s16], [sflag:$0x6], $0x1400, $0x38;
	[tilespmem:$0x1E000] =	vst v63  }
0xf3: {  	_ =	swait.ge [sflag:s31], $0x1400  }
0xf4: {  	[sflag:s31] =	ssyncset.done $0x0  }
0xf5: {  	s30 =	rddreg [dreg:$0xf];
	[sflag:s31] =	ssyncadd.s32 $0xFFFFEC00  }
0xf6: {  	[spmem:s30] =	stream.linear.scatter [tilespmem:s16], [sflag:$0x6], $0x1400, $0x38;
	[tilespmem:$0x1E000] =	vst v63  }
0xf7: {  	_ =	swait.ge [sflag:s31], $0x1400  }
0xf8: {  	[sflag:s31] =	ssyncset.done $0x0  }
0xf9: {  	s18 =	rddreg [dreg:$0x10];
	[sflag:s31] =	ssyncadd.s32 $0xFFFFEC00  }
0xfa: {  	[spmem:s18] =	stream.linear.scatter [tilespmem:s16], [sflag:$0x6], $0x1400, $0x38;
	[tilespmem:$0x1E000] =	vst v63  }
0xfb: {  	_ =	swait.ge [sflag:s31], $0x1400  }
0xfc: {  	[sflag:s31] =	ssyncset.done $0x0  }
0xfd: {  	s30 =	rddreg [dreg:$0x11];
	[sflag:s31] =	ssyncadd.s32 $0xFFFFEC00  }
0xfe: {  	[spmem:s30] =	stream.linear.scatter [tilespmem:s16], [sflag:$0x6], $0x1400, $0x38;
	[tilespmem:$0x1E000] =	vst v63  }
0xff: {  	_ =	swait.ge [sflag:s31], $0x1400  }
0x100: {  	[sflag:s31] =	ssyncset.done $0x0  }
0x101: {  	s18 =	rddreg [dreg:$0x12];
	[sflag:s31] =	ssyncadd.s32 $0xFFFFEC00  }
0x102: {  	[spmem:s18] =	stream.linear.scatter [tilespmem:s16], [sflag:$0x6], $0x1400, $0x38;
	[tilespmem:$0x1E000] =	vst v63  }
0x103: {  	_ =	swait.ge [sflag:s31], $0x1400  }
0x104: {  	[sflag:s31] =	ssyncset.done $0x0  }
0x105: {  	s30 =	rddreg [dreg:$0x13];
	[sflag:s31] =	ssyncadd.s32 $0xFFFFEC00  }
0x106: {  	[spmem:s30] =	stream.linear.scatter [tilespmem:s16], [sflag:$0x6], $0x1400, $0x38;
	[tilespmem:$0x1E000] =	vst v63  }
0x107: {  	_ =	swait.ge [sflag:s31], $0x1400  }
0x108: {  	[sflag:s31] =	ssyncset.done $0x0  }
0x109: {  	s18 =	rddreg [dreg:$0x14];
	[sflag:s31] =	ssyncadd.s32 $0xFFFFEC00  }
0x10a: {  	[spmem:s18] =	stream.linear.scatter [tilespmem:s16], [sflag:$0x6], $0x1400, $0x38;
	[tilespmem:$0x1E000] =	vst v63  }
0x10b: {  	_ =	swait.ge [sflag:s31], $0x1400  }
0x10c: {  	[sflag:s31] =	ssyncset.done $0x0  }
0x10d: {  	s30 =	rddreg [dreg:$0x15];
	[sflag:s31] =	ssyncadd.s32 $0xFFFFEC00  }
0x10e: {  	[spmem:s30] =	stream.linear.scatter [tilespmem:s16], [sflag:$0x6], $0x1400, $0x38;
	[tilespmem:$0x1E000] =	vst v63  }
0x10f: {  	_ =	swait.ge [sflag:s31], $0x1400  }
0x110: {  	[sflag:s31] =	ssyncset.done $0x0  }
0x111: {  	s18 =	rddreg [dreg:$0x16];
	[sflag:s31] =	ssyncadd.s32 $0xFFFFEC00  }
0x112: {  	[spmem:s18] =	stream.linear.scatter [tilespmem:s16], [sflag:$0x6], $0x1400, $0x38;
	[tilespmem:$0x1E000] =	vst v63  }
0x113: {  	_ =	swait.ge [sflag:s31], $0x1400  }
0x114: {  	[sflag:s31] =	ssyncset.done $0x0  }
0x115: {  	s30 =	rddreg [dreg:$0x17];
	[sflag:s31] =	ssyncadd.s32 $0xFFFFEC00  }
0x116: {  	[spmem:s30] =	stream.linear.scatter [tilespmem:s16], [sflag:$0x6], $0x1400, $0x38;
	[tilespmem:$0x1E000] =	vst v63  }
0x117: {  	_ =	swait.ge [sflag:s31], $0x1400  }
0x118: {  	[sflag:s31] =	ssyncset.done $0x0  }
0x119: {  	s18 =	rddreg [dreg:$0x18];
	[sflag:s31] =	ssyncadd.s32 $0xFFFFEC00  }
0x11a: {  	[spmem:s18] =	stream.linear.scatter [tilespmem:s16], [sflag:$0x6], $0x1400, $0x38;
	[tilespmem:$0x1E000] =	vst v63  }
0x11b: {  	_ =	swait.ge [sflag:s31], $0x1400  }
0x11c: {  	[sflag:s31] =	ssyncset.done $0x0  }
0x11d: {  	s30 =	rddreg [dreg:$0x4];
	[sflag:s31] =	ssyncadd.s32 $0xFFFFEC00  }
0x11e: {  	[spmem:s30] =	stream.linear.scatter [tilespmem:s16], [sflag:$0x6], $0x1000, $0x38;
	[tilespmem:$0x1E000] =	vst v63  }
.Ltmp3:
0x11f: {  	_ =	swait.ge [sflag:s31], $0x1000;
	(pc) =	sbr.rel @p0 .LBB2_7-.Ltmp3, $3  }
0x120: {  	[sflag:s31] =	ssyncset.done $0x0  }
0x121: {  	[sflag:s31] =	ssyncadd.s32 $0xFFFFF000  }
0x122: {  	[bflag:$0x0] =	sbarrier.arrive $0xFFFF;
	_ =	sdelay $0x1  }
0x123: {  	s30 =	simm.s32 $0x0  }
0x124: {  	[tilespmem:s30], [sflag:$0x6] =	stream.linear.gather [hbm4b:s7+s30], $0x400, $0x38;
	[tilespmem:$0x1E000] =	vst v63  }
0x125: {  	_ =	swait.ge [sflag:s31], $0x400  }
0x126: {  	[sflag:s31] =	ssyncset.done $0x0  }
0x127: {  	[sflag:s31] =	ssyncadd.s32 $0xFFFFFC00  }
0x128: {  	[tilespmem:s0], [sflag:$0x6] =	stream.linear.gather [hbm4b:s8+s30], $0x400, $0x38;
	[tilespmem:$0x1E000] =	vst v63  }
0x129: {  	_ =	swait.ge [sflag:s31], $0x400  }
0x12a: {  	[sflag:s31] =	ssyncset.done $0x0  }
0x12b: {  	[sflag:s31] =	ssyncadd.s32 $0xFFFFFC00  }
0x12c: {  	[tilespmem:s10], [sflag:$0x1] =	stream.indirect.gather [hbm4b:s4+s9], $0x80, s30, s9, $0xb8;
	[tilespmem:$0x1E000] =	vst v63  }
.LBB2_5:
0x12d: {  	_ =	swait.ge [sflag:s11], $0x4000  }
0x12e: {  	p1 =	seq.s32 s30, $0x0;
	[sflag:s11] =	ssyncset.done $0x0  }
0x12f: {  	s15 =	simm.s32 @!p1 $0x4;
	[sflag:s11] =	ssyncadd.s32 $0xFFFFC000  }
0x130: {  	_ =	swait.ge @!p1 [sflag:s15], $0x4000  }
0x131: {  	s16 =	sadd.s32 s30, s7;
	[sflag:s15] =	ssyncset.done @!p1 $0x0  }
0x132: {  	s18 =	sadd.s32 s30, s8;
	s16 =	sadd.s32 $0x80, s16;
	[sflag:s15] =	ssyncadd.s32 @!p1 $0xFFFFC000  }
0x133: {  	[tilespmem:s12], [sflag:$0x5] =	stream.linear.gather [hbm4b:s16+s3], $0x400, $0x38;
	[tilespmem:$0x1E000] =	vst v63  }
0x134: {  	s16 =	sadd.s32 $0x80, s18  }
0x135: {  	[tilespmem:s2], [sflag:$0x5] =	stream.linear.gather [hbm4b:s16+s3], $0x400, $0x38;
	[tilespmem:$0x1E000] =	vst v63  }
0x136: {  	_ = 	snop  }
0x137: {  	[tilespmem:s6], [sflag:$0x2] =	stream.indirect.gather [hbm4b:s4+s9], $0x80, s9, s9, $0xb8;
	[tilespmem:$0x1E000] =	vst v63  }
0x138: {  	_ = 	snop  }
0x139: {  	[spmem:s1] =	stream.indirect.scatter.add.f32 [tilespmem:s10], [sflag:$0x3], $0x80, s0, s9, $0xb8;
	[tilespmem:$0x1E000] =	vst v63  }
0x13a: {  	_ =	swait.ge [sflag:s13], $0x4000  }
0x13b: {  	[sflag:s13] =	ssyncset.done $0x0  }
0x13c: {  	[sflag:s13] =	ssyncadd.s32 $0xFFFFC000  }
0x13d: {  	_ =	swait.ge [sflag:s14], $0x4000  }
0x13e: {  	[sflag:s14] =	ssyncset.done $0x0  }
0x13f: {  	s18 =	simm.s32 $0x100;
	[sflag:s14] =	ssyncadd.s32 $0xFFFFC000  }
0x140: {  	[tilespmem:s10], [sflag:$0x1] =	stream.indirect.gather [hbm4b:s4+s9], $0x80, s18, s9, $0xb8;
	[tilespmem:$0x1E000] =	vst v63  }
0x141: {  	s16 =	simm.s32 $0x880  }
0x142: {  	[spmem:s1] =	stream.indirect.scatter.add.f32 [tilespmem:s6], [sflag:$0x4], $0x80, s16, s9, $0xb8;
	[tilespmem:$0x1E000] =	vst v63  }
0x143: {  	_ =	swait.ge [sflag:s11], $0x4000  }
0x144: {  	[sflag:s11] =	ssyncset.done $0x0  }
0x145: {  	[sflag:s11] =	ssyncadd.s32 $0xFFFFC000  }
0x146: {  	_ =	swait.ge [sflag:s17], $0x4000  }
0x147: {  	[sflag:s17] =	ssyncset.done $0x0  }
0x148: {  	s18 =	simm.s32 $0x180;
	[sflag:s17] =	ssyncadd.s32 $0xFFFFC000  }
0x149: {  	[tilespmem:s6], [sflag:$0x2] =	stream.indirect.gather [hbm4b:s4+s9], $0x80, s18, s9, $0xb8;
	[tilespmem:$0x1E000] =	vst v63  }
0x14a: {  	s16 =	simm.s32 $0x900  }
0x14b: {  	[spmem:s1] =	stream.indirect.scatter.add.f32 [tilespmem:s10], [sflag:$0x3], $0x80, s16, s9, $0xb8;
	[tilespmem:$0x1E000] =	vst v63  }
0x14c: {  	_ =	swait.ge [sflag:s13], $0x4000  }
0x14d: {  	[sflag:s13] =	ssyncset.done $0x0  }
0x14e: {  	[sflag:s13] =	ssyncadd.s32 $0xFFFFC000  }
0x14f: {  	_ =	swait.ge [sflag:s14], $0x4000  }
0x150: {  	[sflag:s14] =	ssyncset.done $0x0  }
0x151: {  	s18 =	simm.s32 $0x200;
	[sflag:s14] =	ssyncadd.s32 $0xFFFFC000  }
0x152: {  	[tilespmem:s10], [sflag:$0x1] =	stream.indirect.gather [hbm4b:s4+s9], $0x80, s18, s9, $0xb8;
	[tilespmem:$0x1E000] =	vst v63  }
0x153: {  	s16 =	simm.s32 $0x980  }
0x154: {  	[spmem:s1] =	stream.indirect.scatter.add.f32 [tilespmem:s6], [sflag:$0x4], $0x80, s16, s9, $0xb8;
	[tilespmem:$0x1E000] =	vst v63  }
0x155: {  	_ =	swait.ge [sflag:s11], $0x4000  }
0x156: {  	[sflag:s11] =	ssyncset.done $0x0  }
0x157: {  	[sflag:s11] =	ssyncadd.s32 $0xFFFFC000  }
0x158: {  	_ =	swait.ge [sflag:s17], $0x4000  }
0x159: {  	[sflag:s17] =	ssyncset.done $0x0  }
0x15a: {  	s18 =	simm.s32 $0x280;
	[sflag:s17] =	ssyncadd.s32 $0xFFFFC000  }
0x15b: {  	[tilespmem:s6], [sflag:$0x2] =	stream.indirect.gather [hbm4b:s4+s9], $0x80, s18, s9, $0xb8;
	[tilespmem:$0x1E000] =	vst v63  }
0x15c: {  	s16 =	simm.s32 $0xA00  }
0x15d: {  	[spmem:s1] =	stream.indirect.scatter.add.f32 [tilespmem:s10], [sflag:$0x3], $0x80, s16, s9, $0xb8;
	[tilespmem:$0x1E000] =	vst v63  }
0x15e: {  	_ =	swait.ge [sflag:s13], $0x4000  }
0x15f: {  	[sflag:s13] =	ssyncset.done $0x0  }
0x160: {  	[sflag:s13] =	ssyncadd.s32 $0xFFFFC000  }
0x161: {  	_ =	swait.ge [sflag:s14], $0x4000  }
0x162: {  	[sflag:s14] =	ssyncset.done $0x0  }
0x163: {  	s18 =	simm.s32 $0x300;
	[sflag:s14] =	ssyncadd.s32 $0xFFFFC000  }
0x164: {  	[tilespmem:s10], [sflag:$0x1] =	stream.indirect.gather [hbm4b:s4+s9], $0x80, s18, s9, $0xb8;
	[tilespmem:$0x1E000] =	vst v63  }
0x165: {  	s16 =	simm.s32 $0xA80  }
0x166: {  	[spmem:s1] =	stream.indirect.scatter.add.f32 [tilespmem:s6], [sflag:$0x4], $0x80, s16, s9, $0xb8;
	[tilespmem:$0x1E000] =	vst v63  }
0x167: {  	_ =	swait.ge [sflag:s11], $0x4000  }
0x168: {  	[sflag:s11] =	ssyncset.done $0x0  }
0x169: {  	[sflag:s11] =	ssyncadd.s32 $0xFFFFC000  }
0x16a: {  	_ =	swait.ge [sflag:s17], $0x4000  }
0x16b: {  	[sflag:s17] =	ssyncset.done $0x0  }
0x16c: {  	s18 =	simm.s32 $0x380;
	[sflag:s17] =	ssyncadd.s32 $0xFFFFC000  }
0x16d: {  	[tilespmem:s6], [sflag:$0x2] =	stream.indirect.gather [hbm4b:s4+s9], $0x80, s18, s9, $0xb8;
	[tilespmem:$0x1E000] =	vst v63  }
0x16e: {  	s16 =	simm.s32 $0xB00  }
0x16f: {  	[spmem:s1] =	stream.indirect.scatter.add.f32 [tilespmem:s10], [sflag:$0x3], $0x80, s16, s9, $0xb8;
	[tilespmem:$0x1E000] =	vst v63  }
0x170: {  	_ =	swait.ge [sflag:s13], $0x4000  }
0x171: {  	[sflag:s13] =	ssyncset.done $0x0  }
0x172: {  	[sflag:s13] =	ssyncadd.s32 $0xFFFFC000  }
0x173: {  	_ =	swait.ge [sflag:s14], $0x4000  }
0x174: {  	[sflag:s14] =	ssyncset.done $0x0  }
0x175: {  	[sflag:s14] =	ssyncadd.s32 $0xFFFFC000  }
0x176: {  	_ =	swait.ge [sflag:s29], $0x400  }
0x177: {  	[sflag:s29] =	ssyncset.done $0x0  }
0x178: {  	[sflag:s29] =	ssyncadd.s32 $0xFFFFFC00  }
0x179: {  	_ =	swait.ge [sflag:s29], $0x400  }
0x17a: {  	[sflag:s29] =	ssyncset.done $0x0  }
0x17b: {  	[sflag:s29] =	ssyncadd.s32 $0xFFFFFC00  }
0x17c: {  	[tilespmem:s10], [sflag:$0x1] =	stream.indirect.gather [hbm4b:s4+s9], $0x80, s12, s9, $0xb8;
	[tilespmem:$0x1E000] =	vst v63  }
0x17d: {  	s18 =	simm.s32 $0xB80  }
0x17e: {  	[spmem:s1] =	stream.indirect.scatter.add.f32 [tilespmem:s6], [sflag:$0x4], $0x80, s18, s9, $0xb8;
	[tilespmem:$0x1E000] =	vst v63  }
0x17f: {  	_ =	swait.ge [sflag:s11], $0x4000  }
0x180: {  	[sflag:s11] =	ssyncset.done $0x0  }
0x181: {  	p1 =	seq.s32 s30, $0x800;
	[sflag:s11] =	ssyncadd.s32 $0xFFFFC000  }
0x182: {  	s15 =	sadd.s32 @!p1 s30, s7;
	_ =	swait.ge [sflag:s17], $0x4000  }
0x183: {  	s15 =	sadd.s32 @!p1 $0x100, s15;
	[sflag:s17] =	ssyncset.done $0x0  }
0x184: {  	s16 =	sadd.s32 @!p1 s30, s8;
	s18 =	simm.s32 @!p1 $0x0;
	[sflag:s17] =	ssyncadd.s32 $0xFFFFC000  }
0x185: {  	[tilespmem:s18], [sflag:$0x5] =	stream.linear.gather @!p1 [hbm4b:s15+s18], $0x400, $0x38;
	[tilespmem:$0x1E000] =	vst v63  }
0x186: {  	s15 =	sadd.s32 @!p1 $0x100, s16;
	s16 =	simm.s32 @!p1 $0x800  }
0x187: {  	[tilespmem:s16], [sflag:$0x5] =	stream.linear.gather @!p1 [hbm4b:s15+s18], $0x400, $0x38;
	[tilespmem:$0x1E000] =	vst v63  }
0x188: {  	s16 =	simm.s32 $0x480  }
0x189: {  	[tilespmem:s6], [sflag:$0x2] =	stream.indirect.gather [hbm4b:s4+s9], $0x80, s16, s9, $0xb8;
	[tilespmem:$0x1E000] =	vst v63  }
0x18a: {  	_ = 	snop  }
0x18b: {  	[spmem:s1] =	stream.indirect.scatter.add.f32 [tilespmem:s10], [sflag:$0x3], $0x80, s2, s9, $0xb8;
	[tilespmem:$0x1E000] =	vst v63  }
0x18c: {  	_ =	swait.ge [sflag:s13], $0x4000  }
0x18d: {  	[sflag:s13] =	ssyncset.done $0x0  }
0x18e: {  	[sflag:s13] =	ssyncadd.s32 $0xFFFFC000  }
0x18f: {  	_ =	swait.ge [sflag:s14], $0x4000  }
0x190: {  	[sflag:s14] =	ssyncset.done $0x0  }
0x191: {  	s18 =	simm.s32 $0x500;
	[sflag:s14] =	ssyncadd.s32 $0xFFFFC000  }
0x192: {  	[tilespmem:s10], [sflag:$0x1] =	stream.indirect.gather [hbm4b:s4+s9], $0x80, s18, s9, $0xb8;
	[tilespmem:$0x1E000] =	vst v63  }
0x193: {  	s16 =	simm.s32 $0xC80  }
0x194: {  	[spmem:s1] =	stream.indirect.scatter.add.f32 [tilespmem:s6], [sflag:$0x4], $0x80, s16, s9, $0xb8;
	[tilespmem:$0x1E000] =	vst v63  }
0x195: {  	_ =	swait.ge [sflag:s11], $0x4000  }
0x196: {  	[sflag:s11] =	ssyncset.done $0x0  }
0x197: {  	[sflag:s11] =	ssyncadd.s32 $0xFFFFC000  }
0x198: {  	_ =	swait.ge [sflag:s17], $0x4000  }
0x199: {  	[sflag:s17] =	ssyncset.done $0x0  }
0x19a: {  	s18 =	simm.s32 $0x580;
	[sflag:s17] =	ssyncadd.s32 $0xFFFFC000  }
0x19b: {  	[tilespmem:s6], [sflag:$0x2] =	stream.indirect.gather [hbm4b:s4+s9], $0x80, s18, s9, $0xb8;
	[tilespmem:$0x1E000] =	vst v63  }
0x19c: {  	_ = 	snop  }
0x19d: {  	[spmem:s1] =	stream.indirect.scatter.add.f32 [tilespmem:s10], [sflag:$0x3], $0x80, s19, s9, $0xb8;
	[tilespmem:$0x1E000] =	vst v63  }
0x19e: {  	_ =	swait.ge [sflag:s13], $0x4000  }
0x19f: {  	[sflag:s13] =	ssyncset.done $0x0  }
0x1a0: {  	[sflag:s13] =	ssyncadd.s32 $0xFFFFC000  }
0x1a1: {  	_ =	swait.ge [sflag:s14], $0x4000  }
0x1a2: {  	[sflag:s14] =	ssyncset.done $0x0  }
0x1a3: {  	[sflag:s14] =	ssyncadd.s32 $0xFFFFC000  }
0x1a4: {  	[tilespmem:s10], [sflag:$0x1] =	stream.indirect.gather [hbm4b:s4+s9], $0x80, s20, s9, $0xb8;
	[tilespmem:$0x1E000] =	vst v63  }
0x1a5: {  	_ = 	snop  }
0x1a6: {  	[spmem:s1] =	stream.indirect.scatter.add.f32 [tilespmem:s6], [sflag:$0x4], $0x80, s21, s9, $0xb8;
	[tilespmem:$0x1E000] =	vst v63  }
0x1a7: {  	_ =	swait.ge [sflag:s11], $0x4000  }
0x1a8: {  	[sflag:s11] =	ssyncset.done $0x0  }
0x1a9: {  	[sflag:s11] =	ssyncadd.s32 $0xFFFFC000  }
0x1aa: {  	_ =	swait.ge [sflag:s17], $0x4000  }
0x1ab: {  	[sflag:s17] =	ssyncset.done $0x0  }
0x1ac: {  	[sflag:s17] =	ssyncadd.s32 $0xFFFFC000  }
0x1ad: {  	[tilespmem:s6], [sflag:$0x2] =	stream.indirect.gather [hbm4b:s4+s9], $0x80, s22, s9, $0xb8;
	[tilespmem:$0x1E000] =	vst v63  }
0x1ae: {  	_ = 	snop  }
0x1af: {  	[spmem:s1] =	stream.indirect.scatter.add.f32 [tilespmem:s10], [sflag:$0x3], $0x80, s23, s9, $0xb8;
	[tilespmem:$0x1E000] =	vst v63  }
0x1b0: {  	_ =	swait.ge [sflag:s13], $0x4000  }
0x1b1: {  	[sflag:s13] =	ssyncset.done $0x0  }
0x1b2: {  	[sflag:s13] =	ssyncadd.s32 $0xFFFFC000  }
0x1b3: {  	_ =	swait.ge [sflag:s14], $0x4000  }
0x1b4: {  	[sflag:s14] =	ssyncset.done $0x0  }
0x1b5: {  	[sflag:s14] =	ssyncadd.s32 $0xFFFFC000  }
0x1b6: {  	[tilespmem:s10], [sflag:$0x1] =	stream.indirect.gather [hbm4b:s4+s9], $0x80, s24, s9, $0xb8;
	[tilespmem:$0x1E000] =	vst v63  }
0x1b7: {  	_ = 	snop  }
0x1b8: {  	[spmem:s1] =	stream.indirect.scatter.add.f32 [tilespmem:s6], [sflag:$0x4], $0x80, s25, s9, $0xb8;
	[tilespmem:$0x1E000] =	vst v63  }
0x1b9: {  	_ =	swait.ge [sflag:s11], $0x4000  }
0x1ba: {  	[sflag:s11] =	ssyncset.done $0x0  }
0x1bb: {  	[sflag:s11] =	ssyncadd.s32 $0xFFFFC000  }
0x1bc: {  	_ =	swait.ge [sflag:s17], $0x4000  }
0x1bd: {  	[sflag:s17] =	ssyncset.done $0x0  }
0x1be: {  	[sflag:s17] =	ssyncadd.s32 $0xFFFFC000  }
0x1bf: {  	[tilespmem:s6], [sflag:$0x2] =	stream.indirect.gather [hbm4b:s4+s9], $0x80, s26, s9, $0xb8;
	[tilespmem:$0x1E000] =	vst v63  }
0x1c0: {  	_ = 	snop  }
0x1c1: {  	[spmem:s1] =	stream.indirect.scatter.add.f32 [tilespmem:s10], [sflag:$0x3], $0x80, s28, s9, $0xb8;
	[tilespmem:$0x1E000] =	vst v63  }
0x1c2: {  	_ =	swait.ge [sflag:s13], $0x4000  }
.Ltmp4:
0x1c3: {  	[sflag:s13] =	ssyncset.done $0x0;
	(pc) =	sbr.rel @p1 .LBB2_8-.Ltmp4, $4  }
0x1c4: {  	[sflag:s13] =	ssyncadd.s32 $0xFFFFC000  }
0x1c5: {  	_ =	swait.ge [sflag:s14], $0x4000  }
0x1c6: {  	[sflag:s14] =	ssyncset.done $0x0  }
0x1c7: {  	[sflag:s14] =	ssyncadd.s32 $0xFFFFC000  }
0x1c8: {  	_ =	swait.ge [sflag:s29], $0x400  }
0x1c9: {  	[sflag:s29] =	ssyncset.done $0x0  }
0x1ca: {  	[sflag:s29] =	ssyncadd.s32 $0xFFFFFC00  }
0x1cb: {  	_ =	swait.ge [sflag:s29], $0x400  }
.Ltmp5:
0x1cc: {  	[sflag:s29] =	ssyncset.done $0x0;
	(pc) =	sbr.rel .LBB2_5-.Ltmp5, $4  }
0x1cd: {  	[sflag:s29] =	ssyncadd.s32 $0xFFFFFC00  }
0x1ce: {  	[tilespmem:s10], [sflag:$0x1] =	stream.indirect.gather [hbm4b:s4+s9], $0x80, s3, s9, $0xb8;
	[tilespmem:$0x1E000] =	vst v63  }
0x1cf: {  	s30 =	sadd.s32 $0x100, s30  }
0x1d0: {  	[spmem:s1] =	stream.indirect.scatter.add.f32 [tilespmem:s6], [sflag:$0x4], $0x80, s5, s9, $0xb8;
	[tilespmem:$0x1E000] =	vst v63  }
.LBB2_9:
0x1d1: {  	_ =	sfence.sel $0x180000  }
0x1d2: {  	[bflag:$0x0] =	sbarrier.arrive $0xFFFF  }
0x1d3: {  	_ =	strace $0x9000004A  }
0x1d4: {  	s0 =	stileid.u32;
	[bflag:$0x2] =	sbarrier.arrive $0xFFFF  }
0x1d5: {  	p0 =	sne.s32 s0, $0x0;
	s0 =	rddreg [dreg:$0x2]  }
0x1d6: {  	s0 =	sadd.s32 @!p0 $0x100000, s0  }
0x1d7: {  	[sflag:s0] =	ssyncadd.tile.s32 @!p0 $0x1;
	_ =	shalt  }
.Lfunc_end2:
_tile_overlayer_lowered:
.L_overlay_start_2:
0x1d8: {  	(tag) =	ssettag $0x2  }
0x1d9: {  	s0 =	rddreg [dreg:$0x0];
	s2 =	stileid.u32  }
0x1da: {  	s1 =	rddreg [dreg:$0x1];
	p0 =	sne.s32 s2, $0x0  }
0x1db: {  	s3 =	rddreg [dreg:$0x2];
	[bflag:$0x3] =	sbarrier.arrive $0xFFFF;
	s2 =	simm.s32 @!p0 $0x1C06  }
0x1dc: {  	[timem:s3], [sflag:s2] =	dma.local @!p0 [hbm:s0], s1  }
0x1dd: {  	s0 =	simm.s32 @!p0 $0x6  }
0x1de: {  	_ =	swait.ge @!p0 [sflag:s0], s1  }
0x1df: {  	s1 =	ssub.s32 @!p0 $0x0, s1;
	[sflag:s0] =	ssyncset.done @!p0 $0x0  }
0x1e0: {  	[sflag:s0] =	ssyncadd.s32 @!p0 s1  }
0x1e1: {  	[bflag:$0x3] =	sbarrier.arrive $0xFFFF  }
0x1e2: {  	_ =	shalt  }

// kernel: kernel.15.cloned.1.call-start
scs
__scs_entry_jumppad:
0x0: {  	(pc) =	sbr.rel $0x88, $3  }
0x1: {  	(tag) =	ssettag $0x0;
	lr =	simm.s32 $0x1  }
0x2: {  	[smem:$0x3F96] =	sst lr;
	_ =	strace $0xD0000000  }
0x3: {  	_ = 	snop  }
0x4: {  	_ = 	snop  }
0x5: {  	_ = 	snop  }
0x6: {  	_ = 	snop  }
0x7: {  	_ = 	snop  }
__scs_overlays_trampoline_lowered:
0x8: {  	[smem:$0x3FA5] =	sst s0  }
0x9: {  	[smem:$0x3FA6] =	sst s1  }
0xa: {  	[smem:$0x3FA7] =	sst s2  }
0xb: {  	[smem:$0x3FA8] =	sst s3  }
0xc: {  	[smem:$0x3FA9] =	sst s4  }
0xd: {  	[smem:$0x3FAA] =	sst s5  }
0xe: {  	[smem:$0x3FAB] =	sst s6  }
0xf: {  	[smem:$0x3FAC] =	sst s7  }
0x10: {  	[smem:$0x3FAD] =	sst s8  }
0x11: {  	[smem:$0x3FAE] =	sst s9;
	s0 =	simm.s32 @!p0 $0x0  }
0x12: {  	s1 =	sld [smem:$0x3F94];
	s0 =	simm.s32 @p0 $0x1  }
0x13: {  	[smem:$0x3FAF] =	sst s0;
	s0 =	simm.s32 @!p1 $0x0  }
0x14: {  	s2 =	sld [smem:$0x3F93];
	s0 =	simm.s32 @p1 $0x1  }
0x15: {  	[smem:$0x3FB0] =	sst s0;
	s0 =	simm.s32 @!p2 $0x0  }
0x16: {  	s3 =	sld [smem:$0x3FDB];
	s0 =	simm.s32 @p2 $0x1  }
0x17: {  	s4 =	simm.s32 $0x1BF5;
	[smem:$0x3FB2] =	sst s0  }
0x18: {  	s0 =	sld [smem:$0x3F95];
	_ =	swait.ge [sflag:s4], $0x0  }
0x19: {  	s7 =	sld [smem:$0x3F96]  }
0x1a: {  	s8 =	sadd.s32 $0xFFFFE003, lr  }
0x1b: {  	s9 =	sadd.s32 $0xFFFFFEF7, lr;
	s5 =	simm.s32 $0xFFFFFFFF;
	p2 =	slt.u32 s8, $0xFFFFF086  }
0x1c: {  	p1 =	slt.u32 s9, $0xF7A;
	s5 =	simm.s32 @!p2 $0x0  }
0x1d: {  	s5 =	simm.s32 @p1 $0x1;
	p0 =	seq.s32 s7, s2  }
0x1e: {  	s7 =	smul.u32 @!p0 $0xF7A, s2;
	p2 =	seq.s32 @!p0 s5, $0x0  }
0x1f: {  	s9 =	smul.u32 $0xF7A, s1;
	s8 =	simm.s32 @!p0 $0x1BF5;
	p2 =	por !p2, p0  }
0x20: {  	[sflag:s8] =	ssyncset.s32 @!p0 $0xFFFFF086;
	s6 =	sadd.s32 @!p0 s3, s7;
	s7 =	simm.s32 @!p0 $0x108  }
0x21: {  	s3 =	sadd.s32 s3, s9;
	s6 =	sadd.s32 @!p0 $0x88, s6;
	s7 =	simm.s32 @p2 $0x1082  }
0x22: {  	[simem:s7], [sflag:s8] =	dma.local @!p0 [hbm:s6], $0xF7A  }
0x23: {  	s9 =	sor.u32 $0xD0000000, s2;
	s6 =	simm.s32 $0x108;
	_ =	swait.ge @!p0 [sflag:s8], $0x0  }
0x24: {  	s3 =	sadd.s32 $0x88, s3;
	s6 =	simm.s32 @!p1 $0x1082;
	[sflag:s4] =	ssyncset.s32 $0xFFFFF086  }
0x25: {  	[simem:s6], [sflag:s4] =	dma.local [hbm:s3], $0xF7A  }
0x26: {  	[smem:$0x3F96] =	sst s1;
	(tag) =	ssettag s2;
	_ =	strace s9  }
0x27: {  	s1 =	sld [smem:$0x3FA6]  }
0x28: {  	s2 =	sld [smem:$0x3FA7]  }
0x29: {  	s4 =	sld [smem:$0x3FA9]  }
0x2a: {  	p0 =	seq.s32 s5, $0x0;
	s5 =	sld [smem:$0x3FAA]  }
0x2b: {  	s6 =	sld [smem:$0x3FAB]  }
0x2c: {  	s7 =	sld [smem:$0x3FAC]  }
0x2d: {  	s3 =	simm.s32 $0x108;
	s8 =	sld [smem:$0x3FAD]  }
0x2e: {  	s3 =	simm.s32 @!p0 $0x1082;
	s9 =	sld [smem:$0x3FAE]  }
0x2f: {  	lr =	sadd.s32 s0, s3;
	s0 =	sld [smem:$0x3FA5]  }
0x30: {  	s3 =	sld [smem:$0x3FA8]  }
0x31: {  	[smem:$0x3FB1] =	sst s10  }
0x32: {  	s10 =	sld [smem:$0x3FAF];
	_ =	sdelay $0x3  }
0x33: {  	p0 =	seq.s32 s10, $0x1;
	s10 =	sld [smem:$0x3FB1];
	_ =	sdelay $0x3  }
0x34: {  	[smem:$0x3FB1] =	sst s10  }
0x35: {  	s10 =	sld [smem:$0x3FB0];
	_ =	sdelay $0x3  }
0x36: {  	p1 =	seq.s32 s10, $0x1;
	s10 =	sld [smem:$0x3FB1];
	_ =	sdelay $0x3  }
0x37: {  	[smem:$0x3FB1] =	sst s10  }
0x38: {  	s10 =	sld [smem:$0x3FB2]  }
0x39: {  	_ = 	snop;
	(pc) =	sbr.ind lr, $3  }
0x3a: {  	_ = 	snop  }
0x3b: {  	_ = 	snop  }
0x3c: {  	p2 =	seq.s32 s10, $0x1;
	s10 =	sld [smem:$0x3FB1]  }
0x3d: {  	_ =	shalt  }
0x3e: {  	_ =	shalt  }
0x3f: {  	_ =	shalt  }
0x40: {  	_ =	shalt  }
0x41: {  	_ =	shalt  }
0x42: {  	_ =	shalt  }
0x43: {  	_ =	shalt  }
0x44: {  	_ =	shalt  }
0x45: {  	_ =	shalt  }
0x46: {  	_ =	shalt  }
0x47: {  	_ =	shalt  }
0x48: {  	_ =	shalt  }
0x49: {  	_ =	shalt  }
0x4a: {  	_ =	shalt  }
0x4b: {  	_ =	shalt  }
0x4c: {  	_ =	shalt  }
0x4d: {  	_ =	shalt  }
0x4e: {  	_ =	shalt  }
0x4f: {  	_ =	shalt  }
0x50: {  	_ =	shalt  }
0x51: {  	_ =	shalt  }
0x52: {  	_ =	shalt  }
0x53: {  	_ =	shalt  }
0x54: {  	_ =	shalt  }
0x55: {  	_ =	shalt  }
0x56: {  	_ =	shalt  }
0x57: {  	_ =	shalt  }
0x58: {  	_ =	shalt  }
0x59: {  	_ =	shalt  }
0x5a: {  	_ =	shalt  }
0x5b: {  	_ =	shalt  }
0x5c: {  	_ =	shalt  }
0x5d: {  	_ =	shalt  }
0x5e: {  	_ =	shalt  }
0x5f: {  	_ =	shalt  }
0x60: {  	_ =	shalt  }
0x61: {  	_ =	shalt  }
0x62: {  	_ =	shalt  }
0x63: {  	_ =	shalt  }
0x64: {  	_ =	shalt  }
0x65: {  	_ =	shalt  }
0x66: {  	_ =	shalt  }
0x67: {  	_ =	shalt  }
0x68: {  	_ =	shalt  }
0x69: {  	_ =	shalt  }
0x6a: {  	_ =	shalt  }
0x6b: {  	_ =	shalt  }
0x6c: {  	_ =	shalt  }
0x6d: {  	_ =	shalt  }
0x6e: {  	_ =	shalt  }
0x6f: {  	_ =	shalt  }
0x70: {  	_ =	shalt  }
0x71: {  	_ =	shalt  }
0x72: {  	_ =	shalt  }
0x73: {  	_ =	shalt  }
0x74: {  	_ =	shalt  }
0x75: {  	_ =	shalt  }
0x76: {  	_ =	shalt  }
0x77: {  	_ =	shalt  }
0x78: {  	_ =	shalt  }
0x79: {  	_ =	shalt  }
0x7a: {  	_ =	shalt  }
0x7b: {  	_ =	shalt  }
0x7c: {  	_ =	shalt  }
0x7d: {  	_ =	shalt  }
0x7e: {  	_ =	shalt  }
0x7f: {  	_ =	shalt  }
0x80: {  	_ =	shalt  }
0x81: {  	_ =	shalt  }
0x82: {  	_ =	shalt  }
0x83: {  	_ =	shalt  }
0x84: {  	_ =	shalt  }
0x85: {  	_ =	shalt  }
0x86: {  	_ =	shalt  }
0x87: {  	_ =	shalt  }
.Lfunc_end0:
.L_simem_size_0:
called_computation.2_lowered:
.L_overlay_start_0:
0x88: {  	s2 =	sld [smem:$0x3FD9]  }
0x89: {  	s3 =	sld [smem:$0x3FFE];
	_ =	sdelay $0x1  }
0x8a: {  	s1 =	srdreg.scid  }
0x8b: {  	s0 =	sand.u32 $0x1, s1  }
0x8c: {  	s16 =	sshll.u32 s0, $0xA;
	s2 =	sadd.s32 s3, s2  }
0x8d: {  	s2 =	sadd.s32 s2, s16  }
0x8e: {  	[smem:$0x3FBD] =	sst s2  }
0x8f: {  	_ = 	snop  }
0x90: {  	(tm) =	ssettm $0x1  }
0x91: {  	s17 =	sld [smem:$0x3FFB];
	_ =	sdelay $0x3  }
0x92: {  	_ =	strace s17  }
0x93: {  	s2 =	sld [smem:$0x3FFC];
	_ =	sdelay $0x3  }
0x94: {  	_ =	strace s2  }
0x95: {  	s2 =	sld [smem:$0x3FFD];
	_ =	sdelay $0x3  }
0x96: {  	_ =	strace s2  }
0x97: {  	_ =	strace $0x8FFFFFFF  }
0x98: {  	s18 =	sld [smem:$0x3FDB];
	_ =	sdelay $0x1  }
0x99: {  	s19 =	simm.s32 $_scs_section_size  }
0x9a: {  	s4 =	simm.s32 $_size__tile_overlayer_lowered;
	s5 =	simm.s32 $_tile_overlayer_lowered  }
0x9b: {  	s22 =	simm.s32 $0x1BFF;
	s21 =	sshll.u32 s5, $0x1;
	s2 =	sadd.s32 s19, s18  }
0x9c: {  	s6 =	simm.s32 $0x0;
	s20 =	sshll.u32 s4, $0x1;
	s4 =	sadd.s32 s21, s2  }
0x9d: {  	[timem:s6], [sflag:s22] =	dma.local [hbm:s4], s20  }
0x9e: {  	_ =	swait.ge [sflag:s22], s20  }
0x9f: {  	s3 =	ssub.s32 $0x0, s20;
	[sflag:s22] =	ssyncset.done $0x0  }
0xa0: {  	[sflag:s22] =	ssyncadd.s32 s3;
	_ =	sdelay $0x1  }
0xa1: {  	s23 =	simm.s32 $0x1B8B  }
0xa2: {  	_ =	swait.ge [sflag:s23], $0x1  }
0xa3: {  	[sflag:s23] =	ssyncset.done $0x0  }
0xa4: {  	s25 =	simm.s32 $0x1B8E;
	s24 =	sld [smem:$0x3FFE];
	[sflag:s23] =	ssyncadd.s32 $0xFFFFFFFF  }
0xa5: {  	s26 =	simm.s32 $execute0_lowered;
	[smem:$0x3FD2] =	sst s25  }
0xa6: {  	s4 =	sshll.u32 s26, $0x1;
	_ =	strace $0x8000004C;
	[dreg:$0x1] =	wrdreg $0xFFFFFFFF  }
0xa7: {  	s28 =	simm.s32 $_size_execute0_lowered;
	s2 =	sadd.s32 s2, s4;
	[dreg:$0x0] =	wrdreg $0x0  }
0xa8: {  	s4 =	sshll.u32 s28, $0x1;
	[dreg:$0x2] =	wrdreg s2  }
0xa9: {  	[dreg:$0x3] =	wrdreg s4  }
0xaa: {  	[dreg:$0x4] =	wrdreg $0xC0  }
0xab: {  	_ =	task [dreg:s6], $0x5FFFF  }
0xac: {  	[dreg:$0x1] =	wrdreg $0xFFFFFFFF  }
0xad: {  	[dreg:$0x0] =	wrdreg $0x60  }
0xae: {  	[dreg:$0x2] =	wrdreg s24  }
0xaf: {  	[dreg:$0x3] =	wrdreg $0xA4000  }
0xb0: {  	[dreg:$0x4] =	wrdreg $0x9  }
0xb1: {  	_ =	task.clear_ibuf [dreg:s6], $0x5FFFF;
	_ =	strace $0x9000004C  }
0xb2: {  	s29 =	simm.s32 $0x9;
	_ =	strace $0x8000004E  }
0xb3: {  	_ =	swait.ge [sflag:s29], $0x1  }
0xb4: {  	[sflag:s29] =	ssyncadd.s32 $0xFFFFFFFF  }
0xb5: {  	_ =	strace $0x9000004E  }
0xb6: {  	_ =	sfence  }
0xb7: {  	s30 =	sld [smem:$0x0];
	_ =	sdelay $0x2  }
0xb8: {  	s31 =	sshll.u32 s1, $0xD;
	s1 =	sshrl.u32 s1, $0x2  }
0xb9: {  	s3 =	sand.u32 $0x4000, s31;
	s1 =	sadd.s32 s1, s30  }
0xba: {  	s0 =	sor.u32 s3, s0;
	s1 =	sshll.u32 s1, $0x11  }
0xbb: {  	s0 =	sor.u32 s1, s0  }
0xbc: {  	s0 =	sadd.s32 $0x8F2B, s0  }
0xbd: {  	[sflag:s0] =	ssyncadd.remote.s32 $0x1  }
0xbe: {  	_ =	sfence.sel $0xFFFF  }
0xbf: {  	[dreg:$0x0] =	wrdreg $0xFFFFFFFF;
	(pc) =	sbr.abs _section_cstart, $3  }
0xc0: {  	[dreg:$0x1] =	wrdreg $0xFFFFFFFF  }
0xc1: {  	_ =	task.clear_ibuf [dreg:s6], $0x2FFFF;
	_ =	strace $0x9FFFFFFF  }
0xc2: {  	(tm) =	ssettm $0x7FFFFFFF  }
0xc3: {  	_ =	shalt  }
tec
execute0_lowered:
.L_overlay_start_1:
0x0: {  	(tag) =	ssettag $0x1  }
0x1: {  	s0 =	rddreg [dreg:$0x0]  }
0x2: {  	s1 =	rddreg [dreg:$0x1]  }
0x3: {  	s2 =	srdreg.scid;
	s3 =	simm.s32 $0x0;
	s8 =	stileid.u32  }
0x4: {  	s2 =	sand.u32 $0x1, s2;
	[smem:$0x7FF] =	sst s3;
	s6 =	smul.u32 $0x13C00, s8  }
0x5: {  	s4 =	sadd.s32 $0x18000, s0;
	s21 =	smul.u32 $0x4F000, s8;
	s9 =	sadd.s32 $0xE000, s0  }
0x6: {  	s10 =	sadd.s32 $0x4000, s0;
	s23 =	smul.u32 $0x900, s8;
	s11 =	sshll.u32 s8, $0x8  }
0x7: {  	s5 =	smul.u32 $0x13C000, s2;
	_ =	strace $0x8000004D;
	s22 =	ssub.s32 $0x2, s2  }
0x8: {  	p0 =	seq.s32 s2, $0x1;
	s25 =	sor.u32 $0x9000, s11;
	s30 =	sor.u32 $0x9080, s11  }
0x9: {  	s7 =	sshrl.u32 s22, $0x1;
	s26 =	sadd.s32 s9, s25;
	s2 =	sadd.s32 s10, s25  }
0xa: {  	s11 =	sadd.s32 s10, s30;
	s5 =	sadd.s32 s6, s5;
	[dreg:$0x5] =	wrdreg s26  }
0xb: {  	s6 =	sshrl.u32 s21, $0x2;
	[dreg:$0x6] =	wrdreg s2;
	s5 =	sshrl.u32 s5, $0x3  }
0xc: {  	[dreg:$0x8] =	wrdreg s11;
	s18 =	sadd.s32 s6, s1;
	s0 =	sadd.s32 s5, s0  }
0xd: {  	s5 =	ssub.s32 s22, s7;
	s24 =	sadd.s32 $0x12C00, s18;
	[dreg:$0x3] =	wrdreg s18  }
0xe: {  	s7 =	sadd.s32 s9, s23;
	s9 =	sadd.s32 s9, s30;
	[dreg:$0x4] =	wrdreg s24  }
0xf: {  	s13 =	sadd.s32 $0x1400, s18;
	[dreg:$0x7] =	wrdreg s9  }
0x10: {  	s14 =	sadd.s32 $0x2800, s18;
	[dreg:$0xb] =	wrdreg s13  }
0x11: {  	s31 =	simm.s32 $0x6;
	s15 =	sadd.s32 $0x3C00, s18;
	[dreg:$0xc] =	wrdreg s14  }
0x12: {  	s29 =	simm.s32 $0x5;
	s16 =	sadd.s32 $0x5000, s18;
	[dreg:$0xd] =	wrdreg s15  }
0x13: {  	s28 =	simm.s32 $0xF00;
	s17 =	sadd.s32 $0x6400, s18;
	[dreg:$0xe] =	wrdreg s16  }
0x14: {  	s8 =	sadd.s32 s10, s23;
	s19 =	sadd.s32 $0x7800, s18;
	[dreg:$0xf] =	wrdreg s17  }
0x15: {  	s10 =	simm.s32 $0x1000;
	s20 =	sadd.s32 $0x8C00, s18;
	[dreg:$0x10] =	wrdreg s19  }
0x16: {  	s11 =	simm.s32 $0x1;
	s21 =	sadd.s32 $0xA000, s18;
	[dreg:$0x11] =	wrdreg s20  }
0x17: {  	s2 =	simm.s32 $0xC00;
	s22 =	sadd.s32 $0xB400, s18;
	[dreg:$0x12] =	wrdreg s21  }
0x18: {  	s6 =	simm.s32 $0x5000;
	s23 =	sadd.s32 $0xC800, s18;
	[dreg:$0x13] =	wrdreg s22  }
0x19: {  	s25 =	sadd.s32 $0xF000, s18;
	s26 =	sadd.s32 $0x10400, s18;
	[dreg:$0x14] =	wrdreg s23  }
0x1a: {  	s30 =	sadd.s32 $0x11800, s18;
	s0 =	sadd.s32 $0x3F200, s0;
	[dreg:$0x16] =	wrdreg s25  }
0x1b: {  	s12 =	smax.u32 s5, $0x1;
	s24 =	sadd.s32 $0xDC00, s18;
	[dreg:$0x17] =	wrdreg s26  }
0x1c: {  	[dreg:$0x18] =	wrdreg s30;
	s9 =	simm.s32 $0x80;
	s13 =	simm.s32 $0x2  }
0x1d: {  	s14 =	simm.s32 $0x3;
	s17 =	simm.s32 $0x4;
	s19 =	simm.s32 $0xD00  }
.Ltmp0:
0x1e: {  	s20 =	simm.s32 $0x600;
	s21 =	simm.s32 $0xD80;
	(pc) =	sbr.rel .LBB2_1-.Ltmp0, $4  }
0x1f: {  	s22 =	simm.s32 $0x680;
	s23 =	simm.s32 $0xE00;
	[dreg:$0x9] =	wrdreg s0  }
0x20: {  	s25 =	simm.s32 $0xE80;
	s26 =	simm.s32 $0x780;
	[dreg:$0xa] =	wrdreg s12  }
0x21: {  	s5 =	simm.s32 $0xF80;
	s16 =	simm.s32 $0x0;
	[dreg:$0x15] =	wrdreg s24  }
0x22: {  	v0 =	vimm.f32 $0.0e+00;
	s0 =	simm.s32 $0x800;
	s12 =	simm.s32 $0x400;
	s24 =	simm.s32 $0x700  }
.LBB2_7:
0x23: {  	s15 =	rddreg [dreg:$0x5]  }
0x24: {  	[tilespmem:s3], [sflag:$0x6] =	stream.linear.gather [hbm4b:s15+s3], $0x400, $0x38;
	[tilespmem:$0x1E000] =	vst v63  }
0x25: {  	_ =	swait.ge [sflag:s31], $0x400  }
0x26: {  	[sflag:s31] =	ssyncset.done $0x0  }
0x27: {  	s18 =	rddreg [dreg:$0x6];
	[sflag:s31] =	ssyncadd.s32 $0xFFFFFC00  }
0x28: {  	[tilespmem:s0], [sflag:$0x6] =	stream.linear.gather [hbm4b:s18+s3], $0x400, $0x38;
	[tilespmem:$0x1E000] =	vst v63  }
0x29: {  	_ =	swait.ge [sflag:s31], $0x400  }
0x2a: {  	[sflag:s31] =	ssyncset.done $0x0  }
0x2b: {  	[sflag:s31] =	ssyncadd.s32 $0xFFFFFC00  }
0x2c: {  	[tilespmem:s10], [sflag:$0x1] =	stream.indirect.gather [hbm4b:s4+s9], $0x80, s3, s9, $0xb8;
	[tilespmem:$0x1E000] =	vst v63  }
0x2d: {  	_ =	swait.ge [sflag:s11], $0x4000  }
0x2e: {  	[sflag:s11] =	ssyncset.done $0x0  }
0x2f: {  	s30 =	rddreg [dreg:$0x7];
	[sflag:s11] =	ssyncadd.s32 $0xFFFFC000  }
0x30: {  	[tilespmem:s12], [sflag:$0x5] =	stream.linear.gather [hbm4b:s30+s3], $0x400, $0x38;
	[tilespmem:$0x1E000] =	vst v63  }
0x31: {  	s16 =	rddreg [dreg:$0x8]  }
0x32: {  	[tilespmem:s2], [sflag:$0x5] =	stream.linear.gather [hbm4b:s16+s3], $0x400, $0x38;
	[tilespmem:$0x1E000] =	vst v63  }
0x33: {  	_ = 	snop  }
0x34: {  	[tilespmem:s6], [sflag:$0x2] =	stream.indirect.gather [hbm4b:s4+s9], $0x80, s9, s9, $0xb8;
	[tilespmem:$0x1E000] =	vst v63  }
0x35: {  	_ = 	snop  }
0x36: {  	[spmem:s1] =	stream.indirect.scatter.add.f32 [tilespmem:s10], [sflag:$0x3], $0x80, s0, s9, $0xb8;
	[tilespmem:$0x1E000] =	vst v63  }
0x37: {  	_ =	swait.ge [sflag:s13], $0x4000  }
0x38: {  	[sflag:s13] =	ssyncset.done $0x0  }
0x39: {  	[sflag:s13] =	ssyncadd.s32 $0xFFFFC000  }
0x3a: {  	_ =	swait.ge [sflag:s14], $0x4000  }
0x3b: {  	[sflag:s14] =	ssyncset.done $0x0  }
0x3c: {  	s18 =	simm.s32 $0x100;
	[sflag:s14] =	ssyncadd.s32 $0xFFFFC000  }
0x3d: {  	[tilespmem:s10], [sflag:$0x1] =	stream.indirect.gather [hbm4b:s4+s9], $0x80, s18, s9, $0xb8;
	[tilespmem:$0x1E000] =	vst v63  }
0x3e: {  	s30 =	simm.s32 $0x880  }
0x3f: {  	[spmem:s1] =	stream.indirect.scatter.add.f32 [tilespmem:s6], [sflag:$0x4], $0x80, s30, s9, $0xb8;
	[tilespmem:$0x1E000] =	vst v63  }
0x40: {  	_ =	swait.ge [sflag:s11], $0x4000  }
0x41: {  	[sflag:s11] =	ssyncset.done $0x0  }
0x42: {  	[sflag:s11] =	ssyncadd.s32 $0xFFFFC000  }
0x43: {  	_ =	swait.ge [sflag:s17], $0x4000  }
0x44: {  	[sflag:s17] =	ssyncset.done $0x0  }
0x45: {  	s16 =	simm.s32 $0x180;
	[sflag:s17] =	ssyncadd.s32 $0xFFFFC000  }
0x46: {  	[tilespmem:s6], [sflag:$0x2] =	stream.indirect.gather [hbm4b:s4+s9], $0x80, s16, s9, $0xb8;
	[tilespmem:$0x1E000] =	vst v63  }
0x47: {  	s18 =	simm.s32 $0x900  }
0x48: {  	[spmem:s1] =	stream.indirect.scatter.add.f32 [tilespmem:s10], [sflag:$0x3], $0x80, s18, s9, $0xb8;
	[tilespmem:$0x1E000] =	vst v63  }
0x49: {  	_ =	swait.ge [sflag:s13], $0x4000  }
0x4a: {  	[sflag:s13] =	ssyncset.done $0x0  }
0x4b: {  	[sflag:s13] =	ssyncadd.s32 $0xFFFFC000  }
0x4c: {  	_ =	swait.ge [sflag:s14], $0x4000  }
0x4d: {  	[sflag:s14] =	ssyncset.done $0x0  }
0x4e: {  	s30 =	simm.s32 $0x200;
	[sflag:s14] =	ssyncadd.s32 $0xFFFFC000  }
0x4f: {  	[tilespmem:s10], [sflag:$0x1] =	stream.indirect.gather [hbm4b:s4+s9], $0x80, s30, s9, $0xb8;
	[tilespmem:$0x1E000] =	vst v63  }
0x50: {  	s16 =	simm.s32 $0x980  }
0x51: {  	[spmem:s1] =	stream.indirect.scatter.add.f32 [tilespmem:s6], [sflag:$0x4], $0x80, s16, s9, $0xb8;
	[tilespmem:$0x1E000] =	vst v63  }
0x52: {  	_ =	swait.ge [sflag:s11], $0x4000  }
0x53: {  	[sflag:s11] =	ssyncset.done $0x0  }
0x54: {  	[sflag:s11] =	ssyncadd.s32 $0xFFFFC000  }
0x55: {  	_ =	swait.ge [sflag:s17], $0x4000  }
0x56: {  	[sflag:s17] =	ssyncset.done $0x0  }
0x57: {  	s18 =	simm.s32 $0x280;
	[sflag:s17] =	ssyncadd.s32 $0xFFFFC000  }
0x58: {  	[tilespmem:s6], [sflag:$0x2] =	stream.indirect.gather [hbm4b:s4+s9], $0x80, s18, s9, $0xb8;
	[tilespmem:$0x1E000] =	vst v63  }
0x59: {  	s30 =	simm.s32 $0xA00  }
0x5a: {  	[spmem:s1] =	stream.indirect.scatter.add.f32 [tilespmem:s10], [sflag:$0x3], $0x80, s30, s9, $0xb8;
	[tilespmem:$0x1E000] =	vst v63  }
0x5b: {  	_ =	swait.ge [sflag:s13], $0x4000  }
0x5c: {  	[sflag:s13] =	ssyncset.done $0x0  }
0x5d: {  	[sflag:s13] =	ssyncadd.s32 $0xFFFFC000  }
0x5e: {  	_ =	swait.ge [sflag:s14], $0x4000  }
0x5f: {  	[sflag:s14] =	ssyncset.done $0x0  }
0x60: {  	s16 =	simm.s32 $0x300;
	[sflag:s14] =	ssyncadd.s32 $0xFFFFC000  }
0x61: {  	[tilespmem:s10], [sflag:$0x1] =	stream.indirect.gather [hbm4b:s4+s9], $0x80, s16, s9, $0xb8;
	[tilespmem:$0x1E000] =	vst v63  }
0x62: {  	s18 =	simm.s32 $0xA80  }
0x63: {  	[spmem:s1] =	stream.indirect.scatter.add.f32 [tilespmem:s6], [sflag:$0x4], $0x80, s18, s9, $0xb8;
	[tilespmem:$0x1E000] =	vst v63  }
0x64: {  	_ =	swait.ge [sflag:s11], $0x4000  }
0x65: {  	[sflag:s11] =	ssyncset.done $0x0  }
0x66: {  	[sflag:s11] =	ssyncadd.s32 $0xFFFFC000  }
0x67: {  	_ =	swait.ge [sflag:s17], $0x4000  }
0x68: {  	[sflag:s17] =	ssyncset.done $0x0  }
0x69: {  	s30 =	simm.s32 $0x380;
	[sflag:s17] =	ssyncadd.s32 $0xFFFFC000  }
0x6a: {  	[tilespmem:s6], [sflag:$0x2] =	stream.indirect.gather [hbm4b:s4+s9], $0x80, s30, s9, $0xb8;
	[tilespmem:$0x1E000] =	vst v63  }
0x6b: {  	s16 =	simm.s32 $0xB00  }
0x6c: {  	[spmem:s1] =	stream.indirect.scatter.add.f32 [tilespmem:s10], [sflag:$0x3], $0x80, s16, s9, $0xb8;
	[tilespmem:$0x1E000] =	vst v63  }
0x6d: {  	_ =	swait.ge [sflag:s13], $0x4000  }
0x6e: {  	[sflag:s13] =	ssyncset.done $0x0  }
0x6f: {  	[sflag:s13] =	ssyncadd.s32 $0xFFFFC000  }
0x70: {  	_ =	swait.ge [sflag:s14], $0x4000  }
0x71: {  	[sflag:s14] =	ssyncset.done $0x0  }
0x72: {  	[sflag:s14] =	ssyncadd.s32 $0xFFFFC000  }
0x73: {  	_ =	swait.ge [sflag:s29], $0x400  }
0x74: {  	[sflag:s29] =	ssyncset.done $0x0  }
0x75: {  	[sflag:s29] =	ssyncadd.s32 $0xFFFFFC00  }
0x76: {  	_ =	swait.ge [sflag:s29], $0x400  }
0x77: {  	[sflag:s29] =	ssyncset.done $0x0  }
0x78: {  	[sflag:s29] =	ssyncadd.s32 $0xFFFFFC00  }
0x79: {  	[tilespmem:s10], [sflag:$0x1] =	stream.indirect.gather [hbm4b:s4+s9], $0x80, s12, s9, $0xb8;
	[tilespmem:$0x1E000] =	vst v63  }
0x7a: {  	s18 =	simm.s32 $0xB80  }
0x7b: {  	[spmem:s1] =	stream.indirect.scatter.add.f32 [tilespmem:s6], [sflag:$0x4], $0x80, s18, s9, $0xb8;
	[tilespmem:$0x1E000] =	vst v63  }
0x7c: {  	_ =	swait.ge [sflag:s11], $0x4000  }
0x7d: {  	[sflag:s11] =	ssyncset.done $0x0  }
0x7e: {  	[sflag:s11] =	ssyncadd.s32 $0xFFFFC000  }
0x7f: {  	_ =	swait.ge [sflag:s17], $0x4000  }
0x80: {  	[sflag:s17] =	ssyncset.done $0x0  }
0x81: {  	s30 =	simm.s32 $0x480;
	[sflag:s17] =	ssyncadd.s32 $0xFFFFC000  }
0x82: {  	[tilespmem:s6], [sflag:$0x2] =	stream.indirect.gather [hbm4b:s4+s9], $0x80, s30, s9, $0xb8;
	[tilespmem:$0x1E000] =	vst v63  }
0x83: {  	_ = 	snop  }
0x84: {  	[spmem:s1] =	stream.indirect.scatter.add.f32 [tilespmem:s10], [sflag:$0x3], $0x80, s2, s9, $0xb8;
	[tilespmem:$0x1E000] =	vst v63  }
0x85: {  	_ =	swait.ge [sflag:s13], $0x4000  }
0x86: {  	[sflag:s13] =	ssyncset.done $0x0  }
0x87: {  	[sflag:s13] =	ssyncadd.s32 $0xFFFFC000  }
0x88: {  	_ =	swait.ge [sflag:s14], $0x4000  }
0x89: {  	[sflag:s14] =	ssyncset.done $0x0  }
0x8a: {  	s16 =	simm.s32 $0x500;
	[sflag:s14] =	ssyncadd.s32 $0xFFFFC000  }
0x8b: {  	[tilespmem:s10], [sflag:$0x1] =	stream.indirect.gather [hbm4b:s4+s9], $0x80, s16, s9, $0xb8;
	[tilespmem:$0x1E000] =	vst v63  }
0x8c: {  	s18 =	simm.s32 $0xC80  }
0x8d: {  	[spmem:s1] =	stream.indirect.scatter.add.f32 [tilespmem:s6], [sflag:$0x4], $0x80, s18, s9, $0xb8;
	[tilespmem:$0x1E000] =	vst v63  }
0x8e: {  	_ =	swait.ge [sflag:s11], $0x4000  }
0x8f: {  	[sflag:s11] =	ssyncset.done $0x0  }
0x90: {  	[sflag:s11] =	ssyncadd.s32 $0xFFFFC000  }
0x91: {  	_ =	swait.ge [sflag:s17], $0x4000  }
0x92: {  	[sflag:s17] =	ssyncset.done $0x0  }
0x93: {  	s30 =	simm.s32 $0x580;
	[sflag:s17] =	ssyncadd.s32 $0xFFFFC000  }
0x94: {  	[tilespmem:s6], [sflag:$0x2] =	stream.indirect.gather [hbm4b:s4+s9], $0x80, s30, s9, $0xb8;
	[tilespmem:$0x1E000] =	vst v63  }
0x95: {  	_ = 	snop  }
0x96: {  	[spmem:s1] =	stream.indirect.scatter.add.f32 [tilespmem:s10], [sflag:$0x3], $0x80, s19, s9, $0xb8;
	[tilespmem:$0x1E000] =	vst v63  }
0x97: {  	_ =	swait.ge [sflag:s13], $0x4000  }
0x98: {  	[sflag:s13] =	ssyncset.done $0x0  }
0x99: {  	[sflag:s13] =	ssyncadd.s32 $0xFFFFC000  }
0x9a: {  	_ =	swait.ge [sflag:s14], $0x4000  }
0x9b: {  	[sflag:s14] =	ssyncset.done $0x0  }
0x9c: {  	[sflag:s14] =	ssyncadd.s32 $0xFFFFC000  }
0x9d: {  	[tilespmem:s10], [sflag:$0x1] =	stream.indirect.gather [hbm4b:s4+s9], $0x80, s20, s9, $0xb8;
	[tilespmem:$0x1E000] =	vst v63  }
0x9e: {  	_ = 	snop  }
0x9f: {  	[spmem:s1] =	stream.indirect.scatter.add.f32 [tilespmem:s6], [sflag:$0x4], $0x80, s21, s9, $0xb8;
	[tilespmem:$0x1E000] =	vst v63  }
0xa0: {  	_ =	swait.ge [sflag:s11], $0x4000  }
0xa1: {  	[sflag:s11] =	ssyncset.done $0x0  }
0xa2: {  	[sflag:s11] =	ssyncadd.s32 $0xFFFFC000  }
0xa3: {  	_ =	swait.ge [sflag:s17], $0x4000  }
0xa4: {  	[sflag:s17] =	ssyncset.done $0x0  }
0xa5: {  	[sflag:s17] =	ssyncadd.s32 $0xFFFFC000  }
0xa6: {  	[tilespmem:s6], [sflag:$0x2] =	stream.indirect.gather [hbm4b:s4+s9], $0x80, s22, s9, $0xb8;
	[tilespmem:$0x1E000] =	vst v63  }
0xa7: {  	_ = 	snop  }
0xa8: {  	[spmem:s1] =	stream.indirect.scatter.add.f32 [tilespmem:s10], [sflag:$0x3], $0x80, s23, s9, $0xb8;
	[tilespmem:$0x1E000] =	vst v63  }
0xa9: {  	_ =	swait.ge [sflag:s13], $0x4000  }
0xaa: {  	[sflag:s13] =	ssyncset.done $0x0  }
0xab: {  	[sflag:s13] =	ssyncadd.s32 $0xFFFFC000  }
0xac: {  	_ =	swait.ge [sflag:s14], $0x4000  }
0xad: {  	[sflag:s14] =	ssyncset.done $0x0  }
0xae: {  	[sflag:s14] =	ssyncadd.s32 $0xFFFFC000  }
0xaf: {  	[tilespmem:s10], [sflag:$0x1] =	stream.indirect.gather [hbm4b:s4+s9], $0x80, s24, s9, $0xb8;
	[tilespmem:$0x1E000] =	vst v63  }
0xb0: {  	_ = 	snop  }
0xb1: {  	[spmem:s1] =	stream.indirect.scatter.add.f32 [tilespmem:s6], [sflag:$0x4], $0x80, s25, s9, $0xb8;
	[tilespmem:$0x1E000] =	vst v63  }
0xb2: {  	_ =	swait.ge [sflag:s11], $0x4000  }
0xb3: {  	[sflag:s11] =	ssyncset.done $0x0  }
0xb4: {  	[sflag:s11] =	ssyncadd.s32 $0xFFFFC000  }
0xb5: {  	_ =	swait.ge [sflag:s17], $0x4000  }
0xb6: {  	[sflag:s17] =	ssyncset.done $0x0  }
0xb7: {  	[sflag:s17] =	ssyncadd.s32 $0xFFFFC000  }
0xb8: {  	[tilespmem:s6], [sflag:$0x2] =	stream.indirect.gather [hbm4b:s4+s9], $0x80, s26, s9, $0xb8;
	[tilespmem:$0x1E000] =	vst v63  }
0xb9: {  	_ = 	snop  }
0xba: {  	[spmem:s1] =	stream.indirect.scatter.add.f32 [tilespmem:s10], [sflag:$0x3], $0x80, s28, s9, $0xb8;
	[tilespmem:$0x1E000] =	vst v63  }
0xbb: {  	_ =	swait.ge [sflag:s13], $0x4000  }
0xbc: {  	[sflag:s13] =	ssyncset.done $0x0  }
0xbd: {  	[sflag:s13] =	ssyncadd.s32 $0xFFFFC000  }
0xbe: {  	_ =	swait.ge [sflag:s14], $0x4000  }
0xbf: {  	[sflag:s14] =	ssyncset.done $0x0  }
0xc0: {  	[sflag:s14] =	ssyncadd.s32 $0xFFFFC000  }
.LBB2_8:
0xc1: {  	[spmem:s1] =	stream.indirect.scatter.add.f32 [tilespmem:s6], [sflag:$0x4], $0x80, s5, s9, $0xb8;
	[tilespmem:$0x1E000] =	vst v63  }
0xc2: {  	_ =	swait.ge [sflag:s17], $0x4000  }
0xc3: {  	[sflag:s17] =	ssyncset.done $0x0  }
0xc4: {  	[sflag:s17] =	ssyncadd.s32 $0xFFFFC000  }
0xc5: {  	s15 =	stileid.u32;
	[bflag:$0x0] =	sbarrier.arrive $0xFFFF  }
0xc6: {  	s15 =	sshll.u32 s15, $0x6;
	s18 =	rddreg [dreg:$0x3]  }
0xc7: {  	s15 =	sor.u32 $0x1C06, s15;
	s30 =	rddreg [dreg:$0x9];
	s16 =	sshrl.u32 s18, $0x3  }
0xc8: {  	[hbm:s30], [sflag:s15] =	dma.local [spmem:s16], $0x2780  }
0xc9: {  	_ =	swait.ge [sflag:s31], $0x2780  }
0xca: {  	s15 =	rddreg [dreg:$0x19]  }
0xcb: {  	s30 =	rddreg [dreg:$0xa];
	s16 =	sadd.s32 $0x1, s15  }
0xcc: {  	p1 =	sne.s32 s16, s30  }
.Ltmp1:
0xcd: {  	_ = 	snop;
	(pc) =	sbr.rel @!p1 .LBB2_9-.Ltmp1, $3  }
0xce: {  	_ =	sdelay $0x1  }
0xcf: {  	[sflag:s31] =	ssyncset.done $0x0  }
0xd0: {  	[sflag:s31] =	ssyncadd.s32 $0xFFFFD880  }
.LBB2_1:
0xd1: {  	[dreg:$0x19] =	wrdreg s16;
	s30 =	simm.s32 $0x0;
	s15 =	simm.s32 $0x200  }
.LBB2_2:
0xd2: {  	p1 =	sne.s32 s15, $0x4E00;
	[tilespmem:s30+$0x9070] =	vst v0  }
0xd3: {  	[tilespmem:s30+$0x9000] =	vst v0  }
0xd4: {  	[tilespmem:s30+$0x9010] =	vst v0  }
.Ltmp2:
0xd5: {  	[tilespmem:s30+$0x9020] =	vst v0;
	(pc) =	sbr.rel @p1 .LBB2_2-.Ltmp2, $4  }
0xd6: {  	[tilespmem:s30+$0x9030] =	vst v0  }
0xd7: {  	[tilespmem:s30+$0x9040] =	vst v0  }
0xd8: {  	[tilespmem:s30+$0x9050] =	vst v0  }
0xd9: {  	[tilespmem:s30+$0x9060] =	vst v0;
	s30 =	sshra.s32 s15, $0x2;
	s15 =	sadd.s32 $0x200, s15  }
0xda: {  	[tilespmem:s30+$0x9070] =	vst v0  }
0xdb: {  	[tilespmem:s30+$0x9000] =	vst v0  }
0xdc: {  	[tilespmem:s30+$0x9010] =	vst v0  }
0xdd: {  	[tilespmem:s30+$0x9020] =	vst v0  }
0xde: {  	[tilespmem:s30+$0x9030] =	vst v0  }
0xdf: {  	[tilespmem:s30+$0x9040] =	vst v0  }
0xe0: {  	[tilespmem:s30+$0x9050] =	vst v0  }
0xe1: {  	[tilespmem:s30+$0x9060] =	vst v0;
	s16 =	simm.s32 $0x9000  }
0xe2: {  	[spmem:s18] =	stream.linear.scatter [tilespmem:s16], [sflag:$0x6], $0x1400, $0x38;
	[tilespmem:$0x1E000] =	vst v63  }
0xe3: {  	_ =	swait.ge [sflag:s31], $0x1400  }
0xe4: {  	[sflag:s31] =	ssyncset.done $0x0  }
0xe5: {  	s15 =	rddreg [dreg:$0xb];
	[sflag:s31] =	ssyncadd.s32 $0xFFFFEC00  }
0xe6: {  	[spmem:s15] =	stream.linear.scatter [tilespmem:s16], [sflag:$0x6], $0x1400, $0x38;
	[tilespmem:$0x1E000] =	vst v63  }
0xe7: {  	_ =	swait.ge [sflag:s31], $0x1400  }
0xe8: {  	[sflag:s31] =	ssyncset.done $0x0  }
0xe9: {  	s18 =	rddreg [dreg:$0xc];
	[sflag:s31] =	ssyncadd.s32 $0xFFFFEC00  }
0xea: {  	[spmem:s18] =	stream.linear.scatter [tilespmem:s16], [sflag:$0x6], $0x1400, $0x38;
	[tilespmem:$0x1E000] =	vst v63  }
0xeb: {  	_ =	swait.ge [sflag:s31], $0x1400  }
0xec: {  	[sflag:s31] =	ssyncset.done $0x0  }
0xed: {  	s30 =	rddreg [dreg:$0xd];
	[sflag:s31] =	ssyncadd.s32 $0xFFFFEC00  }
0xee: {  	[spmem:s30] =	stream.linear.scatter [tilespmem:s16], [sflag:$0x6], $0x1400, $0x38;
	[tilespmem:$0x1E000] =	vst v63  }
0xef: {  	_ =	swait.ge [sflag:s31], $0x1400  }
0xf0: {  	[sflag:s31] =	ssyncset.done $0x0  }
0xf1: {  	s18 =	rddreg [dreg:$0xe];
	[sflag:s31] =	ssyncadd.s32 $0xFFFFEC00  }
0xf2: {  	[spmem:s18] =	stream.linear.scatter [tilespmem:s16], [sflag:$0x6], $0x1400, $0x38;
	[tilespmem:$0x1E000] =	vst v63  }
0xf3: {  	_ =	swait.ge [sflag:s31], $0x1400  }
0xf4: {  	[sflag:s31] =	ssyncset.done $0x0  }
0xf5: {  	s30 =	rddreg [dreg:$0xf];
	[sflag:s31] =	ssyncadd.s32 $0xFFFFEC00  }
0xf6: {  	[spmem:s30] =	stream.linear.scatter [tilespmem:s16], [sflag:$0x6], $0x1400, $0x38;
	[tilespmem:$0x1E000] =	vst v63  }
0xf7: {  	_ =	swait.ge [sflag:s31], $0x1400  }
0xf8: {  	[sflag:s31] =	ssyncset.done $0x0  }
0xf9: {  	s18 =	rddreg [dreg:$0x10];
	[sflag:s31] =	ssyncadd.s32 $0xFFFFEC00  }
0xfa: {  	[spmem:s18] =	stream.linear.scatter [tilespmem:s16], [sflag:$0x6], $0x1400, $0x38;
	[tilespmem:$0x1E000] =	vst v63  }
0xfb: {  	_ =	swait.ge [sflag:s31], $0x1400  }
0xfc: {  	[sflag:s31] =	ssyncset.done $0x0  }
0xfd: {  	s30 =	rddreg [dreg:$0x11];
	[sflag:s31] =	ssyncadd.s32 $0xFFFFEC00  }
0xfe: {  	[spmem:s30] =	stream.linear.scatter [tilespmem:s16], [sflag:$0x6], $0x1400, $0x38;
	[tilespmem:$0x1E000] =	vst v63  }
0xff: {  	_ =	swait.ge [sflag:s31], $0x1400  }
0x100: {  	[sflag:s31] =	ssyncset.done $0x0  }
0x101: {  	s18 =	rddreg [dreg:$0x12];
	[sflag:s31] =	ssyncadd.s32 $0xFFFFEC00  }
0x102: {  	[spmem:s18] =	stream.linear.scatter [tilespmem:s16], [sflag:$0x6], $0x1400, $0x38;
	[tilespmem:$0x1E000] =	vst v63  }
0x103: {  	_ =	swait.ge [sflag:s31], $0x1400  }
0x104: {  	[sflag:s31] =	ssyncset.done $0x0  }
0x105: {  	s30 =	rddreg [dreg:$0x13];
	[sflag:s31] =	ssyncadd.s32 $0xFFFFEC00  }
0x106: {  	[spmem:s30] =	stream.linear.scatter [tilespmem:s16], [sflag:$0x6], $0x1400, $0x38;
	[tilespmem:$0x1E000] =	vst v63  }
0x107: {  	_ =	swait.ge [sflag:s31], $0x1400  }
0x108: {  	[sflag:s31] =	ssyncset.done $0x0  }
0x109: {  	s18 =	rddreg [dreg:$0x14];
	[sflag:s31] =	ssyncadd.s32 $0xFFFFEC00  }
0x10a: {  	[spmem:s18] =	stream.linear.scatter [tilespmem:s16], [sflag:$0x6], $0x1400, $0x38;
	[tilespmem:$0x1E000] =	vst v63  }
0x10b: {  	_ =	swait.ge [sflag:s31], $0x1400  }
0x10c: {  	[sflag:s31] =	ssyncset.done $0x0  }
0x10d: {  	s30 =	rddreg [dreg:$0x15];
	[sflag:s31] =	ssyncadd.s32 $0xFFFFEC00  }
0x10e: {  	[spmem:s30] =	stream.linear.scatter [tilespmem:s16], [sflag:$0x6], $0x1400, $0x38;
	[tilespmem:$0x1E000] =	vst v63  }
0x10f: {  	_ =	swait.ge [sflag:s31], $0x1400  }
0x110: {  	[sflag:s31] =	ssyncset.done $0x0  }
0x111: {  	s18 =	rddreg [dreg:$0x16];
	[sflag:s31] =	ssyncadd.s32 $0xFFFFEC00  }
0x112: {  	[spmem:s18] =	stream.linear.scatter [tilespmem:s16], [sflag:$0x6], $0x1400, $0x38;
	[tilespmem:$0x1E000] =	vst v63  }
0x113: {  	_ =	swait.ge [sflag:s31], $0x1400  }
0x114: {  	[sflag:s31] =	ssyncset.done $0x0  }
0x115: {  	s30 =	rddreg [dreg:$0x17];
	[sflag:s31] =	ssyncadd.s32 $0xFFFFEC00  }
0x116: {  	[spmem:s30] =	stream.linear.scatter [tilespmem:s16], [sflag:$0x6], $0x1400, $0x38;
	[tilespmem:$0x1E000] =	vst v63  }
0x117: {  	_ =	swait.ge [sflag:s31], $0x1400  }
0x118: {  	[sflag:s31] =	ssyncset.done $0x0  }
0x119: {  	s18 =	rddreg [dreg:$0x18];
	[sflag:s31] =	ssyncadd.s32 $0xFFFFEC00  }
0x11a: {  	[spmem:s18] =	stream.linear.scatter [tilespmem:s16], [sflag:$0x6], $0x1400, $0x38;
	[tilespmem:$0x1E000] =	vst v63  }
0x11b: {  	_ =	swait.ge [sflag:s31], $0x1400  }
0x11c: {  	[sflag:s31] =	ssyncset.done $0x0  }
0x11d: {  	s30 =	rddreg [dreg:$0x4];
	[sflag:s31] =	ssyncadd.s32 $0xFFFFEC00  }
0x11e: {  	[spmem:s30] =	stream.linear.scatter [tilespmem:s16], [sflag:$0x6], $0x1000, $0x38;
	[tilespmem:$0x1E000] =	vst v63  }
.Ltmp3:
0x11f: {  	_ =	swait.ge [sflag:s31], $0x1000;
	(pc) =	sbr.rel @p0 .LBB2_7-.Ltmp3, $3  }
0x120: {  	[sflag:s31] =	ssyncset.done $0x0  }
0x121: {  	[sflag:s31] =	ssyncadd.s32 $0xFFFFF000  }
0x122: {  	[bflag:$0x0] =	sbarrier.arrive $0xFFFF;
	_ =	sdelay $0x1  }
0x123: {  	s30 =	simm.s32 $0x0  }
0x124: {  	[tilespmem:s30], [sflag:$0x6] =	stream.linear.gather [hbm4b:s7+s30], $0x400, $0x38;
	[tilespmem:$0x1E000] =	vst v63  }
0x125: {  	_ =	swait.ge [sflag:s31], $0x400  }
0x126: {  	[sflag:s31] =	ssyncset.done $0x0  }
0x127: {  	[sflag:s31] =	ssyncadd.s32 $0xFFFFFC00  }
0x128: {  	[tilespmem:s0], [sflag:$0x6] =	stream.linear.gather [hbm4b:s8+s30], $0x400, $0x38;
	[tilespmem:$0x1E000] =	vst v63  }
0x129: {  	_ =	swait.ge [sflag:s31], $0x400  }
0x12a: {  	[sflag:s31] =	ssyncset.done $0x0  }
0x12b: {  	[sflag:s31] =	ssyncadd.s32 $0xFFFFFC00  }
0x12c: {  	[tilespmem:s10], [sflag:$0x1] =	stream.indirect.gather [hbm4b:s4+s9], $0x80, s30, s9, $0xb8;
	[tilespmem:$0x1E000] =	vst v63  }
.LBB2_5:
0x12d: {  	_ =	swait.ge [sflag:s11], $0x4000  }
0x12e: {  	p1 =	seq.s32 s30, $0x0;
	[sflag:s11] =	ssyncset.done $0x0  }
0x12f: {  	s15 =	simm.s32 @!p1 $0x4;
	[sflag:s11] =	ssyncadd.s32 $0xFFFFC000  }
0x130: {  	_ =	swait.ge @!p1 [sflag:s15], $0x4000  }
0x131: {  	s16 =	sadd.s32 s30, s7;
	[sflag:s15] =	ssyncset.done @!p1 $0x0  }
0x132: {  	s18 =	sadd.s32 s30, s8;
	s16 =	sadd.s32 $0x80, s16;
	[sflag:s15] =	ssyncadd.s32 @!p1 $0xFFFFC000  }
0x133: {  	[tilespmem:s12], [sflag:$0x5] =	stream.linear.gather [hbm4b:s16+s3], $0x400, $0x38;
	[tilespmem:$0x1E000] =	vst v63  }
0x134: {  	s16 =	sadd.s32 $0x80, s18  }
0x135: {  	[tilespmem:s2], [sflag:$0x5] =	stream.linear.gather [hbm4b:s16+s3], $0x400, $0x38;
	[tilespmem:$0x1E000] =	vst v63  }
0x136: {  	_ = 	snop  }
0x137: {  	[tilespmem:s6], [sflag:$0x2] =	stream.indirect.gather [hbm4b:s4+s9], $0x80, s9, s9, $0xb8;
	[tilespmem:$0x1E000] =	vst v63  }
0x138: {  	_ = 	snop  }
0x139: {  	[spmem:s1] =	stream.indirect.scatter.add.f32 [tilespmem:s10], [sflag:$0x3], $0x80, s0, s9, $0xb8;
	[tilespmem:$0x1E000] =	vst v63  }
0x13a: {  	_ =	swait.ge [sflag:s13], $0x4000  }
0x13b: {  	[sflag:s13] =	ssyncset.done $0x0  }
0x13c: {  	[sflag:s13] =	ssyncadd.s32 $0xFFFFC000  }
0x13d: {  	_ =	swait.ge [sflag:s14], $0x4000  }
0x13e: {  	[sflag:s14] =	ssyncset.done $0x0  }
0x13f: {  	s18 =	simm.s32 $0x100;
	[sflag:s14] =	ssyncadd.s32 $0xFFFFC000  }
0x140: {  	[tilespmem:s10], [sflag:$0x1] =	stream.indirect.gather [hbm4b:s4+s9], $0x80, s18, s9, $0xb8;
	[tilespmem:$0x1E000] =	vst v63  }
0x141: {  	s16 =	simm.s32 $0x880  }
0x142: {  	[spmem:s1] =	stream.indirect.scatter.add.f32 [tilespmem:s6], [sflag:$0x4], $0x80, s16, s9, $0xb8;
	[tilespmem:$0x1E000] =	vst v63  }
0x143: {  	_ =	swait.ge [sflag:s11], $0x4000  }
0x144: {  	[sflag:s11] =	ssyncset.done $0x0  }
0x145: {  	[sflag:s11] =	ssyncadd.s32 $0xFFFFC000  }
0x146: {  	_ =	swait.ge [sflag:s17], $0x4000  }
0x147: {  	[sflag:s17] =	ssyncset.done $0x0  }
0x148: {  	s18 =	simm.s32 $0x180;
	[sflag:s17] =	ssyncadd.s32 $0xFFFFC000  }
0x149: {  	[tilespmem:s6], [sflag:$0x2] =	stream.indirect.gather [hbm4b:s4+s9], $0x80, s18, s9, $0xb8;
	[tilespmem:$0x1E000] =	vst v63  }
0x14a: {  	s16 =	simm.s32 $0x900  }
0x14b: {  	[spmem:s1] =	stream.indirect.scatter.add.f32 [tilespmem:s10], [sflag:$0x3], $0x80, s16, s9, $0xb8;
	[tilespmem:$0x1E000] =	vst v63  }
0x14c: {  	_ =	swait.ge [sflag:s13], $0x4000  }
0x14d: {  	[sflag:s13] =	ssyncset.done $0x0  }
0x14e: {  	[sflag:s13] =	ssyncadd.s32 $0xFFFFC000  }
0x14f: {  	_ =	swait.ge [sflag:s14], $0x4000  }
0x150: {  	[sflag:s14] =	ssyncset.done $0x0  }
0x151: {  	s18 =	simm.s32 $0x200;
	[sflag:s14] =	ssyncadd.s32 $0xFFFFC000  }
0x152: {  	[tilespmem:s10], [sflag:$0x1] =	stream.indirect.gather [hbm4b:s4+s9], $0x80, s18, s9, $0xb8;
	[tilespmem:$0x1E000] =	vst v63  }
0x153: {  	s16 =	simm.s32 $0x980  }
0x154: {  	[spmem:s1] =	stream.indirect.scatter.add.f32 [tilespmem:s6], [sflag:$0x4], $0x80, s16, s9, $0xb8;
	[tilespmem:$0x1E000] =	vst v63  }
0x155: {  	_ =	swait.ge [sflag:s11], $0x4000  }
0x156: {  	[sflag:s11] =	ssyncset.done $0x0  }
0x157: {  	[sflag:s11] =	ssyncadd.s32 $0xFFFFC000  }
0x158: {  	_ =	swait.ge [sflag:s17], $0x4000  }
0x159: {  	[sflag:s17] =	ssyncset.done $0x0  }
0x15a: {  	s18 =	simm.s32 $0x280;
	[sflag:s17] =	ssyncadd.s32 $0xFFFFC000  }
0x15b: {  	[tilespmem:s6], [sflag:$0x2] =	stream.indirect.gather [hbm4b:s4+s9], $0x80, s18, s9, $0xb8;
	[tilespmem:$0x1E000] =	vst v63  }
0x15c: {  	s16 =	simm.s32 $0xA00  }
0x15d: {  	[spmem:s1] =	stream.indirect.scatter.add.f32 [tilespmem:s10], [sflag:$0x3], $0x80, s16, s9, $0xb8;
	[tilespmem:$0x1E000] =	vst v63  }
0x15e: {  	_ =	swait.ge [sflag:s13], $0x4000  }
0x15f: {  	[sflag:s13] =	ssyncset.done $0x0  }
0x160: {  	[sflag:s13] =	ssyncadd.s32 $0xFFFFC000  }
0x161: {  	_ =	swait.ge [sflag:s14], $0x4000  }
0x162: {  	[sflag:s14] =	ssyncset.done $0x0  }
0x163: {  	s18 =	simm.s32 $0x300;
	[sflag:s14] =	ssyncadd.s32 $0xFFFFC000  }
0x164: {  	[tilespmem:s10], [sflag:$0x1] =	stream.indirect.gather [hbm4b:s4+s9], $0x80, s18, s9, $0xb8;
	[tilespmem:$0x1E000] =	vst v63  }
0x165: {  	s16 =	simm.s32 $0xA80  }
0x166: {  	[spmem:s1] =	stream.indirect.scatter.add.f32 [tilespmem:s6], [sflag:$0x4], $0x80, s16, s9, $0xb8;
	[tilespmem:$0x1E000] =	vst v63  }
0x167: {  	_ =	swait.ge [sflag:s11], $0x4000  }
0x168: {  	[sflag:s11] =	ssyncset.done $0x0  }
0x169: {  	[sflag:s11] =	ssyncadd.s32 $0xFFFFC000  }
0x16a: {  	_ =	swait.ge [sflag:s17], $0x4000  }
0x16b: {  	[sflag:s17] =	ssyncset.done $0x0  }
0x16c: {  	s18 =	simm.s32 $0x380;
	[sflag:s17] =	ssyncadd.s32 $0xFFFFC000  }
0x16d: {  	[tilespmem:s6], [sflag:$0x2] =	stream.indirect.gather [hbm4b:s4+s9], $0x80, s18, s9, $0xb8;
	[tilespmem:$0x1E000] =	vst v63  }
0x16e: {  	s16 =	simm.s32 $0xB00  }
0x16f: {  	[spmem:s1] =	stream.indirect.scatter.add.f32 [tilespmem:s10], [sflag:$0x3], $0x80, s16, s9, $0xb8;
	[tilespmem:$0x1E000] =	vst v63  }
0x170: {  	_ =	swait.ge [sflag:s13], $0x4000  }
0x171: {  	[sflag:s13] =	ssyncset.done $0x0  }
0x172: {  	[sflag:s13] =	ssyncadd.s32 $0xFFFFC000  }
0x173: {  	_ =	swait.ge [sflag:s14], $0x4000  }
0x174: {  	[sflag:s14] =	ssyncset.done $0x0  }
0x175: {  	[sflag:s14] =	ssyncadd.s32 $0xFFFFC000  }
0x176: {  	_ =	swait.ge [sflag:s29], $0x400  }
0x177: {  	[sflag:s29] =	ssyncset.done $0x0  }
0x178: {  	[sflag:s29] =	ssyncadd.s32 $0xFFFFFC00  }
0x179: {  	_ =	swait.ge [sflag:s29], $0x400  }
0x17a: {  	[sflag:s29] =	ssyncset.done $0x0  }
0x17b: {  	[sflag:s29] =	ssyncadd.s32 $0xFFFFFC00  }
0x17c: {  	[tilespmem:s10], [sflag:$0x1] =	stream.indirect.gather [hbm4b:s4+s9], $0x80, s12, s9, $0xb8;
	[tilespmem:$0x1E000] =	vst v63  }
0x17d: {  	s18 =	simm.s32 $0xB80  }
0x17e: {  	[spmem:s1] =	stream.indirect.scatter.add.f32 [tilespmem:s6], [sflag:$0x4], $0x80, s18, s9, $0xb8;
	[tilespmem:$0x1E000] =	vst v63  }
0x17f: {  	_ =	swait.ge [sflag:s11], $0x4000  }
0x180: {  	[sflag:s11] =	ssyncset.done $0x0  }
0x181: {  	p1 =	seq.s32 s30, $0x800;
	[sflag:s11] =	ssyncadd.s32 $0xFFFFC000  }
0x182: {  	s15 =	sadd.s32 @!p1 s30, s7;
	_ =	swait.ge [sflag:s17], $0x4000  }
0x183: {  	s15 =	sadd.s32 @!p1 $0x100, s15;
	[sflag:s17] =	ssyncset.done $0x0  }
0x184: {  	s16 =	sadd.s32 @!p1 s30, s8;
	s18 =	simm.s32 @!p1 $0x0;
	[sflag:s17] =	ssyncadd.s32 $0xFFFFC000  }
0x185: {  	[tilespmem:s18], [sflag:$0x5] =	stream.linear.gather @!p1 [hbm4b:s15+s18], $0x400, $0x38;
	[tilespmem:$0x1E000] =	vst v63  }
0x186: {  	s15 =	sadd.s32 @!p1 $0x100, s16;
	s16 =	simm.s32 @!p1 $0x800  }
0x187: {  	[tilespmem:s16], [sflag:$0x5] =	stream.linear.gather @!p1 [hbm4b:s15+s18], $0x400, $0x38;
	[tilespmem:$0x1E000] =	vst v63  }
0x188: {  	s16 =	simm.s32 $0x480  }
0x189: {  	[tilespmem:s6], [sflag:$0x2] =	stream.indirect.gather [hbm4b:s4+s9], $0x80, s16, s9, $0xb8;
	[tilespmem:$0x1E000] =	vst v63  }
0x18a: {  	_ = 	snop  }
0x18b: {  	[spmem:s1] =	stream.indirect.scatter.add.f32 [tilespmem:s10], [sflag:$0x3], $0x80, s2, s9, $0xb8;
	[tilespmem:$0x1E000] =	vst v63  }
0x18c: {  	_ =	swait.ge [sflag:s13], $0x4000  }
0x18d: {  	[sflag:s13] =	ssyncset.done $0x0  }
0x18e: {  	[sflag:s13] =	ssyncadd.s32 $0xFFFFC000  }
0x18f: {  	_ =	swait.ge [sflag:s14], $0x4000  }
0x190: {  	[sflag:s14] =	ssyncset.done $0x0  }
0x191: {  	s18 =	simm.s32 $0x500;
	[sflag:s14] =	ssyncadd.s32 $0xFFFFC000  }
0x192: {  	[tilespmem:s10], [sflag:$0x1] =	stream.indirect.gather [hbm4b:s4+s9], $0x80, s18, s9, $0xb8;
	[tilespmem:$0x1E000] =	vst v63  }
0x193: {  	s16 =	simm.s32 $0xC80  }
0x194: {  	[spmem:s1] =	stream.indirect.scatter.add.f32 [tilespmem:s6], [sflag:$0x4], $0x80, s16, s9, $0xb8;
	[tilespmem:$0x1E000] =	vst v63  }
0x195: {  	_ =	swait.ge [sflag:s11], $0x4000  }
0x196: {  	[sflag:s11] =	ssyncset.done $0x0  }
0x197: {  	[sflag:s11] =	ssyncadd.s32 $0xFFFFC000  }
0x198: {  	_ =	swait.ge [sflag:s17], $0x4000  }
0x199: {  	[sflag:s17] =	ssyncset.done $0x0  }
0x19a: {  	s18 =	simm.s32 $0x580;
	[sflag:s17] =	ssyncadd.s32 $0xFFFFC000  }
0x19b: {  	[tilespmem:s6], [sflag:$0x2] =	stream.indirect.gather [hbm4b:s4+s9], $0x80, s18, s9, $0xb8;
	[tilespmem:$0x1E000] =	vst v63  }
0x19c: {  	_ = 	snop  }
0x19d: {  	[spmem:s1] =	stream.indirect.scatter.add.f32 [tilespmem:s10], [sflag:$0x3], $0x80, s19, s9, $0xb8;
	[tilespmem:$0x1E000] =	vst v63  }
0x19e: {  	_ =	swait.ge [sflag:s13], $0x4000  }
0x19f: {  	[sflag:s13] =	ssyncset.done $0x0  }
0x1a0: {  	[sflag:s13] =	ssyncadd.s32 $0xFFFFC000  }
0x1a1: {  	_ =	swait.ge [sflag:s14], $0x4000  }
0x1a2: {  	[sflag:s14] =	ssyncset.done $0x0  }
0x1a3: {  	[sflag:s14] =	ssyncadd.s32 $0xFFFFC000  }
0x1a4: {  	[tilespmem:s10], [sflag:$0x1] =	stream.indirect.gather [hbm4b:s4+s9], $0x80, s20, s9, $0xb8;
	[tilespmem:$0x1E000] =	vst v63  }
0x1a5: {  	_ = 	snop  }
0x1a6: {  	[spmem:s1] =	stream.indirect.scatter.add.f32 [tilespmem:s6], [sflag:$0x4], $0x80, s21, s9, $0xb8;
	[tilespmem:$0x1E000] =	vst v63  }
0x1a7: {  	_ =	swait.ge [sflag:s11], $0x4000  }
0x1a8: {  	[sflag:s11] =	ssyncset.done $0x0  }
0x1a9: {  	[sflag:s11] =	ssyncadd.s32 $0xFFFFC000  }
0x1aa: {  	_ =	swait.ge [sflag:s17], $0x4000  }
0x1ab: {  	[sflag:s17] =	ssyncset.done $0x0  }
0x1ac: {  	[sflag:s17] =	ssyncadd.s32 $0xFFFFC000  }
0x1ad: {  	[tilespmem:s6], [sflag:$0x2] =	stream.indirect.gather [hbm4b:s4+s9], $0x80, s22, s9, $0xb8;
	[tilespmem:$0x1E000] =	vst v63  }
0x1ae: {  	_ = 	snop  }
0x1af: {  	[spmem:s1] =	stream.indirect.scatter.add.f32 [tilespmem:s10], [sflag:$0x3], $0x80, s23, s9, $0xb8;
	[tilespmem:$0x1E000] =	vst v63  }
0x1b0: {  	_ =	swait.ge [sflag:s13], $0x4000  }
0x1b1: {  	[sflag:s13] =	ssyncset.done $0x0  }
0x1b2: {  	[sflag:s13] =	ssyncadd.s32 $0xFFFFC000  }
0x1b3: {  	_ =	swait.ge [sflag:s14], $0x4000  }
0x1b4: {  	[sflag:s14] =	ssyncset.done $0x0  }
0x1b5: {  	[sflag:s14] =	ssyncadd.s32 $0xFFFFC000  }
0x1b6: {  	[tilespmem:s10], [sflag:$0x1] =	stream.indirect.gather [hbm4b:s4+s9], $0x80, s24, s9, $0xb8;
	[tilespmem:$0x1E000] =	vst v63  }
0x1b7: {  	_ = 	snop  }
0x1b8: {  	[spmem:s1] =	stream.indirect.scatter.add.f32 [tilespmem:s6], [sflag:$0x4], $0x80, s25, s9, $0xb8;
	[tilespmem:$0x1E000] =	vst v63  }
0x1b9: {  	_ =	swait.ge [sflag:s11], $0x4000  }
0x1ba: {  	[sflag:s11] =	ssyncset.done $0x0  }
0x1bb: {  	[sflag:s11] =	ssyncadd.s32 $0xFFFFC000  }
0x1bc: {  	_ =	swait.ge [sflag:s17], $0x4000  }
0x1bd: {  	[sflag:s17] =	ssyncset.done $0x0  }
0x1be: {  	[sflag:s17] =	ssyncadd.s32 $0xFFFFC000  }
0x1bf: {  	[tilespmem:s6], [sflag:$0x2] =	stream.indirect.gather [hbm4b:s4+s9], $0x80, s26, s9, $0xb8;
	[tilespmem:$0x1E000] =	vst v63  }
0x1c0: {  	_ = 	snop  }
0x1c1: {  	[spmem:s1] =	stream.indirect.scatter.add.f32 [tilespmem:s10], [sflag:$0x3], $0x80, s28, s9, $0xb8;
	[tilespmem:$0x1E000] =	vst v63  }
0x1c2: {  	_ =	swait.ge [sflag:s13], $0x4000  }
.Ltmp4:
0x1c3: {  	[sflag:s13] =	ssyncset.done $0x0;
	(pc) =	sbr.rel @p1 .LBB2_8-.Ltmp4, $4  }
0x1c4: {  	[sflag:s13] =	ssyncadd.s32 $0xFFFFC000  }
0x1c5: {  	_ =	swait.ge [sflag:s14], $0x4000  }
0x1c6: {  	[sflag:s14] =	ssyncset.done $0x0  }
0x1c7: {  	[sflag:s14] =	ssyncadd.s32 $0xFFFFC000  }
0x1c8: {  	_ =	swait.ge [sflag:s29], $0x400  }
0x1c9: {  	[sflag:s29] =	ssyncset.done $0x0  }
0x1ca: {  	[sflag:s29] =	ssyncadd.s32 $0xFFFFFC00  }
0x1cb: {  	_ =	swait.ge [sflag:s29], $0x400  }
.Ltmp5:
0x1cc: {  	[sflag:s29] =	ssyncset.done $0x0;
	(pc) =	sbr.rel .LBB2_5-.Ltmp5, $4  }
0x1cd: {  	[sflag:s29] =	ssyncadd.s32 $0xFFFFFC00  }
0x1ce: {  	[tilespmem:s10], [sflag:$0x1] =	stream.indirect.gather [hbm4b:s4+s9], $0x80, s3, s9, $0xb8;
	[tilespmem:$0x1E000] =	vst v63  }
0x1cf: {  	s30 =	sadd.s32 $0x100, s30  }
0x1d0: {  	[spmem:s1] =	stream.indirect.scatter.add.f32 [tilespmem:s6], [sflag:$0x4], $0x80, s5, s9, $0xb8;
	[tilespmem:$0x1E000] =	vst v63  }
.LBB2_9:
0x1d1: {  	_ =	sfence.sel $0x180000  }
0x1d2: {  	[bflag:$0x0] =	sbarrier.arrive $0xFFFF  }
0x1d3: {  	_ =	strace $0x9000004D  }
0x1d4: {  	s0 =	stileid.u32;
	[bflag:$0x2] =	sbarrier.arrive $0xFFFF  }
0x1d5: {  	p0 =	sne.s32 s0, $0x0;
	s0 =	rddreg [dreg:$0x2]  }
0x1d6: {  	s0 =	sadd.s32 @!p0 $0x100000, s0  }
0x1d7: {  	[sflag:s0] =	ssyncadd.tile.s32 @!p0 $0x1;
	_ =	shalt  }
.Lfunc_end2:
_tile_overlayer_lowered:
.L_overlay_start_2:
0x1d8: {  	(tag) =	ssettag $0x2  }
0x1d9: {  	s0 =	rddreg [dreg:$0x0];
	s2 =	stileid.u32  }
0x1da: {  	s1 =	rddreg [dreg:$0x1];
	p0 =	sne.s32 s2, $0x0  }
0x1db: {  	s3 =	rddreg [dreg:$0x2];
	[bflag:$0x3] =	sbarrier.arrive $0xFFFF;
	s2 =	simm.s32 @!p0 $0x1C06  }
0x1dc: {  	[timem:s3], [sflag:s2] =	dma.local @!p0 [hbm:s0], s1  }
0x1dd: {  	s0 =	simm.s32 @!p0 $0x6  }
0x1de: {  	_ =	swait.ge @!p0 [sflag:s0], s1  }
0x1df: {  	s1 =	ssub.s32 @!p0 $0x0, s1;
	[sflag:s0] =	ssyncset.done @!p0 $0x0  }
0x1e0: {  	[sflag:s0] =	ssyncadd.s32 @!p0 s1  }
0x1e1: {  	[bflag:$0x3] =	sbarrier.arrive $0xFFFF  }
0x1e2: {  	_ =	shalt  }

// kernel: kernel.9.cloned.1.call-start
scs
__scs_entry_jumppad:
0x0: {  	(pc) =	sbr.rel $0x88, $3  }
0x1: {  	(tag) =	ssettag $0x0;
	lr =	simm.s32 $0x1  }
0x2: {  	[smem:$0x3F96] =	sst lr;
	_ =	strace $0xD0000000  }
0x3: {  	_ = 	snop  }
0x4: {  	_ = 	snop  }
0x5: {  	_ = 	snop  }
0x6: {  	_ = 	snop  }
0x7: {  	_ = 	snop  }
__scs_overlays_trampoline_lowered:
0x8: {  	[smem:$0x3FA5] =	sst s0  }
0x9: {  	[smem:$0x3FA6] =	sst s1  }
0xa: {  	[smem:$0x3FA7] =	sst s2  }
0xb: {  	[smem:$0x3FA8] =	sst s3  }
0xc: {  	[smem:$0x3FA9] =	sst s4  }
0xd: {  	[smem:$0x3FAA] =	sst s5  }
0xe: {  	[smem:$0x3FAB] =	sst s6  }
0xf: {  	[smem:$0x3FAC] =	sst s7  }
0x10: {  	[smem:$0x3FAD] =	sst s8  }
0x11: {  	[smem:$0x3FAE] =	sst s9;
	s0 =	simm.s32 @!p0 $0x0  }
0x12: {  	s1 =	sld [smem:$0x3F94];
	s0 =	simm.s32 @p0 $0x1  }
0x13: {  	[smem:$0x3FAF] =	sst s0;
	s0 =	simm.s32 @!p1 $0x0  }
0x14: {  	s2 =	sld [smem:$0x3F93];
	s0 =	simm.s32 @p1 $0x1  }
0x15: {  	[smem:$0x3FB0] =	sst s0;
	s0 =	simm.s32 @!p2 $0x0  }
0x16: {  	s3 =	sld [smem:$0x3FDB];
	s0 =	simm.s32 @p2 $0x1  }
0x17: {  	s4 =	simm.s32 $0x1BF5;
	[smem:$0x3FB2] =	sst s0  }
0x18: {  	s0 =	sld [smem:$0x3F95];
	_ =	swait.ge [sflag:s4], $0x0  }
0x19: {  	s7 =	sld [smem:$0x3F96]  }
0x1a: {  	s8 =	sadd.s32 $0xFFFFE003, lr  }
0x1b: {  	s9 =	sadd.s32 $0xFFFFFEF7, lr;
	s5 =	simm.s32 $0xFFFFFFFF;
	p2 =	slt.u32 s8, $0xFFFFF086  }
0x1c: {  	p1 =	slt.u32 s9, $0xF7A;
	s5 =	simm.s32 @!p2 $0x0  }
0x1d: {  	s5 =	simm.s32 @p1 $0x1;
	p0 =	seq.s32 s7, s2  }
0x1e: {  	s7 =	smul.u32 @!p0 $0xF7A, s2;
	p2 =	seq.s32 @!p0 s5, $0x0  }
0x1f: {  	s9 =	smul.u32 $0xF7A, s1;
	s8 =	simm.s32 @!p0 $0x1BF5;
	p2 =	por !p2, p0  }
0x20: {  	[sflag:s8] =	ssyncset.s32 @!p0 $0xFFFFF086;
	s6 =	sadd.s32 @!p0 s3, s7;
	s7 =	simm.s32 @!p0 $0x108  }
0x21: {  	s3 =	sadd.s32 s3, s9;
	s6 =	sadd.s32 @!p0 $0x88, s6;
	s7 =	simm.s32 @p2 $0x1082  }
0x22: {  	[simem:s7], [sflag:s8] =	dma.local @!p0 [hbm:s6], $0xF7A  }
0x23: {  	s9 =	sor.u32 $0xD0000000, s2;
	s6 =	simm.s32 $0x108;
	_ =	swait.ge @!p0 [sflag:s8], $0x0  }
0x24: {  	s3 =	sadd.s32 $0x88, s3;
	s6 =	simm.s32 @!p1 $0x1082;
	[sflag:s4] =	ssyncset.s32 $0xFFFFF086  }
0x25: {  	[simem:s6], [sflag:s4] =	dma.local [hbm:s3], $0xF7A  }
0x26: {  	[smem:$0x3F96] =	sst s1;
	(tag) =	ssettag s2;
	_ =	strace s9  }
0x27: {  	s1 =	sld [smem:$0x3FA6]  }
0x28: {  	s2 =	sld [smem:$0x3FA7]  }
0x29: {  	s4 =	sld [smem:$0x3FA9]  }
0x2a: {  	p0 =	seq.s32 s5, $0x0;
	s5 =	sld [smem:$0x3FAA]  }
0x2b: {  	s6 =	sld [smem:$0x3FAB]  }
0x2c: {  	s7 =	sld [smem:$0x3FAC]  }
0x2d: {  	s3 =	simm.s32 $0x108;
	s8 =	sld [smem:$0x3FAD]  }
0x2e: {  	s3 =	simm.s32 @!p0 $0x1082;
	s9 =	sld [smem:$0x3FAE]  }
0x2f: {  	lr =	sadd.s32 s0, s3;
	s0 =	sld [smem:$0x3FA5]  }
0x30: {  	s3 =	sld [smem:$0x3FA8]  }
0x31: {  	[smem:$0x3FB1] =	sst s10  }
0x32: {  	s10 =	sld [smem:$0x3FAF];
	_ =	sdelay $0x3  }
0x33: {  	p0 =	seq.s32 s10, $0x1;
	s10 =	sld [smem:$0x3FB1];
	_ =	sdelay $0x3  }
0x34: {  	[smem:$0x3FB1] =	sst s10  }
0x35: {  	s10 =	sld [smem:$0x3FB0];
	_ =	sdelay $0x3  }
0x36: {  	p1 =	seq.s32 s10, $0x1;
	s10 =	sld [smem:$0x3FB1];
	_ =	sdelay $0x3  }
0x37: {  	[smem:$0x3FB1] =	sst s10  }
0x38: {  	s10 =	sld [smem:$0x3FB2]  }
0x39: {  	_ = 	snop;
	(pc) =	sbr.ind lr, $3  }
0x3a: {  	_ = 	snop  }
0x3b: {  	_ = 	snop  }
0x3c: {  	p2 =	seq.s32 s10, $0x1;
	s10 =	sld [smem:$0x3FB1]  }
0x3d: {  	_ =	shalt  }
0x3e: {  	_ =	shalt  }
0x3f: {  	_ =	shalt  }
0x40: {  	_ =	shalt  }
0x41: {  	_ =	shalt  }
0x42: {  	_ =	shalt  }
0x43: {  	_ =	shalt  }
0x44: {  	_ =	shalt  }
0x45: {  	_ =	shalt  }
0x46: {  	_ =	shalt  }
0x47: {  	_ =	shalt  }
0x48: {  	_ =	shalt  }
0x49: {  	_ =	shalt  }
0x4a: {  	_ =	shalt  }
0x4b: {  	_ =	shalt  }
0x4c: {  	_ =	shalt  }
0x4d: {  	_ =	shalt  }
0x4e: {  	_ =	shalt  }
0x4f: {  	_ =	shalt  }
0x50: {  	_ =	shalt  }
0x51: {  	_ =	shalt  }
0x52: {  	_ =	shalt  }
0x53: {  	_ =	shalt  }
0x54: {  	_ =	shalt  }
0x55: {  	_ =	shalt  }
0x56: {  	_ =	shalt  }
0x57: {  	_ =	shalt  }
0x58: {  	_ =	shalt  }
0x59: {  	_ =	shalt  }
0x5a: {  	_ =	shalt  }
0x5b: {  	_ =	shalt  }
0x5c: {  	_ =	shalt  }
0x5d: {  	_ =	shalt  }
0x5e: {  	_ =	shalt  }
0x5f: {  	_ =	shalt  }
0x60: {  	_ =	shalt  }
0x61: {  	_ =	shalt  }
0x62: {  	_ =	shalt  }
0x63: {  	_ =	shalt  }
0x64: {  	_ =	shalt  }
0x65: {  	_ =	shalt  }
0x66: {  	_ =	shalt  }
0x67: {  	_ =	shalt  }
0x68: {  	_ =	shalt  }
0x69: {  	_ =	shalt  }
0x6a: {  	_ =	shalt  }
0x6b: {  	_ =	shalt  }
0x6c: {  	_ =	shalt  }
0x6d: {  	_ =	shalt  }
0x6e: {  	_ =	shalt  }
0x6f: {  	_ =	shalt  }
0x70: {  	_ =	shalt  }
0x71: {  	_ =	shalt  }
0x72: {  	_ =	shalt  }
0x73: {  	_ =	shalt  }
0x74: {  	_ =	shalt  }
0x75: {  	_ =	shalt  }
0x76: {  	_ =	shalt  }
0x77: {  	_ =	shalt  }
0x78: {  	_ =	shalt  }
0x79: {  	_ =	shalt  }
0x7a: {  	_ =	shalt  }
0x7b: {  	_ =	shalt  }
0x7c: {  	_ =	shalt  }
0x7d: {  	_ =	shalt  }
0x7e: {  	_ =	shalt  }
0x7f: {  	_ =	shalt  }
0x80: {  	_ =	shalt  }
0x81: {  	_ =	shalt  }
0x82: {  	_ =	shalt  }
0x83: {  	_ =	shalt  }
0x84: {  	_ =	shalt  }
0x85: {  	_ =	shalt  }
0x86: {  	_ =	shalt  }
0x87: {  	_ =	shalt  }
.Lfunc_end0:
.L_simem_size_0:
called_computation_lowered:
.L_overlay_start_0:
0x88: {  	s2 =	sld [smem:$0x3FD9]  }
0x89: {  	s3 =	sld [smem:$0x3FFE];
	_ =	sdelay $0x1  }
0x8a: {  	s1 =	srdreg.scid  }
0x8b: {  	s0 =	sand.u32 $0x1, s1  }
0x8c: {  	s17 =	sshll.u32 s0, $0xA;
	s2 =	sadd.s32 s3, s2  }
0x8d: {  	s2 =	sadd.s32 s2, s17  }
0x8e: {  	[smem:$0x3FBD] =	sst s2  }
0x8f: {  	_ = 	snop  }
0x90: {  	s2 =	sld [smem:$0x3FC9];
	(tm) =	ssettm $0x1  }
0x91: {  	s18 =	sld [smem:$0x3FFB];
	_ =	sdelay $0x3  }
0x92: {  	_ =	strace s18  }
0x93: {  	s3 =	sld [smem:$0x3FFC];
	_ =	sdelay $0x3  }
0x94: {  	_ =	strace s3  }
0x95: {  	s3 =	sld [smem:$0x3FFD];
	_ =	sdelay $0x3  }
0x96: {  	_ =	strace s3  }
0x97: {  	_ =	strace $0x8FFFFFFF  }
0x98: {  	s19 =	sld [smem:$0x3FDB];
	_ =	sdelay $0x1  }
0x99: {  	s4 =	simm.s32 $_scs_section_size  }
0x9a: {  	s5 =	simm.s32 $_size__tile_overlayer_lowered;
	s6 =	simm.s32 $_tile_overlayer_lowered  }
0x9b: {  	s22 =	simm.s32 $0x1BFF;
	s21 =	sshll.u32 s6, $0x1;
	s3 =	sadd.s32 s4, s19  }
0x9c: {  	s7 =	simm.s32 $0x0;
	s20 =	sshll.u32 s5, $0x1;
	s5 =	sadd.s32 s21, s3  }
0x9d: {  	[timem:s7], [sflag:s22] =	dma.local [hbm:s5], s20  }
0x9e: {  	_ =	swait.ge [sflag:s22], s20  }
0x9f: {  	s4 =	ssub.s32 $0x0, s20;
	[sflag:s22] =	ssyncset.done $0x0  }
0xa0: {  	[sflag:s22] =	ssyncadd.s32 s4;
	_ =	sdelay $0x1  }
0xa1: {  	s23 =	simm.s32 $0x1B8B  }
0xa2: {  	_ =	swait.ge [sflag:s23], $0x1  }
0xa3: {  	[sflag:s23] =	ssyncset.done $0x0  }
0xa4: {  	s25 =	simm.s32 $0x1B8E;
	s24 =	sld [smem:$0x3FFE];
	[sflag:s23] =	ssyncadd.s32 $0xFFFFFFFF  }
0xa5: {  	s26 =	simm.s32 $execute0_lowered;
	[smem:$0x3FD2] =	sst s25  }
0xa6: {  	s5 =	sshll.u32 s26, $0x1;
	_ =	strace $0x80000046;
	[dreg:$0x1] =	wrdreg $0xFFFFFFFF  }
0xa7: {  	s28 =	simm.s32 $_size_execute0_lowered;
	s3 =	sadd.s32 s3, s5;
	[dreg:$0x0] =	wrdreg $0x0  }
0xa8: {  	s5 =	sshll.u32 s28, $0x1;
	[dreg:$0x2] =	wrdreg s3  }
0xa9: {  	[dreg:$0x3] =	wrdreg s5  }
0xaa: {  	[dreg:$0x4] =	wrdreg $0xC0  }
0xab: {  	_ =	task [dreg:s7], $0x5FFFF  }
0xac: {  	[dreg:$0x1] =	wrdreg $0xFFFFFFFF  }
0xad: {  	[dreg:$0x0] =	wrdreg $0x60  }
0xae: {  	[dreg:$0x2] =	wrdreg s2  }
0xaf: {  	[dreg:$0x3] =	wrdreg s24  }
0xb0: {  	[dreg:$0x4] =	wrdreg $0xA4000  }
0xb1: {  	[dreg:$0x5] =	wrdreg $0x9  }
0xb2: {  	_ =	task.clear_ibuf [dreg:s7], $0x6FFFF;
	_ =	strace $0x90000046  }
0xb3: {  	s29 =	simm.s32 $0x9;
	_ =	strace $0x80000048  }
0xb4: {  	_ =	swait.ge [sflag:s29], $0x1  }
0xb5: {  	[sflag:s29] =	ssyncadd.s32 $0xFFFFFFFF  }
0xb6: {  	_ =	strace $0x90000048  }
0xb7: {  	_ =	sfence  }
0xb8: {  	s30 =	sld [smem:$0x0];
	_ =	sdelay $0x2  }
0xb9: {  	s31 =	sshll.u32 s1, $0xD;
	s1 =	sshrl.u32 s1, $0x2  }
0xba: {  	s3 =	sand.u32 $0x4000, s31;
	s1 =	sadd.s32 s1, s30  }
0xbb: {  	s0 =	sor.u32 s3, s0;
	s1 =	sshll.u32 s1, $0x11  }
0xbc: {  	s0 =	sor.u32 s1, s0  }
0xbd: {  	s0 =	sadd.s32 $0x8F2B, s0  }
0xbe: {  	[sflag:s0] =	ssyncadd.remote.s32 $0x1  }
0xbf: {  	_ =	sfence.sel $0xFFFF  }
0xc0: {  	[dreg:$0x0] =	wrdreg $0xFFFFFFFF;
	(pc) =	sbr.abs _section_cstart, $3  }
0xc1: {  	[dreg:$0x1] =	wrdreg $0xFFFFFFFF  }
0xc2: {  	_ =	task.clear_ibuf [dreg:s7], $0x2FFFF;
	_ =	strace $0x9FFFFFFF  }
0xc3: {  	(tm) =	ssettm $0x7FFFFFFF  }
tec
execute0_lowered:
.L_overlay_start_1:
0x0: {  	(tag) =	ssettag $0x1  }
0x1: {  	s0 =	rddreg [dreg:$0x0]  }
0x2: {  	s1 =	rddreg [dreg:$0x1];
	s2 =	srdreg.scid  }
0x3: {  	s3 =	rddreg [dreg:$0x2];
	s8 =	stileid.u32  }
0x4: {  	s4 =	simm.s32 $0x0;
	s2 =	sand.u32 $0x1, s2;
	s6 =	smul.u32 $0x13C00, s8  }
0x5: {  	[smem:$0x7FF] =	sst s4;
	s21 =	smul.u32 $0x4F000, s8;
	s9 =	sadd.s32 $0xE000, s1  }
0x6: {  	s10 =	sadd.s32 $0x4000, s1;
	s23 =	smul.u32 $0x900, s8;
	s11 =	sshll.u32 s8, $0x8  }
0x7: {  	s5 =	smul.u32 $0x13C000, s2;
	_ =	strace $0x80000047;
	s22 =	ssub.s32 $0x2, s2  }
0x8: {  	p0 =	seq.s32 s2, $0x1;
	s25 =	sor.u32 $0x9000, s11;
	s30 =	sor.u32 $0x9080, s11  }
0x9: {  	s7 =	sshrl.u32 s22, $0x1;
	s26 =	sadd.s32 s9, s25;
	s2 =	sadd.s32 s10, s25  }
0xa: {  	s11 =	sadd.s32 s10, s30;
	s5 =	sadd.s32 s6, s5;
	[dreg:$0x6] =	wrdreg s26  }
0xb: {  	s6 =	sshrl.u32 s21, $0x2;
	[dreg:$0x7] =	wrdreg s2;
	s5 =	sshrl.u32 s5, $0x3  }
0xc: {  	[dreg:$0x9] =	wrdreg s11;
	s18 =	sadd.s32 s6, s3;
	s1 =	sadd.s32 s5, s1  }
0xd: {  	s5 =	ssub.s32 s22, s7;
	s24 =	sadd.s32 $0x12C00, s18;
	[dreg:$0x4] =	wrdreg s18  }
0xe: {  	s7 =	sadd.s32 s9, s23;
	s9 =	sadd.s32 s9, s30;
	[dreg:$0x5] =	wrdreg s24  }
0xf: {  	s13 =	sadd.s32 $0x1400, s18;
	[dreg:$0x8] =	wrdreg s9  }
0x10: {  	s14 =	sadd.s32 $0x2800, s18;
	[dreg:$0xc] =	wrdreg s13  }
0x11: {  	s31 =	simm.s32 $0x6;
	s15 =	sadd.s32 $0x3C00, s18;
	[dreg:$0xd] =	wrdreg s14  }
0x12: {  	s29 =	simm.s32 $0x5;
	s16 =	sadd.s32 $0x5000, s18;
	[dreg:$0xe] =	wrdreg s15  }
0x13: {  	s28 =	simm.s32 $0xF00;
	s17 =	sadd.s32 $0x6400, s18;
	[dreg:$0xf] =	wrdreg s16  }
0x14: {  	s8 =	sadd.s32 s10, s23;
	s19 =	sadd.s32 $0x7800, s18;
	[dreg:$0x10] =	wrdreg s17  }
0x15: {  	s10 =	simm.s32 $0x1000;
	s20 =	sadd.s32 $0x8C00, s18;
	[dreg:$0x11] =	wrdreg s19  }
0x16: {  	s11 =	simm.s32 $0x1;
	s21 =	sadd.s32 $0xA000, s18;
	[dreg:$0x12] =	wrdreg s20  }
0x17: {  	s2 =	simm.s32 $0xC00;
	s22 =	sadd.s32 $0xB400, s18;
	[dreg:$0x13] =	wrdreg s21  }
0x18: {  	s6 =	simm.s32 $0x5000;
	s23 =	sadd.s32 $0xC800, s18;
	[dreg:$0x14] =	wrdreg s22  }
0x19: {  	s25 =	sadd.s32 $0xF000, s18;
	s26 =	sadd.s32 $0x10400, s18;
	[dreg:$0x15] =	wrdreg s23  }
0x1a: {  	s30 =	sadd.s32 $0x11800, s18;
	s1 =	sadd.s32 $0x18000, s1;
	[dreg:$0x17] =	wrdreg s25  }
0x1b: {  	s12 =	smax.u32 s5, $0x1;
	s24 =	sadd.s32 $0xDC00, s18;
	[dreg:$0x18] =	wrdreg s26  }
0x1c: {  	[dreg:$0x19] =	wrdreg s30;
	s9 =	simm.s32 $0x80;
	s13 =	simm.s32 $0x2  }
0x1d: {  	s14 =	simm.s32 $0x3;
	s17 =	simm.s32 $0x4;
	s19 =	simm.s32 $0xD00  }
.Ltmp0:
0x1e: {  	s20 =	simm.s32 $0x600;
	s21 =	simm.s32 $0xD80;
	(pc) =	sbr.rel .LBB2_1-.Ltmp0, $4  }
0x1f: {  	s22 =	simm.s32 $0x680;
	s23 =	simm.s32 $0xE00;
	[dreg:$0xa] =	wrdreg s1  }
0x20: {  	s25 =	simm.s32 $0xE80;
	s26 =	simm.s32 $0x780;
	[dreg:$0xb] =	wrdreg s12  }
0x21: {  	s5 =	simm.s32 $0xF80;
	s16 =	simm.s32 $0x0;
	[dreg:$0x16] =	wrdreg s24  }
0x22: {  	v0 =	vimm.f32 $0.0e+00;
	s1 =	simm.s32 $0x800;
	s12 =	simm.s32 $0x400;
	s24 =	simm.s32 $0x700  }
.LBB2_7:
0x23: {  	s15 =	rddreg [dreg:$0x6]  }
0x24: {  	[tilespmem:s4], [sflag:$0x6] =	stream.linear.gather [hbm4b:s15+s4], $0x400, $0x38;
	[tilespmem:$0x1E000] =	vst v63  }
0x25: {  	_ =	swait.ge [sflag:s31], $0x400  }
0x26: {  	[sflag:s31] =	ssyncset.done $0x0  }
0x27: {  	s18 =	rddreg [dreg:$0x7];
	[sflag:s31] =	ssyncadd.s32 $0xFFFFFC00  }
0x28: {  	[tilespmem:s1], [sflag:$0x6] =	stream.linear.gather [hbm4b:s18+s4], $0x400, $0x38;
	[tilespmem:$0x1E000] =	vst v63  }
0x29: {  	_ =	swait.ge [sflag:s31], $0x400  }
0x2a: {  	[sflag:s31] =	ssyncset.done $0x0  }
0x2b: {  	[sflag:s31] =	ssyncadd.s32 $0xFFFFFC00  }
0x2c: {  	[tilespmem:s10], [sflag:$0x1] =	stream.indirect.gather [hbm4b:s0+s9], $0x80, s4, s9, $0xb8;
	[tilespmem:$0x1E000] =	vst v63  }
0x2d: {  	_ =	swait.ge [sflag:s11], $0x4000  }
0x2e: {  	[sflag:s11] =	ssyncset.done $0x0  }
0x2f: {  	s30 =	rddreg [dreg:$0x8];
	[sflag:s11] =	ssyncadd.s32 $0xFFFFC000  }
0x30: {  	[tilespmem:s12], [sflag:$0x5] =	stream.linear.gather [hbm4b:s30+s4], $0x400, $0x38;
	[tilespmem:$0x1E000] =	vst v63  }
0x31: {  	s16 =	rddreg [dreg:$0x9]  }
0x32: {  	[tilespmem:s2], [sflag:$0x5] =	stream.linear.gather [hbm4b:s16+s4], $0x400, $0x38;
	[tilespmem:$0x1E000] =	vst v63  }
0x33: {  	_ = 	snop  }
0x34: {  	[tilespmem:s6], [sflag:$0x2] =	stream.indirect.gather [hbm4b:s0+s9], $0x80, s9, s9, $0xb8;
	[tilespmem:$0x1E000] =	vst v63  }
0x35: {  	_ = 	snop  }
0x36: {  	[spmem:s3] =	stream.indirect.scatter.add.f32 [tilespmem:s10], [sflag:$0x3], $0x80, s1, s9, $0xb8;
	[tilespmem:$0x1E000] =	vst v63  }
0x37: {  	_ =	swait.ge [sflag:s13], $0x4000  }
0x38: {  	[sflag:s13] =	ssyncset.done $0x0  }
0x39: {  	[sflag:s13] =	ssyncadd.s32 $0xFFFFC000  }
0x3a: {  	_ =	swait.ge [sflag:s14], $0x4000  }
0x3b: {  	[sflag:s14] =	ssyncset.done $0x0  }
0x3c: {  	s18 =	simm.s32 $0x100;
	[sflag:s14] =	ssyncadd.s32 $0xFFFFC000  }
0x3d: {  	[tilespmem:s10], [sflag:$0x1] =	stream.indirect.gather [hbm4b:s0+s9], $0x80, s18, s9, $0xb8;
	[tilespmem:$0x1E000] =	vst v63  }
0x3e: {  	s30 =	simm.s32 $0x880  }
0x3f: {  	[spmem:s3] =	stream.indirect.scatter.add.f32 [tilespmem:s6], [sflag:$0x4], $0x80, s30, s9, $0xb8;
	[tilespmem:$0x1E000] =	vst v63  }
0x40: {  	_ =	swait.ge [sflag:s11], $0x4000  }
0x41: {  	[sflag:s11] =	ssyncset.done $0x0  }
0x42: {  	[sflag:s11] =	ssyncadd.s32 $0xFFFFC000  }
0x43: {  	_ =	swait.ge [sflag:s17], $0x4000  }
0x44: {  	[sflag:s17] =	ssyncset.done $0x0  }
0x45: {  	s16 =	simm.s32 $0x180;
	[sflag:s17] =	ssyncadd.s32 $0xFFFFC000  }
0x46: {  	[tilespmem:s6], [sflag:$0x2] =	stream.indirect.gather [hbm4b:s0+s9], $0x80, s16, s9, $0xb8;
	[tilespmem:$0x1E000] =	vst v63  }
0x47: {  	s18 =	simm.s32 $0x900  }
0x48: {  	[spmem:s3] =	stream.indirect.scatter.add.f32 [tilespmem:s10], [sflag:$0x3], $0x80, s18, s9, $0xb8;
	[tilespmem:$0x1E000] =	vst v63  }
0x49: {  	_ =	swait.ge [sflag:s13], $0x4000  }
0x4a: {  	[sflag:s13] =	ssyncset.done $0x0  }
0x4b: {  	[sflag:s13] =	ssyncadd.s32 $0xFFFFC000  }
0x4c: {  	_ =	swait.ge [sflag:s14], $0x4000  }
0x4d: {  	[sflag:s14] =	ssyncset.done $0x0  }
0x4e: {  	s30 =	simm.s32 $0x200;
	[sflag:s14] =	ssyncadd.s32 $0xFFFFC000  }
0x4f: {  	[tilespmem:s10], [sflag:$0x1] =	stream.indirect.gather [hbm4b:s0+s9], $0x80, s30, s9, $0xb8;
	[tilespmem:$0x1E000] =	vst v63  }
0x50: {  	s16 =	simm.s32 $0x980  }
0x51: {  	[spmem:s3] =	stream.indirect.scatter.add.f32 [tilespmem:s6], [sflag:$0x4], $0x80, s16, s9, $0xb8;
	[tilespmem:$0x1E000] =	vst v63  }
0x52: {  	_ =	swait.ge [sflag:s11], $0x4000  }
0x53: {  	[sflag:s11] =	ssyncset.done $0x0  }
0x54: {  	[sflag:s11] =	ssyncadd.s32 $0xFFFFC000  }
0x55: {  	_ =	swait.ge [sflag:s17], $0x4000  }
0x56: {  	[sflag:s17] =	ssyncset.done $0x0  }
0x57: {  	s18 =	simm.s32 $0x280;
	[sflag:s17] =	ssyncadd.s32 $0xFFFFC000  }
0x58: {  	[tilespmem:s6], [sflag:$0x2] =	stream.indirect.gather [hbm4b:s0+s9], $0x80, s18, s9, $0xb8;
	[tilespmem:$0x1E000] =	vst v63  }
0x59: {  	s30 =	simm.s32 $0xA00  }
0x5a: {  	[spmem:s3] =	stream.indirect.scatter.add.f32 [tilespmem:s10], [sflag:$0x3], $0x80, s30, s9, $0xb8;
	[tilespmem:$0x1E000] =	vst v63  }
0x5b: {  	_ =	swait.ge [sflag:s13], $0x4000  }
0x5c: {  	[sflag:s13] =	ssyncset.done $0x0  }
0x5d: {  	[sflag:s13] =	ssyncadd.s32 $0xFFFFC000  }
0x5e: {  	_ =	swait.ge [sflag:s14], $0x4000  }
0x5f: {  	[sflag:s14] =	ssyncset.done $0x0  }
0x60: {  	s16 =	simm.s32 $0x300;
	[sflag:s14] =	ssyncadd.s32 $0xFFFFC000  }
0x61: {  	[tilespmem:s10], [sflag:$0x1] =	stream.indirect.gather [hbm4b:s0+s9], $0x80, s16, s9, $0xb8;
	[tilespmem:$0x1E000] =	vst v63  }
0x62: {  	s18 =	simm.s32 $0xA80  }
0x63: {  	[spmem:s3] =	stream.indirect.scatter.add.f32 [tilespmem:s6], [sflag:$0x4], $0x80, s18, s9, $0xb8;
	[tilespmem:$0x1E000] =	vst v63  }
0x64: {  	_ =	swait.ge [sflag:s11], $0x4000  }
0x65: {  	[sflag:s11] =	ssyncset.done $0x0  }
0x66: {  	[sflag:s11] =	ssyncadd.s32 $0xFFFFC000  }
0x67: {  	_ =	swait.ge [sflag:s17], $0x4000  }
0x68: {  	[sflag:s17] =	ssyncset.done $0x0  }
0x69: {  	s30 =	simm.s32 $0x380;
	[sflag:s17] =	ssyncadd.s32 $0xFFFFC000  }
0x6a: {  	[tilespmem:s6], [sflag:$0x2] =	stream.indirect.gather [hbm4b:s0+s9], $0x80, s30, s9, $0xb8;
	[tilespmem:$0x1E000] =	vst v63  }
0x6b: {  	s16 =	simm.s32 $0xB00  }
0x6c: {  	[spmem:s3] =	stream.indirect.scatter.add.f32 [tilespmem:s10], [sflag:$0x3], $0x80, s16, s9, $0xb8;
	[tilespmem:$0x1E000] =	vst v63  }
0x6d: {  	_ =	swait.ge [sflag:s13], $0x4000  }
0x6e: {  	[sflag:s13] =	ssyncset.done $0x0  }
0x6f: {  	[sflag:s13] =	ssyncadd.s32 $0xFFFFC000  }
0x70: {  	_ =	swait.ge [sflag:s14], $0x4000  }
0x71: {  	[sflag:s14] =	ssyncset.done $0x0  }
0x72: {  	[sflag:s14] =	ssyncadd.s32 $0xFFFFC000  }
0x73: {  	_ =	swait.ge [sflag:s29], $0x400  }
0x74: {  	[sflag:s29] =	ssyncset.done $0x0  }
0x75: {  	[sflag:s29] =	ssyncadd.s32 $0xFFFFFC00  }
0x76: {  	_ =	swait.ge [sflag:s29], $0x400  }
0x77: {  	[sflag:s29] =	ssyncset.done $0x0  }
0x78: {  	[sflag:s29] =	ssyncadd.s32 $0xFFFFFC00  }
0x79: {  	[tilespmem:s10], [sflag:$0x1] =	stream.indirect.gather [hbm4b:s0+s9], $0x80, s12, s9, $0xb8;
	[tilespmem:$0x1E000] =	vst v63  }
0x7a: {  	s18 =	simm.s32 $0xB80  }
0x7b: {  	[spmem:s3] =	stream.indirect.scatter.add.f32 [tilespmem:s6], [sflag:$0x4], $0x80, s18, s9, $0xb8;
	[tilespmem:$0x1E000] =	vst v63  }
0x7c: {  	_ =	swait.ge [sflag:s11], $0x4000  }
0x7d: {  	[sflag:s11] =	ssyncset.done $0x0  }
0x7e: {  	[sflag:s11] =	ssyncadd.s32 $0xFFFFC000  }
0x7f: {  	_ =	swait.ge [sflag:s17], $0x4000  }
0x80: {  	[sflag:s17] =	ssyncset.done $0x0  }
0x81: {  	s30 =	simm.s32 $0x480;
	[sflag:s17] =	ssyncadd.s32 $0xFFFFC000  }
0x82: {  	[tilespmem:s6], [sflag:$0x2] =	stream.indirect.gather [hbm4b:s0+s9], $0x80, s30, s9, $0xb8;
	[tilespmem:$0x1E000] =	vst v63  }
0x83: {  	_ = 	snop  }
0x84: {  	[spmem:s3] =	stream.indirect.scatter.add.f32 [tilespmem:s10], [sflag:$0x3], $0x80, s2, s9, $0xb8;
	[tilespmem:$0x1E000] =	vst v63  }
0x85: {  	_ =	swait.ge [sflag:s13], $0x4000  }
0x86: {  	[sflag:s13] =	ssyncset.done $0x0  }
0x87: {  	[sflag:s13] =	ssyncadd.s32 $0xFFFFC000  }
0x88: {  	_ =	swait.ge [sflag:s14], $0x4000  }
0x89: {  	[sflag:s14] =	ssyncset.done $0x0  }
0x8a: {  	s16 =	simm.s32 $0x500;
	[sflag:s14] =	ssyncadd.s32 $0xFFFFC000  }
0x8b: {  	[tilespmem:s10], [sflag:$0x1] =	stream.indirect.gather [hbm4b:s0+s9], $0x80, s16, s9, $0xb8;
	[tilespmem:$0x1E000] =	vst v63  }
0x8c: {  	s18 =	simm.s32 $0xC80  }
0x8d: {  	[spmem:s3] =	stream.indirect.scatter.add.f32 [tilespmem:s6], [sflag:$0x4], $0x80, s18, s9, $0xb8;
	[tilespmem:$0x1E000] =	vst v63  }
0x8e: {  	_ =	swait.ge [sflag:s11], $0x4000  }
0x8f: {  	[sflag:s11] =	ssyncset.done $0x0  }
0x90: {  	[sflag:s11] =	ssyncadd.s32 $0xFFFFC000  }
0x91: {  	_ =	swait.ge [sflag:s17], $0x4000  }
0x92: {  	[sflag:s17] =	ssyncset.done $0x0  }
0x93: {  	s30 =	simm.s32 $0x580;
	[sflag:s17] =	ssyncadd.s32 $0xFFFFC000  }
0x94: {  	[tilespmem:s6], [sflag:$0x2] =	stream.indirect.gather [hbm4b:s0+s9], $0x80, s30, s9, $0xb8;
	[tilespmem:$0x1E000] =	vst v63  }
0x95: {  	_ = 	snop  }
0x96: {  	[spmem:s3] =	stream.indirect.scatter.add.f32 [tilespmem:s10], [sflag:$0x3], $0x80, s19, s9, $0xb8;
	[tilespmem:$0x1E000] =	vst v63  }
0x97: {  	_ =	swait.ge [sflag:s13], $0x4000  }
0x98: {  	[sflag:s13] =	ssyncset.done $0x0  }
0x99: {  	[sflag:s13] =	ssyncadd.s32 $0xFFFFC000  }
0x9a: {  	_ =	swait.ge [sflag:s14], $0x4000  }
0x9b: {  	[sflag:s14] =	ssyncset.done $0x0  }
0x9c: {  	[sflag:s14] =	ssyncadd.s32 $0xFFFFC000  }
0x9d: {  	[tilespmem:s10], [sflag:$0x1] =	stream.indirect.gather [hbm4b:s0+s9], $0x80, s20, s9, $0xb8;
	[tilespmem:$0x1E000] =	vst v63  }
0x9e: {  	_ = 	snop  }
0x9f: {  	[spmem:s3] =	stream.indirect.scatter.add.f32 [tilespmem:s6], [sflag:$0x4], $0x80, s21, s9, $0xb8;
	[tilespmem:$0x1E000] =	vst v63  }
0xa0: {  	_ =	swait.ge [sflag:s11], $0x4000  }
0xa1: {  	[sflag:s11] =	ssyncset.done $0x0  }
0xa2: {  	[sflag:s11] =	ssyncadd.s32 $0xFFFFC000  }
0xa3: {  	_ =	swait.ge [sflag:s17], $0x4000  }
0xa4: {  	[sflag:s17] =	ssyncset.done $0x0  }
0xa5: {  	[sflag:s17] =	ssyncadd.s32 $0xFFFFC000  }
0xa6: {  	[tilespmem:s6], [sflag:$0x2] =	stream.indirect.gather [hbm4b:s0+s9], $0x80, s22, s9, $0xb8;
	[tilespmem:$0x1E000] =	vst v63  }
0xa7: {  	_ = 	snop  }
0xa8: {  	[spmem:s3] =	stream.indirect.scatter.add.f32 [tilespmem:s10], [sflag:$0x3], $0x80, s23, s9, $0xb8;
	[tilespmem:$0x1E000] =	vst v63  }
0xa9: {  	_ =	swait.ge [sflag:s13], $0x4000  }
0xaa: {  	[sflag:s13] =	ssyncset.done $0x0  }
0xab: {  	[sflag:s13] =	ssyncadd.s32 $0xFFFFC000  }
0xac: {  	_ =	swait.ge [sflag:s14], $0x4000  }
0xad: {  	[sflag:s14] =	ssyncset.done $0x0  }
0xae: {  	[sflag:s14] =	ssyncadd.s32 $0xFFFFC000  }
0xaf: {  	[tilespmem:s10], [sflag:$0x1] =	stream.indirect.gather [hbm4b:s0+s9], $0x80, s24, s9, $0xb8;
	[tilespmem:$0x1E000] =	vst v63  }
0xb0: {  	_ = 	snop  }
0xb1: {  	[spmem:s3] =	stream.indirect.scatter.add.f32 [tilespmem:s6], [sflag:$0x4], $0x80, s25, s9, $0xb8;
	[tilespmem:$0x1E000] =	vst v63  }
0xb2: {  	_ =	swait.ge [sflag:s11], $0x4000  }
0xb3: {  	[sflag:s11] =	ssyncset.done $0x0  }
0xb4: {  	[sflag:s11] =	ssyncadd.s32 $0xFFFFC000  }
0xb5: {  	_ =	swait.ge [sflag:s17], $0x4000  }
0xb6: {  	[sflag:s17] =	ssyncset.done $0x0  }
0xb7: {  	[sflag:s17] =	ssyncadd.s32 $0xFFFFC000  }
0xb8: {  	[tilespmem:s6], [sflag:$0x2] =	stream.indirect.gather [hbm4b:s0+s9], $0x80, s26, s9, $0xb8;
	[tilespmem:$0x1E000] =	vst v63  }
0xb9: {  	_ = 	snop  }
0xba: {  	[spmem:s3] =	stream.indirect.scatter.add.f32 [tilespmem:s10], [sflag:$0x3], $0x80, s28, s9, $0xb8;
	[tilespmem:$0x1E000] =	vst v63  }
0xbb: {  	_ =	swait.ge [sflag:s13], $0x4000  }
0xbc: {  	[sflag:s13] =	ssyncset.done $0x0  }
0xbd: {  	[sflag:s13] =	ssyncadd.s32 $0xFFFFC000  }
0xbe: {  	_ =	swait.ge [sflag:s14], $0x4000  }
0xbf: {  	[sflag:s14] =	ssyncset.done $0x0  }
0xc0: {  	[sflag:s14] =	ssyncadd.s32 $0xFFFFC000  }
.LBB2_8:
0xc1: {  	[spmem:s3] =	stream.indirect.scatter.add.f32 [tilespmem:s6], [sflag:$0x4], $0x80, s5, s9, $0xb8;
	[tilespmem:$0x1E000] =	vst v63  }
0xc2: {  	_ =	swait.ge [sflag:s17], $0x4000  }
0xc3: {  	[sflag:s17] =	ssyncset.done $0x0  }
0xc4: {  	[sflag:s17] =	ssyncadd.s32 $0xFFFFC000  }
0xc5: {  	s15 =	stileid.u32;
	[bflag:$0x0] =	sbarrier.arrive $0xFFFF  }
0xc6: {  	s15 =	sshll.u32 s15, $0x6;
	s18 =	rddreg [dreg:$0x4]  }
0xc7: {  	s15 =	sor.u32 $0x1C06, s15;
	s30 =	rddreg [dreg:$0xa];
	s16 =	sshrl.u32 s18, $0x3  }
0xc8: {  	[hbm:s30], [sflag:s15] =	dma.local [spmem:s16], $0x2780  }
0xc9: {  	_ =	swait.ge [sflag:s31], $0x2780  }
0xca: {  	s15 =	rddreg [dreg:$0x1a]  }
0xcb: {  	s30 =	rddreg [dreg:$0xb];
	s16 =	sadd.s32 $0x1, s15  }
0xcc: {  	p1 =	sne.s32 s16, s30  }
.Ltmp1:
0xcd: {  	_ = 	snop;
	(pc) =	sbr.rel @!p1 .LBB2_9-.Ltmp1, $3  }
0xce: {  	_ =	sdelay $0x1  }
0xcf: {  	[sflag:s31] =	ssyncset.done $0x0  }
0xd0: {  	[sflag:s31] =	ssyncadd.s32 $0xFFFFD880  }
.LBB2_1:
0xd1: {  	[dreg:$0x1a] =	wrdreg s16;
	s30 =	simm.s32 $0x0;
	s15 =	simm.s32 $0x200  }
.LBB2_2:
0xd2: {  	p1 =	sne.s32 s15, $0x4E00;
	[tilespmem:s30+$0x9070] =	vst v0  }
0xd3: {  	[tilespmem:s30+$0x9000] =	vst v0  }
0xd4: {  	[tilespmem:s30+$0x9010] =	vst v0  }
.Ltmp2:
0xd5: {  	[tilespmem:s30+$0x9020] =	vst v0;
	(pc) =	sbr.rel @p1 .LBB2_2-.Ltmp2, $4  }
0xd6: {  	[tilespmem:s30+$0x9030] =	vst v0  }
0xd7: {  	[tilespmem:s30+$0x9040] =	vst v0  }
0xd8: {  	[tilespmem:s30+$0x9050] =	vst v0  }
0xd9: {  	[tilespmem:s30+$0x9060] =	vst v0;
	s30 =	sshra.s32 s15, $0x2;
	s15 =	sadd.s32 $0x200, s15  }
0xda: {  	[tilespmem:s30+$0x9070] =	vst v0  }
0xdb: {  	[tilespmem:s30+$0x9000] =	vst v0  }
0xdc: {  	[tilespmem:s30+$0x9010] =	vst v0  }
0xdd: {  	[tilespmem:s30+$0x9020] =	vst v0  }
0xde: {  	[tilespmem:s30+$0x9030] =	vst v0  }
0xdf: {  	[tilespmem:s30+$0x9040] =	vst v0  }
0xe0: {  	[tilespmem:s30+$0x9050] =	vst v0  }
0xe1: {  	[tilespmem:s30+$0x9060] =	vst v0;
	s16 =	simm.s32 $0x9000  }
0xe2: {  	[spmem:s18] =	stream.linear.scatter [tilespmem:s16], [sflag:$0x6], $0x1400, $0x38;
	[tilespmem:$0x1E000] =	vst v63  }
0xe3: {  	_ =	swait.ge [sflag:s31], $0x1400  }
0xe4: {  	[sflag:s31] =	ssyncset.done $0x0  }
0xe5: {  	s15 =	rddreg [dreg:$0xc];
	[sflag:s31] =	ssyncadd.s32 $0xFFFFEC00  }
0xe6: {  	[spmem:s15] =	stream.linear.scatter [tilespmem:s16], [sflag:$0x6], $0x1400, $0x38;
	[tilespmem:$0x1E000] =	vst v63  }
0xe7: {  	_ =	swait.ge [sflag:s31], $0x1400  }
0xe8: {  	[sflag:s31] =	ssyncset.done $0x0  }
0xe9: {  	s18 =	rddreg [dreg:$0xd];
	[sflag:s31] =	ssyncadd.s32 $0xFFFFEC00  }
0xea: {  	[spmem:s18] =	stream.linear.scatter [tilespmem:s16], [sflag:$0x6], $0x1400, $0x38;
	[tilespmem:$0x1E000] =	vst v63  }
0xeb: {  	_ =	swait.ge [sflag:s31], $0x1400  }
0xec: {  	[sflag:s31] =	ssyncset.done $0x0  }
0xed: {  	s30 =	rddreg [dreg:$0xe];
	[sflag:s31] =	ssyncadd.s32 $0xFFFFEC00  }
0xee: {  	[spmem:s30] =	stream.linear.scatter [tilespmem:s16], [sflag:$0x6], $0x1400, $0x38;
	[tilespmem:$0x1E000] =	vst v63  }
0xef: {  	_ =	swait.ge [sflag:s31], $0x1400  }
0xf0: {  	[sflag:s31] =	ssyncset.done $0x0  }
0xf1: {  	s18 =	rddreg [dreg:$0xf];
	[sflag:s31] =	ssyncadd.s32 $0xFFFFEC00  }
0xf2: {  	[spmem:s18] =	stream.linear.scatter [tilespmem:s16], [sflag:$0x6], $0x1400, $0x38;
	[tilespmem:$0x1E000] =	vst v63  }
0xf3: {  	_ =	swait.ge [sflag:s31], $0x1400  }
0xf4: {  	[sflag:s31] =	ssyncset.done $0x0  }
0xf5: {  	s30 =	rddreg [dreg:$0x10];
	[sflag:s31] =	ssyncadd.s32 $0xFFFFEC00  }
0xf6: {  	[spmem:s30] =	stream.linear.scatter [tilespmem:s16], [sflag:$0x6], $0x1400, $0x38;
	[tilespmem:$0x1E000] =	vst v63  }
0xf7: {  	_ =	swait.ge [sflag:s31], $0x1400  }
0xf8: {  	[sflag:s31] =	ssyncset.done $0x0  }
0xf9: {  	s18 =	rddreg [dreg:$0x11];
	[sflag:s31] =	ssyncadd.s32 $0xFFFFEC00  }
0xfa: {  	[spmem:s18] =	stream.linear.scatter [tilespmem:s16], [sflag:$0x6], $0x1400, $0x38;
	[tilespmem:$0x1E000] =	vst v63  }
0xfb: {  	_ =	swait.ge [sflag:s31], $0x1400  }
0xfc: {  	[sflag:s31] =	ssyncset.done $0x0  }
0xfd: {  	s30 =	rddreg [dreg:$0x12];
	[sflag:s31] =	ssyncadd.s32 $0xFFFFEC00  }
0xfe: {  	[spmem:s30] =	stream.linear.scatter [tilespmem:s16], [sflag:$0x6], $0x1400, $0x38;
	[tilespmem:$0x1E000] =	vst v63  }
0xff: {  	_ =	swait.ge [sflag:s31], $0x1400  }
0x100: {  	[sflag:s31] =	ssyncset.done $0x0  }
0x101: {  	s18 =	rddreg [dreg:$0x13];
	[sflag:s31] =	ssyncadd.s32 $0xFFFFEC00  }
0x102: {  	[spmem:s18] =	stream.linear.scatter [tilespmem:s16], [sflag:$0x6], $0x1400, $0x38;
	[tilespmem:$0x1E000] =	vst v63  }
0x103: {  	_ =	swait.ge [sflag:s31], $0x1400  }
0x104: {  	[sflag:s31] =	ssyncset.done $0x0  }
0x105: {  	s30 =	rddreg [dreg:$0x14];
	[sflag:s31] =	ssyncadd.s32 $0xFFFFEC00  }
0x106: {  	[spmem:s30] =	stream.linear.scatter [tilespmem:s16], [sflag:$0x6], $0x1400, $0x38;
	[tilespmem:$0x1E000] =	vst v63  }
0x107: {  	_ =	swait.ge [sflag:s31], $0x1400  }
0x108: {  	[sflag:s31] =	ssyncset.done $0x0  }
0x109: {  	s18 =	rddreg [dreg:$0x15];
	[sflag:s31] =	ssyncadd.s32 $0xFFFFEC00  }
0x10a: {  	[spmem:s18] =	stream.linear.scatter [tilespmem:s16], [sflag:$0x6], $0x1400, $0x38;
	[tilespmem:$0x1E000] =	vst v63  }
0x10b: {  	_ =	swait.ge [sflag:s31], $0x1400  }
0x10c: {  	[sflag:s31] =	ssyncset.done $0x0  }
0x10d: {  	s30 =	rddreg [dreg:$0x16];
	[sflag:s31] =	ssyncadd.s32 $0xFFFFEC00  }
0x10e: {  	[spmem:s30] =	stream.linear.scatter [tilespmem:s16], [sflag:$0x6], $0x1400, $0x38;
	[tilespmem:$0x1E000] =	vst v63  }
0x10f: {  	_ =	swait.ge [sflag:s31], $0x1400  }
0x110: {  	[sflag:s31] =	ssyncset.done $0x0  }
0x111: {  	s18 =	rddreg [dreg:$0x17];
	[sflag:s31] =	ssyncadd.s32 $0xFFFFEC00  }
0x112: {  	[spmem:s18] =	stream.linear.scatter [tilespmem:s16], [sflag:$0x6], $0x1400, $0x38;
	[tilespmem:$0x1E000] =	vst v63  }
0x113: {  	_ =	swait.ge [sflag:s31], $0x1400  }
0x114: {  	[sflag:s31] =	ssyncset.done $0x0  }
0x115: {  	s30 =	rddreg [dreg:$0x18];
	[sflag:s31] =	ssyncadd.s32 $0xFFFFEC00  }
0x116: {  	[spmem:s30] =	stream.linear.scatter [tilespmem:s16], [sflag:$0x6], $0x1400, $0x38;
	[tilespmem:$0x1E000] =	vst v63  }
0x117: {  	_ =	swait.ge [sflag:s31], $0x1400  }
0x118: {  	[sflag:s31] =	ssyncset.done $0x0  }
0x119: {  	s18 =	rddreg [dreg:$0x19];
	[sflag:s31] =	ssyncadd.s32 $0xFFFFEC00  }
0x11a: {  	[spmem:s18] =	stream.linear.scatter [tilespmem:s16], [sflag:$0x6], $0x1400, $0x38;
	[tilespmem:$0x1E000] =	vst v63  }
0x11b: {  	_ =	swait.ge [sflag:s31], $0x1400  }
0x11c: {  	[sflag:s31] =	ssyncset.done $0x0  }
0x11d: {  	s30 =	rddreg [dreg:$0x5];
	[sflag:s31] =	ssyncadd.s32 $0xFFFFEC00  }
0x11e: {  	[spmem:s30] =	stream.linear.scatter [tilespmem:s16], [sflag:$0x6], $0x1000, $0x38;
	[tilespmem:$0x1E000] =	vst v63  }
.Ltmp3:
0x11f: {  	_ =	swait.ge [sflag:s31], $0x1000;
	(pc) =	sbr.rel @p0 .LBB2_7-.Ltmp3, $3  }
0x120: {  	[sflag:s31] =	ssyncset.done $0x0  }
0x121: {  	[sflag:s31] =	ssyncadd.s32 $0xFFFFF000  }
0x122: {  	[bflag:$0x0] =	sbarrier.arrive $0xFFFF;
	_ =	sdelay $0x1  }
0x123: {  	s30 =	simm.s32 $0x0  }
0x124: {  	[tilespmem:s30], [sflag:$0x6] =	stream.linear.gather [hbm4b:s7+s30], $0x400, $0x38;
	[tilespmem:$0x1E000] =	vst v63  }
0x125: {  	_ =	swait.ge [sflag:s31], $0x400  }
0x126: {  	[sflag:s31] =	ssyncset.done $0x0  }
0x127: {  	[sflag:s31] =	ssyncadd.s32 $0xFFFFFC00  }
0x128: {  	[tilespmem:s1], [sflag:$0x6] =	stream.linear.gather [hbm4b:s8+s30], $0x400, $0x38;
	[tilespmem:$0x1E000] =	vst v63  }
0x129: {  	_ =	swait.ge [sflag:s31], $0x400  }
0x12a: {  	[sflag:s31] =	ssyncset.done $0x0  }
0x12b: {  	[sflag:s31] =	ssyncadd.s32 $0xFFFFFC00  }
0x12c: {  	[tilespmem:s10], [sflag:$0x1] =	stream.indirect.gather [hbm4b:s0+s9], $0x80, s30, s9, $0xb8;
	[tilespmem:$0x1E000] =	vst v63  }
.LBB2_5:
0x12d: {  	_ =	swait.ge [sflag:s11], $0x4000  }
0x12e: {  	p1 =	seq.s32 s30, $0x0;
	[sflag:s11] =	ssyncset.done $0x0  }
0x12f: {  	s15 =	simm.s32 @!p1 $0x4;
	[sflag:s11] =	ssyncadd.s32 $0xFFFFC000  }
0x130: {  	_ =	swait.ge @!p1 [sflag:s15], $0x4000  }
0x131: {  	s16 =	sadd.s32 s30, s7;
	[sflag:s15] =	ssyncset.done @!p1 $0x0  }
0x132: {  	s18 =	sadd.s32 s30, s8;
	s16 =	sadd.s32 $0x80, s16;
	[sflag:s15] =	ssyncadd.s32 @!p1 $0xFFFFC000  }
0x133: {  	[tilespmem:s12], [sflag:$0x5] =	stream.linear.gather [hbm4b:s16+s4], $0x400, $0x38;
	[tilespmem:$0x1E000] =	vst v63  }
0x134: {  	s16 =	sadd.s32 $0x80, s18  }
0x135: {  	[tilespmem:s2], [sflag:$0x5] =	stream.linear.gather [hbm4b:s16+s4], $0x400, $0x38;
	[tilespmem:$0x1E000] =	vst v63  }
0x136: {  	_ = 	snop  }
0x137: {  	[tilespmem:s6], [sflag:$0x2] =	stream.indirect.gather [hbm4b:s0+s9], $0x80, s9, s9, $0xb8;
	[tilespmem:$0x1E000] =	vst v63  }
0x138: {  	_ = 	snop  }
0x139: {  	[spmem:s3] =	stream.indirect.scatter.add.f32 [tilespmem:s10], [sflag:$0x3], $0x80, s1, s9, $0xb8;
	[tilespmem:$0x1E000] =	vst v63  }
0x13a: {  	_ =	swait.ge [sflag:s13], $0x4000  }
0x13b: {  	[sflag:s13] =	ssyncset.done $0x0  }
0x13c: {  	[sflag:s13] =	ssyncadd.s32 $0xFFFFC000  }
0x13d: {  	_ =	swait.ge [sflag:s14], $0x4000  }
0x13e: {  	[sflag:s14] =	ssyncset.done $0x0  }
0x13f: {  	s18 =	simm.s32 $0x100;
	[sflag:s14] =	ssyncadd.s32 $0xFFFFC000  }
0x140: {  	[tilespmem:s10], [sflag:$0x1] =	stream.indirect.gather [hbm4b:s0+s9], $0x80, s18, s9, $0xb8;
	[tilespmem:$0x1E000] =	vst v63  }
0x141: {  	s16 =	simm.s32 $0x880  }
0x142: {  	[spmem:s3] =	stream.indirect.scatter.add.f32 [tilespmem:s6], [sflag:$0x4], $0x80, s16, s9, $0xb8;
	[tilespmem:$0x1E000] =	vst v63  }
0x143: {  	_ =	swait.ge [sflag:s11], $0x4000  }
0x144: {  	[sflag:s11] =	ssyncset.done $0x0  }
0x145: {  	[sflag:s11] =	ssyncadd.s32 $0xFFFFC000  }
0x146: {  	_ =	swait.ge [sflag:s17], $0x4000  }
0x147: {  	[sflag:s17] =	ssyncset.done $0x0  }
0x148: {  	s18 =	simm.s32 $0x180;
	[sflag:s17] =	ssyncadd.s32 $0xFFFFC000  }
0x149: {  	[tilespmem:s6], [sflag:$0x2] =	stream.indirect.gather [hbm4b:s0+s9], $0x80, s18, s9, $0xb8;
	[tilespmem:$0x1E000] =	vst v63  }
0x14a: {  	s16 =	simm.s32 $0x900  }
0x14b: {  	[spmem:s3] =	stream.indirect.scatter.add.f32 [tilespmem:s10], [sflag:$0x3], $0x80, s16, s9, $0xb8;
	[tilespmem:$0x1E000] =	vst v63  }
0x14c: {  	_ =	swait.ge [sflag:s13], $0x4000  }
0x14d: {  	[sflag:s13] =	ssyncset.done $0x0  }
0x14e: {  	[sflag:s13] =	ssyncadd.s32 $0xFFFFC000  }
0x14f: {  	_ =	swait.ge [sflag:s14], $0x4000  }
0x150: {  	[sflag:s14] =	ssyncset.done $0x0  }
0x151: {  	s18 =	simm.s32 $0x200;
	[sflag:s14] =	ssyncadd.s32 $0xFFFFC000  }
0x152: {  	[tilespmem:s10], [sflag:$0x1] =	stream.indirect.gather [hbm4b:s0+s9], $0x80, s18, s9, $0xb8;
	[tilespmem:$0x1E000] =	vst v63  }
0x153: {  	s16 =	simm.s32 $0x980  }
0x154: {  	[spmem:s3] =	stream.indirect.scatter.add.f32 [tilespmem:s6], [sflag:$0x4], $0x80, s16, s9, $0xb8;
	[tilespmem:$0x1E000] =	vst v63  }
0x155: {  	_ =	swait.ge [sflag:s11], $0x4000  }
0x156: {  	[sflag:s11] =	ssyncset.done $0x0  }
0x157: {  	[sflag:s11] =	ssyncadd.s32 $0xFFFFC000  }
0x158: {  	_ =	swait.ge [sflag:s17], $0x4000  }
0x159: {  	[sflag:s17] =	ssyncset.done $0x0  }
0x15a: {  	s18 =	simm.s32 $0x280;
	[sflag:s17] =	ssyncadd.s32 $0xFFFFC000  }
0x15b: {  	[tilespmem:s6], [sflag:$0x2] =	stream.indirect.gather [hbm4b:s0+s9], $0x80, s18, s9, $0xb8;
	[tilespmem:$0x1E000] =	vst v63  }
0x15c: {  	s16 =	simm.s32 $0xA00  }
0x15d: {  	[spmem:s3] =	stream.indirect.scatter.add.f32 [tilespmem:s10], [sflag:$0x3], $0x80, s16, s9, $0xb8;
	[tilespmem:$0x1E000] =	vst v63  }
0x15e: {  	_ =	swait.ge [sflag:s13], $0x4000  }
0x15f: {  	[sflag:s13] =	ssyncset.done $0x0  }
0x160: {  	[sflag:s13] =	ssyncadd.s32 $0xFFFFC000  }
0x161: {  	_ =	swait.ge [sflag:s14], $0x4000  }
0x162: {  	[sflag:s14] =	ssyncset.done $0x0  }
0x163: {  	s18 =	simm.s32 $0x300;
	[sflag:s14] =	ssyncadd.s32 $0xFFFFC000  }
0x164: {  	[tilespmem:s10], [sflag:$0x1] =	stream.indirect.gather [hbm4b:s0+s9], $0x80, s18, s9, $0xb8;
	[tilespmem:$0x1E000] =	vst v63  }
0x165: {  	s16 =	simm.s32 $0xA80  }
0x166: {  	[spmem:s3] =	stream.indirect.scatter.add.f32 [tilespmem:s6], [sflag:$0x4], $0x80, s16, s9, $0xb8;
	[tilespmem:$0x1E000] =	vst v63  }
0x167: {  	_ =	swait.ge [sflag:s11], $0x4000  }
0x168: {  	[sflag:s11] =	ssyncset.done $0x0  }
0x169: {  	[sflag:s11] =	ssyncadd.s32 $0xFFFFC000  }
0x16a: {  	_ =	swait.ge [sflag:s17], $0x4000  }
0x16b: {  	[sflag:s17] =	ssyncset.done $0x0  }
0x16c: {  	s18 =	simm.s32 $0x380;
	[sflag:s17] =	ssyncadd.s32 $0xFFFFC000  }
0x16d: {  	[tilespmem:s6], [sflag:$0x2] =	stream.indirect.gather [hbm4b:s0+s9], $0x80, s18, s9, $0xb8;
	[tilespmem:$0x1E000] =	vst v63  }
0x16e: {  	s16 =	simm.s32 $0xB00  }
0x16f: {  	[spmem:s3] =	stream.indirect.scatter.add.f32 [tilespmem:s10], [sflag:$0x3], $0x80, s16, s9, $0xb8;
	[tilespmem:$0x1E000] =	vst v63  }
0x170: {  	_ =	swait.ge [sflag:s13], $0x4000  }
0x171: {  	[sflag:s13] =	ssyncset.done $0x0  }
0x172: {  	[sflag:s13] =	ssyncadd.s32 $0xFFFFC000  }
0x173: {  	_ =	swait.ge [sflag:s14], $0x4000  }
0x174: {  	[sflag:s14] =	ssyncset.done $0x0  }
0x175: {  	[sflag:s14] =	ssyncadd.s32 $0xFFFFC000  }
0x176: {  	_ =	swait.ge [sflag:s29], $0x400  }
0x177: {  	[sflag:s29] =	ssyncset.done $0x0  }
0x178: {  	[sflag:s29] =	ssyncadd.s32 $0xFFFFFC00  }
0x179: {  	_ =	swait.ge [sflag:s29], $0x400  }
0x17a: {  	[sflag:s29] =	ssyncset.done $0x0  }
0x17b: {  	[sflag:s29] =	ssyncadd.s32 $0xFFFFFC00  }
0x17c: {  	[tilespmem:s10], [sflag:$0x1] =	stream.indirect.gather [hbm4b:s0+s9], $0x80, s12, s9, $0xb8;
	[tilespmem:$0x1E000] =	vst v63  }
0x17d: {  	s18 =	simm.s32 $0xB80  }
0x17e: {  	[spmem:s3] =	stream.indirect.scatter.add.f32 [tilespmem:s6], [sflag:$0x4], $0x80, s18, s9, $0xb8;
	[tilespmem:$0x1E000] =	vst v63  }
0x17f: {  	_ =	swait.ge [sflag:s11], $0x4000  }
0x180: {  	[sflag:s11] =	ssyncset.done $0x0  }
0x181: {  	p1 =	seq.s32 s30, $0x800;
	[sflag:s11] =	ssyncadd.s32 $0xFFFFC000  }
0x182: {  	s15 =	sadd.s32 @!p1 s30, s7;
	_ =	swait.ge [sflag:s17], $0x4000  }
0x183: {  	s15 =	sadd.s32 @!p1 $0x100, s15;
	[sflag:s17] =	ssyncset.done $0x0  }
0x184: {  	s16 =	sadd.s32 @!p1 s30, s8;
	s18 =	simm.s32 @!p1 $0x0;
	[sflag:s17] =	ssyncadd.s32 $0xFFFFC000  }
0x185: {  	[tilespmem:s18], [sflag:$0x5] =	stream.linear.gather @!p1 [hbm4b:s15+s18], $0x400, $0x38;
	[tilespmem:$0x1E000] =	vst v63  }
0x186: {  	s15 =	sadd.s32 @!p1 $0x100, s16;
	s16 =	simm.s32 @!p1 $0x800  }
0x187: {  	[tilespmem:s16], [sflag:$0x5] =	stream.linear.gather @!p1 [hbm4b:s15+s18], $0x400, $0x38;
	[tilespmem:$0x1E000] =	vst v63  }
0x188: {  	s16 =	simm.s32 $0x480  }
0x189: {  	[tilespmem:s6], [sflag:$0x2] =	stream.indirect.gather [hbm4b:s0+s9], $0x80, s16, s9, $0xb8;
	[tilespmem:$0x1E000] =	vst v63  }
0x18a: {  	_ = 	snop  }
0x18b: {  	[spmem:s3] =	stream.indirect.scatter.add.f32 [tilespmem:s10], [sflag:$0x3], $0x80, s2, s9, $0xb8;
	[tilespmem:$0x1E000] =	vst v63  }
0x18c: {  	_ =	swait.ge [sflag:s13], $0x4000  }
0x18d: {  	[sflag:s13] =	ssyncset.done $0x0  }
0x18e: {  	[sflag:s13] =	ssyncadd.s32 $0xFFFFC000  }
0x18f: {  	_ =	swait.ge [sflag:s14], $0x4000  }
0x190: {  	[sflag:s14] =	ssyncset.done $0x0  }
0x191: {  	s18 =	simm.s32 $0x500;
	[sflag:s14] =	ssyncadd.s32 $0xFFFFC000  }
0x192: {  	[tilespmem:s10], [sflag:$0x1] =	stream.indirect.gather [hbm4b:s0+s9], $0x80, s18, s9, $0xb8;
	[tilespmem:$0x1E000] =	vst v63  }
0x193: {  	s16 =	simm.s32 $0xC80  }
0x194: {  	[spmem:s3] =	stream.indirect.scatter.add.f32 [tilespmem:s6], [sflag:$0x4], $0x80, s16, s9, $0xb8;
	[tilespmem:$0x1E000] =	vst v63  }
0x195: {  	_ =	swait.ge [sflag:s11], $0x4000  }
0x196: {  	[sflag:s11] =	ssyncset.done $0x0  }
0x197: {  	[sflag:s11] =	ssyncadd.s32 $0xFFFFC000  }
0x198: {  	_ =	swait.ge [sflag:s17], $0x4000  }
0x199: {  	[sflag:s17] =	ssyncset.done $0x0  }
0x19a: {  	s18 =	simm.s32 $0x580;
	[sflag:s17] =	ssyncadd.s32 $0xFFFFC000  }
0x19b: {  	[tilespmem:s6], [sflag:$0x2] =	stream.indirect.gather [hbm4b:s0+s9], $0x80, s18, s9, $0xb8;
	[tilespmem:$0x1E000] =	vst v63  }
0x19c: {  	_ = 	snop  }
0x19d: {  	[spmem:s3] =	stream.indirect.scatter.add.f32 [tilespmem:s10], [sflag:$0x3], $0x80, s19, s9, $0xb8;
	[tilespmem:$0x1E000] =	vst v63  }
0x19e: {  	_ =	swait.ge [sflag:s13], $0x4000  }
0x19f: {  	[sflag:s13] =	ssyncset.done $0x0  }
0x1a0: {  	[sflag:s13] =	ssyncadd.s32 $0xFFFFC000  }
0x1a1: {  	_ =	swait.ge [sflag:s14], $0x4000  }
0x1a2: {  	[sflag:s14] =	ssyncset.done $0x0  }
0x1a3: {  	[sflag:s14] =	ssyncadd.s32 $0xFFFFC000  }
0x1a4: {  	[tilespmem:s10], [sflag:$0x1] =	stream.indirect.gather [hbm4b:s0+s9], $0x80, s20, s9, $0xb8;
	[tilespmem:$0x1E000] =	vst v63  }
0x1a5: {  	_ = 	snop  }
0x1a6: {  	[spmem:s3] =	stream.indirect.scatter.add.f32 [tilespmem:s6], [sflag:$0x4], $0x80, s21, s9, $0xb8;
	[tilespmem:$0x1E000] =	vst v63  }
0x1a7: {  	_ =	swait.ge [sflag:s11], $0x4000  }
0x1a8: {  	[sflag:s11] =	ssyncset.done $0x0  }
0x1a9: {  	[sflag:s11] =	ssyncadd.s32 $0xFFFFC000  }
0x1aa: {  	_ =	swait.ge [sflag:s17], $0x4000  }
0x1ab: {  	[sflag:s17] =	ssyncset.done $0x0  }
0x1ac: {  	[sflag:s17] =	ssyncadd.s32 $0xFFFFC000  }
0x1ad: {  	[tilespmem:s6], [sflag:$0x2] =	stream.indirect.gather [hbm4b:s0+s9], $0x80, s22, s9, $0xb8;
	[tilespmem:$0x1E000] =	vst v63  }
0x1ae: {  	_ = 	snop  }
0x1af: {  	[spmem:s3] =	stream.indirect.scatter.add.f32 [tilespmem:s10], [sflag:$0x3], $0x80, s23, s9, $0xb8;
	[tilespmem:$0x1E000] =	vst v63  }
0x1b0: {  	_ =	swait.ge [sflag:s13], $0x4000  }
0x1b1: {  	[sflag:s13] =	ssyncset.done $0x0  }
0x1b2: {  	[sflag:s13] =	ssyncadd.s32 $0xFFFFC000  }
0x1b3: {  	_ =	swait.ge [sflag:s14], $0x4000  }
0x1b4: {  	[sflag:s14] =	ssyncset.done $0x0  }
0x1b5: {  	[sflag:s14] =	ssyncadd.s32 $0xFFFFC000  }
0x1b6: {  	[tilespmem:s10], [sflag:$0x1] =	stream.indirect.gather [hbm4b:s0+s9], $0x80, s24, s9, $0xb8;
	[tilespmem:$0x1E000] =	vst v63  }
0x1b7: {  	_ = 	snop  }
0x1b8: {  	[spmem:s3] =	stream.indirect.scatter.add.f32 [tilespmem:s6], [sflag:$0x4], $0x80, s25, s9, $0xb8;
	[tilespmem:$0x1E000] =	vst v63  }
0x1b9: {  	_ =	swait.ge [sflag:s11], $0x4000  }
0x1ba: {  	[sflag:s11] =	ssyncset.done $0x0  }
0x1bb: {  	[sflag:s11] =	ssyncadd.s32 $0xFFFFC000  }
0x1bc: {  	_ =	swait.ge [sflag:s17], $0x4000  }
0x1bd: {  	[sflag:s17] =	ssyncset.done $0x0  }
0x1be: {  	[sflag:s17] =	ssyncadd.s32 $0xFFFFC000  }
0x1bf: {  	[tilespmem:s6], [sflag:$0x2] =	stream.indirect.gather [hbm4b:s0+s9], $0x80, s26, s9, $0xb8;
	[tilespmem:$0x1E000] =	vst v63  }
0x1c0: {  	_ = 	snop  }
0x1c1: {  	[spmem:s3] =	stream.indirect.scatter.add.f32 [tilespmem:s10], [sflag:$0x3], $0x80, s28, s9, $0xb8;
	[tilespmem:$0x1E000] =	vst v63  }
0x1c2: {  	_ =	swait.ge [sflag:s13], $0x4000  }
.Ltmp4:
0x1c3: {  	[sflag:s13] =	ssyncset.done $0x0;
	(pc) =	sbr.rel @p1 .LBB2_8-.Ltmp4, $4  }
0x1c4: {  	[sflag:s13] =	ssyncadd.s32 $0xFFFFC000  }
0x1c5: {  	_ =	swait.ge [sflag:s14], $0x4000  }
0x1c6: {  	[sflag:s14] =	ssyncset.done $0x0  }
0x1c7: {  	[sflag:s14] =	ssyncadd.s32 $0xFFFFC000  }
0x1c8: {  	_ =	swait.ge [sflag:s29], $0x400  }
0x1c9: {  	[sflag:s29] =	ssyncset.done $0x0  }
0x1ca: {  	[sflag:s29] =	ssyncadd.s32 $0xFFFFFC00  }
0x1cb: {  	_ =	swait.ge [sflag:s29], $0x400  }
.Ltmp5:
0x1cc: {  	[sflag:s29] =	ssyncset.done $0x0;
	(pc) =	sbr.rel .LBB2_5-.Ltmp5, $4  }
0x1cd: {  	[sflag:s29] =	ssyncadd.s32 $0xFFFFFC00  }
0x1ce: {  	[tilespmem:s10], [sflag:$0x1] =	stream.indirect.gather [hbm4b:s0+s9], $0x80, s4, s9, $0xb8;
	[tilespmem:$0x1E000] =	vst v63  }
0x1cf: {  	s30 =	sadd.s32 $0x100, s30  }
0x1d0: {  	[spmem:s3] =	stream.indirect.scatter.add.f32 [tilespmem:s6], [sflag:$0x4], $0x80, s5, s9, $0xb8;
	[tilespmem:$0x1E000] =	vst v63  }
.LBB2_9:
0x1d1: {  	_ =	sfence.sel $0x180000  }
0x1d2: {  	[bflag:$0x0] =	sbarrier.arrive $0xFFFF  }
0x1d3: {  	_ =	strace $0x90000047  }
0x1d4: {  	s0 =	stileid.u32;
	[bflag:$0x2] =	sbarrier.arrive $0xFFFF  }
0x1d5: {  	p0 =	sne.s32 s0, $0x0;
	s0 =	rddreg [dreg:$0x3]  }
0x1d6: {  	s0 =	sadd.s32 @!p0 $0x100000, s0  }
0x1d7: {  	[sflag:s0] =	ssyncadd.tile.s32 @!p0 $0x1;
	_ =	shalt  }
.Lfunc_end2:
_tile_overlayer_lowered:
.L_overlay_start_2:
0x1d8: {  	(tag) =	ssettag $0x2  }
0x1d9: {  	s0 =	rddreg [dreg:$0x0];
	s2 =	stileid.u32  }
0x1da: {  	s1 =	rddreg [dreg:$0x1];
	p0 =	sne.s32 s2, $0x0  }
0x1db: {  	s3 =	rddreg [dreg:$0x2];
	[bflag:$0x3] =	sbarrier.arrive $0xFFFF;
	s2 =	simm.s32 @!p0 $0x1C06  }
0x1dc: {  	[timem:s3], [sflag:s2] =	dma.local @!p0 [hbm:s0], s1  }
0x1dd: {  	s0 =	simm.s32 @!p0 $0x6  }
0x1de: {  	_ =	swait.ge @!p0 [sflag:s0], s1  }
0x1df: {  	s1 =	ssub.s32 @!p0 $0x0, s1;
	[sflag:s0] =	ssyncset.done @!p0 $0x0  }
0x1e0: {  	[sflag:s0] =	ssyncadd.s32 @!p0 s1  }
0x1e1: {  	[bflag:$0x3] =	sbarrier.arrive $0xFFFF  }
0x1e2: {  	_ =	shalt  }

</sc_bundles>
